<compile_context>
chip_gen: v7x
topology: tpu7x:2x2x1
jax: 0.10.2.dev20260603
libtpu: 0.0.44.dev20260713+nightly
codegen_flags: <defaults>
</compile_context>

<pallas_src>
import jax
import jax.numpy as jnp
import numpy as np
from jax import lax
from jax.experimental import pallas as pl
from jax.experimental.pallas import tpu as pltpu
from jax.experimental.pallas import tpu_sc as plsc

N = 10000
K = 16
M = K - 1
NC, NS = 2, 16
NW = NC * NS
APT = 320
NPAD = NW * APT
G = APT // 16
NPT = APT * K
ZPT = NPAD // NS

_MAGIC = np.int32(0x5F3759DF)
_F = np.float32


def _rsqrt(x):
    i = lax.bitcast_convert_type(x, jnp.int32)
    y = lax.bitcast_convert_type(_MAGIC - lax.shift_right_logical(i, 1),
                                 jnp.float32)
    xh = _F(0.5) * x
    for _ in range(2):
        y = y * (_F(1.5) - xh * y * y)
    return y


def _drain(descs):
    for d in descs:
        d.wait()


def _sw_body(ct_h, nlf_h, elf_h,
             tA_h, tB_h, tp_h, tq_h, tsg_h, tgm_h, tct_h, tlm_h, tcb_h,
             tcj_h, tas_h,
             outF_h, oute_h,
             xpl, ypl, zpl, nlv, elv,
             mx, my, mz,
             crx, cry, crz, cr2, civ, cgt, cdj, cmi, cej,
             tA, tB, tp, tq, tsg, tgm, tct, tlm, tcb, tcj, tas,
             e2b, zbuf, tmpf, Flx, Fly, Flz, S, sem):
    cid = lax.axis_index("c")
    sid = lax.axis_index("s")
    wid = sid * NC + cid
    base = wid * APT

    _drain([
        pltpu.async_copy(ct_h.at[pl.ds(0, N)], xpl, sem),
        pltpu.async_copy(ct_h.at[pl.ds(N, N)], ypl, sem),
        pltpu.async_copy(ct_h.at[pl.ds(2 * N, N)], zpl, sem),
        pltpu.async_copy(nlf_h.at[pl.ds(wid * NPT, NPT)], nlv, sem),
    ])
    _drain([
        pltpu.async_copy(elf_h.at[pl.ds(wid * NPT, NPT)], elv, sem),
        pltpu.async_copy(tA_h, tA, sem),
        pltpu.async_copy(tB_h, tB, sem),
        pltpu.async_copy(tp_h, tp, sem),
    ])
    _drain([
        pltpu.async_copy(tq_h, tq, sem),
        pltpu.async_copy(tsg_h, tsg, sem),
        pltpu.async_copy(tgm_h, tgm, sem),
        pltpu.async_copy(tct_h, tct, sem),
    ])
    _drain([
        pltpu.async_copy(tlm_h, tlm, sem),
        pltpu.async_copy(tcb_h, tcb, sem),
        pltpu.async_copy(tcj_h, tcj, sem),
        pltpu.async_copy(tas_h, tas, sem),
    ])

    zf = jnp.zeros((16,), jnp.float32)

    def zplane(i, _):
        o = i * 16
        Flx[pl.ds(o, 16)] = zf
        Fly[pl.ds(o, 16)] = zf
        Flz[pl.ds(o, 16)] = zf
        return 0
    lax.fori_loop(0, NPAD // 16, zplane, 0)

    def group(g, _):
        bl = g * 16
        vf = jnp.where(base + bl < N, _F(1), _F(0))
        idx0 = nlv[pl.ds(bl, 16)]
        ei = elv[pl.ds(bl, 16)]
        xi = plsc.load_gather(xpl, [idx0])
        yi = plsc.load_gather(ypl, [idx0])
        zi = plsc.load_gather(zpl, [idx0])

        def pair(m, acc):
            dx, dy, dz = acc
            off = (m + 1) * APT + bl
            ji = nlv[pl.ds(off, 16)]
            xj = plsc.load_gather(xpl, [ji])
            yj = plsc.load_gather(ypl, [ji])
            zj = plsc.load_gather(zpl, [ji])
            rx = xj - xi
            ry = yj - yi
            rz = zj - zi
            r2 = rx * rx + ry * ry + rz * rz
            y = _rsqrt(r2)
            rn = r2 * y
            ej = elv[pl.ds(off, 16)]
            ijs = ei + ej
            Av = plsc.load_gather(tA, [ijs])
            Bv = plsc.load_gather(tB, [ijs])
            pv = plsc.load_gather(tp, [ijs])
            qv = plsc.load_gather(tq, [ijs])
            sg = plsc.load_gather(tsg, [ijs])
            gm = plsc.load_gather(tgm, [ijs])
            ct = plsc.load_gather(tct, [ijs])
            asg = plsc.load_gather(tas, [ijs])
            m2 = rn < ct
            citj = _F(1) / (rn - ct)
            sr = sg * y
            s2v = sr * sr
            Bs5 = Bv * (s2v * s2v * sr)
            Bpq = Bs5 - _F(1)
            sidr = sg * citj
            es = jnp.exp(sidr)
            E2 = jnp.where(m2, Av * Bpq * es, _F(0))
            F2 = jnp.where(
                m2,
                (qv * sr - pv * Bs5 * sr - Bpq * sidr * sidr) * asg * es,
                _F(0))

            @pl.when(jnp.logical_and(wid == NW - 1,
                                     jnp.logical_and(g == 4, m == M - 1)))
            def _():
                e2b[...] = E2

            fs = _F(0.5) * F2 * y
            fx = fs * rx
            fy = fs * ry
            fz = fs * rz
            mx[pl.ds(off, 16)] = -fx
            my[pl.ds(off, 16)] = -fy
            mz[pl.ds(off, 16)] = -fz
            cb_ = m * 16
            gjt = gm * citj
            crx[pl.ds(cb_, 16)] = rx
            cry[pl.ds(cb_, 16)] = ry
            crz[pl.ds(cb_, 16)] = rz
            cr2[pl.ds(cb_, 16)] = r2
            civ[pl.ds(cb_, 16)] = y
            cgt[pl.ds(cb_, 16)] = jnp.exp(gjt)
            cdj[pl.ds(cb_, 16)] = -(gjt * citj)
            cmi[pl.ds(cb_, 16)] = jnp.where(rn <= ct, 1, 0).astype(jnp.int32)
            cej[pl.ds(cb_, 16)] = ej
            return (dx + fx, dy + fy, dz + fz)

        acc = plsc.parallel_loop(0, M, carry=(zf, zf, zf), unroll=2)(pair)

        def touter(mo, acc1):
            jb = mo * 16
            rxj = crx[pl.ds(jb, 16)]
            ryj = cry[pl.ds(jb, 16)]
            rzj = crz[pl.ds(jb, 16)]
            r2j = cr2[pl.ds(jb, 16)]
            ivj = civ[pl.ds(jb, 16)]
            gtj = cgt[pl.ds(jb, 16)]
            djj = cdj[pl.ds(jb, 16)]
            ejv = cej[pl.ds(jb, 16)]
            hj = (ei != ejv) & (cmi[pl.ds(jb, 16)] != 0)
            eij = ei + ejv

            def tinner(k, acc2):
                dx, dy, dz, ajx, ajy, ajz = acc2
                kb = k * 16
                rxk = crx[pl.ds(kb, 16)]
                ryk = cry[pl.ds(kb, 16)]
                rzk = crz[pl.ds(kb, 16)]
                r2k = cr2[pl.ds(kb, 16)]
                ivk = civ[pl.ds(kb, 16)]
                gtk = cgt[pl.ds(kb, 16)]
                djk = cdj[pl.ds(kb, 16)]
                ekv = cej[pl.ds(kb, 16)]
                ijk = jnp.clip(2 - (eij + ekv), 0, 1)
                lm = plsc.load_gather(tlm, [ijk])
                cb0 = plsc.load_gather(tcb, [ijk])
                cjv = plsc.load_gather(tcj, [ijk])
                djx = rxk - rxj
                djy = ryk - ryj
                djz = rzk - rzj
                rjk2 = jnp.maximum(djx * djx + djy * djy + djz * djz,
                                   _F(1e-12))
                yk = _rsqrt(rjk2)
                rjk = rjk2 * yk
                m3 = (hj & (ejv == ekv) & (cmi[pl.ds(kb, 16)] != 0)
                      & (rjk <= cjv))
                iab = ivj * ivk
                hiab = _F(0.5) * iab
                cosb = (r2j + r2k - rjk2) * hiab
                cd = cosb - cb0
                ex = gtj * gtk
                amb = r2j - r2k
                dcij = (amb + rjk2) * hiab * ivj
                dcik = (rjk2 - amb) * hiab * ivk
                dcjk = -(rjk * iab)
                lce = lm * cd * ex
                g0 = jnp.where(m3, lce * (djj * cd + _F(2) * dcij), _F(0))
                g1 = jnp.where(m3, lce * (djk * cd + _F(2) * dcik), _F(0))
                g2 = jnp.where(m3, lce * (_F(2) * dcjk), _F(0))
                s0 = g0 * ivj
                s1 = g1 * ivk
                s2 = g2 * yk
                fijx = s0 * rxj
                fijy = s0 * ryj
                fijz = s0 * rzj
                fikx = s1 * rxk
                fiky = s1 * ryk
                fikz = s1 * rzk
                fjkx = s2 * djx
                fjky = s2 * djy
                fjkz = s2 * djz
                ks = (k + 1) * APT + bl
                mx[pl.ds(ks, 16)] = mx[pl.ds(ks, 16)] - (fikx + fjkx)
                my[pl.ds(ks, 16)] = my[pl.ds(ks, 16)] - (fiky + fjky)
                mz[pl.ds(ks, 16)] = mz[pl.ds(ks, 16)] - (fikz + fjkz)
                return (dx + fijx + fikx, dy + fijy + fiky, dz + fijz + fikz,
                        ajx + (fjkx - fijx), ajy + (fjky - fijy),
                        ajz + (fjkz - fijz))

            dxn, dyn, dzn, ajx, ajy, ajz = plsc.parallel_loop(
                mo + 1, M,
                carry=(acc1[0], acc1[1], acc1[2], zf, zf, zf),
                unroll=2)(tinner)
            js = (mo + 1) * APT + bl
            mx[pl.ds(js, 16)] = mx[pl.ds(js, 16)] + ajx
            my[pl.ds(js, 16)] = my[pl.ds(js, 16)] + ajy
            mz[pl.ds(js, 16)] = mz[pl.ds(js, 16)] + ajz
            return (dxn, dyn, dzn)

        dx, dy, dz = lax.fori_loop(0, M - 1, touter, acc)
        mx[pl.ds(bl, 16)] = dx
        my[pl.ds(bl, 16)] = dy
        mz[pl.ds(bl, 16)] = dz

        def scat(s, _):
            o = s * APT + bl
            tgt = nlv[pl.ds(o, 16)]
            plsc.addupdate_scatter(Flx, [tgt], mx[pl.ds(o, 16)] * vf)
            plsc.addupdate_scatter(Fly, [tgt], my[pl.ds(o, 16)] * vf)
            plsc.addupdate_scatter(Flz, [tgt], mz[pl.ds(o, 16)] * vf)
            return 0

        lax.fori_loop(0, K, scat, 0)
        return 0

    lax.fori_loop(0, G, group, 0)

    rb = sid * ZPT
    ob = cid * (3 * NPAD)
    for pi, Fl in enumerate((Flx, Fly, Flz)):
        pltpu.sync_copy(Fl, S.at[pl.ds(sid * NPAD, NPAD)])
        plsc.subcore_barrier()
        for t0 in range(0, NS, 4):
            _drain([
                pltpu.async_copy(S.at[pl.ds(t * NPAD + rb, ZPT)],
                                 tmpf.at[pl.ds(t * ZPT, ZPT)], sem)
                for t in range(t0, t0 + 4)
            ])

        def red(i, _):
            o = i * 16
            v = tmpf[pl.ds(o, 16)]
            for t in range(1, NS):
                v = v + tmpf[pl.ds(t * ZPT + o, 16)]
            zbuf[pl.ds(o, 16)] = v
            return 0

        lax.fori_loop(0, ZPT // 16, red, 0)
        pltpu.sync_copy(zbuf, outF_h.at[pl.ds(ob + pi * NPAD + rb, ZPT)])
        plsc.subcore_barrier()

    @pl.when(wid == NW - 1)
    def _():
        pltpu.sync_copy(e2b, oute_h)


def _tab(v):
    return jnp.zeros((16,), jnp.float32).at[: v.shape[0]].set(v)


def kernel(coords, nl, elements, padding, A, B, p, q, sigma, gamma, cutoff,
           lam, cos_beta0, cutoff_jk):
    coords_t = coords.T.reshape(-1)
    nl_pad = jnp.concatenate(
        [nl, jnp.broadcast_to(nl[0:1], (NPAD - N, K))], axis=0)
    el_pad = jnp.concatenate(
        [elements, jnp.broadcast_to(elements[0:1], (NPAD - N, K))], axis=0)
    nl_sm = nl_pad.reshape(NW, APT, K).transpose(0, 2, 1).reshape(-1)
    el_sm = el_pad.reshape(NW, APT, K).transpose(0, 2, 1).reshape(-1)

    launch = pl.kernel(
        _sw_body,
        out_type=(
            jax.ShapeDtypeStruct((NC * 3 * NPAD,), jnp.float32),
            jax.ShapeDtypeStruct((16,), jnp.float32),
        ),
        mesh=plsc.VectorSubcoreMesh(core_axis_name="c", subcore_axis_name="s"),
        compiler_params=pltpu.CompilerParams(needs_layout_passes=False),
        scratch_types=[
            pltpu.VMEM((N,), jnp.float32),
            pltpu.VMEM((N,), jnp.float32),
            pltpu.VMEM((N,), jnp.float32),
            pltpu.VMEM((NPT,), jnp.int32),
            pltpu.VMEM((NPT,), jnp.int32),
            pltpu.VMEM((NPT,), jnp.float32),
            pltpu.VMEM((NPT,), jnp.float32),
            pltpu.VMEM((NPT,), jnp.float32),
            pltpu.VMEM((240,), jnp.float32),
            pltpu.VMEM((240,), jnp.float32),
            pltpu.VMEM((240,), jnp.float32),
            pltpu.VMEM((240,), jnp.float32),
            pltpu.VMEM((240,), jnp.float32),
            pltpu.VMEM((240,), jnp.float32),
            pltpu.VMEM((240,), jnp.float32),
            pltpu.VMEM((240,), jnp.int32),
            pltpu.VMEM((240,), jnp.int32),
            pltpu.VMEM((16,), jnp.float32),
            pltpu.VMEM((16,), jnp.float32),
            pltpu.VMEM((16,), jnp.float32),
            pltpu.VMEM((16,), jnp.float32),
            pltpu.VMEM((16,), jnp.float32),
            pltpu.VMEM((16,), jnp.float32),
            pltpu.VMEM((16,), jnp.float32),
            pltpu.VMEM((16,), jnp.float32),
            pltpu.VMEM((16,), jnp.float32),
            pltpu.VMEM((16,), jnp.float32),
            pltpu.VMEM((16,), jnp.float32),
            pltpu.VMEM((16,), jnp.float32),
            pltpu.VMEM((ZPT,), jnp.float32),
            pltpu.VMEM((NS * ZPT,), jnp.float32),
            pltpu.VMEM((NPAD,), jnp.float32),
            pltpu.VMEM((NPAD,), jnp.float32),
            pltpu.VMEM((NPAD,), jnp.float32),
            pltpu.VMEM_SHARED((NS * NPAD,), jnp.float32),
            pltpu.SemaphoreType.DMA,
        ],
    )
    outF, oute = launch(coords_t, nl_sm, el_sm,
                        _tab(A), _tab(B), _tab(p), _tab(q), _tab(sigma),
                        _tab(gamma), _tab(cutoff), _tab(lam), _tab(cos_beta0),
                        _tab(cutoff_jk), _tab(A / sigma))
    outF = outF.reshape(NC, 3, NPAD)[:, :, :N]
    F = (outF[0] + outF[1]).T
    energy = _F(0.5) * oute[15]
    return energy, F

# --- scband reference (transcript-rebuilt; emitter-appended) ---
"""Pipeline reference for scband-stillinger-weber-layer-82291573391482 (READ-ONLY COPY).

The authoritative reference and input builder live on the scoring server;
editing this copy changes nothing except your own understanding.
"""

import jax, jax.numpy as jnp
import numpy as np

N_ATOMS = 10000
K_NL = 16  # slot 0 = query atom itself, 15 neighbours


def setup_inputs(seed: int = 0):
    key = jax.random.key(seed)
    kc, kn, ke = jax.random.split(key, 3)
    coords = jax.random.uniform(kc, (N_ATOMS, 3), dtype=jnp.float32) * 10.0
    rows = jnp.arange(N_ATOMS, dtype=jnp.int32)[:, None]
    neigh = jax.random.randint(kn, (N_ATOMS, K_NL - 1), 0, N_ATOMS - 1, dtype=jnp.int32)
    neigh = jnp.where(neigh >= rows, neigh + 1, neigh)  # neighbours never point at self
    nl = jnp.concatenate([rows, neigh], axis=1)
    species = jax.random.randint(ke, (N_ATOMS,), 0, 2, dtype=jnp.int32)
    elements = species[nl]
    padding = jnp.zeros((0,), dtype=jnp.int32)
    # parameters from StillingerWeberLayer.__init__ (two-species SW potential)
    return {
        "coords": coords,
        "nl": nl,
        "elements": elements,
        "padding": padding,
        "A": jnp.array([3.9781804791, 11.3797414404, 1.1907355764], dtype=jnp.float32),
        "B": jnp.array([0.4446021306, 0.5266688197, 0.9015152673], dtype=jnp.float32),
        "p": jnp.array([5.0, 5.0, 5.0], dtype=jnp.float32),
        "q": jnp.array([0.0, 0.0, 0.0], dtype=jnp.float32),
        "sigma": jnp.array([2.85295, 2.17517, 2.84133], dtype=jnp.float32),
        "gamma": jnp.array([1.3566322033, 1.3566322033, 1.3566322033], dtype=jnp.float32),
        "cutoff": jnp.array([5.5466, 4.02692, 4.51956], dtype=jnp.float32),
        "lam": jnp.array([7.4767529158, 8.159518122], dtype=jnp.float32),
        "cos_beta0": jnp.array([0.1428569579923222, 0.1428569579923222], dtype=jnp.float32),
        "cutoff_jk": jnp.array([3.86095, 5.5466], dtype=jnp.float32),
    }


def _sw_forward(coords, nl, elements, A, B, p, q, sigma, gamma, cutoff, lam, cos_beta0, cutoff_jk):
    Nn, Kk = nl.shape
    idx_j = nl[:, 1:]
    xyz_i = coords[nl[:, 0]]
    xyz_j = coords[idx_j]
    rij_vec = xyz_j - xyz_i[:, None, :]
    norm_rij = jnp.sqrt(jnp.sum(rij_vec * rij_vec, axis=-1))
    elem_i = elements[:, 0]
    elem_j = elements[:, 1:]
    ij_sum = elem_i[:, None] + elem_j
    A_ij = A[ij_sum]; B_ij = B[ij_sum]; p_ij = p[ij_sum]; q_ij = q[ij_sum]
    sig_ij = sigma[ij_sum]; cut_ij = cutoff[ij_sum]; gam_ij = gamma[ij_sum]
    # ---- two-body term (calc_d_sw2), vectorised with the double-where trick ----
    m2 = norm_rij < cut_ij
    r_s = jnp.where(m2, norm_rij, 0.5 * cut_ij)
    sig_r = sig_ij / r_s
    inv_dr = 1.0 / (r_s - cut_ij)
    Bpq = B_ij * sig_r ** p_ij - sig_r ** q_ij
    exp_sig = jnp.exp(sig_ij * inv_dr)
    E2 = jnp.where(m2, A_ij * Bpq * exp_sig, 0.0)
    F2raw = (q_ij * sig_r ** (q_ij + 1.0) - p_ij * B_ij * sig_r ** (p_ij + 1.0) - Bpq * (sig_ij * inv_dr) ** 2) * (1.0 / sig_ij) * A_ij * exp_sig
    F2 = jnp.where(m2, F2raw, 0.0)
    # NOTE: the torch reference OVERWRITES `energy = 0.5 * E2` inside the pair loop
    # (instead of accumulating) and the k-loop of the final j is empty, so the
    # returned energy is 0.5 * E2 of the very last (i, j) pair. Reproduced faithfully.
    energy = 0.5 * E2[-1, -1]
    fpair = (0.5 * F2 / norm_rij)[..., None] * rij_vec
    F = jnp.zeros_like(coords)
    F = F.at[jnp.arange(Nn)].add(jnp.sum(fpair, axis=1))
    F = F.at[idx_j.reshape(-1)].add(-fpair.reshape(-1, 3))
    # ---- three-body term (calc_d_sw3) over neighbour pairs j < k ----
    M = Kk - 1
    jj_all, kk_all = np.triu_indices(M, k=1)
    n_pairs = jj_all.shape[0]
    chunk = 15
    f_ij_parts = []; f_ik_parts = []; f_jk_parts = []
    for s in range(0, n_pairs, chunk):
        jj = jj_all[s:s + chunk]; kk_ = kk_all[s:s + chunk]
        e_j = elem_j[:, jj]; e_k = elem_j[:, kk_]
        cond = (elem_i[:, None] != e_j) & (e_j == e_k)
        ijk_idx = jnp.clip(2 - (elem_i[:, None] + e_j + e_k), 0, 1)
        ik_sum = elem_i[:, None] + e_k
        rij_t = norm_rij[:, jj]; rik_t = norm_rij[:, kk_]
        rij_v = rij_vec[:, jj, :]; rik_v = rij_vec[:, kk_, :]
        rjk_v = rik_v - rij_v
        rjk_t = jnp.sqrt(jnp.maximum(jnp.sum(rjk_v * rjk_v, axis=-1), 1e-12))
        gam_ij_t = gam_ij[:, jj]; cut_ij_t = cut_ij[:, jj]
        gam_ik_t = gamma[ik_sum]; cut_ik_t = cutoff[ik_sum]
        lam_t = lam[ijk_idx]; cb0_t = cos_beta0[ijk_idx]; cjk_t = cutoff_jk[ijk_idx]
        m3 = cond & (rij_t <= cut_ij_t) & (rik_t <= cut_ik_t) & (rjk_t <= cjk_t)
        rij_s = jnp.where(m3, rij_t, 0.5 * cut_ij_t)
        rik_s = jnp.where(m3, rik_t, 0.5 * cut_ik_t)
        rjk_s = jnp.where(m3, rjk_t, 0.5 * cjk_t)
        cosb = (rij_s ** 2 + rik_s ** 2 - rjk_s ** 2) / (2.0 * rij_s * rik_s)
        cdiff = cosb - cb0_t
        expterm = jnp.exp(gam_ij_t / (rij_s - cut_ij_t) + gam_ik_t / (rik_s - cut_ik_t))
        dij = -gam_ij_t / (rij_s - cut_ij_t) ** 2
        dik = -gam_ik_t / (rik_s - cut_ik_t) ** 2
        dcij = (rij_s ** 2 - rik_s ** 2 + rjk_s ** 2) / (2.0 * rij_s ** 2 * rik_s)
        dcik = (rik_s ** 2 - rij_s ** 2 + rjk_s ** 2) / (2.0 * rik_s ** 2 * rij_s)
        dcjk = -rjk_s / (rij_s * rik_s)
        g0 = jnp.where(m3, lam_t * cdiff * expterm * (dij * cdiff + 2.0 * dcij), 0.0)
        g1 = jnp.where(m3, lam_t * cdiff * expterm * (dik * cdiff + 2.0 * dcik), 0.0)
        g2 = jnp.where(m3, lam_t * cdiff * expterm * 2.0 * dcjk, 0.0)
        f_ij_c = (g0 / rij_t)[..., None] * rij_v
        f_ik_c = (g1 / rik_t)[..., None] * rik_v
        f_jk_c = (g2 / rjk_t)[..., None] * rjk_v
        f_ij_c, f_ik_c, f_jk_c = jax.lax.optimization_barrier((f_ij_c, f_ik_c, f_jk_c))
        f_ij_parts.append(f_ij_c); f_ik_parts.append(f_ik_c); f_jk_parts.append(f_jk_c)
    f_ij = jnp.concatenate(f_ij_parts, axis=1)
    f_ik = jnp.concatenate(f_ik_parts, axis=1)
    f_jk = jnp.concatenate(f_jk_parts, axis=1)
    idx_jt = idx_j[:, jj_all]; idx_kt = idx_j[:, kk_all]
    F = F.at[jnp.arange(Nn)].add(jnp.sum(f_ij + f_ik, axis=1))
    F = F.at[idx_jt.reshape(-1)].add((-f_ij + f_jk).reshape(-1, 3))
    F = F.at[idx_kt.reshape(-1)].add((-f_ik - f_jk).reshape(-1, 3))
    return energy, F


def reference(coords, nl, elements, padding, A, B, p, q, sigma, gamma, cutoff, lam, cos_beta0, cutoff_jk):
    energy, F = _sw_forward(coords, nl, elements, A, B, p, q, sigma, gamma, cutoff, lam, cos_beta0, cutoff_jk)
    # padding is empty -> the len(padding) != 0 fold-back branch is skipped
    return energy, F


if False:  # reference __main__ guard neutralized (emitter)
    out = reference(**setup_inputs())
    print(out[0], out[1].shape)

if __name__ == "__main__":
    import jax
    _d = setup_inputs()
    print(jax.jit(kernel)(*tuple(_d.values())))

</pallas_src>

<mosaic_0001>
#map = affine_map<(d0, d1) -> (0)>
module attributes {stable_mosaic.version = 14 : i64} {
  func.func @_sw_body(%arg0: i32, %arg1: i32, %arg2: memref<30000xf32, #tpu.memory_space<hbm>>, %arg3: memref<163840xi32, #tpu.memory_space<hbm>>, %arg4: memref<163840xi32, #tpu.memory_space<hbm>>, %arg5: memref<16xf32, #tpu.memory_space<hbm>>, %arg6: memref<16xf32, #tpu.memory_space<hbm>>, %arg7: memref<16xf32, #tpu.memory_space<hbm>>, %arg8: memref<16xf32, #tpu.memory_space<hbm>>, %arg9: memref<16xf32, #tpu.memory_space<hbm>>, %arg10: memref<16xf32, #tpu.memory_space<hbm>>, %arg11: memref<16xf32, #tpu.memory_space<hbm>>, %arg12: memref<16xf32, #tpu.memory_space<hbm>>, %arg13: memref<16xf32, #tpu.memory_space<hbm>>, %arg14: memref<16xf32, #tpu.memory_space<hbm>>, %arg15: memref<16xf32, #tpu.memory_space<hbm>>, %arg16: memref<61440xf32, #tpu.memory_space<hbm>>, %arg17: memref<16xf32, #tpu.memory_space<hbm>>, %arg18: memref<10000xf32, #tpu.memory_space<vmem>>, %arg19: memref<10000xf32, #tpu.memory_space<vmem>>, %arg20: memref<10000xf32, #tpu.memory_space<vmem>>, %arg21: memref<5120xi32, #tpu.memory_space<vmem>>, %arg22: memref<5120xi32, #tpu.memory_space<vmem>>, %arg23: memref<5120xf32, #tpu.memory_space<vmem>>, %arg24: memref<5120xf32, #tpu.memory_space<vmem>>, %arg25: memref<5120xf32, #tpu.memory_space<vmem>>, %arg26: memref<240xf32, #tpu.memory_space<vmem>>, %arg27: memref<240xf32, #tpu.memory_space<vmem>>, %arg28: memref<240xf32, #tpu.memory_space<vmem>>, %arg29: memref<240xf32, #tpu.memory_space<vmem>>, %arg30: memref<240xf32, #tpu.memory_space<vmem>>, %arg31: memref<240xf32, #tpu.memory_space<vmem>>, %arg32: memref<240xf32, #tpu.memory_space<vmem>>, %arg33: memref<240xi32, #tpu.memory_space<vmem>>, %arg34: memref<240xi32, #tpu.memory_space<vmem>>, %arg35: memref<16xf32, #tpu.memory_space<vmem>>, %arg36: memref<16xf32, #tpu.memory_space<vmem>>, %arg37: memref<16xf32, #tpu.memory_space<vmem>>, %arg38: memref<16xf32, #tpu.memory_space<vmem>>, %arg39: memref<16xf32, #tpu.memory_space<vmem>>, %arg40: memref<16xf32, #tpu.memory_space<vmem>>, %arg41: memref<16xf32, #tpu.memory_space<vmem>>, %arg42: memref<16xf32, #tpu.memory_space<vmem>>, %arg43: memref<16xf32, #tpu.memory_space<vmem>>, %arg44: memref<16xf32, #tpu.memory_space<vmem>>, %arg45: memref<16xf32, #tpu.memory_space<vmem>>, %arg46: memref<16xf32, #tpu.memory_space<vmem>>, %arg47: memref<640xf32, #tpu.memory_space<vmem>>, %arg48: memref<10240xf32, #tpu.memory_space<vmem>>, %arg49: memref<10240xf32, #tpu.memory_space<vmem>>, %arg50: memref<10240xf32, #tpu.memory_space<vmem>>, %arg51: memref<10240xf32, #tpu.memory_space<vmem>>, %arg52: memref<163840xf32, #tpu.memory_space<vmem_shared>>, %arg53: memref<!tpu.dma_semaphore, #tpu.memory_space<semaphore_mem>>) attributes {dimension_semantics = [#tpu.dimension_semantics<core_parallel>, #tpu.dimension_semantics<subcore_parallel>], iteration_bounds = array<i64: 2, 16>, scalar_prefetch = 0 : i64, scratch_operands = 36 : i64, tpu.core_type = #tpu.core_type<sc_vector_subcore>, window_params = [{transform_indices = #map}, {transform_indices = #map}, {transform_indices = #map}, {transform_indices = #map}, {transform_indices = #map}, {transform_indices = #map}, {transform_indices = #map}, {transform_indices = #map}, {transform_indices = #map}, {transform_indices = #map}, {transform_indices = #map}, {transform_indices = #map}, {transform_indices = #map}, {transform_indices = #map}, {transform_indices = #map}, {transform_indices = #map}]} {
    %mul3A = arith.constant 2 : i32
    %mul3A_0 = arith.muli %arg1, %mul3A : i32
    %add3A = arith.addi %mul3A_0, %arg0 : i32
    %mul3A_1 = arith.constant 320 : i32
    %mul3A_2 = arith.muli %add3A, %mul3A_1 : i32
    %dma_start3A = arith.constant 0 : i32
    %dma_start3A_3 = tpu.memref_slice %arg2[%dma_start3A] : memref<30000xf32, #tpu.memory_space<hbm>> -> memref<10000xf32, #tpu.memory_space<hbm>>
    %dma_start3A_4 = arith.constant 0 : i32
    %dma_start3A_5 = tpu.memref_slice %arg2[%dma_start3A_4] : memref<30000xf32, #tpu.memory_space<hbm>> -> memref<10000xf32, #tpu.memory_space<hbm>>
    tpu.enqueue_dma source(%dma_start3A_5 : memref<10000xf32, #tpu.memory_space<hbm>>) target(%arg18 : memref<10000xf32, #tpu.memory_space<vmem>>) target_semaphore(%arg53 : memref<!tpu.dma_semaphore, #tpu.memory_space<semaphore_mem>>)
    %dma_start3A_6 = arith.constant 10000 : i32
    %dma_start3A_7 = tpu.memref_slice %arg2[%dma_start3A_6] : memref<30000xf32, #tpu.memory_space<hbm>> -> memref<10000xf32, #tpu.memory_space<hbm>>
    %dma_start3A_8 = arith.constant 10000 : i32
    %dma_start3A_9 = tpu.memref_slice %arg2[%dma_start3A_8] : memref<30000xf32, #tpu.memory_space<hbm>> -> memref<10000xf32, #tpu.memory_space<hbm>>
    tpu.enqueue_dma source(%dma_start3A_9 : memref<10000xf32, #tpu.memory_space<hbm>>) target(%arg19 : memref<10000xf32, #tpu.memory_space<vmem>>) target_semaphore(%arg53 : memref<!tpu.dma_semaphore, #tpu.memory_space<semaphore_mem>>)
    %dma_start3A_10 = arith.constant 20000 : i32
    %dma_start3A_11 = tpu.memref_slice %arg2[%dma_start3A_10] : memref<30000xf32, #tpu.memory_space<hbm>> -> memref<10000xf32, #tpu.memory_space<hbm>>
    %dma_start3A_12 = arith.constant 20000 : i32
    %dma_start3A_13 = tpu.memref_slice %arg2[%dma_start3A_12] : memref<30000xf32, #tpu.memory_space<hbm>> -> memref<10000xf32, #tpu.memory_space<hbm>>
    tpu.enqueue_dma source(%dma_start3A_13 : memref<10000xf32, #tpu.memory_space<hbm>>) target(%arg20 : memref<10000xf32, #tpu.memory_space<vmem>>) target_semaphore(%arg53 : memref<!tpu.dma_semaphore, #tpu.memory_space<semaphore_mem>>)
    %mul3A_14 = arith.constant 5120 : i32
    %mul3A_15 = arith.muli %add3A, %mul3A_14 : i32
    %dma_start3A_16 = tpu.memref_slice %arg3[%mul3A_15] : memref<163840xi32, #tpu.memory_space<hbm>> -> memref<5120xi32, #tpu.memory_space<hbm>>
    %dma_start3A_17 = tpu.memref_slice %arg3[%mul3A_15] : memref<163840xi32, #tpu.memory_space<hbm>> -> memref<5120xi32, #tpu.memory_space<hbm>>
    tpu.enqueue_dma source(%dma_start3A_17 : memref<5120xi32, #tpu.memory_space<hbm>>) target(%arg21 : memref<5120xi32, #tpu.memory_space<vmem>>) target_semaphore(%arg53 : memref<!tpu.dma_semaphore, #tpu.memory_space<semaphore_mem>>)
    %dma_wait3A = arith.constant 0 : i32
    %dma_wait3A_18 = tpu.memref_slice %arg2[%dma_wait3A] : memref<30000xf32, #tpu.memory_space<hbm>> -> memref<10000xf32, #tpu.memory_space<hbm>>
    %dma_wait3A_19 = arith.constant 0 : i32
    %dma_wait3A_20 = tpu.memref_slice %arg2[%dma_wait3A_19] : memref<30000xf32, #tpu.memory_space<hbm>> -> memref<10000xf32, #tpu.memory_space<hbm>>
    tpu.wait_dma2 semaphore(%arg53 : memref<!tpu.dma_semaphore, #tpu.memory_space<semaphore_mem>>) src(%dma_wait3A_20 : memref<10000xf32, #tpu.memory_space<hbm>>) dst(%arg18 : memref<10000xf32, #tpu.memory_space<vmem>>)
    %dma_wait3A_21 = arith.constant 10000 : i32
    %dma_wait3A_22 = tpu.memref_slice %arg2[%dma_wait3A_21] : memref<30000xf32, #tpu.memory_space<hbm>> -> memref<10000xf32, #tpu.memory_space<hbm>>
    %dma_wait3A_23 = arith.constant 10000 : i32
    %dma_wait3A_24 = tpu.memref_slice %arg2[%dma_wait3A_23] : memref<30000xf32, #tpu.memory_space<hbm>> -> memref<10000xf32, #tpu.memory_space<hbm>>
    tpu.wait_dma2 semaphore(%arg53 : memref<!tpu.dma_semaphore, #tpu.memory_space<semaphore_mem>>) src(%dma_wait3A_24 : memref<10000xf32, #tpu.memory_space<hbm>>) dst(%arg19 : memref<10000xf32, #tpu.memory_space<vmem>>)
    %dma_wait3A_25 = arith.constant 20000 : i32
    %dma_wait3A_26 = tpu.memref_slice %arg2[%dma_wait3A_25] : memref<30000xf32, #tpu.memory_space<hbm>> -> memref<10000xf32, #tpu.memory_space<hbm>>
    %dma_wait3A_27 = arith.constant 20000 : i32
    %dma_wait3A_28 = tpu.memref_slice %arg2[%dma_wait3A_27] : memref<30000xf32, #tpu.memory_space<hbm>> -> memref<10000xf32, #tpu.memory_space<hbm>>
    tpu.wait_dma2 semaphore(%arg53 : memref<!tpu.dma_semaphore, #tpu.memory_space<semaphore_mem>>) src(%dma_wait3A_28 : memref<10000xf32, #tpu.memory_space<hbm>>) dst(%arg20 : memref<10000xf32, #tpu.memory_space<vmem>>)
    %dma_wait3A_29 = tpu.memref_slice %arg3[%mul3A_15] : memref<163840xi32, #tpu.memory_space<hbm>> -> memref<5120xi32, #tpu.memory_space<hbm>>
    %dma_wait3A_30 = tpu.memref_slice %arg3[%mul3A_15] : memref<163840xi32, #tpu.memory_space<hbm>> -> memref<5120xi32, #tpu.memory_space<hbm>>
    tpu.wait_dma2 semaphore(%arg53 : memref<!tpu.dma_semaphore, #tpu.memory_space<semaphore_mem>>) src(%dma_wait3A_30 : memref<5120xi32, #tpu.memory_space<hbm>>) dst(%arg21 : memref<5120xi32, #tpu.memory_space<vmem>>)
    %mul3A_31 = arith.constant 5120 : i32
    %mul3A_32 = arith.muli %add3A, %mul3A_31 : i32
    %dma_start3A_33 = tpu.memref_slice %arg4[%mul3A_32] : memref<163840xi32, #tpu.memory_space<hbm>> -> memref<5120xi32, #tpu.memory_space<hbm>>
    %dma_start3A_34 = tpu.memref_slice %arg4[%mul3A_32] : memref<163840xi32, #tpu.memory_space<hbm>> -> memref<5120xi32, #tpu.memory_space<hbm>>
    tpu.enqueue_dma source(%dma_start3A_34 : memref<5120xi32, #tpu.memory_space<hbm>>) target(%arg22 : memref<5120xi32, #tpu.memory_space<vmem>>) target_semaphore(%arg53 : memref<!tpu.dma_semaphore, #tpu.memory_space<semaphore_mem>>)
    tpu.enqueue_dma source(%arg5 : memref<16xf32, #tpu.memory_space<hbm>>) target(%arg35 : memref<16xf32, #tpu.memory_space<vmem>>) target_semaphore(%arg53 : memref<!tpu.dma_semaphore, #tpu.memory_space<semaphore_mem>>)
    tpu.enqueue_dma source(%arg6 : memref<16xf32, #tpu.memory_space<hbm>>) target(%arg36 : memref<16xf32, #tpu.memory_space<vmem>>) target_semaphore(%arg53 : memref<!tpu.dma_semaphore, #tpu.memory_space<semaphore_mem>>)
    tpu.enqueue_dma source(%arg7 : memref<16xf32, #tpu.memory_space<hbm>>) target(%arg37 : memref<16xf32, #tpu.memory_space<vmem>>) target_semaphore(%arg53 : memref<!tpu.dma_semaphore, #tpu.memory_space<semaphore_mem>>)
    %dma_wait3A_35 = tpu.memref_slice %arg4[%mul3A_32] : memref<163840xi32, #tpu.memory_space<hbm>> -> memref<5120xi32, #tpu.memory_space<hbm>>
    %dma_wait3A_36 = tpu.memref_slice %arg4[%mul3A_32] : memref<163840xi32, #tpu.memory_space<hbm>> -> memref<5120xi32, #tpu.memory_space<hbm>>
    tpu.wait_dma2 semaphore(%arg53 : memref<!tpu.dma_semaphore, #tpu.memory_space<semaphore_mem>>) src(%dma_wait3A_36 : memref<5120xi32, #tpu.memory_space<hbm>>) dst(%arg22 : memref<5120xi32, #tpu.memory_space<vmem>>)
    tpu.wait_dma2 semaphore(%arg53 : memref<!tpu.dma_semaphore, #tpu.memory_space<semaphore_mem>>) src(%arg5 : memref<16xf32, #tpu.memory_space<hbm>>) dst(%arg35 : memref<16xf32, #tpu.memory_space<vmem>>)
    tpu.wait_dma2 semaphore(%arg53 : memref<!tpu.dma_semaphore, #tpu.memory_space<semaphore_mem>>) src(%arg6 : memref<16xf32, #tpu.memory_space<hbm>>) dst(%arg36 : memref<16xf32, #tpu.memory_space<vmem>>)
    tpu.wait_dma2 semaphore(%arg53 : memref<!tpu.dma_semaphore, #tpu.memory_space<semaphore_mem>>) src(%arg7 : memref<16xf32, #tpu.memory_space<hbm>>) dst(%arg37 : memref<16xf32, #tpu.memory_space<vmem>>)
    tpu.enqueue_dma source(%arg8 : memref<16xf32, #tpu.memory_space<hbm>>) target(%arg38 : memref<16xf32, #tpu.memory_space<vmem>>) target_semaphore(%arg53 : memref<!tpu.dma_semaphore, #tpu.memory_space<semaphore_mem>>)
    tpu.enqueue_dma source(%arg9 : memref<16xf32, #tpu.memory_space<hbm>>) target(%arg39 : memref<16xf32, #tpu.memory_space<vmem>>) target_semaphore(%arg53 : memref<!tpu.dma_semaphore, #tpu.memory_space<semaphore_mem>>)
    tpu.enqueue_dma source(%arg10 : memref<16xf32, #tpu.memory_space<hbm>>) target(%arg40 : memref<16xf32, #tpu.memory_space<vmem>>) target_semaphore(%arg53 : memref<!tpu.dma_semaphore, #tpu.memory_space<semaphore_mem>>)
    tpu.enqueue_dma source(%arg11 : memref<16xf32, #tpu.memory_space<hbm>>) target(%arg41 : memref<16xf32, #tpu.memory_space<vmem>>) target_semaphore(%arg53 : memref<!tpu.dma_semaphore, #tpu.memory_space<semaphore_mem>>)
    tpu.wait_dma2 semaphore(%arg53 : memref<!tpu.dma_semaphore, #tpu.memory_space<semaphore_mem>>) src(%arg8 : memref<16xf32, #tpu.memory_space<hbm>>) dst(%arg38 : memref<16xf32, #tpu.memory_space<vmem>>)
    tpu.wait_dma2 semaphore(%arg53 : memref<!tpu.dma_semaphore, #tpu.memory_space<semaphore_mem>>) src(%arg9 : memref<16xf32, #tpu.memory_space<hbm>>) dst(%arg39 : memref<16xf32, #tpu.memory_space<vmem>>)
    tpu.wait_dma2 semaphore(%arg53 : memref<!tpu.dma_semaphore, #tpu.memory_space<semaphore_mem>>) src(%arg10 : memref<16xf32, #tpu.memory_space<hbm>>) dst(%arg40 : memref<16xf32, #tpu.memory_space<vmem>>)
    tpu.wait_dma2 semaphore(%arg53 : memref<!tpu.dma_semaphore, #tpu.memory_space<semaphore_mem>>) src(%arg11 : memref<16xf32, #tpu.memory_space<hbm>>) dst(%arg41 : memref<16xf32, #tpu.memory_space<vmem>>)
    tpu.enqueue_dma source(%arg12 : memref<16xf32, #tpu.memory_space<hbm>>) target(%arg42 : memref<16xf32, #tpu.memory_space<vmem>>) target_semaphore(%arg53 : memref<!tpu.dma_semaphore, #tpu.memory_space<semaphore_mem>>)
    tpu.enqueue_dma source(%arg13 : memref<16xf32, #tpu.memory_space<hbm>>) target(%arg43 : memref<16xf32, #tpu.memory_space<vmem>>) target_semaphore(%arg53 : memref<!tpu.dma_semaphore, #tpu.memory_space<semaphore_mem>>)
    tpu.enqueue_dma source(%arg14 : memref<16xf32, #tpu.memory_space<hbm>>) target(%arg44 : memref<16xf32, #tpu.memory_space<vmem>>) target_semaphore(%arg53 : memref<!tpu.dma_semaphore, #tpu.memory_space<semaphore_mem>>)
    tpu.enqueue_dma source(%arg15 : memref<16xf32, #tpu.memory_space<hbm>>) target(%arg45 : memref<16xf32, #tpu.memory_space<vmem>>) target_semaphore(%arg53 : memref<!tpu.dma_semaphore, #tpu.memory_space<semaphore_mem>>)
    tpu.wait_dma2 semaphore(%arg53 : memref<!tpu.dma_semaphore, #tpu.memory_space<semaphore_mem>>) src(%arg12 : memref<16xf32, #tpu.memory_space<hbm>>) dst(%arg42 : memref<16xf32, #tpu.memory_space<vmem>>)
    tpu.wait_dma2 semaphore(%arg53 : memref<!tpu.dma_semaphore, #tpu.memory_space<semaphore_mem>>) src(%arg13 : memref<16xf32, #tpu.memory_space<hbm>>) dst(%arg43 : memref<16xf32, #tpu.memory_space<vmem>>)
    tpu.wait_dma2 semaphore(%arg53 : memref<!tpu.dma_semaphore, #tpu.memory_space<semaphore_mem>>) src(%arg14 : memref<16xf32, #tpu.memory_space<hbm>>) dst(%arg44 : memref<16xf32, #tpu.memory_space<vmem>>)
    tpu.wait_dma2 semaphore(%arg53 : memref<!tpu.dma_semaphore, #tpu.memory_space<semaphore_mem>>) src(%arg15 : memref<16xf32, #tpu.memory_space<hbm>>) dst(%arg45 : memref<16xf32, #tpu.memory_space<vmem>>)
    %broadcast_in_dim3A = arith.constant 0.000000e+00 : f32
    %broadcast_in_dim3A_37 = vector.broadcast %broadcast_in_dim3A : f32 to vector<16xf32>
    %scan3A = arith.constant 0 : i32
    %scan3A_38 = arith.constant 0 : i32
    %scan3A_39 = arith.constant 640 : i32
    %scan3A_40 = arith.addi %scan3A_38, %scan3A_39 : i32
    %scan3A_41 = arith.constant 1 : i32
    %scan3A_42 = scf.for %scan3A_770 = %scan3A_38 to %scan3A_40 step %scan3A_41 iter_args(%scan3A_771 = %scan3A) -> (i32)  : i32 {
      %mul3A_772 = arith.constant 16 : i32
      %mul3A_773 = arith.muli %scan3A_770, %mul3A_772 : i32
      %swap3A = arith.index_cast %mul3A_773 : i32 to index
      %swap3A_774 = tpu.vector_load %arg49[%swap3A] {strides = array<i32>} : memref<10240xf32, #tpu.memory_space<vmem>>, vector<16xf32>,
      tpu.vector_store %arg49[%swap3A], %broadcast_in_dim3A_37 {strides = array<i32>} : memref<10240xf32, #tpu.memory_space<vmem>>, vector<16xf32>,
      %swap3A_775 = arith.index_cast %mul3A_773 : i32 to index
      %swap3A_776 = tpu.vector_load %arg50[%swap3A_775] {strides = array<i32>} : memref<10240xf32, #tpu.memory_space<vmem>>, vector<16xf32>,
      tpu.vector_store %arg50[%swap3A_775], %broadcast_in_dim3A_37 {strides = array<i32>} : memref<10240xf32, #tpu.memory_space<vmem>>, vector<16xf32>,
      %swap3A_777 = arith.index_cast %mul3A_773 : i32 to index
      %swap3A_778 = tpu.vector_load %arg51[%swap3A_777] {strides = array<i32>} : memref<10240xf32, #tpu.memory_space<vmem>>, vector<16xf32>,
      tpu.vector_store %arg51[%swap3A_777], %broadcast_in_dim3A_37 {strides = array<i32>} : memref<10240xf32, #tpu.memory_space<vmem>>, vector<16xf32>,
      %scan3A_779 = arith.constant 0 : i32
      scf.yield %scan3A_779 : i32
    }
    %scan3A_43 = arith.constant 640 : i32
    %scan3A_44 = arith.constant 0 : i32
    %scan3A_45 = arith.constant 0 : i32
    %scan3A_46 = arith.constant 20 : i32
    %scan3A_47 = arith.addi %scan3A_45, %scan3A_46 : i32
    %scan3A_48 = arith.constant 1 : i32
    %scan3A_49 = scf.for %scan3A_770 = %scan3A_45 to %scan3A_47 step %scan3A_48 iter_args(%scan3A_771 = %scan3A_44) -> (i32)  : i32 {
      %mul3A_772 = arith.constant 16 : i32
      %mul3A_773 = arith.muli %scan3A_770, %mul3A_772 : i32
      %add3A_774 = arith.addi %mul3A_2, %mul3A_773 : i32
      %lt3A = arith.constant 10000 : i32
      %lt3A_775 = arith.cmpi slt, %add3A_774, %lt3A : i32
      %jit3A = arith.constant 1.000000e+00 : f32
      %jit3A_776 = arith.constant 0.000000e+00 : f32
      %select_n3A = arith.select %lt3A_775, %jit3A, %jit3A_776 : f32
      %get3A = arith.index_cast %mul3A_773 : i32 to index
      %get3A_777 = tpu.vector_load %arg21[%get3A] {strides = array<i32>} : memref<5120xi32, #tpu.memory_space<vmem>>, vector<16xi32>,
      %get3A_778 = arith.index_cast %mul3A_773 : i32 to index
      %get3A_779 = tpu.vector_load %arg22[%get3A_778] {strides = array<i32>} : memref<5120xi32, #tpu.memory_space<vmem>>, vector<16xi32>,
      %gather3A = tpu.vector_load_idx %arg18[%get3A_777] : memref<10000xf32, #tpu.memory_space<vmem>>[vector<16xi32>], vector<16xf32>,
      %gather3A_780 = tpu.vector_load_idx %arg19[%get3A_777] : memref<10000xf32, #tpu.memory_space<vmem>>[vector<16xi32>], vector<16xf32>,
      %gather3A_781 = tpu.vector_load_idx %arg20[%get3A_777] : memref<10000xf32, #tpu.memory_space<vmem>>[vector<16xi32>], vector<16xf32>,
      %parallel_loop3A = arith.constant 0 : i32
      %parallel_loop3A_782 = arith.constant 15 : i32
      %parallel_loop3A_783 = arith.constant 1 : i32
      %parallel_loop3A_784:3 = scf.for %parallel_loop3A_804 = %parallel_loop3A to %parallel_loop3A_782 step %parallel_loop3A_783 iter_args(%parallel_loop3A_805 = %broadcast_in_dim3A_37, %parallel_loop3A_806 = %broadcast_in_dim3A_37, %parallel_loop3A_807 = %broadcast_in_dim3A_37) -> (vector<16xf32>, vector<16xf32>, vector<16xf32>)  : i32 {
        %parallel_loop3A_808 = arith.constant 1 : i32
        %parallel_loop3A_809 = arith.addi %parallel_loop3A_804, %parallel_loop3A_808 : i32
        %parallel_loop3A_810 = arith.constant 320 : i32
        %parallel_loop3A_811 = arith.muli %parallel_loop3A_809, %parallel_loop3A_810 : i32
        %parallel_loop3A_812 = arith.addi %parallel_loop3A_811, %mul3A_773 : i32
        %parallel_loop3A_813 = arith.index_cast %parallel_loop3A_812 : i32 to index
        %parallel_loop3A_814 = tpu.vector_load %arg21[%parallel_loop3A_813] {strides = array<i32>} : memref<5120xi32, #tpu.memory_space<vmem>>, vector<16xi32>,
        %parallel_loop3A_815 = tpu.vector_load_idx %arg18[%parallel_loop3A_814] : memref<10000xf32, #tpu.memory_space<vmem>>[vector<16xi32>], vector<16xf32>,
        %parallel_loop3A_816 = tpu.vector_load_idx %arg19[%parallel_loop3A_814] : memref<10000xf32, #tpu.memory_space<vmem>>[vector<16xi32>], vector<16xf32>,
        %parallel_loop3A_817 = tpu.vector_load_idx %arg20[%parallel_loop3A_814] : memref<10000xf32, #tpu.memory_space<vmem>>[vector<16xi32>], vector<16xf32>,
        %parallel_loop3A_818 = arith.subf %parallel_loop3A_815, %gather3A : vector<16xf32>
        %parallel_loop3A_819 = arith.subf %parallel_loop3A_816, %gather3A_780 : vector<16xf32>
        %parallel_loop3A_820 = arith.subf %parallel_loop3A_817, %gather3A_781 : vector<16xf32>
        %parallel_loop3A_821 = arith.mulf %parallel_loop3A_818, %parallel_loop3A_818 : vector<16xf32>
        %parallel_loop3A_822 = arith.mulf %parallel_loop3A_819, %parallel_loop3A_819 : vector<16xf32>
        %parallel_loop3A_823 = arith.addf %parallel_loop3A_821, %parallel_loop3A_822 : vector<16xf32>
        %parallel_loop3A_824 = arith.mulf %parallel_loop3A_820, %parallel_loop3A_820 : vector<16xf32>
        %parallel_loop3A_825 = arith.addf %parallel_loop3A_823, %parallel_loop3A_824 : vector<16xf32>
        %parallel_loop3A_826 = tpu.bitcast %parallel_loop3A_825 : vector<16xf32> -> vector<16xi32>
        %parallel_loop3A_827 = arith.constant 1 : i32
        %parallel_loop3A_828 = vector.broadcast %parallel_loop3A_827 : i32 to vector<16xi32>
        %parallel_loop3A_829 = arith.shrui %parallel_loop3A_826, %parallel_loop3A_828 : vector<16xi32>
        %parallel_loop3A_830 = arith.constant 1597463007 : i32
        %parallel_loop3A_831 = vector.broadcast %parallel_loop3A_830 : i32 to vector<16xi32>
        %parallel_loop3A_832 = arith.subi %parallel_loop3A_831, %parallel_loop3A_829 : vector<16xi32>
        %parallel_loop3A_833 = tpu.bitcast %parallel_loop3A_832 : vector<16xi32> -> vector<16xf32>
        %parallel_loop3A_834 = arith.constant 5.000000e-01 : f32
        %parallel_loop3A_835 = vector.broadcast %parallel_loop3A_834 : f32 to vector<16xf32>
        %parallel_loop3A_836 = arith.mulf %parallel_loop3A_835, %parallel_loop3A_825 : vector<16xf32>
        %parallel_loop3A_837 = arith.mulf %parallel_loop3A_836, %parallel_loop3A_833 : vector<16xf32>
        %parallel_loop3A_838 = arith.mulf %parallel_loop3A_837, %parallel_loop3A_833 : vector<16xf32>
        %parallel_loop3A_839 = arith.constant 1.500000e+00 : f32
        %parallel_loop3A_840 = vector.broadcast %parallel_loop3A_839 : f32 to vector<16xf32>
        %parallel_loop3A_841 = arith.subf %parallel_loop3A_840, %parallel_loop3A_838 : vector<16xf32>
        %parallel_loop3A_842 = arith.mulf %parallel_loop3A_833, %parallel_loop3A_841 : vector<16xf32>
        %parallel_loop3A_843 = arith.mulf %parallel_loop3A_836, %parallel_loop3A_842 : vector<16xf32>
        %parallel_loop3A_844 = arith.mulf %parallel_loop3A_843, %parallel_loop3A_842 : vector<16xf32>
        %parallel_loop3A_845 = arith.constant 1.500000e+00 : f32
        %parallel_loop3A_846 = vector.broadcast %parallel_loop3A_845 : f32 to vector<16xf32>
        %parallel_loop3A_847 = arith.subf %parallel_loop3A_846, %parallel_loop3A_844 : vector<16xf32>
        %parallel_loop3A_848 = arith.mulf %parallel_loop3A_842, %parallel_loop3A_847 : vector<16xf32>
        %parallel_loop3A_849 = arith.mulf %parallel_loop3A_825, %parallel_loop3A_848 : vector<16xf32>
        %parallel_loop3A_850 = arith.index_cast %parallel_loop3A_812 : i32 to index
        %parallel_loop3A_851 = tpu.vector_load %arg22[%parallel_loop3A_850] {strides = array<i32>} : memref<5120xi32, #tpu.memory_space<vmem>>, vector<16xi32>,
        %parallel_loop3A_852 = arith.addi %get3A_779, %parallel_loop3A_851 : vector<16xi32>
        %parallel_loop3A_853 = tpu.vector_load_idx %arg35[%parallel_loop3A_852] : memref<16xf32, #tpu.memory_space<vmem>>[vector<16xi32>], vector<16xf32>,
        %parallel_loop3A_854 = tpu.vector_load_idx %arg36[%parallel_loop3A_852] : memref<16xf32, #tpu.memory_space<vmem>>[vector<16xi32>], vector<16xf32>,
        %parallel_loop3A_855 = tpu.vector_load_idx %arg37[%parallel_loop3A_852] : memref<16xf32, #tpu.memory_space<vmem>>[vector<16xi32>], vector<16xf32>,
        %parallel_loop3A_856 = tpu.vector_load_idx %arg38[%parallel_loop3A_852] : memref<16xf32, #tpu.memory_space<vmem>>[vector<16xi32>], vector<16xf32>,
        %parallel_loop3A_857 = tpu.vector_load_idx %arg39[%parallel_loop3A_852] : memref<16xf32, #tpu.memory_space<vmem>>[vector<16xi32>], vector<16xf32>,
        %parallel_loop3A_858 = tpu.vector_load_idx %arg40[%parallel_loop3A_852] : memref<16xf32, #tpu.memory_space<vmem>>[vector<16xi32>], vector<16xf32>,
        %parallel_loop3A_859 = tpu.vector_load_idx %arg41[%parallel_loop3A_852] : memref<16xf32, #tpu.memory_space<vmem>>[vector<16xi32>], vector<16xf32>,
        %parallel_loop3A_860 = tpu.vector_load_idx %arg45[%parallel_loop3A_852] : memref<16xf32, #tpu.memory_space<vmem>>[vector<16xi32>], vector<16xf32>,
        %parallel_loop3A_861 = arith.cmpf olt, %parallel_loop3A_849, %parallel_loop3A_859 : vector<16xf32>
        %parallel_loop3A_862 = arith.subf %parallel_loop3A_849, %parallel_loop3A_859 : vector<16xf32>
        %parallel_loop3A_863 = arith.constant 1.000000e+00 : f32
        %parallel_loop3A_864 = vector.broadcast %parallel_loop3A_863 : f32 to vector<16xf32>
        %parallel_loop3A_865 = arith.divf %parallel_loop3A_864, %parallel_loop3A_862 : vector<16xf32>
        %parallel_loop3A_866 = arith.mulf %parallel_loop3A_857, %parallel_loop3A_848 : vector<16xf32>
        %parallel_loop3A_867 = arith.mulf %parallel_loop3A_866, %parallel_loop3A_866 : vector<16xf32>
        %parallel_loop3A_868 = arith.mulf %parallel_loop3A_867, %parallel_loop3A_867 : vector<16xf32>
        %parallel_loop3A_869 = arith.mulf %parallel_loop3A_868, %parallel_loop3A_866 : vector<16xf32>
        %parallel_loop3A_870 = arith.mulf %parallel_loop3A_854, %parallel_loop3A_869 : vector<16xf32>
        %parallel_loop3A_871 = arith.constant 1.000000e+00 : f32
        %parallel_loop3A_872 = vector.broadcast %parallel_loop3A_871 : f32 to vector<16xf32>
        %parallel_loop3A_873 = arith.subf %parallel_loop3A_870, %parallel_loop3A_872 : vector<16xf32>
        %parallel_loop3A_874 = arith.mulf %parallel_loop3A_857, %parallel_loop3A_865 : vector<16xf32>
        %parallel_loop3A_875 = math.exp %parallel_loop3A_874 : vector<16xf32>
        %parallel_loop3A_876 = arith.mulf %parallel_loop3A_853, %parallel_loop3A_873 : vector<16xf32>
        %parallel_loop3A_877 = arith.mulf %parallel_loop3A_876, %parallel_loop3A_875 : vector<16xf32>
        %parallel_loop3A_878 = arith.constant 0.000000e+00 : f32
        %parallel_loop3A_879 = vector.broadcast %parallel_loop3A_878 : f32 to vector<16xf32>
        %parallel_loop3A_880 = arith.select %parallel_loop3A_861, %parallel_loop3A_877, %parallel_loop3A_879 : vector<16xi1>, vector<16xf32>
        %parallel_loop3A_881 = arith.mulf %parallel_loop3A_856, %parallel_loop3A_866 : vector<16xf32>
        %parallel_loop3A_882 = arith.mulf %parallel_loop3A_855, %parallel_loop3A_870 : vector<16xf32>
        %parallel_loop3A_883 = arith.mulf %parallel_loop3A_882, %parallel_loop3A_866 : vector<16xf32>
        %parallel_loop3A_884 = arith.subf %parallel_loop3A_881, %parallel_loop3A_883 : vector<16xf32>
        %parallel_loop3A_885 = arith.mulf %parallel_loop3A_873, %parallel_loop3A_874 : vector<16xf32>
        %parallel_loop3A_886 = arith.mulf %parallel_loop3A_885, %parallel_loop3A_874 : vector<16xf32>
        %parallel_loop3A_887 = arith.subf %parallel_loop3A_884, %parallel_loop3A_886 : vector<16xf32>
        %parallel_loop3A_888 = arith.mulf %parallel_loop3A_887, %parallel_loop3A_860 : vector<16xf32>
        %parallel_loop3A_889 = arith.mulf %parallel_loop3A_888, %parallel_loop3A_875 : vector<16xf32>
        %parallel_loop3A_890 = arith.constant 0.000000e+00 : f32
        %parallel_loop3A_891 = vector.broadcast %parallel_loop3A_890 : f32 to vector<16xf32>
        %parallel_loop3A_892 = arith.select %parallel_loop3A_861, %parallel_loop3A_889, %parallel_loop3A_891 : vector<16xi1>, vector<16xf32>
        %parallel_loop3A_893 = arith.constant 31 : i32
        %parallel_loop3A_894 = arith.cmpi eq, %add3A, %parallel_loop3A_893 : i32
        %parallel_loop3A_895 = arith.constant 4 : i32
        %parallel_loop3A_896 = arith.cmpi eq, %scan3A_770, %parallel_loop3A_895 : i32
        %parallel_loop3A_897 = arith.constant 14 : i32
        %parallel_loop3A_898 = arith.cmpi eq, %parallel_loop3A_804, %parallel_loop3A_897 : i32
        %parallel_loop3A_899 = arith.andi %parallel_loop3A_896, %parallel_loop3A_898 : i1
        %parallel_loop3A_900 = arith.andi %parallel_loop3A_894, %parallel_loop3A_899 : i1
        %parallel_loop3A_901 = arith.extui %parallel_loop3A_900 : i1 to i32
        %parallel_loop3A_902 = arith.constant 0 : i32
        %parallel_loop3A_903 = arith.cmpi ne, %parallel_loop3A_901, %parallel_loop3A_902 : i32
        scf.if %parallel_loop3A_903 {
          %parallel_loop3A_961 = arith.constant 0 : index
          %parallel_loop3A_962 = tpu.vector_load %arg46[%parallel_loop3A_961] {strides = array<i32>} : memref<16xf32, #tpu.memory_space<vmem>>, vector<16xf32>,
          tpu.vector_store %arg46[%parallel_loop3A_961], %parallel_loop3A_880 {strides = array<i32>} : memref<16xf32, #tpu.memory_space<vmem>>, vector<16xf32>,
        } else {
        }
        %parallel_loop3A_904 = arith.constant 5.000000e-01 : f32
        %parallel_loop3A_905 = vector.broadcast %parallel_loop3A_904 : f32 to vector<16xf32>
        %parallel_loop3A_906 = arith.mulf %parallel_loop3A_905, %parallel_loop3A_892 : vector<16xf32>
        %parallel_loop3A_907 = arith.mulf %parallel_loop3A_906, %parallel_loop3A_848 : vector<16xf32>
        %parallel_loop3A_908 = arith.mulf %parallel_loop3A_907, %parallel_loop3A_818 : vector<16xf32>
        %parallel_loop3A_909 = arith.mulf %parallel_loop3A_907, %parallel_loop3A_819 : vector<16xf32>
        %parallel_loop3A_910 = arith.mulf %parallel_loop3A_907, %parallel_loop3A_820 : vector<16xf32>
        %parallel_loop3A_911 = arith.constant 0.000000e+00 : f32
        %parallel_loop3A_912 = vector.broadcast %parallel_loop3A_911 : f32 to vector<16xf32>
        %parallel_loop3A_913 = arith.subf %parallel_loop3A_912, %parallel_loop3A_908 : vector<16xf32>
        %parallel_loop3A_914 = arith.index_cast %parallel_loop3A_812 : i32 to index
        %parallel_loop3A_915 = tpu.vector_load %arg23[%parallel_loop3A_914] {strides = array<i32>} : memref<5120xf32, #tpu.memory_space<vmem>>, vector<16xf32>,
        tpu.vector_store %arg23[%parallel_loop3A_914], %parallel_loop3A_913 {strides = array<i32>} : memref<5120xf32, #tpu.memory_space<vmem>>, vector<16xf32>,
        %parallel_loop3A_916 = arith.constant 0.000000e+00 : f32
        %parallel_loop3A_917 = vector.broadcast %parallel_loop3A_916 : f32 to vector<16xf32>
        %parallel_loop3A_918 = arith.subf %parallel_loop3A_917, %parallel_loop3A_909 : vector<16xf32>
        %parallel_loop3A_919 = arith.index_cast %parallel_loop3A_812 : i32 to index
        %parallel_loop3A_920 = tpu.vector_load %arg24[%parallel_loop3A_919] {strides = array<i32>} : memref<5120xf32, #tpu.memory_space<vmem>>, vector<16xf32>,
        tpu.vector_store %arg24[%parallel_loop3A_919], %parallel_loop3A_918 {strides = array<i32>} : memref<5120xf32, #tpu.memory_space<vmem>>, vector<16xf32>,
        %parallel_loop3A_921 = arith.constant 0.000000e+00 : f32
        %parallel_loop3A_922 = vector.broadcast %parallel_loop3A_921 : f32 to vector<16xf32>
        %parallel_loop3A_923 = arith.subf %parallel_loop3A_922, %parallel_loop3A_910 : vector<16xf32>
        %parallel_loop3A_924 = arith.index_cast %parallel_loop3A_812 : i32 to index
        %parallel_loop3A_925 = tpu.vector_load %arg25[%parallel_loop3A_924] {strides = array<i32>} : memref<5120xf32, #tpu.memory_space<vmem>>, vector<16xf32>,
        tpu.vector_store %arg25[%parallel_loop3A_924], %parallel_loop3A_923 {strides = array<i32>} : memref<5120xf32, #tpu.memory_space<vmem>>, vector<16xf32>,
        %parallel_loop3A_926 = arith.constant 16 : i32
        %parallel_loop3A_927 = arith.muli %parallel_loop3A_804, %parallel_loop3A_926 : i32
        %parallel_loop3A_928 = arith.mulf %parallel_loop3A_858, %parallel_loop3A_865 : vector<16xf32>
        %parallel_loop3A_929 = arith.index_cast %parallel_loop3A_927 : i32 to index
        %parallel_loop3A_930 = tpu.vector_load %arg26[%parallel_loop3A_929] {strides = array<i32>} : memref<240xf32, #tpu.memory_space<vmem>>, vector<16xf32>,
        tpu.vector_store %arg26[%parallel_loop3A_929], %parallel_loop3A_818 {strides = array<i32>} : memref<240xf32, #tpu.memory_space<vmem>>, vector<16xf32>,
        %parallel_loop3A_931 = arith.index_cast %parallel_loop3A_927 : i32 to index
        %parallel_loop3A_932 = tpu.vector_load %arg27[%parallel_loop3A_931] {strides = array<i32>} : memref<240xf32, #tpu.memory_space<vmem>>, vector<16xf32>,
        tpu.vector_store %arg27[%parallel_loop3A_931], %parallel_loop3A_819 {strides = array<i32>} : memref<240xf32, #tpu.memory_space<vmem>>, vector<16xf32>,
        %parallel_loop3A_933 = arith.index_cast %parallel_loop3A_927 : i32 to index
        %parallel_loop3A_934 = tpu.vector_load %arg28[%parallel_loop3A_933] {strides = array<i32>} : memref<240xf32, #tpu.memory_space<vmem>>, vector<16xf32>,
        tpu.vector_store %arg28[%parallel_loop3A_933], %parallel_loop3A_820 {strides = array<i32>} : memref<240xf32, #tpu.memory_space<vmem>>, vector<16xf32>,
        %parallel_loop3A_935 = arith.index_cast %parallel_loop3A_927 : i32 to index
        %parallel_loop3A_936 = tpu.vector_load %arg29[%parallel_loop3A_935] {strides = array<i32>} : memref<240xf32, #tpu.memory_space<vmem>>, vector<16xf32>,
        tpu.vector_store %arg29[%parallel_loop3A_935], %parallel_loop3A_825 {strides = array<i32>} : memref<240xf32, #tpu.memory_space<vmem>>, vector<16xf32>,
        %parallel_loop3A_937 = arith.index_cast %parallel_loop3A_927 : i32 to index
        %parallel_loop3A_938 = tpu.vector_load %arg30[%parallel_loop3A_937] {strides = array<i32>} : memref<240xf32, #tpu.memory_space<vmem>>, vector<16xf32>,
        tpu.vector_store %arg30[%parallel_loop3A_937], %parallel_loop3A_848 {strides = array<i32>} : memref<240xf32, #tpu.memory_space<vmem>>, vector<16xf32>,
        %parallel_loop3A_939 = math.exp %parallel_loop3A_928 : vector<16xf32>
        %parallel_loop3A_940 = arith.index_cast %parallel_loop3A_927 : i32 to index
        %parallel_loop3A_941 = tpu.vector_load %arg31[%parallel_loop3A_940] {strides = array<i32>} : memref<240xf32, #tpu.memory_space<vmem>>, vector<16xf32>,
        tpu.vector_store %arg31[%parallel_loop3A_940], %parallel_loop3A_939 {strides = array<i32>} : memref<240xf32, #tpu.memory_space<vmem>>, vector<16xf32>,
        %parallel_loop3A_942 = arith.mulf %parallel_loop3A_928, %parallel_loop3A_865 : vector<16xf32>
        %parallel_loop3A_943 = arith.constant 0.000000e+00 : f32
        %parallel_loop3A_944 = vector.broadcast %parallel_loop3A_943 : f32 to vector<16xf32>
        %parallel_loop3A_945 = arith.subf %parallel_loop3A_944, %parallel_loop3A_942 : vector<16xf32>
        %parallel_loop3A_946 = arith.index_cast %parallel_loop3A_927 : i32 to index
        %parallel_loop3A_947 = tpu.vector_load %arg32[%parallel_loop3A_946] {strides = array<i32>} : memref<240xf32, #tpu.memory_space<vmem>>, vector<16xf32>,
        tpu.vector_store %arg32[%parallel_loop3A_946], %parallel_loop3A_945 {strides = array<i32>} : memref<240xf32, #tpu.memory_space<vmem>>, vector<16xf32>,
        %parallel_loop3A_948 = arith.cmpf ole, %parallel_loop3A_849, %parallel_loop3A_859 : vector<16xf32>
        %parallel_loop3A_949 = arith.constant 1 : i32
        %parallel_loop3A_950 = arith.constant 0 : i32
        %parallel_loop3A_951 = vector.broadcast %parallel_loop3A_949 : i32 to vector<16xi32>
        %parallel_loop3A_952 = vector.broadcast %parallel_loop3A_950 : i32 to vector<16xi32>
        %parallel_loop3A_953 = arith.select %parallel_loop3A_948, %parallel_loop3A_951, %parallel_loop3A_952 : vector<16xi1>, vector<16xi32>
        %parallel_loop3A_954 = arith.index_cast %parallel_loop3A_927 : i32 to index
        %parallel_loop3A_955 = tpu.vector_load %arg33[%parallel_loop3A_954] {strides = array<i32>} : memref<240xi32, #tpu.memory_space<vmem>>, vector<16xi32>,
        tpu.vector_store %arg33[%parallel_loop3A_954], %parallel_loop3A_953 {strides = array<i32>} : memref<240xi32, #tpu.memory_space<vmem>>, vector<16xi32>,
        %parallel_loop3A_956 = arith.index_cast %parallel_loop3A_927 : i32 to index
        %parallel_loop3A_957 = tpu.vector_load %arg34[%parallel_loop3A_956] {strides = array<i32>} : memref<240xi32, #tpu.memory_space<vmem>>, vector<16xi32>,
        tpu.vector_store %arg34[%parallel_loop3A_956], %parallel_loop3A_851 {strides = array<i32>} : memref<240xi32, #tpu.memory_space<vmem>>, vector<16xi32>,
        %parallel_loop3A_958 = arith.addf %parallel_loop3A_805, %parallel_loop3A_908 : vector<16xf32>
        %parallel_loop3A_959 = arith.addf %parallel_loop3A_806, %parallel_loop3A_909 : vector<16xf32>
        %parallel_loop3A_960 = arith.addf %parallel_loop3A_807, %parallel_loop3A_910 : vector<16xf32>
        scf.yield %parallel_loop3A_958, %parallel_loop3A_959, %parallel_loop3A_960 : vector<16xf32>, vector<16xf32>, vector<16xf32>
      } {sc.loop_unroll_factor = 2 : i64, sc.parallel_access}
      %scan3A_785 = arith.constant 0 : i32
      %scan3A_786 = arith.constant 14 : i32
      %scan3A_787 = arith.addi %scan3A_785, %scan3A_786 : i32
      %scan3A_788 = arith.constant 1 : i32
      %scan3A_789:3 = scf.for %scan3A_804 = %scan3A_785 to %scan3A_787 step %scan3A_788 iter_args(%scan3A_805 = %parallel_loop3A_784#0, %scan3A_806 = %parallel_loop3A_784#1, %scan3A_807 = %parallel_loop3A_784#2) -> (vector<16xf32>, vector<16xf32>, vector<16xf32>)  : i32 {
        %mul3A_808 = arith.constant 16 : i32
        %mul3A_809 = arith.muli %scan3A_804, %mul3A_808 : i32
        %get3A_810 = arith.index_cast %mul3A_809 : i32 to index
        %get3A_811 = tpu.vector_load %arg26[%get3A_810] {strides = array<i32>} : memref<240xf32, #tpu.memory_space<vmem>>, vector<16xf32>,
        %get3A_812 = arith.index_cast %mul3A_809 : i32 to index
        %get3A_813 = tpu.vector_load %arg27[%get3A_812] {strides = array<i32>} : memref<240xf32, #tpu.memory_space<vmem>>, vector<16xf32>,
        %get3A_814 = arith.index_cast %mul3A_809 : i32 to index
        %get3A_815 = tpu.vector_load %arg28[%get3A_814] {strides = array<i32>} : memref<240xf32, #tpu.memory_space<vmem>>, vector<16xf32>,
        %get3A_816 = arith.index_cast %mul3A_809 : i32 to index
        %get3A_817 = tpu.vector_load %arg29[%get3A_816] {strides = array<i32>} : memref<240xf32, #tpu.memory_space<vmem>>, vector<16xf32>,
        %get3A_818 = arith.index_cast %mul3A_809 : i32 to index
        %get3A_819 = tpu.vector_load %arg30[%get3A_818] {strides = array<i32>} : memref<240xf32, #tpu.memory_space<vmem>>, vector<16xf32>,
        %get3A_820 = arith.index_cast %mul3A_809 : i32 to index
        %get3A_821 = tpu.vector_load %arg31[%get3A_820] {strides = array<i32>} : memref<240xf32, #tpu.memory_space<vmem>>, vector<16xf32>,
        %get3A_822 = arith.index_cast %mul3A_809 : i32 to index
        %get3A_823 = tpu.vector_load %arg32[%get3A_822] {strides = array<i32>} : memref<240xf32, #tpu.memory_space<vmem>>, vector<16xf32>,
        %get3A_824 = arith.index_cast %mul3A_809 : i32 to index
        %get3A_825 = tpu.vector_load %arg34[%get3A_824] {strides = array<i32>} : memref<240xi32, #tpu.memory_space<vmem>>, vector<16xi32>,
        %ne3A = arith.cmpi ne, %get3A_779, %get3A_825 : vector<16xi32>
        %get3A_826 = arith.index_cast %mul3A_809 : i32 to index
        %get3A_827 = tpu.vector_load %arg33[%get3A_826] {strides = array<i32>} : memref<240xi32, #tpu.memory_space<vmem>>, vector<16xi32>,
        %ne3A_828 = arith.constant 0 : i32
        %ne3A_829 = vector.broadcast %ne3A_828 : i32 to vector<16xi32>
        %ne3A_830 = arith.cmpi ne, %get3A_827, %ne3A_829 : vector<16xi32>
        %and3A = arith.andi %ne3A, %ne3A_830 : vector<16xi1>
        %add3A_831 = arith.addi %get3A_779, %get3A_825 : vector<16xi32>
        %add3A_832 = arith.constant 1 : i32
        %add3A_833 = arith.addi %scan3A_804, %add3A_832 : i32
        %parallel_loop3A_834 = arith.constant 15 : i32
        %parallel_loop3A_835 = arith.constant 1 : i32
        %parallel_loop3A_836:6 = scf.for %parallel_loop3A_857 = %add3A_833 to %parallel_loop3A_834 step %parallel_loop3A_835 iter_args(%parallel_loop3A_858 = %scan3A_805, %parallel_loop3A_859 = %scan3A_806, %parallel_loop3A_860 = %scan3A_807, %parallel_loop3A_861 = %broadcast_in_dim3A_37, %parallel_loop3A_862 = %broadcast_in_dim3A_37, %parallel_loop3A_863 = %broadcast_in_dim3A_37) -> (vector<16xf32>, vector<16xf32>, vector<16xf32>, vector<16xf32>, vector<16xf32>, vector<16xf32>)  : i32 {
          %parallel_loop3A_864 = arith.constant 16 : i32
          %parallel_loop3A_865 = arith.muli %parallel_loop3A_857, %parallel_loop3A_864 : i32
          %parallel_loop3A_866 = arith.index_cast %parallel_loop3A_865 : i32 to index
          %parallel_loop3A_867 = tpu.vector_load %arg26[%parallel_loop3A_866] {strides = array<i32>} : memref<240xf32, #tpu.memory_space<vmem>>, vector<16xf32>,
          %parallel_loop3A_868 = arith.index_cast %parallel_loop3A_865 : i32 to index
          %parallel_loop3A_869 = tpu.vector_load %arg27[%parallel_loop3A_868] {strides = array<i32>} : memref<240xf32, #tpu.memory_space<vmem>>, vector<16xf32>,
          %parallel_loop3A_870 = arith.index_cast %parallel_loop3A_865 : i32 to index
          %parallel_loop3A_871 = tpu.vector_load %arg28[%parallel_loop3A_870] {strides = array<i32>} : memref<240xf32, #tpu.memory_space<vmem>>, vector<16xf32>,
          %parallel_loop3A_872 = arith.index_cast %parallel_loop3A_865 : i32 to index
          %parallel_loop3A_873 = tpu.vector_load %arg29[%parallel_loop3A_872] {strides = array<i32>} : memref<240xf32, #tpu.memory_space<vmem>>, vector<16xf32>,
          %parallel_loop3A_874 = arith.index_cast %parallel_loop3A_865 : i32 to index
          %parallel_loop3A_875 = tpu.vector_load %arg30[%parallel_loop3A_874] {strides = array<i32>} : memref<240xf32, #tpu.memory_space<vmem>>, vector<16xf32>,
          %parallel_loop3A_876 = arith.index_cast %parallel_loop3A_865 : i32 to index
          %parallel_loop3A_877 = tpu.vector_load %arg31[%parallel_loop3A_876] {strides = array<i32>} : memref<240xf32, #tpu.memory_space<vmem>>, vector<16xf32>,
          %parallel_loop3A_878 = arith.index_cast %parallel_loop3A_865 : i32 to index
          %parallel_loop3A_879 = tpu.vector_load %arg32[%parallel_loop3A_878] {strides = array<i32>} : memref<240xf32, #tpu.memory_space<vmem>>, vector<16xf32>,
          %parallel_loop3A_880 = arith.index_cast %parallel_loop3A_865 : i32 to index
          %parallel_loop3A_881 = tpu.vector_load %arg34[%parallel_loop3A_880] {strides = array<i32>} : memref<240xi32, #tpu.memory_space<vmem>>, vector<16xi32>,
          %parallel_loop3A_882 = arith.addi %add3A_831, %parallel_loop3A_881 : vector<16xi32>
          %parallel_loop3A_883 = arith.constant 2 : i32
          %parallel_loop3A_884 = vector.broadcast %parallel_loop3A_883 : i32 to vector<16xi32>
          %parallel_loop3A_885 = arith.subi %parallel_loop3A_884, %parallel_loop3A_882 : vector<16xi32>
          %parallel_loop3A_886 = arith.constant 0 : i32
          %parallel_loop3A_887 = arith.constant 1 : i32
          %parallel_loop3A_888 = vector.broadcast %parallel_loop3A_886 : i32 to vector<16xi32>
          %parallel_loop3A_889 = arith.maxsi %parallel_loop3A_888, %parallel_loop3A_885 : vector<16xi32>
          %parallel_loop3A_890 = vector.broadcast %parallel_loop3A_887 : i32 to vector<16xi32>
          %parallel_loop3A_891 = arith.minsi %parallel_loop3A_890, %parallel_loop3A_889 : vector<16xi32>
          %parallel_loop3A_892 = tpu.vector_load_idx %arg42[%parallel_loop3A_891] : memref<16xf32, #tpu.memory_space<vmem>>[vector<16xi32>], vector<16xf32>,
          %parallel_loop3A_893 = tpu.vector_load_idx %arg43[%parallel_loop3A_891] : memref<16xf32, #tpu.memory_space<vmem>>[vector<16xi32>], vector<16xf32>,
          %parallel_loop3A_894 = tpu.vector_load_idx %arg44[%parallel_loop3A_891] : memref<16xf32, #tpu.memory_space<vmem>>[vector<16xi32>], vector<16xf32>,
          %parallel_loop3A_895 = arith.subf %parallel_loop3A_867, %get3A_811 : vector<16xf32>
          %parallel_loop3A_896 = arith.subf %parallel_loop3A_869, %get3A_813 : vector<16xf32>
          %parallel_loop3A_897 = arith.subf %parallel_loop3A_871, %get3A_815 : vector<16xf32>
          %parallel_loop3A_898 = arith.mulf %parallel_loop3A_895, %parallel_loop3A_895 : vector<16xf32>
          %parallel_loop3A_899 = arith.mulf %parallel_loop3A_896, %parallel_loop3A_896 : vector<16xf32>
          %parallel_loop3A_900 = arith.addf %parallel_loop3A_898, %parallel_loop3A_899 : vector<16xf32>
          %parallel_loop3A_901 = arith.mulf %parallel_loop3A_897, %parallel_loop3A_897 : vector<16xf32>
          %parallel_loop3A_902 = arith.addf %parallel_loop3A_900, %parallel_loop3A_901 : vector<16xf32>
          %parallel_loop3A_903 = arith.constant 9.99999996E-13 : f32
          %parallel_loop3A_904 = vector.broadcast %parallel_loop3A_903 : f32 to vector<16xf32>
          %parallel_loop3A_905 = arith.maximumf %parallel_loop3A_902, %parallel_loop3A_904 : vector<16xf32>
          %parallel_loop3A_906 = tpu.bitcast %parallel_loop3A_905 : vector<16xf32> -> vector<16xi32>
          %parallel_loop3A_907 = arith.constant 1 : i32
          %parallel_loop3A_908 = vector.broadcast %parallel_loop3A_907 : i32 to vector<16xi32>
          %parallel_loop3A_909 = arith.shrui %parallel_loop3A_906, %parallel_loop3A_908 : vector<16xi32>
          %parallel_loop3A_910 = arith.constant 1597463007 : i32
          %parallel_loop3A_911 = vector.broadcast %parallel_loop3A_910 : i32 to vector<16xi32>
          %parallel_loop3A_912 = arith.subi %parallel_loop3A_911, %parallel_loop3A_909 : vector<16xi32>
          %parallel_loop3A_913 = tpu.bitcast %parallel_loop3A_912 : vector<16xi32> -> vector<16xf32>
          %parallel_loop3A_914 = arith.constant 5.000000e-01 : f32
          %parallel_loop3A_915 = vector.broadcast %parallel_loop3A_914 : f32 to vector<16xf32>
          %parallel_loop3A_916 = arith.mulf %parallel_loop3A_915, %parallel_loop3A_905 : vector<16xf32>
          %parallel_loop3A_917 = arith.mulf %parallel_loop3A_916, %parallel_loop3A_913 : vector<16xf32>
          %parallel_loop3A_918 = arith.mulf %parallel_loop3A_917, %parallel_loop3A_913 : vector<16xf32>
          %parallel_loop3A_919 = arith.constant 1.500000e+00 : f32
          %parallel_loop3A_920 = vector.broadcast %parallel_loop3A_919 : f32 to vector<16xf32>
          %parallel_loop3A_921 = arith.subf %parallel_loop3A_920, %parallel_loop3A_918 : vector<16xf32>
          %parallel_loop3A_922 = arith.mulf %parallel_loop3A_913, %parallel_loop3A_921 : vector<16xf32>
          %parallel_loop3A_923 = arith.mulf %parallel_loop3A_916, %parallel_loop3A_922 : vector<16xf32>
          %parallel_loop3A_924 = arith.mulf %parallel_loop3A_923, %parallel_loop3A_922 : vector<16xf32>
          %parallel_loop3A_925 = arith.constant 1.500000e+00 : f32
          %parallel_loop3A_926 = vector.broadcast %parallel_loop3A_925 : f32 to vector<16xf32>
          %parallel_loop3A_927 = arith.subf %parallel_loop3A_926, %parallel_loop3A_924 : vector<16xf32>
          %parallel_loop3A_928 = arith.mulf %parallel_loop3A_922, %parallel_loop3A_927 : vector<16xf32>
          %parallel_loop3A_929 = arith.mulf %parallel_loop3A_905, %parallel_loop3A_928 : vector<16xf32>
          %parallel_loop3A_930 = arith.cmpi eq, %get3A_825, %parallel_loop3A_881 : vector<16xi32>
          %parallel_loop3A_931 = arith.andi %and3A, %parallel_loop3A_930 : vector<16xi1>
          %parallel_loop3A_932 = arith.index_cast %parallel_loop3A_865 : i32 to index
          %parallel_loop3A_933 = tpu.vector_load %arg33[%parallel_loop3A_932] {strides = array<i32>} : memref<240xi32, #tpu.memory_space<vmem>>, vector<16xi32>,
          %parallel_loop3A_934 = arith.constant 0 : i32
          %parallel_loop3A_935 = vector.broadcast %parallel_loop3A_934 : i32 to vector<16xi32>
          %parallel_loop3A_936 = arith.cmpi ne, %parallel_loop3A_933, %parallel_loop3A_935 : vector<16xi32>
          %parallel_loop3A_937 = arith.andi %parallel_loop3A_931, %parallel_loop3A_936 : vector<16xi1>
          %parallel_loop3A_938 = arith.cmpf ole, %parallel_loop3A_929, %parallel_loop3A_894 : vector<16xf32>
          %parallel_loop3A_939 = arith.andi %parallel_loop3A_937, %parallel_loop3A_938 : vector<16xi1>
          %parallel_loop3A_940 = arith.mulf %get3A_819, %parallel_loop3A_875 : vector<16xf32>
          %parallel_loop3A_941 = arith.constant 5.000000e-01 : f32
          %parallel_loop3A_942 = vector.broadcast %parallel_loop3A_941 : f32 to vector<16xf32>
          %parallel_loop3A_943 = arith.mulf %parallel_loop3A_942, %parallel_loop3A_940 : vector<16xf32>
          %parallel_loop3A_944 = arith.addf %get3A_817, %parallel_loop3A_873 : vector<16xf32>
          %parallel_loop3A_945 = arith.subf %parallel_loop3A_944, %parallel_loop3A_905 : vector<16xf32>
          %parallel_loop3A_946 = arith.mulf %parallel_loop3A_945, %parallel_loop3A_943 : vector<16xf32>
          %parallel_loop3A_947 = arith.subf %parallel_loop3A_946, %parallel_loop3A_893 : vector<16xf32>
          %parallel_loop3A_948 = arith.mulf %get3A_821, %parallel_loop3A_877 : vector<16xf32>
          %parallel_loop3A_949 = arith.subf %get3A_817, %parallel_loop3A_873 : vector<16xf32>
          %parallel_loop3A_950 = arith.addf %parallel_loop3A_949, %parallel_loop3A_905 : vector<16xf32>
          %parallel_loop3A_951 = arith.mulf %parallel_loop3A_950, %parallel_loop3A_943 : vector<16xf32>
          %parallel_loop3A_952 = arith.mulf %parallel_loop3A_951, %get3A_819 : vector<16xf32>
          %parallel_loop3A_953 = arith.subf %parallel_loop3A_905, %parallel_loop3A_949 : vector<16xf32>
          %parallel_loop3A_954 = arith.mulf %parallel_loop3A_953, %parallel_loop3A_943 : vector<16xf32>
          %parallel_loop3A_955 = arith.mulf %parallel_loop3A_954, %parallel_loop3A_875 : vector<16xf32>
          %parallel_loop3A_956 = arith.mulf %parallel_loop3A_929, %parallel_loop3A_940 : vector<16xf32>
          %parallel_loop3A_957 = arith.constant 0.000000e+00 : f32
          %parallel_loop3A_958 = vector.broadcast %parallel_loop3A_957 : f32 to vector<16xf32>
          %parallel_loop3A_959 = arith.subf %parallel_loop3A_958, %parallel_loop3A_956 : vector<16xf32>
          %parallel_loop3A_960 = arith.mulf %parallel_loop3A_892, %parallel_loop3A_947 : vector<16xf32>
          %parallel_loop3A_961 = arith.mulf %parallel_loop3A_960, %parallel_loop3A_948 : vector<16xf32>
          %parallel_loop3A_962 = arith.mulf %get3A_823, %parallel_loop3A_947 : vector<16xf32>
          %parallel_loop3A_963 = arith.constant 2.000000e+00 : f32
          %parallel_loop3A_964 = vector.broadcast %parallel_loop3A_963 : f32 to vector<16xf32>
          %parallel_loop3A_965 = arith.mulf %parallel_loop3A_964, %parallel_loop3A_952 : vector<16xf32>
          %parallel_loop3A_966 = arith.addf %parallel_loop3A_962, %parallel_loop3A_965 : vector<16xf32>
          %parallel_loop3A_967 = arith.mulf %parallel_loop3A_961, %parallel_loop3A_966 : vector<16xf32>
          %parallel_loop3A_968 = arith.constant 0.000000e+00 : f32
          %parallel_loop3A_969 = vector.broadcast %parallel_loop3A_968 : f32 to vector<16xf32>
          %parallel_loop3A_970 = arith.select %parallel_loop3A_939, %parallel_loop3A_967, %parallel_loop3A_969 : vector<16xi1>, vector<16xf32>
          %parallel_loop3A_971 = arith.mulf %parallel_loop3A_879, %parallel_loop3A_947 : vector<16xf32>
          %parallel_loop3A_972 = arith.constant 2.000000e+00 : f32
          %parallel_loop3A_973 = vector.broadcast %parallel_loop3A_972 : f32 to vector<16xf32>
          %parallel_loop3A_974 = arith.mulf %parallel_loop3A_973, %parallel_loop3A_955 : vector<16xf32>
          %parallel_loop3A_975 = arith.addf %parallel_loop3A_971, %parallel_loop3A_974 : vector<16xf32>
          %parallel_loop3A_976 = arith.mulf %parallel_loop3A_961, %parallel_loop3A_975 : vector<16xf32>
          %parallel_loop3A_977 = arith.constant 0.000000e+00 : f32
          %parallel_loop3A_978 = vector.broadcast %parallel_loop3A_977 : f32 to vector<16xf32>
          %parallel_loop3A_979 = arith.select %parallel_loop3A_939, %parallel_loop3A_976, %parallel_loop3A_978 : vector<16xi1>, vector<16xf32>
          %parallel_loop3A_980 = arith.constant 2.000000e+00 : f32
          %parallel_loop3A_981 = vector.broadcast %parallel_loop3A_980 : f32 to vector<16xf32>
          %parallel_loop3A_982 = arith.mulf %parallel_loop3A_981, %parallel_loop3A_959 : vector<16xf32>
          %parallel_loop3A_983 = arith.mulf %parallel_loop3A_961, %parallel_loop3A_982 : vector<16xf32>
          %parallel_loop3A_984 = arith.constant 0.000000e+00 : f32
          %parallel_loop3A_985 = vector.broadcast %parallel_loop3A_984 : f32 to vector<16xf32>
          %parallel_loop3A_986 = arith.select %parallel_loop3A_939, %parallel_loop3A_983, %parallel_loop3A_985 : vector<16xi1>, vector<16xf32>
          %parallel_loop3A_987 = arith.mulf %parallel_loop3A_970, %get3A_819 : vector<16xf32>
          %parallel_loop3A_988 = arith.mulf %parallel_loop3A_979, %parallel_loop3A_875 : vector<16xf32>
          %parallel_loop3A_989 = arith.mulf %parallel_loop3A_986, %parallel_loop3A_928 : vector<16xf32>
          %parallel_loop3A_990 = arith.mulf %parallel_loop3A_987, %get3A_811 : vector<16xf32>
          %parallel_loop3A_991 = arith.mulf %parallel_loop3A_987, %get3A_813 : vector<16xf32>
          %parallel_loop3A_992 = arith.mulf %parallel_loop3A_987, %get3A_815 : vector<16xf32>
          %parallel_loop3A_993 = arith.mulf %parallel_loop3A_988, %parallel_loop3A_867 : vector<16xf32>
          %parallel_loop3A_994 = arith.mulf %parallel_loop3A_988, %parallel_loop3A_869 : vector<16xf32>
          %parallel_loop3A_995 = arith.mulf %parallel_loop3A_988, %parallel_loop3A_871 : vector<16xf32>
          %parallel_loop3A_996 = arith.mulf %parallel_loop3A_989, %parallel_loop3A_895 : vector<16xf32>
          %parallel_loop3A_997 = arith.mulf %parallel_loop3A_989, %parallel_loop3A_896 : vector<16xf32>
          %parallel_loop3A_998 = arith.mulf %parallel_loop3A_989, %parallel_loop3A_897 : vector<16xf32>
          %parallel_loop3A_999 = arith.constant 1 : i32
          %parallel_loop3A_1000 = arith.addi %parallel_loop3A_857, %parallel_loop3A_999 : i32
          %parallel_loop3A_1001 = arith.constant 320 : i32
          %parallel_loop3A_1002 = arith.muli %parallel_loop3A_1000, %parallel_loop3A_1001 : i32
          %parallel_loop3A_1003 = arith.addi %parallel_loop3A_1002, %mul3A_773 : i32
          %parallel_loop3A_1004 = arith.index_cast %parallel_loop3A_1003 : i32 to index
          %parallel_loop3A_1005 = tpu.vector_load %arg23[%parallel_loop3A_1004] {strides = array<i32>} : memref<5120xf32, #tpu.memory_space<vmem>>, vector<16xf32>,
          %parallel_loop3A_1006 = arith.addf %parallel_loop3A_993, %parallel_loop3A_996 : vector<16xf32>
          %parallel_loop3A_1007 = arith.subf %parallel_loop3A_1005, %parallel_loop3A_1006 : vector<16xf32>
          %parallel_loop3A_1008 = arith.index_cast %parallel_loop3A_1003 : i32 to index
          %parallel_loop3A_1009 = tpu.vector_load %arg23[%parallel_loop3A_1008] {strides = array<i32>} : memref<5120xf32, #tpu.memory_space<vmem>>, vector<16xf32>,
          tpu.vector_store %arg23[%parallel_loop3A_1008], %parallel_loop3A_1007 {strides = array<i32>} : memref<5120xf32, #tpu.memory_space<vmem>>, vector<16xf32>,
          %parallel_loop3A_1010 = arith.index_cast %parallel_loop3A_1003 : i32 to index
          %parallel_loop3A_1011 = tpu.vector_load %arg24[%parallel_loop3A_1010] {strides = array<i32>} : memref<5120xf32, #tpu.memory_space<vmem>>, vector<16xf32>,
          %parallel_loop3A_1012 = arith.addf %parallel_loop3A_994, %parallel_loop3A_997 : vector<16xf32>
          %parallel_loop3A_1013 = arith.subf %parallel_loop3A_1011, %parallel_loop3A_1012 : vector<16xf32>
          %parallel_loop3A_1014 = arith.index_cast %parallel_loop3A_1003 : i32 to index
          %parallel_loop3A_1015 = tpu.vector_load %arg24[%parallel_loop3A_1014] {strides = array<i32>} : memref<5120xf32, #tpu.memory_space<vmem>>, vector<16xf32>,
          tpu.vector_store %arg24[%parallel_loop3A_1014], %parallel_loop3A_1013 {strides = array<i32>} : memref<5120xf32, #tpu.memory_space<vmem>>, vector<16xf32>,
          %parallel_loop3A_1016 = arith.index_cast %parallel_loop3A_1003 : i32 to index
          %parallel_loop3A_1017 = tpu.vector_load %arg25[%parallel_loop3A_1016] {strides = array<i32>} : memref<5120xf32, #tpu.memory_space<vmem>>, vector<16xf32>,
          %parallel_loop3A_1018 = arith.addf %parallel_loop3A_995, %parallel_loop3A_998 : vector<16xf32>
          %parallel_loop3A_1019 = arith.subf %parallel_loop3A_1017, %parallel_loop3A_1018 : vector<16xf32>
          %parallel_loop3A_1020 = arith.index_cast %parallel_loop3A_1003 : i32 to index
          %parallel_loop3A_1021 = tpu.vector_load %arg25[%parallel_loop3A_1020] {strides = array<i32>} : memref<5120xf32, #tpu.memory_space<vmem>>, vector<16xf32>,
          tpu.vector_store %arg25[%parallel_loop3A_1020], %parallel_loop3A_1019 {strides = array<i32>} : memref<5120xf32, #tpu.memory_space<vmem>>, vector<16xf32>,
          %parallel_loop3A_1022 = arith.addf %parallel_loop3A_858, %parallel_loop3A_990 : vector<16xf32>
          %parallel_loop3A_1023 = arith.addf %parallel_loop3A_1022, %parallel_loop3A_993 : vector<16xf32>
          %parallel_loop3A_1024 = arith.addf %parallel_loop3A_859, %parallel_loop3A_991 : vector<16xf32>
          %parallel_loop3A_1025 = arith.addf %parallel_loop3A_1024, %parallel_loop3A_994 : vector<16xf32>
          %parallel_loop3A_1026 = arith.addf %parallel_loop3A_860, %parallel_loop3A_992 : vector<16xf32>
          %parallel_loop3A_1027 = arith.addf %parallel_loop3A_1026, %parallel_loop3A_995 : vector<16xf32>
          %parallel_loop3A_1028 = arith.subf %parallel_loop3A_996, %parallel_loop3A_990 : vector<16xf32>
          %parallel_loop3A_1029 = arith.addf %parallel_loop3A_861, %parallel_loop3A_1028 : vector<16xf32>
          %parallel_loop3A_1030 = arith.subf %parallel_loop3A_997, %parallel_loop3A_991 : vector<16xf32>
          %parallel_loop3A_1031 = arith.addf %parallel_loop3A_862, %parallel_loop3A_1030 : vector<16xf32>
          %parallel_loop3A_1032 = arith.subf %parallel_loop3A_998, %parallel_loop3A_992 : vector<16xf32>
          %parallel_loop3A_1033 = arith.addf %parallel_loop3A_863, %parallel_loop3A_1032 : vector<16xf32>
          scf.yield %parallel_loop3A_1023, %parallel_loop3A_1025, %parallel_loop3A_1027, %parallel_loop3A_1029, %parallel_loop3A_1031, %parallel_loop3A_1033 : vector<16xf32>, vector<16xf32>, vector<16xf32>, vector<16xf32>, vector<16xf32>, vector<16xf32>
        } {sc.loop_unroll_factor = 2 : i64, sc.parallel_access}
        %add3A_837 = arith.constant 1 : i32
        %add3A_838 = arith.addi %scan3A_804, %add3A_837 : i32
        %mul3A_839 = arith.constant 320 : i32
        %mul3A_840 = arith.muli %add3A_838, %mul3A_839 : i32
        %add3A_841 = arith.addi %mul3A_840, %mul3A_773 : i32
        %get3A_842 = arith.index_cast %add3A_841 : i32 to index
        %get3A_843 = tpu.vector_load %arg23[%get3A_842] {strides = array<i32>} : memref<5120xf32, #tpu.memory_space<vmem>>, vector<16xf32>,
        %add3A_844 = arith.addf %get3A_843, %parallel_loop3A_836#3 : vector<16xf32>
        %swap3A_845 = arith.index_cast %add3A_841 : i32 to index
        %swap3A_846 = tpu.vector_load %arg23[%swap3A_845] {strides = array<i32>} : memref<5120xf32, #tpu.memory_space<vmem>>, vector<16xf32>,
        tpu.vector_store %arg23[%swap3A_845], %add3A_844 {strides = array<i32>} : memref<5120xf32, #tpu.memory_space<vmem>>, vector<16xf32>,
        %get3A_847 = arith.index_cast %add3A_841 : i32 to index
        %get3A_848 = tpu.vector_load %arg24[%get3A_847] {strides = array<i32>} : memref<5120xf32, #tpu.memory_space<vmem>>, vector<16xf32>,
        %add3A_849 = arith.addf %get3A_848, %parallel_loop3A_836#4 : vector<16xf32>
        %swap3A_850 = arith.index_cast %add3A_841 : i32 to index
        %swap3A_851 = tpu.vector_load %arg24[%swap3A_850] {strides = array<i32>} : memref<5120xf32, #tpu.memory_space<vmem>>, vector<16xf32>,
        tpu.vector_store %arg24[%swap3A_850], %add3A_849 {strides = array<i32>} : memref<5120xf32, #tpu.memory_space<vmem>>, vector<16xf32>,
        %get3A_852 = arith.index_cast %add3A_841 : i32 to index
        %get3A_853 = tpu.vector_load %arg25[%get3A_852] {strides = array<i32>} : memref<5120xf32, #tpu.memory_space<vmem>>, vector<16xf32>,
        %add3A_854 = arith.addf %get3A_853, %parallel_loop3A_836#5 : vector<16xf32>
        %swap3A_855 = arith.index_cast %add3A_841 : i32 to index
        %swap3A_856 = tpu.vector_load %arg25[%swap3A_855] {strides = array<i32>} : memref<5120xf32, #tpu.memory_space<vmem>>, vector<16xf32>,
        tpu.vector_store %arg25[%swap3A_855], %add3A_854 {strides = array<i32>} : memref<5120xf32, #tpu.memory_space<vmem>>, vector<16xf32>,
        scf.yield %parallel_loop3A_836#0, %parallel_loop3A_836#1, %parallel_loop3A_836#2 : vector<16xf32>, vector<16xf32>, vector<16xf32>
      }
      %scan3A_790 = arith.constant 14 : i32
      %swap3A = arith.index_cast %mul3A_773 : i32 to index
      %swap3A_791 = tpu.vector_load %arg23[%swap3A] {strides = array<i32>} : memref<5120xf32, #tpu.memory_space<vmem>>, vector<16xf32>,
      tpu.vector_store %arg23[%swap3A], %scan3A_789#0 {strides = array<i32>} : memref<5120xf32, #tpu.memory_space<vmem>>, vector<16xf32>,
      %swap3A_792 = arith.index_cast %mul3A_773 : i32 to index
      %swap3A_793 = tpu.vector_load %arg24[%swap3A_792] {strides = array<i32>} : memref<5120xf32, #tpu.memory_space<vmem>>, vector<16xf32>,
      tpu.vector_store %arg24[%swap3A_792], %scan3A_789#1 {strides = array<i32>} : memref<5120xf32, #tpu.memory_space<vmem>>, vector<16xf32>,
      %swap3A_794 = arith.index_cast %mul3A_773 : i32 to index
      %swap3A_795 = tpu.vector_load %arg25[%swap3A_794] {strides = array<i32>} : memref<5120xf32, #tpu.memory_space<vmem>>, vector<16xf32>,
      tpu.vector_store %arg25[%swap3A_794], %scan3A_789#2 {strides = array<i32>} : memref<5120xf32, #tpu.memory_space<vmem>>, vector<16xf32>,
      %scan3A_796 = arith.constant 0 : i32
      %scan3A_797 = arith.constant 0 : i32
      %scan3A_798 = arith.constant 16 : i32
      %scan3A_799 = arith.addi %scan3A_797, %scan3A_798 : i32
      %scan3A_800 = arith.constant 1 : i32
      %scan3A_801 = scf.for %scan3A_804 = %scan3A_797 to %scan3A_799 step %scan3A_800 iter_args(%scan3A_805 = %scan3A_796) -> (i32)  : i32 {
        %mul3A_806 = arith.constant 320 : i32
        %mul3A_807 = arith.muli %scan3A_804, %mul3A_806 : i32
        %add3A_808 = arith.addi %mul3A_807, %mul3A_773 : i32
        %get3A_809 = arith.index_cast %add3A_808 : i32 to index
        %get3A_810 = tpu.vector_load %arg21[%get3A_809] {strides = array<i32>} : memref<5120xi32, #tpu.memory_space<vmem>>, vector<16xi32>,
        %get3A_811 = arith.index_cast %add3A_808 : i32 to index
        %get3A_812 = tpu.vector_load %arg23[%get3A_811] {strides = array<i32>} : memref<5120xf32, #tpu.memory_space<vmem>>, vector<16xf32>,
        %mul3A_813 = vector.broadcast %select_n3A : f32 to vector<16xf32>
        %mul3A_814 = arith.mulf %get3A_812, %mul3A_813 : vector<16xf32>
        tpu.vector_store_idx %arg49[%get3A_810], %mul3A_814 {add = true} : memref<10240xf32, #tpu.memory_space<vmem>>[vector<16xi32>], vector<16xf32>,
        %get3A_815 = arith.index_cast %add3A_808 : i32 to index
        %get3A_816 = tpu.vector_load %arg24[%get3A_815] {strides = array<i32>} : memref<5120xf32, #tpu.memory_space<vmem>>, vector<16xf32>,
        %mul3A_817 = vector.broadcast %select_n3A : f32 to vector<16xf32>
        %mul3A_818 = arith.mulf %get3A_816, %mul3A_817 : vector<16xf32>
        tpu.vector_store_idx %arg50[%get3A_810], %mul3A_818 {add = true} : memref<10240xf32, #tpu.memory_space<vmem>>[vector<16xi32>], vector<16xf32>,
        %get3A_819 = arith.index_cast %add3A_808 : i32 to index
        %get3A_820 = tpu.vector_load %arg25[%get3A_819] {strides = array<i32>} : memref<5120xf32, #tpu.memory_space<vmem>>, vector<16xf32>,
        %mul3A_821 = vector.broadcast %select_n3A : f32 to vector<16xf32>
        %mul3A_822 = arith.mulf %get3A_820, %mul3A_821 : vector<16xf32>
        tpu.vector_store_idx %arg51[%get3A_810], %mul3A_822 {add = true} : memref<10240xf32, #tpu.memory_space<vmem>>[vector<16xi32>], vector<16xf32>,
        %scan3A_823 = arith.constant 0 : i32
        scf.yield %scan3A_823 : i32
      }
      %scan3A_802 = arith.constant 16 : i32
      %scan3A_803 = arith.constant 0 : i32
      scf.yield %scan3A_803 : i32
    }
    %scan3A_50 = arith.constant 20 : i32
    %mul3A_51 = arith.constant 640 : i32
    %mul3A_52 = arith.muli %arg1, %mul3A_51 : i32
    %mul3A_53 = arith.constant 30720 : i32
    %mul3A_54 = arith.muli %arg0, %mul3A_53 : i32
    %mul3A_55 = arith.constant 10240 : i32
    %mul3A_56 = arith.muli %arg1, %mul3A_55 : i32
    "tpu.region"() ({
      %run_scoped3A = tpu.sem_alloc : memref<!tpu.dma_semaphore, #tpu.memory_space<semaphore_mem>>
      %dma_start3A_770 = tpu.memref_slice %arg52[%mul3A_56] : memref<163840xf32, #tpu.memory_space<vmem_shared>> -> memref<10240xf32, #tpu.memory_space<vmem_shared>>
      %dma_start3A_771 = tpu.memref_slice %arg52[%mul3A_56] : memref<163840xf32, #tpu.memory_space<vmem_shared>> -> memref<10240xf32, #tpu.memory_space<vmem_shared>>
      tpu.enqueue_dma source(%arg49 : memref<10240xf32, #tpu.memory_space<vmem>>) target(%dma_start3A_771 : memref<10240xf32, #tpu.memory_space<vmem_shared>>) target_semaphore(%run_scoped3A : memref<!tpu.dma_semaphore, #tpu.memory_space<semaphore_mem>>)
      %dma_wait3A_772 = tpu.memref_slice %arg52[%mul3A_56] : memref<163840xf32, #tpu.memory_space<vmem_shared>> -> memref<10240xf32, #tpu.memory_space<vmem_shared>>
      %dma_wait3A_773 = tpu.memref_slice %arg52[%mul3A_56] : memref<163840xf32, #tpu.memory_space<vmem_shared>> -> memref<10240xf32, #tpu.memory_space<vmem_shared>>
      tpu.wait_dma2 semaphore(%run_scoped3A : memref<!tpu.dma_semaphore, #tpu.memory_space<semaphore_mem>>) src(%arg49 : memref<10240xf32, #tpu.memory_space<vmem>>) dst(%dma_wait3A_773 : memref<10240xf32, #tpu.memory_space<vmem_shared>>)
      tpu.yield
    }) : () -> ()
    %barrier3A = arith.constant 0 : index
    tpu.barrier barrier_id(%barrier3A)
    %add3A_57 = arith.constant 0 : i32
    %add3A_58 = arith.addi %add3A_57, %mul3A_52 : i32
    %dma_start3A_59 = arith.constant 0 : i32
    %dma_start3A_60 = tpu.memref_slice %arg48[%dma_start3A_59] : memref<10240xf32, #tpu.memory_space<vmem>> -> memref<640xf32, #tpu.memory_space<vmem>>
    %dma_start3A_61 = tpu.memref_slice %arg52[%add3A_58] : memref<163840xf32, #tpu.memory_space<vmem_shared>> -> memref<640xf32, #tpu.memory_space<vmem_shared>>
    %dma_start3A_62 = arith.constant 0 : i32
    %dma_start3A_63 = tpu.memref_slice %arg48[%dma_start3A_62] : memref<10240xf32, #tpu.memory_space<vmem>> -> memref<640xf32, #tpu.memory_space<vmem>>
    %dma_start3A_64 = tpu.memref_slice %arg52[%add3A_58] : memref<163840xf32, #tpu.memory_space<vmem_shared>> -> memref<640xf32, #tpu.memory_space<vmem_shared>>
    tpu.enqueue_dma source(%dma_start3A_64 : memref<640xf32, #tpu.memory_space<vmem_shared>>) target(%dma_start3A_63 : memref<640xf32, #tpu.memory_space<vmem>>) target_semaphore(%arg53 : memref<!tpu.dma_semaphore, #tpu.memory_space<semaphore_mem>>)
    %add3A_65 = arith.constant 10240 : i32
    %add3A_66 = arith.addi %add3A_65, %mul3A_52 : i32
    %dma_start3A_67 = arith.constant 640 : i32
    %dma_start3A_68 = tpu.memref_slice %arg48[%dma_start3A_67] : memref<10240xf32, #tpu.memory_space<vmem>> -> memref<640xf32, #tpu.memory_space<vmem>>
    %dma_start3A_69 = tpu.memref_slice %arg52[%add3A_66] : memref<163840xf32, #tpu.memory_space<vmem_shared>> -> memref<640xf32, #tpu.memory_space<vmem_shared>>
    %dma_start3A_70 = arith.constant 640 : i32
    %dma_start3A_71 = tpu.memref_slice %arg48[%dma_start3A_70] : memref<10240xf32, #tpu.memory_space<vmem>> -> memref<640xf32, #tpu.memory_space<vmem>>
    %dma_start3A_72 = tpu.memref_slice %arg52[%add3A_66] : memref<163840xf32, #tpu.memory_space<vmem_shared>> -> memref<640xf32, #tpu.memory_space<vmem_shared>>
    tpu.enqueue_dma source(%dma_start3A_72 : memref<640xf32, #tpu.memory_space<vmem_shared>>) target(%dma_start3A_71 : memref<640xf32, #tpu.memory_space<vmem>>) target_semaphore(%arg53 : memref<!tpu.dma_semaphore, #tpu.memory_space<semaphore_mem>>)
    %add3A_73 = arith.constant 20480 : i32
    %add3A_74 = arith.addi %add3A_73, %mul3A_52 : i32
    %dma_start3A_75 = arith.constant 1280 : i32
    %dma_start3A_76 = tpu.memref_slice %arg48[%dma_start3A_75] : memref<10240xf32, #tpu.memory_space<vmem>> -> memref<640xf32, #tpu.memory_space<vmem>>
    %dma_start3A_77 = tpu.memref_slice %arg52[%add3A_74] : memref<163840xf32, #tpu.memory_space<vmem_shared>> -> memref<640xf32, #tpu.memory_space<vmem_shared>>
    %dma_start3A_78 = arith.constant 1280 : i32
    %dma_start3A_79 = tpu.memref_slice %arg48[%dma_start3A_78] : memref<10240xf32, #tpu.memory_space<vmem>> -> memref<640xf32, #tpu.memory_space<vmem>>
    %dma_start3A_80 = tpu.memref_slice %arg52[%add3A_74] : memref<163840xf32, #tpu.memory_space<vmem_shared>> -> memref<640xf32, #tpu.memory_space<vmem_shared>>
    tpu.enqueue_dma source(%dma_start3A_80 : memref<640xf32, #tpu.memory_space<vmem_shared>>) target(%dma_start3A_79 : memref<640xf32, #tpu.memory_space<vmem>>) target_semaphore(%arg53 : memref<!tpu.dma_semaphore, #tpu.memory_space<semaphore_mem>>)
    %add3A_81 = arith.constant 30720 : i32
    %add3A_82 = arith.addi %add3A_81, %mul3A_52 : i32
    %dma_start3A_83 = arith.constant 1920 : i32
    %dma_start3A_84 = tpu.memref_slice %arg48[%dma_start3A_83] : memref<10240xf32, #tpu.memory_space<vmem>> -> memref<640xf32, #tpu.memory_space<vmem>>
    %dma_start3A_85 = tpu.memref_slice %arg52[%add3A_82] : memref<163840xf32, #tpu.memory_space<vmem_shared>> -> memref<640xf32, #tpu.memory_space<vmem_shared>>
    %dma_start3A_86 = arith.constant 1920 : i32
    %dma_start3A_87 = tpu.memref_slice %arg48[%dma_start3A_86] : memref<10240xf32, #tpu.memory_space<vmem>> -> memref<640xf32, #tpu.memory_space<vmem>>
    %dma_start3A_88 = tpu.memref_slice %arg52[%add3A_82] : memref<163840xf32, #tpu.memory_space<vmem_shared>> -> memref<640xf32, #tpu.memory_space<vmem_shared>>
    tpu.enqueue_dma source(%dma_start3A_88 : memref<640xf32, #tpu.memory_space<vmem_shared>>) target(%dma_start3A_87 : memref<640xf32, #tpu.memory_space<vmem>>) target_semaphore(%arg53 : memref<!tpu.dma_semaphore, #tpu.memory_space<semaphore_mem>>)
    %dma_wait3A_89 = arith.constant 0 : i32
    %dma_wait3A_90 = tpu.memref_slice %arg48[%dma_wait3A_89] : memref<10240xf32, #tpu.memory_space<vmem>> -> memref<640xf32, #tpu.memory_space<vmem>>
    %dma_wait3A_91 = tpu.memref_slice %arg52[%add3A_58] : memref<163840xf32, #tpu.memory_space<vmem_shared>> -> memref<640xf32, #tpu.memory_space<vmem_shared>>
    %dma_wait3A_92 = arith.constant 0 : i32
    %dma_wait3A_93 = tpu.memref_slice %arg48[%dma_wait3A_92] : memref<10240xf32, #tpu.memory_space<vmem>> -> memref<640xf32, #tpu.memory_space<vmem>>
    %dma_wait3A_94 = tpu.memref_slice %arg52[%add3A_58] : memref<163840xf32, #tpu.memory_space<vmem_shared>> -> memref<640xf32, #tpu.memory_space<vmem_shared>>
    tpu.wait_dma2 semaphore(%arg53 : memref<!tpu.dma_semaphore, #tpu.memory_space<semaphore_mem>>) src(%dma_wait3A_94 : memref<640xf32, #tpu.memory_space<vmem_shared>>) dst(%dma_wait3A_93 : memref<640xf32, #tpu.memory_space<vmem>>)
    %dma_wait3A_95 = arith.constant 640 : i32
    %dma_wait3A_96 = tpu.memref_slice %arg48[%dma_wait3A_95] : memref<10240xf32, #tpu.memory_space<vmem>> -> memref<640xf32, #tpu.memory_space<vmem>>
    %dma_wait3A_97 = tpu.memref_slice %arg52[%add3A_66] : memref<163840xf32, #tpu.memory_space<vmem_shared>> -> memref<640xf32, #tpu.memory_space<vmem_shared>>
    %dma_wait3A_98 = arith.constant 640 : i32
    %dma_wait3A_99 = tpu.memref_slice %arg48[%dma_wait3A_98] : memref<10240xf32, #tpu.memory_space<vmem>> -> memref<640xf32, #tpu.memory_space<vmem>>
    %dma_wait3A_100 = tpu.memref_slice %arg52[%add3A_66] : memref<163840xf32, #tpu.memory_space<vmem_shared>> -> memref<640xf32, #tpu.memory_space<vmem_shared>>
    tpu.wait_dma2 semaphore(%arg53 : memref<!tpu.dma_semaphore, #tpu.memory_space<semaphore_mem>>) src(%dma_wait3A_100 : memref<640xf32, #tpu.memory_space<vmem_shared>>) dst(%dma_wait3A_99 : memref<640xf32, #tpu.memory_space<vmem>>)
    %dma_wait3A_101 = arith.constant 1280 : i32
    %dma_wait3A_102 = tpu.memref_slice %arg48[%dma_wait3A_101] : memref<10240xf32, #tpu.memory_space<vmem>> -> memref<640xf32, #tpu.memory_space<vmem>>
    %dma_wait3A_103 = tpu.memref_slice %arg52[%add3A_74] : memref<163840xf32, #tpu.memory_space<vmem_shared>> -> memref<640xf32, #tpu.memory_space<vmem_shared>>
    %dma_wait3A_104 = arith.constant 1280 : i32
    %dma_wait3A_105 = tpu.memref_slice %arg48[%dma_wait3A_104] : memref<10240xf32, #tpu.memory_space<vmem>> -> memref<640xf32, #tpu.memory_space<vmem>>
    %dma_wait3A_106 = tpu.memref_slice %arg52[%add3A_74] : memref<163840xf32, #tpu.memory_space<vmem_shared>> -> memref<640xf32, #tpu.memory_space<vmem_shared>>
    tpu.wait_dma2 semaphore(%arg53 : memref<!tpu.dma_semaphore, #tpu.memory_space<semaphore_mem>>) src(%dma_wait3A_106 : memref<640xf32, #tpu.memory_space<vmem_shared>>) dst(%dma_wait3A_105 : memref<640xf32, #tpu.memory_space<vmem>>)
    %dma_wait3A_107 = arith.constant 1920 : i32
    %dma_wait3A_108 = tpu.memref_slice %arg48[%dma_wait3A_107] : memref<10240xf32, #tpu.memory_space<vmem>> -> memref<640xf32, #tpu.memory_space<vmem>>
    %dma_wait3A_109 = tpu.memref_slice %arg52[%add3A_82] : memref<163840xf32, #tpu.memory_space<vmem_shared>> -> memref<640xf32, #tpu.memory_space<vmem_shared>>
    %dma_wait3A_110 = arith.constant 1920 : i32
    %dma_wait3A_111 = tpu.memref_slice %arg48[%dma_wait3A_110] : memref<10240xf32, #tpu.memory_space<vmem>> -> memref<640xf32, #tpu.memory_space<vmem>>
    %dma_wait3A_112 = tpu.memref_slice %arg52[%add3A_82] : memref<163840xf32, #tpu.memory_space<vmem_shared>> -> memref<640xf32, #tpu.memory_space<vmem_shared>>
    tpu.wait_dma2 semaphore(%arg53 : memref<!tpu.dma_semaphore, #tpu.memory_space<semaphore_mem>>) src(%dma_wait3A_112 : memref<640xf32, #tpu.memory_space<vmem_shared>>) dst(%dma_wait3A_111 : memref<640xf32, #tpu.memory_space<vmem>>)
    %add3A_113 = arith.constant 40960 : i32
    %add3A_114 = arith.addi %add3A_113, %mul3A_52 : i32
    %dma_start3A_115 = arith.constant 2560 : i32
    %dma_start3A_116 = tpu.memref_slice %arg48[%dma_start3A_115] : memref<10240xf32, #tpu.memory_space<vmem>> -> memref<640xf32, #tpu.memory_space<vmem>>
    %dma_start3A_117 = tpu.memref_slice %arg52[%add3A_114] : memref<163840xf32, #tpu.memory_space<vmem_shared>> -> memref<640xf32, #tpu.memory_space<vmem_shared>>
    %dma_start3A_118 = arith.constant 2560 : i32
    %dma_start3A_119 = tpu.memref_slice %arg48[%dma_start3A_118] : memref<10240xf32, #tpu.memory_space<vmem>> -> memref<640xf32, #tpu.memory_space<vmem>>
    %dma_start3A_120 = tpu.memref_slice %arg52[%add3A_114] : memref<163840xf32, #tpu.memory_space<vmem_shared>> -> memref<640xf32, #tpu.memory_space<vmem_shared>>
    tpu.enqueue_dma source(%dma_start3A_120 : memref<640xf32, #tpu.memory_space<vmem_shared>>) target(%dma_start3A_119 : memref<640xf32, #tpu.memory_space<vmem>>) target_semaphore(%arg53 : memref<!tpu.dma_semaphore, #tpu.memory_space<semaphore_mem>>)
    %add3A_121 = arith.constant 51200 : i32
    %add3A_122 = arith.addi %add3A_121, %mul3A_52 : i32
    %dma_start3A_123 = arith.constant 3200 : i32
    %dma_start3A_124 = tpu.memref_slice %arg48[%dma_start3A_123] : memref<10240xf32, #tpu.memory_space<vmem>> -> memref<640xf32, #tpu.memory_space<vmem>>
    %dma_start3A_125 = tpu.memref_slice %arg52[%add3A_122] : memref<163840xf32, #tpu.memory_space<vmem_shared>> -> memref<640xf32, #tpu.memory_space<vmem_shared>>
    %dma_start3A_126 = arith.constant 3200 : i32
    %dma_start3A_127 = tpu.memref_slice %arg48[%dma_start3A_126] : memref<10240xf32, #tpu.memory_space<vmem>> -> memref<640xf32, #tpu.memory_space<vmem>>
    %dma_start3A_128 = tpu.memref_slice %arg52[%add3A_122] : memref<163840xf32, #tpu.memory_space<vmem_shared>> -> memref<640xf32, #tpu.memory_space<vmem_shared>>
    tpu.enqueue_dma source(%dma_start3A_128 : memref<640xf32, #tpu.memory_space<vmem_shared>>) target(%dma_start3A_127 : memref<640xf32, #tpu.memory_space<vmem>>) target_semaphore(%arg53 : memref<!tpu.dma_semaphore, #tpu.memory_space<semaphore_mem>>)
    %add3A_129 = arith.constant 61440 : i32
    %add3A_130 = arith.addi %add3A_129, %mul3A_52 : i32
    %dma_start3A_131 = arith.constant 3840 : i32
    %dma_start3A_132 = tpu.memref_slice %arg48[%dma_start3A_131] : memref<10240xf32, #tpu.memory_space<vmem>> -> memref<640xf32, #tpu.memory_space<vmem>>
    %dma_start3A_133 = tpu.memref_slice %arg52[%add3A_130] : memref<163840xf32, #tpu.memory_space<vmem_shared>> -> memref<640xf32, #tpu.memory_space<vmem_shared>>
    %dma_start3A_134 = arith.constant 3840 : i32
    %dma_start3A_135 = tpu.memref_slice %arg48[%dma_start3A_134] : memref<10240xf32, #tpu.memory_space<vmem>> -> memref<640xf32, #tpu.memory_space<vmem>>
    %dma_start3A_136 = tpu.memref_slice %arg52[%add3A_130] : memref<163840xf32, #tpu.memory_space<vmem_shared>> -> memref<640xf32, #tpu.memory_space<vmem_shared>>
    tpu.enqueue_dma source(%dma_start3A_136 : memref<640xf32, #tpu.memory_space<vmem_shared>>) target(%dma_start3A_135 : memref<640xf32, #tpu.memory_space<vmem>>) target_semaphore(%arg53 : memref<!tpu.dma_semaphore, #tpu.memory_space<semaphore_mem>>)
    %add3A_137 = arith.constant 71680 : i32
    %add3A_138 = arith.addi %add3A_137, %mul3A_52 : i32
    %dma_start3A_139 = arith.constant 4480 : i32
    %dma_start3A_140 = tpu.memref_slice %arg48[%dma_start3A_139] : memref<10240xf32, #tpu.memory_space<vmem>> -> memref<640xf32, #tpu.memory_space<vmem>>
    %dma_start3A_141 = tpu.memref_slice %arg52[%add3A_138] : memref<163840xf32, #tpu.memory_space<vmem_shared>> -> memref<640xf32, #tpu.memory_space<vmem_shared>>
    %dma_start3A_142 = arith.constant 4480 : i32
    %dma_start3A_143 = tpu.memref_slice %arg48[%dma_start3A_142] : memref<10240xf32, #tpu.memory_space<vmem>> -> memref<640xf32, #tpu.memory_space<vmem>>
    %dma_start3A_144 = tpu.memref_slice %arg52[%add3A_138] : memref<163840xf32, #tpu.memory_space<vmem_shared>> -> memref<640xf32, #tpu.memory_space<vmem_shared>>
    tpu.enqueue_dma source(%dma_start3A_144 : memref<640xf32, #tpu.memory_space<vmem_shared>>) target(%dma_start3A_143 : memref<640xf32, #tpu.memory_space<vmem>>) target_semaphore(%arg53 : memref<!tpu.dma_semaphore, #tpu.memory_space<semaphore_mem>>)
    %dma_wait3A_145 = arith.constant 2560 : i32
    %dma_wait3A_146 = tpu.memref_slice %arg48[%dma_wait3A_145] : memref<10240xf32, #tpu.memory_space<vmem>> -> memref<640xf32, #tpu.memory_space<vmem>>
    %dma_wait3A_147 = tpu.memref_slice %arg52[%add3A_114] : memref<163840xf32, #tpu.memory_space<vmem_shared>> -> memref<640xf32, #tpu.memory_space<vmem_shared>>
    %dma_wait3A_148 = arith.constant 2560 : i32
    %dma_wait3A_149 = tpu.memref_slice %arg48[%dma_wait3A_148] : memref<10240xf32, #tpu.memory_space<vmem>> -> memref<640xf32, #tpu.memory_space<vmem>>
    %dma_wait3A_150 = tpu.memref_slice %arg52[%add3A_114] : memref<163840xf32, #tpu.memory_space<vmem_shared>> -> memref<640xf32, #tpu.memory_space<vmem_shared>>
    tpu.wait_dma2 semaphore(%arg53 : memref<!tpu.dma_semaphore, #tpu.memory_space<semaphore_mem>>) src(%dma_wait3A_150 : memref<640xf32, #tpu.memory_space<vmem_shared>>) dst(%dma_wait3A_149 : memref<640xf32, #tpu.memory_space<vmem>>)
    %dma_wait3A_151 = arith.constant 3200 : i32
    %dma_wait3A_152 = tpu.memref_slice %arg48[%dma_wait3A_151] : memref<10240xf32, #tpu.memory_space<vmem>> -> memref<640xf32, #tpu.memory_space<vmem>>
    %dma_wait3A_153 = tpu.memref_slice %arg52[%add3A_122] : memref<163840xf32, #tpu.memory_space<vmem_shared>> -> memref<640xf32, #tpu.memory_space<vmem_shared>>
    %dma_wait3A_154 = arith.constant 3200 : i32
    %dma_wait3A_155 = tpu.memref_slice %arg48[%dma_wait3A_154] : memref<10240xf32, #tpu.memory_space<vmem>> -> memref<640xf32, #tpu.memory_space<vmem>>
    %dma_wait3A_156 = tpu.memref_slice %arg52[%add3A_122] : memref<163840xf32, #tpu.memory_space<vmem_shared>> -> memref<640xf32, #tpu.memory_space<vmem_shared>>
    tpu.wait_dma2 semaphore(%arg53 : memref<!tpu.dma_semaphore, #tpu.memory_space<semaphore_mem>>) src(%dma_wait3A_156 : memref<640xf32, #tpu.memory_space<vmem_shared>>) dst(%dma_wait3A_155 : memref<640xf32, #tpu.memory_space<vmem>>)
    %dma_wait3A_157 = arith.constant 3840 : i32
    %dma_wait3A_158 = tpu.memref_slice %arg48[%dma_wait3A_157] : memref<10240xf32, #tpu.memory_space<vmem>> -> memref<640xf32, #tpu.memory_space<vmem>>
    %dma_wait3A_159 = tpu.memref_slice %arg52[%add3A_130] : memref<163840xf32, #tpu.memory_space<vmem_shared>> -> memref<640xf32, #tpu.memory_space<vmem_shared>>
    %dma_wait3A_160 = arith.constant 3840 : i32
    %dma_wait3A_161 = tpu.memref_slice %arg48[%dma_wait3A_160] : memref<10240xf32, #tpu.memory_space<vmem>> -> memref<640xf32, #tpu.memory_space<vmem>>
    %dma_wait3A_162 = tpu.memref_slice %arg52[%add3A_130] : memref<163840xf32, #tpu.memory_space<vmem_shared>> -> memref<640xf32, #tpu.memory_space<vmem_shared>>
    tpu.wait_dma2 semaphore(%arg53 : memref<!tpu.dma_semaphore, #tpu.memory_space<semaphore_mem>>) src(%dma_wait3A_162 : memref<640xf32, #tpu.memory_space<vmem_shared>>) dst(%dma_wait3A_161 : memref<640xf32, #tpu.memory_space<vmem>>)
    %dma_wait3A_163 = arith.constant 4480 : i32
    %dma_wait3A_164 = tpu.memref_slice %arg48[%dma_wait3A_163] : memref<10240xf32, #tpu.memory_space<vmem>> -> memref<640xf32, #tpu.memory_space<vmem>>
    %dma_wait3A_165 = tpu.memref_slice %arg52[%add3A_138] : memref<163840xf32, #tpu.memory_space<vmem_shared>> -> memref<640xf32, #tpu.memory_space<vmem_shared>>
    %dma_wait3A_166 = arith.constant 4480 : i32
    %dma_wait3A_167 = tpu.memref_slice %arg48[%dma_wait3A_166] : memref<10240xf32, #tpu.memory_space<vmem>> -> memref<640xf32, #tpu.memory_space<vmem>>
    %dma_wait3A_168 = tpu.memref_slice %arg52[%add3A_138] : memref<163840xf32, #tpu.memory_space<vmem_shared>> -> memref<640xf32, #tpu.memory_space<vmem_shared>>
    tpu.wait_dma2 semaphore(%arg53 : memref<!tpu.dma_semaphore, #tpu.memory_space<semaphore_mem>>) src(%dma_wait3A_168 : memref<640xf32, #tpu.memory_space<vmem_shared>>) dst(%dma_wait3A_167 : memref<640xf32, #tpu.memory_space<vmem>>)
    %add3A_169 = arith.constant 81920 : i32
    %add3A_170 = arith.addi %add3A_169, %mul3A_52 : i32
    %dma_start3A_171 = arith.constant 5120 : i32
    %dma_start3A_172 = tpu.memref_slice %arg48[%dma_start3A_171] : memref<10240xf32, #tpu.memory_space<vmem>> -> memref<640xf32, #tpu.memory_space<vmem>>
    %dma_start3A_173 = tpu.memref_slice %arg52[%add3A_170] : memref<163840xf32, #tpu.memory_space<vmem_shared>> -> memref<640xf32, #tpu.memory_space<vmem_shared>>
    %dma_start3A_174 = arith.constant 5120 : i32
    %dma_start3A_175 = tpu.memref_slice %arg48[%dma_start3A_174] : memref<10240xf32, #tpu.memory_space<vmem>> -> memref<640xf32, #tpu.memory_space<vmem>>
    %dma_start3A_176 = tpu.memref_slice %arg52[%add3A_170] : memref<163840xf32, #tpu.memory_space<vmem_shared>> -> memref<640xf32, #tpu.memory_space<vmem_shared>>
    tpu.enqueue_dma source(%dma_start3A_176 : memref<640xf32, #tpu.memory_space<vmem_shared>>) target(%dma_start3A_175 : memref<640xf32, #tpu.memory_space<vmem>>) target_semaphore(%arg53 : memref<!tpu.dma_semaphore, #tpu.memory_space<semaphore_mem>>)
    %add3A_177 = arith.constant 92160 : i32
    %add3A_178 = arith.addi %add3A_177, %mul3A_52 : i32
    %dma_start3A_179 = arith.constant 5760 : i32
    %dma_start3A_180 = tpu.memref_slice %arg48[%dma_start3A_179] : memref<10240xf32, #tpu.memory_space<vmem>> -> memref<640xf32, #tpu.memory_space<vmem>>
    %dma_start3A_181 = tpu.memref_slice %arg52[%add3A_178] : memref<163840xf32, #tpu.memory_space<vmem_shared>> -> memref<640xf32, #tpu.memory_space<vmem_shared>>
    %dma_start3A_182 = arith.constant 5760 : i32
    %dma_start3A_183 = tpu.memref_slice %arg48[%dma_start3A_182] : memref<10240xf32, #tpu.memory_space<vmem>> -> memref<640xf32, #tpu.memory_space<vmem>>
    %dma_start3A_184 = tpu.memref_slice %arg52[%add3A_178] : memref<163840xf32, #tpu.memory_space<vmem_shared>> -> memref<640xf32, #tpu.memory_space<vmem_shared>>
    tpu.enqueue_dma source(%dma_start3A_184 : memref<640xf32, #tpu.memory_space<vmem_shared>>) target(%dma_start3A_183 : memref<640xf32, #tpu.memory_space<vmem>>) target_semaphore(%arg53 : memref<!tpu.dma_semaphore, #tpu.memory_space<semaphore_mem>>)
    %add3A_185 = arith.constant 102400 : i32
    %add3A_186 = arith.addi %add3A_185, %mul3A_52 : i32
    %dma_start3A_187 = arith.constant 6400 : i32
    %dma_start3A_188 = tpu.memref_slice %arg48[%dma_start3A_187] : memref<10240xf32, #tpu.memory_space<vmem>> -> memref<640xf32, #tpu.memory_space<vmem>>
    %dma_start3A_189 = tpu.memref_slice %arg52[%add3A_186] : memref<163840xf32, #tpu.memory_space<vmem_shared>> -> memref<640xf32, #tpu.memory_space<vmem_shared>>
    %dma_start3A_190 = arith.constant 6400 : i32
    %dma_start3A_191 = tpu.memref_slice %arg48[%dma_start3A_190] : memref<10240xf32, #tpu.memory_space<vmem>> -> memref<640xf32, #tpu.memory_space<vmem>>
    %dma_start3A_192 = tpu.memref_slice %arg52[%add3A_186] : memref<163840xf32, #tpu.memory_space<vmem_shared>> -> memref<640xf32, #tpu.memory_space<vmem_shared>>
    tpu.enqueue_dma source(%dma_start3A_192 : memref<640xf32, #tpu.memory_space<vmem_shared>>) target(%dma_start3A_191 : memref<640xf32, #tpu.memory_space<vmem>>) target_semaphore(%arg53 : memref<!tpu.dma_semaphore, #tpu.memory_space<semaphore_mem>>)
    %add3A_193 = arith.constant 112640 : i32
    %add3A_194 = arith.addi %add3A_193, %mul3A_52 : i32
    %dma_start3A_195 = arith.constant 7040 : i32
    %dma_start3A_196 = tpu.memref_slice %arg48[%dma_start3A_195] : memref<10240xf32, #tpu.memory_space<vmem>> -> memref<640xf32, #tpu.memory_space<vmem>>
    %dma_start3A_197 = tpu.memref_slice %arg52[%add3A_194] : memref<163840xf32, #tpu.memory_space<vmem_shared>> -> memref<640xf32, #tpu.memory_space<vmem_shared>>
    %dma_start3A_198 = arith.constant 7040 : i32
    %dma_start3A_199 = tpu.memref_slice %arg48[%dma_start3A_198] : memref<10240xf32, #tpu.memory_space<vmem>> -> memref<640xf32, #tpu.memory_space<vmem>>
    %dma_start3A_200 = tpu.memref_slice %arg52[%add3A_194] : memref<163840xf32, #tpu.memory_space<vmem_shared>> -> memref<640xf32, #tpu.memory_space<vmem_shared>>
    tpu.enqueue_dma source(%dma_start3A_200 : memref<640xf32, #tpu.memory_space<vmem_shared>>) target(%dma_start3A_199 : memref<640xf32, #tpu.memory_space<vmem>>) target_semaphore(%arg53 : memref<!tpu.dma_semaphore, #tpu.memory_space<semaphore_mem>>)
    %dma_wait3A_201 = arith.constant 5120 : i32
    %dma_wait3A_202 = tpu.memref_slice %arg48[%dma_wait3A_201] : memref<10240xf32, #tpu.memory_space<vmem>> -> memref<640xf32, #tpu.memory_space<vmem>>
    %dma_wait3A_203 = tpu.memref_slice %arg52[%add3A_170] : memref<163840xf32, #tpu.memory_space<vmem_shared>> -> memref<640xf32, #tpu.memory_space<vmem_shared>>
    %dma_wait3A_204 = arith.constant 5120 : i32
    %dma_wait3A_205 = tpu.memref_slice %arg48[%dma_wait3A_204] : memref<10240xf32, #tpu.memory_space<vmem>> -> memref<640xf32, #tpu.memory_space<vmem>>
    %dma_wait3A_206 = tpu.memref_slice %arg52[%add3A_170] : memref<163840xf32, #tpu.memory_space<vmem_shared>> -> memref<640xf32, #tpu.memory_space<vmem_shared>>
    tpu.wait_dma2 semaphore(%arg53 : memref<!tpu.dma_semaphore, #tpu.memory_space<semaphore_mem>>) src(%dma_wait3A_206 : memref<640xf32, #tpu.memory_space<vmem_shared>>) dst(%dma_wait3A_205 : memref<640xf32, #tpu.memory_space<vmem>>)
    %dma_wait3A_207 = arith.constant 5760 : i32
    %dma_wait3A_208 = tpu.memref_slice %arg48[%dma_wait3A_207] : memref<10240xf32, #tpu.memory_space<vmem>> -> memref<640xf32, #tpu.memory_space<vmem>>
    %dma_wait3A_209 = tpu.memref_slice %arg52[%add3A_178] : memref<163840xf32, #tpu.memory_space<vmem_shared>> -> memref<640xf32, #tpu.memory_space<vmem_shared>>
    %dma_wait3A_210 = arith.constant 5760 : i32
    %dma_wait3A_211 = tpu.memref_slice %arg48[%dma_wait3A_210] : memref<10240xf32, #tpu.memory_space<vmem>> -> memref<640xf32, #tpu.memory_space<vmem>>
    %dma_wait3A_212 = tpu.memref_slice %arg52[%add3A_178] : memref<163840xf32, #tpu.memory_space<vmem_shared>> -> memref<640xf32, #tpu.memory_space<vmem_shared>>
    tpu.wait_dma2 semaphore(%arg53 : memref<!tpu.dma_semaphore, #tpu.memory_space<semaphore_mem>>) src(%dma_wait3A_212 : memref<640xf32, #tpu.memory_space<vmem_shared>>) dst(%dma_wait3A_211 : memref<640xf32, #tpu.memory_space<vmem>>)
    %dma_wait3A_213 = arith.constant 6400 : i32
    %dma_wait3A_214 = tpu.memref_slice %arg48[%dma_wait3A_213] : memref<10240xf32, #tpu.memory_space<vmem>> -> memref<640xf32, #tpu.memory_space<vmem>>
    %dma_wait3A_215 = tpu.memref_slice %arg52[%add3A_186] : memref<163840xf32, #tpu.memory_space<vmem_shared>> -> memref<640xf32, #tpu.memory_space<vmem_shared>>
    %dma_wait3A_216 = arith.constant 6400 : i32
    %dma_wait3A_217 = tpu.memref_slice %arg48[%dma_wait3A_216] : memref<10240xf32, #tpu.memory_space<vmem>> -> memref<640xf32, #tpu.memory_space<vmem>>
    %dma_wait3A_218 = tpu.memref_slice %arg52[%add3A_186] : memref<163840xf32, #tpu.memory_space<vmem_shared>> -> memref<640xf32, #tpu.memory_space<vmem_shared>>
    tpu.wait_dma2 semaphore(%arg53 : memref<!tpu.dma_semaphore, #tpu.memory_space<semaphore_mem>>) src(%dma_wait3A_218 : memref<640xf32, #tpu.memory_space<vmem_shared>>) dst(%dma_wait3A_217 : memref<640xf32, #tpu.memory_space<vmem>>)
    %dma_wait3A_219 = arith.constant 7040 : i32
    %dma_wait3A_220 = tpu.memref_slice %arg48[%dma_wait3A_219] : memref<10240xf32, #tpu.memory_space<vmem>> -> memref<640xf32, #tpu.memory_space<vmem>>
    %dma_wait3A_221 = tpu.memref_slice %arg52[%add3A_194] : memref<163840xf32, #tpu.memory_space<vmem_shared>> -> memref<640xf32, #tpu.memory_space<vmem_shared>>
    %dma_wait3A_222 = arith.constant 7040 : i32
    %dma_wait3A_223 = tpu.memref_slice %arg48[%dma_wait3A_222] : memref<10240xf32, #tpu.memory_space<vmem>> -> memref<640xf32, #tpu.memory_space<vmem>>
    %dma_wait3A_224 = tpu.memref_slice %arg52[%add3A_194] : memref<163840xf32, #tpu.memory_space<vmem_shared>> -> memref<640xf32, #tpu.memory_space<vmem_shared>>
    tpu.wait_dma2 semaphore(%arg53 : memref<!tpu.dma_semaphore, #tpu.memory_space<semaphore_mem>>) src(%dma_wait3A_224 : memref<640xf32, #tpu.memory_space<vmem_shared>>) dst(%dma_wait3A_223 : memref<640xf32, #tpu.memory_space<vmem>>)
    %add3A_225 = arith.constant 122880 : i32
    %add3A_226 = arith.addi %add3A_225, %mul3A_52 : i32
    %dma_start3A_227 = arith.constant 7680 : i32
    %dma_start3A_228 = tpu.memref_slice %arg48[%dma_start3A_227] : memref<10240xf32, #tpu.memory_space<vmem>> -> memref<640xf32, #tpu.memory_space<vmem>>
    %dma_start3A_229 = tpu.memref_slice %arg52[%add3A_226] : memref<163840xf32, #tpu.memory_space<vmem_shared>> -> memref<640xf32, #tpu.memory_space<vmem_shared>>
    %dma_start3A_230 = arith.constant 7680 : i32
    %dma_start3A_231 = tpu.memref_slice %arg48[%dma_start3A_230] : memref<10240xf32, #tpu.memory_space<vmem>> -> memref<640xf32, #tpu.memory_space<vmem>>
    %dma_start3A_232 = tpu.memref_slice %arg52[%add3A_226] : memref<163840xf32, #tpu.memory_space<vmem_shared>> -> memref<640xf32, #tpu.memory_space<vmem_shared>>
    tpu.enqueue_dma source(%dma_start3A_232 : memref<640xf32, #tpu.memory_space<vmem_shared>>) target(%dma_start3A_231 : memref<640xf32, #tpu.memory_space<vmem>>) target_semaphore(%arg53 : memref<!tpu.dma_semaphore, #tpu.memory_space<semaphore_mem>>)
    %add3A_233 = arith.constant 133120 : i32
    %add3A_234 = arith.addi %add3A_233, %mul3A_52 : i32
    %dma_start3A_235 = arith.constant 8320 : i32
    %dma_start3A_236 = tpu.memref_slice %arg48[%dma_start3A_235] : memref<10240xf32, #tpu.memory_space<vmem>> -> memref<640xf32, #tpu.memory_space<vmem>>
    %dma_start3A_237 = tpu.memref_slice %arg52[%add3A_234] : memref<163840xf32, #tpu.memory_space<vmem_shared>> -> memref<640xf32, #tpu.memory_space<vmem_shared>>
    %dma_start3A_238 = arith.constant 8320 : i32
    %dma_start3A_239 = tpu.memref_slice %arg48[%dma_start3A_238] : memref<10240xf32, #tpu.memory_space<vmem>> -> memref<640xf32, #tpu.memory_space<vmem>>
    %dma_start3A_240 = tpu.memref_slice %arg52[%add3A_234] : memref<163840xf32, #tpu.memory_space<vmem_shared>> -> memref<640xf32, #tpu.memory_space<vmem_shared>>
    tpu.enqueue_dma source(%dma_start3A_240 : memref<640xf32, #tpu.memory_space<vmem_shared>>) target(%dma_start3A_239 : memref<640xf32, #tpu.memory_space<vmem>>) target_semaphore(%arg53 : memref<!tpu.dma_semaphore, #tpu.memory_space<semaphore_mem>>)
    %add3A_241 = arith.constant 143360 : i32
    %add3A_242 = arith.addi %add3A_241, %mul3A_52 : i32
    %dma_start3A_243 = arith.constant 8960 : i32
    %dma_start3A_244 = tpu.memref_slice %arg48[%dma_start3A_243] : memref<10240xf32, #tpu.memory_space<vmem>> -> memref<640xf32, #tpu.memory_space<vmem>>
    %dma_start3A_245 = tpu.memref_slice %arg52[%add3A_242] : memref<163840xf32, #tpu.memory_space<vmem_shared>> -> memref<640xf32, #tpu.memory_space<vmem_shared>>
    %dma_start3A_246 = arith.constant 8960 : i32
    %dma_start3A_247 = tpu.memref_slice %arg48[%dma_start3A_246] : memref<10240xf32, #tpu.memory_space<vmem>> -> memref<640xf32, #tpu.memory_space<vmem>>
    %dma_start3A_248 = tpu.memref_slice %arg52[%add3A_242] : memref<163840xf32, #tpu.memory_space<vmem_shared>> -> memref<640xf32, #tpu.memory_space<vmem_shared>>
    tpu.enqueue_dma source(%dma_start3A_248 : memref<640xf32, #tpu.memory_space<vmem_shared>>) target(%dma_start3A_247 : memref<640xf32, #tpu.memory_space<vmem>>) target_semaphore(%arg53 : memref<!tpu.dma_semaphore, #tpu.memory_space<semaphore_mem>>)
    %add3A_249 = arith.constant 153600 : i32
    %add3A_250 = arith.addi %add3A_249, %mul3A_52 : i32
    %dma_start3A_251 = arith.constant 9600 : i32
    %dma_start3A_252 = tpu.memref_slice %arg48[%dma_start3A_251] : memref<10240xf32, #tpu.memory_space<vmem>> -> memref<640xf32, #tpu.memory_space<vmem>>
    %dma_start3A_253 = tpu.memref_slice %arg52[%add3A_250] : memref<163840xf32, #tpu.memory_space<vmem_shared>> -> memref<640xf32, #tpu.memory_space<vmem_shared>>
    %dma_start3A_254 = arith.constant 9600 : i32
    %dma_start3A_255 = tpu.memref_slice %arg48[%dma_start3A_254] : memref<10240xf32, #tpu.memory_space<vmem>> -> memref<640xf32, #tpu.memory_space<vmem>>
    %dma_start3A_256 = tpu.memref_slice %arg52[%add3A_250] : memref<163840xf32, #tpu.memory_space<vmem_shared>> -> memref<640xf32, #tpu.memory_space<vmem_shared>>
    tpu.enqueue_dma source(%dma_start3A_256 : memref<640xf32, #tpu.memory_space<vmem_shared>>) target(%dma_start3A_255 : memref<640xf32, #tpu.memory_space<vmem>>) target_semaphore(%arg53 : memref<!tpu.dma_semaphore, #tpu.memory_space<semaphore_mem>>)
    %dma_wait3A_257 = arith.constant 7680 : i32
    %dma_wait3A_258 = tpu.memref_slice %arg48[%dma_wait3A_257] : memref<10240xf32, #tpu.memory_space<vmem>> -> memref<640xf32, #tpu.memory_space<vmem>>
    %dma_wait3A_259 = tpu.memref_slice %arg52[%add3A_226] : memref<163840xf32, #tpu.memory_space<vmem_shared>> -> memref<640xf32, #tpu.memory_space<vmem_shared>>
    %dma_wait3A_260 = arith.constant 7680 : i32
    %dma_wait3A_261 = tpu.memref_slice %arg48[%dma_wait3A_260] : memref<10240xf32, #tpu.memory_space<vmem>> -> memref<640xf32, #tpu.memory_space<vmem>>
    %dma_wait3A_262 = tpu.memref_slice %arg52[%add3A_226] : memref<163840xf32, #tpu.memory_space<vmem_shared>> -> memref<640xf32, #tpu.memory_space<vmem_shared>>
    tpu.wait_dma2 semaphore(%arg53 : memref<!tpu.dma_semaphore, #tpu.memory_space<semaphore_mem>>) src(%dma_wait3A_262 : memref<640xf32, #tpu.memory_space<vmem_shared>>) dst(%dma_wait3A_261 : memref<640xf32, #tpu.memory_space<vmem>>)
    %dma_wait3A_263 = arith.constant 8320 : i32
    %dma_wait3A_264 = tpu.memref_slice %arg48[%dma_wait3A_263] : memref<10240xf32, #tpu.memory_space<vmem>> -> memref<640xf32, #tpu.memory_space<vmem>>
    %dma_wait3A_265 = tpu.memref_slice %arg52[%add3A_234] : memref<163840xf32, #tpu.memory_space<vmem_shared>> -> memref<640xf32, #tpu.memory_space<vmem_shared>>
    %dma_wait3A_266 = arith.constant 8320 : i32
    %dma_wait3A_267 = tpu.memref_slice %arg48[%dma_wait3A_266] : memref<10240xf32, #tpu.memory_space<vmem>> -> memref<640xf32, #tpu.memory_space<vmem>>
    %dma_wait3A_268 = tpu.memref_slice %arg52[%add3A_234] : memref<163840xf32, #tpu.memory_space<vmem_shared>> -> memref<640xf32, #tpu.memory_space<vmem_shared>>
    tpu.wait_dma2 semaphore(%arg53 : memref<!tpu.dma_semaphore, #tpu.memory_space<semaphore_mem>>) src(%dma_wait3A_268 : memref<640xf32, #tpu.memory_space<vmem_shared>>) dst(%dma_wait3A_267 : memref<640xf32, #tpu.memory_space<vmem>>)
    %dma_wait3A_269 = arith.constant 8960 : i32
    %dma_wait3A_270 = tpu.memref_slice %arg48[%dma_wait3A_269] : memref<10240xf32, #tpu.memory_space<vmem>> -> memref<640xf32, #tpu.memory_space<vmem>>
    %dma_wait3A_271 = tpu.memref_slice %arg52[%add3A_242] : memref<163840xf32, #tpu.memory_space<vmem_shared>> -> memref<640xf32, #tpu.memory_space<vmem_shared>>
    %dma_wait3A_272 = arith.constant 8960 : i32
    %dma_wait3A_273 = tpu.memref_slice %arg48[%dma_wait3A_272] : memref<10240xf32, #tpu.memory_space<vmem>> -> memref<640xf32, #tpu.memory_space<vmem>>
    %dma_wait3A_274 = tpu.memref_slice %arg52[%add3A_242] : memref<163840xf32, #tpu.memory_space<vmem_shared>> -> memref<640xf32, #tpu.memory_space<vmem_shared>>
    tpu.wait_dma2 semaphore(%arg53 : memref<!tpu.dma_semaphore, #tpu.memory_space<semaphore_mem>>) src(%dma_wait3A_274 : memref<640xf32, #tpu.memory_space<vmem_shared>>) dst(%dma_wait3A_273 : memref<640xf32, #tpu.memory_space<vmem>>)
    %dma_wait3A_275 = arith.constant 9600 : i32
    %dma_wait3A_276 = tpu.memref_slice %arg48[%dma_wait3A_275] : memref<10240xf32, #tpu.memory_space<vmem>> -> memref<640xf32, #tpu.memory_space<vmem>>
    %dma_wait3A_277 = tpu.memref_slice %arg52[%add3A_250] : memref<163840xf32, #tpu.memory_space<vmem_shared>> -> memref<640xf32, #tpu.memory_space<vmem_shared>>
    %dma_wait3A_278 = arith.constant 9600 : i32
    %dma_wait3A_279 = tpu.memref_slice %arg48[%dma_wait3A_278] : memref<10240xf32, #tpu.memory_space<vmem>> -> memref<640xf32, #tpu.memory_space<vmem>>
    %dma_wait3A_280 = tpu.memref_slice %arg52[%add3A_250] : memref<163840xf32, #tpu.memory_space<vmem_shared>> -> memref<640xf32, #tpu.memory_space<vmem_shared>>
    tpu.wait_dma2 semaphore(%arg53 : memref<!tpu.dma_semaphore, #tpu.memory_space<semaphore_mem>>) src(%dma_wait3A_280 : memref<640xf32, #tpu.memory_space<vmem_shared>>) dst(%dma_wait3A_279 : memref<640xf32, #tpu.memory_space<vmem>>)
    %scan3A_281 = arith.constant 0 : i32
    %scan3A_282 = arith.constant 0 : i32
    %scan3A_283 = arith.constant 40 : i32
    %scan3A_284 = arith.addi %scan3A_282, %scan3A_283 : i32
    %scan3A_285 = arith.constant 1 : i32
    %scan3A_286 = scf.for %scan3A_770 = %scan3A_282 to %scan3A_284 step %scan3A_285 iter_args(%scan3A_771 = %scan3A_281) -> (i32)  : i32 {
      %mul3A_772 = arith.constant 16 : i32
      %mul3A_773 = arith.muli %scan3A_770, %mul3A_772 : i32
      %get3A = arith.index_cast %mul3A_773 : i32 to index
      %get3A_774 = tpu.vector_load %arg48[%get3A] {strides = array<i32>} : memref<10240xf32, #tpu.memory_space<vmem>>, vector<16xf32>,
      %add3A_775 = arith.constant 640 : i32
      %add3A_776 = arith.addi %add3A_775, %mul3A_773 : i32
      %get3A_777 = arith.index_cast %add3A_776 : i32 to index
      %get3A_778 = tpu.vector_load %arg48[%get3A_777] {strides = array<i32>} : memref<10240xf32, #tpu.memory_space<vmem>>, vector<16xf32>,
      %add3A_779 = arith.addf %get3A_774, %get3A_778 : vector<16xf32>
      %add3A_780 = arith.constant 1280 : i32
      %add3A_781 = arith.addi %add3A_780, %mul3A_773 : i32
      %get3A_782 = arith.index_cast %add3A_781 : i32 to index
      %get3A_783 = tpu.vector_load %arg48[%get3A_782] {strides = array<i32>} : memref<10240xf32, #tpu.memory_space<vmem>>, vector<16xf32>,
      %add3A_784 = arith.addf %add3A_779, %get3A_783 : vector<16xf32>
      %add3A_785 = arith.constant 1920 : i32
      %add3A_786 = arith.addi %add3A_785, %mul3A_773 : i32
      %get3A_787 = arith.index_cast %add3A_786 : i32 to index
      %get3A_788 = tpu.vector_load %arg48[%get3A_787] {strides = array<i32>} : memref<10240xf32, #tpu.memory_space<vmem>>, vector<16xf32>,
      %add3A_789 = arith.addf %add3A_784, %get3A_788 : vector<16xf32>
      %add3A_790 = arith.constant 2560 : i32
      %add3A_791 = arith.addi %add3A_790, %mul3A_773 : i32
      %get3A_792 = arith.index_cast %add3A_791 : i32 to index
      %get3A_793 = tpu.vector_load %arg48[%get3A_792] {strides = array<i32>} : memref<10240xf32, #tpu.memory_space<vmem>>, vector<16xf32>,
      %add3A_794 = arith.addf %add3A_789, %get3A_793 : vector<16xf32>
      %add3A_795 = arith.constant 3200 : i32
      %add3A_796 = arith.addi %add3A_795, %mul3A_773 : i32
      %get3A_797 = arith.index_cast %add3A_796 : i32 to index
      %get3A_798 = tpu.vector_load %arg48[%get3A_797] {strides = array<i32>} : memref<10240xf32, #tpu.memory_space<vmem>>, vector<16xf32>,
      %add3A_799 = arith.addf %add3A_794, %get3A_798 : vector<16xf32>
      %add3A_800 = arith.constant 3840 : i32
      %add3A_801 = arith.addi %add3A_800, %mul3A_773 : i32
      %get3A_802 = arith.index_cast %add3A_801 : i32 to index
      %get3A_803 = tpu.vector_load %arg48[%get3A_802] {strides = array<i32>} : memref<10240xf32, #tpu.memory_space<vmem>>, vector<16xf32>,
      %add3A_804 = arith.addf %add3A_799, %get3A_803 : vector<16xf32>
      %add3A_805 = arith.constant 4480 : i32
      %add3A_806 = arith.addi %add3A_805, %mul3A_773 : i32
      %get3A_807 = arith.index_cast %add3A_806 : i32 to index
      %get3A_808 = tpu.vector_load %arg48[%get3A_807] {strides = array<i32>} : memref<10240xf32, #tpu.memory_space<vmem>>, vector<16xf32>,
      %add3A_809 = arith.addf %add3A_804, %get3A_808 : vector<16xf32>
      %add3A_810 = arith.constant 5120 : i32
      %add3A_811 = arith.addi %add3A_810, %mul3A_773 : i32
      %get3A_812 = arith.index_cast %add3A_811 : i32 to index
      %get3A_813 = tpu.vector_load %arg48[%get3A_812] {strides = array<i32>} : memref<10240xf32, #tpu.memory_space<vmem>>, vector<16xf32>,
      %add3A_814 = arith.addf %add3A_809, %get3A_813 : vector<16xf32>
      %add3A_815 = arith.constant 5760 : i32
      %add3A_816 = arith.addi %add3A_815, %mul3A_773 : i32
      %get3A_817 = arith.index_cast %add3A_816 : i32 to index
      %get3A_818 = tpu.vector_load %arg48[%get3A_817] {strides = array<i32>} : memref<10240xf32, #tpu.memory_space<vmem>>, vector<16xf32>,
      %add3A_819 = arith.addf %add3A_814, %get3A_818 : vector<16xf32>
      %add3A_820 = arith.constant 6400 : i32
      %add3A_821 = arith.addi %add3A_820, %mul3A_773 : i32
      %get3A_822 = arith.index_cast %add3A_821 : i32 to index
      %get3A_823 = tpu.vector_load %arg48[%get3A_822] {strides = array<i32>} : memref<10240xf32, #tpu.memory_space<vmem>>, vector<16xf32>,
      %add3A_824 = arith.addf %add3A_819, %get3A_823 : vector<16xf32>
      %add3A_825 = arith.constant 7040 : i32
      %add3A_826 = arith.addi %add3A_825, %mul3A_773 : i32
      %get3A_827 = arith.index_cast %add3A_826 : i32 to index
      %get3A_828 = tpu.vector_load %arg48[%get3A_827] {strides = array<i32>} : memref<10240xf32, #tpu.memory_space<vmem>>, vector<16xf32>,
      %add3A_829 = arith.addf %add3A_824, %get3A_828 : vector<16xf32>
      %add3A_830 = arith.constant 7680 : i32
      %add3A_831 = arith.addi %add3A_830, %mul3A_773 : i32
      %get3A_832 = arith.index_cast %add3A_831 : i32 to index
      %get3A_833 = tpu.vector_load %arg48[%get3A_832] {strides = array<i32>} : memref<10240xf32, #tpu.memory_space<vmem>>, vector<16xf32>,
      %add3A_834 = arith.addf %add3A_829, %get3A_833 : vector<16xf32>
      %add3A_835 = arith.constant 8320 : i32
      %add3A_836 = arith.addi %add3A_835, %mul3A_773 : i32
      %get3A_837 = arith.index_cast %add3A_836 : i32 to index
      %get3A_838 = tpu.vector_load %arg48[%get3A_837] {strides = array<i32>} : memref<10240xf32, #tpu.memory_space<vmem>>, vector<16xf32>,
      %add3A_839 = arith.addf %add3A_834, %get3A_838 : vector<16xf32>
      %add3A_840 = arith.constant 8960 : i32
      %add3A_841 = arith.addi %add3A_840, %mul3A_773 : i32
      %get3A_842 = arith.index_cast %add3A_841 : i32 to index
      %get3A_843 = tpu.vector_load %arg48[%get3A_842] {strides = array<i32>} : memref<10240xf32, #tpu.memory_space<vmem>>, vector<16xf32>,
      %add3A_844 = arith.addf %add3A_839, %get3A_843 : vector<16xf32>
      %add3A_845 = arith.constant 9600 : i32
      %add3A_846 = arith.addi %add3A_845, %mul3A_773 : i32
      %get3A_847 = arith.index_cast %add3A_846 : i32 to index
      %get3A_848 = tpu.vector_load %arg48[%get3A_847] {strides = array<i32>} : memref<10240xf32, #tpu.memory_space<vmem>>, vector<16xf32>,
      %add3A_849 = arith.addf %add3A_844, %get3A_848 : vector<16xf32>
      %swap3A = arith.index_cast %mul3A_773 : i32 to index
      %swap3A_850 = tpu.vector_load %arg47[%swap3A] {strides = array<i32>} : memref<640xf32, #tpu.memory_space<vmem>>, vector<16xf32>,
      tpu.vector_store %arg47[%swap3A], %add3A_849 {strides = array<i32>} : memref<640xf32, #tpu.memory_space<vmem>>, vector<16xf32>,
      %scan3A_851 = arith.constant 0 : i32
      scf.yield %scan3A_851 : i32
    }
    %scan3A_287 = arith.constant 40 : i32
    %add3A_288 = arith.constant 0 : i32
    %add3A_289 = arith.addi %mul3A_54, %add3A_288 : i32
    %add3A_290 = arith.addi %add3A_289, %mul3A_52 : i32
    "tpu.region"() ({
      %run_scoped3A = tpu.sem_alloc : memref<!tpu.dma_semaphore, #tpu.memory_space<semaphore_mem>>
      %dma_start3A_770 = tpu.memref_slice %arg16[%add3A_290] : memref<61440xf32, #tpu.memory_space<hbm>> -> memref<640xf32, #tpu.memory_space<hbm>>
      %dma_start3A_771 = tpu.memref_slice %arg16[%add3A_290] : memref<61440xf32, #tpu.memory_space<hbm>> -> memref<640xf32, #tpu.memory_space<hbm>>
      tpu.enqueue_dma source(%arg47 : memref<640xf32, #tpu.memory_space<vmem>>) target(%dma_start3A_771 : memref<640xf32, #tpu.memory_space<hbm>>) target_semaphore(%run_scoped3A : memref<!tpu.dma_semaphore, #tpu.memory_space<semaphore_mem>>)
      %dma_wait3A_772 = tpu.memref_slice %arg16[%add3A_290] : memref<61440xf32, #tpu.memory_space<hbm>> -> memref<640xf32, #tpu.memory_space<hbm>>
      %dma_wait3A_773 = tpu.memref_slice %arg16[%add3A_290] : memref<61440xf32, #tpu.memory_space<hbm>> -> memref<640xf32, #tpu.memory_space<hbm>>
      tpu.wait_dma2 semaphore(%run_scoped3A : memref<!tpu.dma_semaphore, #tpu.memory_space<semaphore_mem>>) src(%arg47 : memref<640xf32, #tpu.memory_space<vmem>>) dst(%dma_wait3A_773 : memref<640xf32, #tpu.memory_space<hbm>>)
      tpu.yield
    }) : () -> ()
    %barrier3A_291 = arith.constant 0 : index
    tpu.barrier barrier_id(%barrier3A_291)
    %mul3A_292 = arith.constant 10240 : i32
    %mul3A_293 = arith.muli %arg1, %mul3A_292 : i32
    "tpu.region"() ({
      %run_scoped3A = tpu.sem_alloc : memref<!tpu.dma_semaphore, #tpu.memory_space<semaphore_mem>>
      %dma_start3A_770 = tpu.memref_slice %arg52[%mul3A_293] : memref<163840xf32, #tpu.memory_space<vmem_shared>> -> memref<10240xf32, #tpu.memory_space<vmem_shared>>
      %dma_start3A_771 = tpu.memref_slice %arg52[%mul3A_293] : memref<163840xf32, #tpu.memory_space<vmem_shared>> -> memref<10240xf32, #tpu.memory_space<vmem_shared>>
      tpu.enqueue_dma source(%arg50 : memref<10240xf32, #tpu.memory_space<vmem>>) target(%dma_start3A_771 : memref<10240xf32, #tpu.memory_space<vmem_shared>>) target_semaphore(%run_scoped3A : memref<!tpu.dma_semaphore, #tpu.memory_space<semaphore_mem>>)
      %dma_wait3A_772 = tpu.memref_slice %arg52[%mul3A_293] : memref<163840xf32, #tpu.memory_space<vmem_shared>> -> memref<10240xf32, #tpu.memory_space<vmem_shared>>
      %dma_wait3A_773 = tpu.memref_slice %arg52[%mul3A_293] : memref<163840xf32, #tpu.memory_space<vmem_shared>> -> memref<10240xf32, #tpu.memory_space<vmem_shared>>
      tpu.wait_dma2 semaphore(%run_scoped3A : memref<!tpu.dma_semaphore, #tpu.memory_space<semaphore_mem>>) src(%arg50 : memref<10240xf32, #tpu.memory_space<vmem>>) dst(%dma_wait3A_773 : memref<10240xf32, #tpu.memory_space<vmem_shared>>)
      tpu.yield
    }) : () -> ()
    %barrier3A_294 = arith.constant 0 : index
    tpu.barrier barrier_id(%barrier3A_294)
    %add3A_295 = arith.constant 0 : i32
    %add3A_296 = arith.addi %add3A_295, %mul3A_52 : i32
    %dma_start3A_297 = arith.constant 0 : i32
    %dma_start3A_298 = tpu.memref_slice %arg48[%dma_start3A_297] : memref<10240xf32, #tpu.memory_space<vmem>> -> memref<640xf32, #tpu.memory_space<vmem>>
    %dma_start3A_299 = tpu.memref_slice %arg52[%add3A_296] : memref<163840xf32, #tpu.memory_space<vmem_shared>> -> memref<640xf32, #tpu.memory_space<vmem_shared>>
    %dma_start3A_300 = arith.constant 0 : i32
    %dma_start3A_301 = tpu.memref_slice %arg48[%dma_start3A_300] : memref<10240xf32, #tpu.memory_space<vmem>> -> memref<640xf32, #tpu.memory_space<vmem>>
    %dma_start3A_302 = tpu.memref_slice %arg52[%add3A_296] : memref<163840xf32, #tpu.memory_space<vmem_shared>> -> memref<640xf32, #tpu.memory_space<vmem_shared>>
    tpu.enqueue_dma source(%dma_start3A_302 : memref<640xf32, #tpu.memory_space<vmem_shared>>) target(%dma_start3A_301 : memref<640xf32, #tpu.memory_space<vmem>>) target_semaphore(%arg53 : memref<!tpu.dma_semaphore, #tpu.memory_space<semaphore_mem>>)
    %add3A_303 = arith.constant 10240 : i32
    %add3A_304 = arith.addi %add3A_303, %mul3A_52 : i32
    %dma_start3A_305 = arith.constant 640 : i32
    %dma_start3A_306 = tpu.memref_slice %arg48[%dma_start3A_305] : memref<10240xf32, #tpu.memory_space<vmem>> -> memref<640xf32, #tpu.memory_space<vmem>>
    %dma_start3A_307 = tpu.memref_slice %arg52[%add3A_304] : memref<163840xf32, #tpu.memory_space<vmem_shared>> -> memref<640xf32, #tpu.memory_space<vmem_shared>>
    %dma_start3A_308 = arith.constant 640 : i32
    %dma_start3A_309 = tpu.memref_slice %arg48[%dma_start3A_308] : memref<10240xf32, #tpu.memory_space<vmem>> -> memref<640xf32, #tpu.memory_space<vmem>>
    %dma_start3A_310 = tpu.memref_slice %arg52[%add3A_304] : memref<163840xf32, #tpu.memory_space<vmem_shared>> -> memref<640xf32, #tpu.memory_space<vmem_shared>>
    tpu.enqueue_dma source(%dma_start3A_310 : memref<640xf32, #tpu.memory_space<vmem_shared>>) target(%dma_start3A_309 : memref<640xf32, #tpu.memory_space<vmem>>) target_semaphore(%arg53 : memref<!tpu.dma_semaphore, #tpu.memory_space<semaphore_mem>>)
    %add3A_311 = arith.constant 20480 : i32
    %add3A_312 = arith.addi %add3A_311, %mul3A_52 : i32
    %dma_start3A_313 = arith.constant 1280 : i32
    %dma_start3A_314 = tpu.memref_slice %arg48[%dma_start3A_313] : memref<10240xf32, #tpu.memory_space<vmem>> -> memref<640xf32, #tpu.memory_space<vmem>>
    %dma_start3A_315 = tpu.memref_slice %arg52[%add3A_312] : memref<163840xf32, #tpu.memory_space<vmem_shared>> -> memref<640xf32, #tpu.memory_space<vmem_shared>>
    %dma_start3A_316 = arith.constant 1280 : i32
    %dma_start3A_317 = tpu.memref_slice %arg48[%dma_start3A_316] : memref<10240xf32, #tpu.memory_space<vmem>> -> memref<640xf32, #tpu.memory_space<vmem>>
    %dma_start3A_318 = tpu.memref_slice %arg52[%add3A_312] : memref<163840xf32, #tpu.memory_space<vmem_shared>> -> memref<640xf32, #tpu.memory_space<vmem_shared>>
    tpu.enqueue_dma source(%dma_start3A_318 : memref<640xf32, #tpu.memory_space<vmem_shared>>) target(%dma_start3A_317 : memref<640xf32, #tpu.memory_space<vmem>>) target_semaphore(%arg53 : memref<!tpu.dma_semaphore, #tpu.memory_space<semaphore_mem>>)
    %add3A_319 = arith.constant 30720 : i32
    %add3A_320 = arith.addi %add3A_319, %mul3A_52 : i32
    %dma_start3A_321 = arith.constant 1920 : i32
    %dma_start3A_322 = tpu.memref_slice %arg48[%dma_start3A_321] : memref<10240xf32, #tpu.memory_space<vmem>> -> memref<640xf32, #tpu.memory_space<vmem>>
    %dma_start3A_323 = tpu.memref_slice %arg52[%add3A_320] : memref<163840xf32, #tpu.memory_space<vmem_shared>> -> memref<640xf32, #tpu.memory_space<vmem_shared>>
    %dma_start3A_324 = arith.constant 1920 : i32
    %dma_start3A_325 = tpu.memref_slice %arg48[%dma_start3A_324] : memref<10240xf32, #tpu.memory_space<vmem>> -> memref<640xf32, #tpu.memory_space<vmem>>
    %dma_start3A_326 = tpu.memref_slice %arg52[%add3A_320] : memref<163840xf32, #tpu.memory_space<vmem_shared>> -> memref<640xf32, #tpu.memory_space<vmem_shared>>
    tpu.enqueue_dma source(%dma_start3A_326 : memref<640xf32, #tpu.memory_space<vmem_shared>>) target(%dma_start3A_325 : memref<640xf32, #tpu.memory_space<vmem>>) target_semaphore(%arg53 : memref<!tpu.dma_semaphore, #tpu.memory_space<semaphore_mem>>)
    %dma_wait3A_327 = arith.constant 0 : i32
    %dma_wait3A_328 = tpu.memref_slice %arg48[%dma_wait3A_327] : memref<10240xf32, #tpu.memory_space<vmem>> -> memref<640xf32, #tpu.memory_space<vmem>>
    %dma_wait3A_329 = tpu.memref_slice %arg52[%add3A_296] : memref<163840xf32, #tpu.memory_space<vmem_shared>> -> memref<640xf32, #tpu.memory_space<vmem_shared>>
    %dma_wait3A_330 = arith.constant 0 : i32
    %dma_wait3A_331 = tpu.memref_slice %arg48[%dma_wait3A_330] : memref<10240xf32, #tpu.memory_space<vmem>> -> memref<640xf32, #tpu.memory_space<vmem>>
    %dma_wait3A_332 = tpu.memref_slice %arg52[%add3A_296] : memref<163840xf32, #tpu.memory_space<vmem_shared>> -> memref<640xf32, #tpu.memory_space<vmem_shared>>
    tpu.wait_dma2 semaphore(%arg53 : memref<!tpu.dma_semaphore, #tpu.memory_space<semaphore_mem>>) src(%dma_wait3A_332 : memref<640xf32, #tpu.memory_space<vmem_shared>>) dst(%dma_wait3A_331 : memref<640xf32, #tpu.memory_space<vmem>>)
    %dma_wait3A_333 = arith.constant 640 : i32
    %dma_wait3A_334 = tpu.memref_slice %arg48[%dma_wait3A_333] : memref<10240xf32, #tpu.memory_space<vmem>> -> memref<640xf32, #tpu.memory_space<vmem>>
    %dma_wait3A_335 = tpu.memref_slice %arg52[%add3A_304] : memref<163840xf32, #tpu.memory_space<vmem_shared>> -> memref<640xf32, #tpu.memory_space<vmem_shared>>
    %dma_wait3A_336 = arith.constant 640 : i32
    %dma_wait3A_337 = tpu.memref_slice %arg48[%dma_wait3A_336] : memref<10240xf32, #tpu.memory_space<vmem>> -> memref<640xf32, #tpu.memory_space<vmem>>
    %dma_wait3A_338 = tpu.memref_slice %arg52[%add3A_304] : memref<163840xf32, #tpu.memory_space<vmem_shared>> -> memref<640xf32, #tpu.memory_space<vmem_shared>>
    tpu.wait_dma2 semaphore(%arg53 : memref<!tpu.dma_semaphore, #tpu.memory_space<semaphore_mem>>) src(%dma_wait3A_338 : memref<640xf32, #tpu.memory_space<vmem_shared>>) dst(%dma_wait3A_337 : memref<640xf32, #tpu.memory_space<vmem>>)
    %dma_wait3A_339 = arith.constant 1280 : i32
    %dma_wait3A_340 = tpu.memref_slice %arg48[%dma_wait3A_339] : memref<10240xf32, #tpu.memory_space<vmem>> -> memref<640xf32, #tpu.memory_space<vmem>>
    %dma_wait3A_341 = tpu.memref_slice %arg52[%add3A_312] : memref<163840xf32, #tpu.memory_space<vmem_shared>> -> memref<640xf32, #tpu.memory_space<vmem_shared>>
    %dma_wait3A_342 = arith.constant 1280 : i32
    %dma_wait3A_343 = tpu.memref_slice %arg48[%dma_wait3A_342] : memref<10240xf32, #tpu.memory_space<vmem>> -> memref<640xf32, #tpu.memory_space<vmem>>
    %dma_wait3A_344 = tpu.memref_slice %arg52[%add3A_312] : memref<163840xf32, #tpu.memory_space<vmem_shared>> -> memref<640xf32, #tpu.memory_space<vmem_shared>>
    tpu.wait_dma2 semaphore(%arg53 : memref<!tpu.dma_semaphore, #tpu.memory_space<semaphore_mem>>) src(%dma_wait3A_344 : memref<640xf32, #tpu.memory_space<vmem_shared>>) dst(%dma_wait3A_343 : memref<640xf32, #tpu.memory_space<vmem>>)
    %dma_wait3A_345 = arith.constant 1920 : i32
    %dma_wait3A_346 = tpu.memref_slice %arg48[%dma_wait3A_345] : memref<10240xf32, #tpu.memory_space<vmem>> -> memref<640xf32, #tpu.memory_space<vmem>>
    %dma_wait3A_347 = tpu.memref_slice %arg52[%add3A_320] : memref<163840xf32, #tpu.memory_space<vmem_shared>> -> memref<640xf32, #tpu.memory_space<vmem_shared>>
    %dma_wait3A_348 = arith.constant 1920 : i32
    %dma_wait3A_349 = tpu.memref_slice %arg48[%dma_wait3A_348] : memref<10240xf32, #tpu.memory_space<vmem>> -> memref<640xf32, #tpu.memory_space<vmem>>
    %dma_wait3A_350 = tpu.memref_slice %arg52[%add3A_320] : memref<163840xf32, #tpu.memory_space<vmem_shared>> -> memref<640xf32, #tpu.memory_space<vmem_shared>>
    tpu.wait_dma2 semaphore(%arg53 : memref<!tpu.dma_semaphore, #tpu.memory_space<semaphore_mem>>) src(%dma_wait3A_350 : memref<640xf32, #tpu.memory_space<vmem_shared>>) dst(%dma_wait3A_349 : memref<640xf32, #tpu.memory_space<vmem>>)
    %add3A_351 = arith.constant 40960 : i32
    %add3A_352 = arith.addi %add3A_351, %mul3A_52 : i32
    %dma_start3A_353 = arith.constant 2560 : i32
    %dma_start3A_354 = tpu.memref_slice %arg48[%dma_start3A_353] : memref<10240xf32, #tpu.memory_space<vmem>> -> memref<640xf32, #tpu.memory_space<vmem>>
    %dma_start3A_355 = tpu.memref_slice %arg52[%add3A_352] : memref<163840xf32, #tpu.memory_space<vmem_shared>> -> memref<640xf32, #tpu.memory_space<vmem_shared>>
    %dma_start3A_356 = arith.constant 2560 : i32
    %dma_start3A_357 = tpu.memref_slice %arg48[%dma_start3A_356] : memref<10240xf32, #tpu.memory_space<vmem>> -> memref<640xf32, #tpu.memory_space<vmem>>
    %dma_start3A_358 = tpu.memref_slice %arg52[%add3A_352] : memref<163840xf32, #tpu.memory_space<vmem_shared>> -> memref<640xf32, #tpu.memory_space<vmem_shared>>
    tpu.enqueue_dma source(%dma_start3A_358 : memref<640xf32, #tpu.memory_space<vmem_shared>>) target(%dma_start3A_357 : memref<640xf32, #tpu.memory_space<vmem>>) target_semaphore(%arg53 : memref<!tpu.dma_semaphore, #tpu.memory_space<semaphore_mem>>)
    %add3A_359 = arith.constant 51200 : i32
    %add3A_360 = arith.addi %add3A_359, %mul3A_52 : i32
    %dma_start3A_361 = arith.constant 3200 : i32
    %dma_start3A_362 = tpu.memref_slice %arg48[%dma_start3A_361] : memref<10240xf32, #tpu.memory_space<vmem>> -> memref<640xf32, #tpu.memory_space<vmem>>
    %dma_start3A_363 = tpu.memref_slice %arg52[%add3A_360] : memref<163840xf32, #tpu.memory_space<vmem_shared>> -> memref<640xf32, #tpu.memory_space<vmem_shared>>
    %dma_start3A_364 = arith.constant 3200 : i32
    %dma_start3A_365 = tpu.memref_slice %arg48[%dma_start3A_364] : memref<10240xf32, #tpu.memory_space<vmem>> -> memref<640xf32, #tpu.memory_space<vmem>>
    %dma_start3A_366 = tpu.memref_slice %arg52[%add3A_360] : memref<163840xf32, #tpu.memory_space<vmem_shared>> -> memref<640xf32, #tpu.memory_space<vmem_shared>>
    tpu.enqueue_dma source(%dma_start3A_366 : memref<640xf32, #tpu.memory_space<vmem_shared>>) target(%dma_start3A_365 : memref<640xf32, #tpu.memory_space<vmem>>) target_semaphore(%arg53 : memref<!tpu.dma_semaphore, #tpu.memory_space<semaphore_mem>>)
    %add3A_367 = arith.constant 61440 : i32
    %add3A_368 = arith.addi %add3A_367, %mul3A_52 : i32
    %dma_start3A_369 = arith.constant 3840 : i32
    %dma_start3A_370 = tpu.memref_slice %arg48[%dma_start3A_369] : memref<10240xf32, #tpu.memory_space<vmem>> -> memref<640xf32, #tpu.memory_space<vmem>>
    %dma_start3A_371 = tpu.memref_slice %arg52[%add3A_368] : memref<163840xf32, #tpu.memory_space<vmem_shared>> -> memref<640xf32, #tpu.memory_space<vmem_shared>>
    %dma_start3A_372 = arith.constant 3840 : i32
    %dma_start3A_373 = tpu.memref_slice %arg48[%dma_start3A_372] : memref<10240xf32, #tpu.memory_space<vmem>> -> memref<640xf32, #tpu.memory_space<vmem>>
    %dma_start3A_374 = tpu.memref_slice %arg52[%add3A_368] : memref<163840xf32, #tpu.memory_space<vmem_shared>> -> memref<640xf32, #tpu.memory_space<vmem_shared>>
    tpu.enqueue_dma source(%dma_start3A_374 : memref<640xf32, #tpu.memory_space<vmem_shared>>) target(%dma_start3A_373 : memref<640xf32, #tpu.memory_space<vmem>>) target_semaphore(%arg53 : memref<!tpu.dma_semaphore, #tpu.memory_space<semaphore_mem>>)
    %add3A_375 = arith.constant 71680 : i32
    %add3A_376 = arith.addi %add3A_375, %mul3A_52 : i32
    %dma_start3A_377 = arith.constant 4480 : i32
    %dma_start3A_378 = tpu.memref_slice %arg48[%dma_start3A_377] : memref<10240xf32, #tpu.memory_space<vmem>> -> memref<640xf32, #tpu.memory_space<vmem>>
    %dma_start3A_379 = tpu.memref_slice %arg52[%add3A_376] : memref<163840xf32, #tpu.memory_space<vmem_shared>> -> memref<640xf32, #tpu.memory_space<vmem_shared>>
    %dma_start3A_380 = arith.constant 4480 : i32
    %dma_start3A_381 = tpu.memref_slice %arg48[%dma_start3A_380] : memref<10240xf32, #tpu.memory_space<vmem>> -> memref<640xf32, #tpu.memory_space<vmem>>
    %dma_start3A_382 = tpu.memref_slice %arg52[%add3A_376] : memref<163840xf32, #tpu.memory_space<vmem_shared>> -> memref<640xf32, #tpu.memory_space<vmem_shared>>
    tpu.enqueue_dma source(%dma_start3A_382 : memref<640xf32, #tpu.memory_space<vmem_shared>>) target(%dma_start3A_381 : memref<640xf32, #tpu.memory_space<vmem>>) target_semaphore(%arg53 : memref<!tpu.dma_semaphore, #tpu.memory_space<semaphore_mem>>)
    %dma_wait3A_383 = arith.constant 2560 : i32
    %dma_wait3A_384 = tpu.memref_slice %arg48[%dma_wait3A_383] : memref<10240xf32, #tpu.memory_space<vmem>> -> memref<640xf32, #tpu.memory_space<vmem>>
    %dma_wait3A_385 = tpu.memref_slice %arg52[%add3A_352] : memref<163840xf32, #tpu.memory_space<vmem_shared>> -> memref<640xf32, #tpu.memory_space<vmem_shared>>
    %dma_wait3A_386 = arith.constant 2560 : i32
    %dma_wait3A_387 = tpu.memref_slice %arg48[%dma_wait3A_386] : memref<10240xf32, #tpu.memory_space<vmem>> -> memref<640xf32, #tpu.memory_space<vmem>>
    %dma_wait3A_388 = tpu.memref_slice %arg52[%add3A_352] : memref<163840xf32, #tpu.memory_space<vmem_shared>> -> memref<640xf32, #tpu.memory_space<vmem_shared>>
    tpu.wait_dma2 semaphore(%arg53 : memref<!tpu.dma_semaphore, #tpu.memory_space<semaphore_mem>>) src(%dma_wait3A_388 : memref<640xf32, #tpu.memory_space<vmem_shared>>) dst(%dma_wait3A_387 : memref<640xf32, #tpu.memory_space<vmem>>)
    %dma_wait3A_389 = arith.constant 3200 : i32
    %dma_wait3A_390 = tpu.memref_slice %arg48[%dma_wait3A_389] : memref<10240xf32, #tpu.memory_space<vmem>> -> memref<640xf32, #tpu.memory_space<vmem>>
    %dma_wait3A_391 = tpu.memref_slice %arg52[%add3A_360] : memref<163840xf32, #tpu.memory_space<vmem_shared>> -> memref<640xf32, #tpu.memory_space<vmem_shared>>
    %dma_wait3A_392 = arith.constant 3200 : i32
    %dma_wait3A_393 = tpu.memref_slice %arg48[%dma_wait3A_392] : memref<10240xf32, #tpu.memory_space<vmem>> -> memref<640xf32, #tpu.memory_space<vmem>>
    %dma_wait3A_394 = tpu.memref_slice %arg52[%add3A_360] : memref<163840xf32, #tpu.memory_space<vmem_shared>> -> memref<640xf32, #tpu.memory_space<vmem_shared>>
    tpu.wait_dma2 semaphore(%arg53 : memref<!tpu.dma_semaphore, #tpu.memory_space<semaphore_mem>>) src(%dma_wait3A_394 : memref<640xf32, #tpu.memory_space<vmem_shared>>) dst(%dma_wait3A_393 : memref<640xf32, #tpu.memory_space<vmem>>)
    %dma_wait3A_395 = arith.constant 3840 : i32
    %dma_wait3A_396 = tpu.memref_slice %arg48[%dma_wait3A_395] : memref<10240xf32, #tpu.memory_space<vmem>> -> memref<640xf32, #tpu.memory_space<vmem>>
    %dma_wait3A_397 = tpu.memref_slice %arg52[%add3A_368] : memref<163840xf32, #tpu.memory_space<vmem_shared>> -> memref<640xf32, #tpu.memory_space<vmem_shared>>
    %dma_wait3A_398 = arith.constant 3840 : i32
    %dma_wait3A_399 = tpu.memref_slice %arg48[%dma_wait3A_398] : memref<10240xf32, #tpu.memory_space<vmem>> -> memref<640xf32, #tpu.memory_space<vmem>>
    %dma_wait3A_400 = tpu.memref_slice %arg52[%add3A_368] : memref<163840xf32, #tpu.memory_space<vmem_shared>> -> memref<640xf32, #tpu.memory_space<vmem_shared>>
    tpu.wait_dma2 semaphore(%arg53 : memref<!tpu.dma_semaphore, #tpu.memory_space<semaphore_mem>>) src(%dma_wait3A_400 : memref<640xf32, #tpu.memory_space<vmem_shared>>) dst(%dma_wait3A_399 : memref<640xf32, #tpu.memory_space<vmem>>)
    %dma_wait3A_401 = arith.constant 4480 : i32
    %dma_wait3A_402 = tpu.memref_slice %arg48[%dma_wait3A_401] : memref<10240xf32, #tpu.memory_space<vmem>> -> memref<640xf32, #tpu.memory_space<vmem>>
    %dma_wait3A_403 = tpu.memref_slice %arg52[%add3A_376] : memref<163840xf32, #tpu.memory_space<vmem_shared>> -> memref<640xf32, #tpu.memory_space<vmem_shared>>
    %dma_wait3A_404 = arith.constant 4480 : i32
    %dma_wait3A_405 = tpu.memref_slice %arg48[%dma_wait3A_404] : memref<10240xf32, #tpu.memory_space<vmem>> -> memref<640xf32, #tpu.memory_space<vmem>>
    %dma_wait3A_406 = tpu.memref_slice %arg52[%add3A_376] : memref<163840xf32, #tpu.memory_space<vmem_shared>> -> memref<640xf32, #tpu.memory_space<vmem_shared>>
    tpu.wait_dma2 semaphore(%arg53 : memref<!tpu.dma_semaphore, #tpu.memory_space<semaphore_mem>>) src(%dma_wait3A_406 : memref<640xf32, #tpu.memory_space<vmem_shared>>) dst(%dma_wait3A_405 : memref<640xf32, #tpu.memory_space<vmem>>)
    %add3A_407 = arith.constant 81920 : i32
    %add3A_408 = arith.addi %add3A_407, %mul3A_52 : i32
    %dma_start3A_409 = arith.constant 5120 : i32
    %dma_start3A_410 = tpu.memref_slice %arg48[%dma_start3A_409] : memref<10240xf32, #tpu.memory_space<vmem>> -> memref<640xf32, #tpu.memory_space<vmem>>
    %dma_start3A_411 = tpu.memref_slice %arg52[%add3A_408] : memref<163840xf32, #tpu.memory_space<vmem_shared>> -> memref<640xf32, #tpu.memory_space<vmem_shared>>
    %dma_start3A_412 = arith.constant 5120 : i32
    %dma_start3A_413 = tpu.memref_slice %arg48[%dma_start3A_412] : memref<10240xf32, #tpu.memory_space<vmem>> -> memref<640xf32, #tpu.memory_space<vmem>>
    %dma_start3A_414 = tpu.memref_slice %arg52[%add3A_408] : memref<163840xf32, #tpu.memory_space<vmem_shared>> -> memref<640xf32, #tpu.memory_space<vmem_shared>>
    tpu.enqueue_dma source(%dma_start3A_414 : memref<640xf32, #tpu.memory_space<vmem_shared>>) target(%dma_start3A_413 : memref<640xf32, #tpu.memory_space<vmem>>) target_semaphore(%arg53 : memref<!tpu.dma_semaphore, #tpu.memory_space<semaphore_mem>>)
    %add3A_415 = arith.constant 92160 : i32
    %add3A_416 = arith.addi %add3A_415, %mul3A_52 : i32
    %dma_start3A_417 = arith.constant 5760 : i32
    %dma_start3A_418 = tpu.memref_slice %arg48[%dma_start3A_417] : memref<10240xf32, #tpu.memory_space<vmem>> -> memref<640xf32, #tpu.memory_space<vmem>>
    %dma_start3A_419 = tpu.memref_slice %arg52[%add3A_416] : memref<163840xf32, #tpu.memory_space<vmem_shared>> -> memref<640xf32, #tpu.memory_space<vmem_shared>>
    %dma_start3A_420 = arith.constant 5760 : i32
    %dma_start3A_421 = tpu.memref_slice %arg48[%dma_start3A_420] : memref<10240xf32, #tpu.memory_space<vmem>> -> memref<640xf32, #tpu.memory_space<vmem>>
    %dma_start3A_422 = tpu.memref_slice %arg52[%add3A_416] : memref<163840xf32, #tpu.memory_space<vmem_shared>> -> memref<640xf32, #tpu.memory_space<vmem_shared>>
    tpu.enqueue_dma source(%dma_start3A_422 : memref<640xf32, #tpu.memory_space<vmem_shared>>) target(%dma_start3A_421 : memref<640xf32, #tpu.memory_space<vmem>>) target_semaphore(%arg53 : memref<!tpu.dma_semaphore, #tpu.memory_space<semaphore_mem>>)
    %add3A_423 = arith.constant 102400 : i32
    %add3A_424 = arith.addi %add3A_423, %mul3A_52 : i32
    %dma_start3A_425 = arith.constant 6400 : i32
    %dma_start3A_426 = tpu.memref_slice %arg48[%dma_start3A_425] : memref<10240xf32, #tpu.memory_space<vmem>> -> memref<640xf32, #tpu.memory_space<vmem>>
    %dma_start3A_427 = tpu.memref_slice %arg52[%add3A_424] : memref<163840xf32, #tpu.memory_space<vmem_shared>> -> memref<640xf32, #tpu.memory_space<vmem_shared>>
    %dma_start3A_428 = arith.constant 6400 : i32
    %dma_start3A_429 = tpu.memref_slice %arg48[%dma_start3A_428] : memref<10240xf32, #tpu.memory_space<vmem>> -> memref<640xf32, #tpu.memory_space<vmem>>
    %dma_start3A_430 = tpu.memref_slice %arg52[%add3A_424] : memref<163840xf32, #tpu.memory_space<vmem_shared>> -> memref<640xf32, #tpu.memory_space<vmem_shared>>
    tpu.enqueue_dma source(%dma_start3A_430 : memref<640xf32, #tpu.memory_space<vmem_shared>>) target(%dma_start3A_429 : memref<640xf32, #tpu.memory_space<vmem>>) target_semaphore(%arg53 : memref<!tpu.dma_semaphore, #tpu.memory_space<semaphore_mem>>)
    %add3A_431 = arith.constant 112640 : i32
    %add3A_432 = arith.addi %add3A_431, %mul3A_52 : i32
    %dma_start3A_433 = arith.constant 7040 : i32
    %dma_start3A_434 = tpu.memref_slice %arg48[%dma_start3A_433] : memref<10240xf32, #tpu.memory_space<vmem>> -> memref<640xf32, #tpu.memory_space<vmem>>
    %dma_start3A_435 = tpu.memref_slice %arg52[%add3A_432] : memref<163840xf32, #tpu.memory_space<vmem_shared>> -> memref<640xf32, #tpu.memory_space<vmem_shared>>
    %dma_start3A_436 = arith.constant 7040 : i32
    %dma_start3A_437 = tpu.memref_slice %arg48[%dma_start3A_436] : memref<10240xf32, #tpu.memory_space<vmem>> -> memref<640xf32, #tpu.memory_space<vmem>>
    %dma_start3A_438 = tpu.memref_slice %arg52[%add3A_432] : memref<163840xf32, #tpu.memory_space<vmem_shared>> -> memref<640xf32, #tpu.memory_space<vmem_shared>>
    tpu.enqueue_dma source(%dma_start3A_438 : memref<640xf32, #tpu.memory_space<vmem_shared>>) target(%dma_start3A_437 : memref<640xf32, #tpu.memory_space<vmem>>) target_semaphore(%arg53 : memref<!tpu.dma_semaphore, #tpu.memory_space<semaphore_mem>>)
    %dma_wait3A_439 = arith.constant 5120 : i32
    %dma_wait3A_440 = tpu.memref_slice %arg48[%dma_wait3A_439] : memref<10240xf32, #tpu.memory_space<vmem>> -> memref<640xf32, #tpu.memory_space<vmem>>
    %dma_wait3A_441 = tpu.memref_slice %arg52[%add3A_408] : memref<163840xf32, #tpu.memory_space<vmem_shared>> -> memref<640xf32, #tpu.memory_space<vmem_shared>>
    %dma_wait3A_442 = arith.constant 5120 : i32
    %dma_wait3A_443 = tpu.memref_slice %arg48[%dma_wait3A_442] : memref<10240xf32, #tpu.memory_space<vmem>> -> memref<640xf32, #tpu.memory_space<vmem>>
    %dma_wait3A_444 = tpu.memref_slice %arg52[%add3A_408] : memref<163840xf32, #tpu.memory_space<vmem_shared>> -> memref<640xf32, #tpu.memory_space<vmem_shared>>
    tpu.wait_dma2 semaphore(%arg53 : memref<!tpu.dma_semaphore, #tpu.memory_space<semaphore_mem>>) src(%dma_wait3A_444 : memref<640xf32, #tpu.memory_space<vmem_shared>>) dst(%dma_wait3A_443 : memref<640xf32, #tpu.memory_space<vmem>>)
    %dma_wait3A_445 = arith.constant 5760 : i32
    %dma_wait3A_446 = tpu.memref_slice %arg48[%dma_wait3A_445] : memref<10240xf32, #tpu.memory_space<vmem>> -> memref<640xf32, #tpu.memory_space<vmem>>
    %dma_wait3A_447 = tpu.memref_slice %arg52[%add3A_416] : memref<163840xf32, #tpu.memory_space<vmem_shared>> -> memref<640xf32, #tpu.memory_space<vmem_shared>>
    %dma_wait3A_448 = arith.constant 5760 : i32
    %dma_wait3A_449 = tpu.memref_slice %arg48[%dma_wait3A_448] : memref<10240xf32, #tpu.memory_space<vmem>> -> memref<640xf32, #tpu.memory_space<vmem>>
    %dma_wait3A_450 = tpu.memref_slice %arg52[%add3A_416] : memref<163840xf32, #tpu.memory_space<vmem_shared>> -> memref<640xf32, #tpu.memory_space<vmem_shared>>
    tpu.wait_dma2 semaphore(%arg53 : memref<!tpu.dma_semaphore, #tpu.memory_space<semaphore_mem>>) src(%dma_wait3A_450 : memref<640xf32, #tpu.memory_space<vmem_shared>>) dst(%dma_wait3A_449 : memref<640xf32, #tpu.memory_space<vmem>>)
    %dma_wait3A_451 = arith.constant 6400 : i32
    %dma_wait3A_452 = tpu.memref_slice %arg48[%dma_wait3A_451] : memref<10240xf32, #tpu.memory_space<vmem>> -> memref<640xf32, #tpu.memory_space<vmem>>
    %dma_wait3A_453 = tpu.memref_slice %arg52[%add3A_424] : memref<163840xf32, #tpu.memory_space<vmem_shared>> -> memref<640xf32, #tpu.memory_space<vmem_shared>>
    %dma_wait3A_454 = arith.constant 6400 : i32
    %dma_wait3A_455 = tpu.memref_slice %arg48[%dma_wait3A_454] : memref<10240xf32, #tpu.memory_space<vmem>> -> memref<640xf32, #tpu.memory_space<vmem>>
    %dma_wait3A_456 = tpu.memref_slice %arg52[%add3A_424] : memref<163840xf32, #tpu.memory_space<vmem_shared>> -> memref<640xf32, #tpu.memory_space<vmem_shared>>
    tpu.wait_dma2 semaphore(%arg53 : memref<!tpu.dma_semaphore, #tpu.memory_space<semaphore_mem>>) src(%dma_wait3A_456 : memref<640xf32, #tpu.memory_space<vmem_shared>>) dst(%dma_wait3A_455 : memref<640xf32, #tpu.memory_space<vmem>>)
    %dma_wait3A_457 = arith.constant 7040 : i32
    %dma_wait3A_458 = tpu.memref_slice %arg48[%dma_wait3A_457] : memref<10240xf32, #tpu.memory_space<vmem>> -> memref<640xf32, #tpu.memory_space<vmem>>
    %dma_wait3A_459 = tpu.memref_slice %arg52[%add3A_432] : memref<163840xf32, #tpu.memory_space<vmem_shared>> -> memref<640xf32, #tpu.memory_space<vmem_shared>>
    %dma_wait3A_460 = arith.constant 7040 : i32
    %dma_wait3A_461 = tpu.memref_slice %arg48[%dma_wait3A_460] : memref<10240xf32, #tpu.memory_space<vmem>> -> memref<640xf32, #tpu.memory_space<vmem>>
    %dma_wait3A_462 = tpu.memref_slice %arg52[%add3A_432] : memref<163840xf32, #tpu.memory_space<vmem_shared>> -> memref<640xf32, #tpu.memory_space<vmem_shared>>
    tpu.wait_dma2 semaphore(%arg53 : memref<!tpu.dma_semaphore, #tpu.memory_space<semaphore_mem>>) src(%dma_wait3A_462 : memref<640xf32, #tpu.memory_space<vmem_shared>>) dst(%dma_wait3A_461 : memref<640xf32, #tpu.memory_space<vmem>>)
    %add3A_463 = arith.constant 122880 : i32
    %add3A_464 = arith.addi %add3A_463, %mul3A_52 : i32
    %dma_start3A_465 = arith.constant 7680 : i32
    %dma_start3A_466 = tpu.memref_slice %arg48[%dma_start3A_465] : memref<10240xf32, #tpu.memory_space<vmem>> -> memref<640xf32, #tpu.memory_space<vmem>>
    %dma_start3A_467 = tpu.memref_slice %arg52[%add3A_464] : memref<163840xf32, #tpu.memory_space<vmem_shared>> -> memref<640xf32, #tpu.memory_space<vmem_shared>>
    %dma_start3A_468 = arith.constant 7680 : i32
    %dma_start3A_469 = tpu.memref_slice %arg48[%dma_start3A_468] : memref<10240xf32, #tpu.memory_space<vmem>> -> memref<640xf32, #tpu.memory_space<vmem>>
    %dma_start3A_470 = tpu.memref_slice %arg52[%add3A_464] : memref<163840xf32, #tpu.memory_space<vmem_shared>> -> memref<640xf32, #tpu.memory_space<vmem_shared>>
    tpu.enqueue_dma source(%dma_start3A_470 : memref<640xf32, #tpu.memory_space<vmem_shared>>) target(%dma_start3A_469 : memref<640xf32, #tpu.memory_space<vmem>>) target_semaphore(%arg53 : memref<!tpu.dma_semaphore, #tpu.memory_space<semaphore_mem>>)
    %add3A_471 = arith.constant 133120 : i32
    %add3A_472 = arith.addi %add3A_471, %mul3A_52 : i32
    %dma_start3A_473 = arith.constant 8320 : i32
    %dma_start3A_474 = tpu.memref_slice %arg48[%dma_start3A_473] : memref<10240xf32, #tpu.memory_space<vmem>> -> memref<640xf32, #tpu.memory_space<vmem>>
    %dma_start3A_475 = tpu.memref_slice %arg52[%add3A_472] : memref<163840xf32, #tpu.memory_space<vmem_shared>> -> memref<640xf32, #tpu.memory_space<vmem_shared>>
    %dma_start3A_476 = arith.constant 8320 : i32
    %dma_start3A_477 = tpu.memref_slice %arg48[%dma_start3A_476] : memref<10240xf32, #tpu.memory_space<vmem>> -> memref<640xf32, #tpu.memory_space<vmem>>
    %dma_start3A_478 = tpu.memref_slice %arg52[%add3A_472] : memref<163840xf32, #tpu.memory_space<vmem_shared>> -> memref<640xf32, #tpu.memory_space<vmem_shared>>
    tpu.enqueue_dma source(%dma_start3A_478 : memref<640xf32, #tpu.memory_space<vmem_shared>>) target(%dma_start3A_477 : memref<640xf32, #tpu.memory_space<vmem>>) target_semaphore(%arg53 : memref<!tpu.dma_semaphore, #tpu.memory_space<semaphore_mem>>)
    %add3A_479 = arith.constant 143360 : i32
    %add3A_480 = arith.addi %add3A_479, %mul3A_52 : i32
    %dma_start3A_481 = arith.constant 8960 : i32
    %dma_start3A_482 = tpu.memref_slice %arg48[%dma_start3A_481] : memref<10240xf32, #tpu.memory_space<vmem>> -> memref<640xf32, #tpu.memory_space<vmem>>
    %dma_start3A_483 = tpu.memref_slice %arg52[%add3A_480] : memref<163840xf32, #tpu.memory_space<vmem_shared>> -> memref<640xf32, #tpu.memory_space<vmem_shared>>
    %dma_start3A_484 = arith.constant 8960 : i32
    %dma_start3A_485 = tpu.memref_slice %arg48[%dma_start3A_484] : memref<10240xf32, #tpu.memory_space<vmem>> -> memref<640xf32, #tpu.memory_space<vmem>>
    %dma_start3A_486 = tpu.memref_slice %arg52[%add3A_480] : memref<163840xf32, #tpu.memory_space<vmem_shared>> -> memref<640xf32, #tpu.memory_space<vmem_shared>>
    tpu.enqueue_dma source(%dma_start3A_486 : memref<640xf32, #tpu.memory_space<vmem_shared>>) target(%dma_start3A_485 : memref<640xf32, #tpu.memory_space<vmem>>) target_semaphore(%arg53 : memref<!tpu.dma_semaphore, #tpu.memory_space<semaphore_mem>>)
    %add3A_487 = arith.constant 153600 : i32
    %add3A_488 = arith.addi %add3A_487, %mul3A_52 : i32
    %dma_start3A_489 = arith.constant 9600 : i32
    %dma_start3A_490 = tpu.memref_slice %arg48[%dma_start3A_489] : memref<10240xf32, #tpu.memory_space<vmem>> -> memref<640xf32, #tpu.memory_space<vmem>>
    %dma_start3A_491 = tpu.memref_slice %arg52[%add3A_488] : memref<163840xf32, #tpu.memory_space<vmem_shared>> -> memref<640xf32, #tpu.memory_space<vmem_shared>>
    %dma_start3A_492 = arith.constant 9600 : i32
    %dma_start3A_493 = tpu.memref_slice %arg48[%dma_start3A_492] : memref<10240xf32, #tpu.memory_space<vmem>> -> memref<640xf32, #tpu.memory_space<vmem>>
    %dma_start3A_494 = tpu.memref_slice %arg52[%add3A_488] : memref<163840xf32, #tpu.memory_space<vmem_shared>> -> memref<640xf32, #tpu.memory_space<vmem_shared>>
    tpu.enqueue_dma source(%dma_start3A_494 : memref<640xf32, #tpu.memory_space<vmem_shared>>) target(%dma_start3A_493 : memref<640xf32, #tpu.memory_space<vmem>>) target_semaphore(%arg53 : memref<!tpu.dma_semaphore, #tpu.memory_space<semaphore_mem>>)
    %dma_wait3A_495 = arith.constant 7680 : i32
    %dma_wait3A_496 = tpu.memref_slice %arg48[%dma_wait3A_495] : memref<10240xf32, #tpu.memory_space<vmem>> -> memref<640xf32, #tpu.memory_space<vmem>>
    %dma_wait3A_497 = tpu.memref_slice %arg52[%add3A_464] : memref<163840xf32, #tpu.memory_space<vmem_shared>> -> memref<640xf32, #tpu.memory_space<vmem_shared>>
    %dma_wait3A_498 = arith.constant 7680 : i32
    %dma_wait3A_499 = tpu.memref_slice %arg48[%dma_wait3A_498] : memref<10240xf32, #tpu.memory_space<vmem>> -> memref<640xf32, #tpu.memory_space<vmem>>
    %dma_wait3A_500 = tpu.memref_slice %arg52[%add3A_464] : memref<163840xf32, #tpu.memory_space<vmem_shared>> -> memref<640xf32, #tpu.memory_space<vmem_shared>>
    tpu.wait_dma2 semaphore(%arg53 : memref<!tpu.dma_semaphore, #tpu.memory_space<semaphore_mem>>) src(%dma_wait3A_500 : memref<640xf32, #tpu.memory_space<vmem_shared>>) dst(%dma_wait3A_499 : memref<640xf32, #tpu.memory_space<vmem>>)
    %dma_wait3A_501 = arith.constant 8320 : i32
    %dma_wait3A_502 = tpu.memref_slice %arg48[%dma_wait3A_501] : memref<10240xf32, #tpu.memory_space<vmem>> -> memref<640xf32, #tpu.memory_space<vmem>>
    %dma_wait3A_503 = tpu.memref_slice %arg52[%add3A_472] : memref<163840xf32, #tpu.memory_space<vmem_shared>> -> memref<640xf32, #tpu.memory_space<vmem_shared>>
    %dma_wait3A_504 = arith.constant 8320 : i32
    %dma_wait3A_505 = tpu.memref_slice %arg48[%dma_wait3A_504] : memref<10240xf32, #tpu.memory_space<vmem>> -> memref<640xf32, #tpu.memory_space<vmem>>
    %dma_wait3A_506 = tpu.memref_slice %arg52[%add3A_472] : memref<163840xf32, #tpu.memory_space<vmem_shared>> -> memref<640xf32, #tpu.memory_space<vmem_shared>>
    tpu.wait_dma2 semaphore(%arg53 : memref<!tpu.dma_semaphore, #tpu.memory_space<semaphore_mem>>) src(%dma_wait3A_506 : memref<640xf32, #tpu.memory_space<vmem_shared>>) dst(%dma_wait3A_505 : memref<640xf32, #tpu.memory_space<vmem>>)
    %dma_wait3A_507 = arith.constant 8960 : i32
    %dma_wait3A_508 = tpu.memref_slice %arg48[%dma_wait3A_507] : memref<10240xf32, #tpu.memory_space<vmem>> -> memref<640xf32, #tpu.memory_space<vmem>>
    %dma_wait3A_509 = tpu.memref_slice %arg52[%add3A_480] : memref<163840xf32, #tpu.memory_space<vmem_shared>> -> memref<640xf32, #tpu.memory_space<vmem_shared>>
    %dma_wait3A_510 = arith.constant 8960 : i32
    %dma_wait3A_511 = tpu.memref_slice %arg48[%dma_wait3A_510] : memref<10240xf32, #tpu.memory_space<vmem>> -> memref<640xf32, #tpu.memory_space<vmem>>
    %dma_wait3A_512 = tpu.memref_slice %arg52[%add3A_480] : memref<163840xf32, #tpu.memory_space<vmem_shared>> -> memref<640xf32, #tpu.memory_space<vmem_shared>>
    tpu.wait_dma2 semaphore(%arg53 : memref<!tpu.dma_semaphore, #tpu.memory_space<semaphore_mem>>) src(%dma_wait3A_512 : memref<640xf32, #tpu.memory_space<vmem_shared>>) dst(%dma_wait3A_511 : memref<640xf32, #tpu.memory_space<vmem>>)
    %dma_wait3A_513 = arith.constant 9600 : i32
    %dma_wait3A_514 = tpu.memref_slice %arg48[%dma_wait3A_513] : memref<10240xf32, #tpu.memory_space<vmem>> -> memref<640xf32, #tpu.memory_space<vmem>>
    %dma_wait3A_515 = tpu.memref_slice %arg52[%add3A_488] : memref<163840xf32, #tpu.memory_space<vmem_shared>> -> memref<640xf32, #tpu.memory_space<vmem_shared>>
    %dma_wait3A_516 = arith.constant 9600 : i32
    %dma_wait3A_517 = tpu.memref_slice %arg48[%dma_wait3A_516] : memref<10240xf32, #tpu.memory_space<vmem>> -> memref<640xf32, #tpu.memory_space<vmem>>
    %dma_wait3A_518 = tpu.memref_slice %arg52[%add3A_488] : memref<163840xf32, #tpu.memory_space<vmem_shared>> -> memref<640xf32, #tpu.memory_space<vmem_shared>>
    tpu.wait_dma2 semaphore(%arg53 : memref<!tpu.dma_semaphore, #tpu.memory_space<semaphore_mem>>) src(%dma_wait3A_518 : memref<640xf32, #tpu.memory_space<vmem_shared>>) dst(%dma_wait3A_517 : memref<640xf32, #tpu.memory_space<vmem>>)
    %scan3A_519 = arith.constant 0 : i32
    %scan3A_520 = arith.constant 0 : i32
    %scan3A_521 = arith.constant 40 : i32
    %scan3A_522 = arith.addi %scan3A_520, %scan3A_521 : i32
    %scan3A_523 = arith.constant 1 : i32
    %scan3A_524 = scf.for %scan3A_770 = %scan3A_520 to %scan3A_522 step %scan3A_523 iter_args(%scan3A_771 = %scan3A_519) -> (i32)  : i32 {
      %mul3A_772 = arith.constant 16 : i32
      %mul3A_773 = arith.muli %scan3A_770, %mul3A_772 : i32
      %get3A = arith.index_cast %mul3A_773 : i32 to index
      %get3A_774 = tpu.vector_load %arg48[%get3A] {strides = array<i32>} : memref<10240xf32, #tpu.memory_space<vmem>>, vector<16xf32>,
      %add3A_775 = arith.constant 640 : i32
      %add3A_776 = arith.addi %add3A_775, %mul3A_773 : i32
      %get3A_777 = arith.index_cast %add3A_776 : i32 to index
      %get3A_778 = tpu.vector_load %arg48[%get3A_777] {strides = array<i32>} : memref<10240xf32, #tpu.memory_space<vmem>>, vector<16xf32>,
      %add3A_779 = arith.addf %get3A_774, %get3A_778 : vector<16xf32>
      %add3A_780 = arith.constant 1280 : i32
      %add3A_781 = arith.addi %add3A_780, %mul3A_773 : i32
      %get3A_782 = arith.index_cast %add3A_781 : i32 to index
      %get3A_783 = tpu.vector_load %arg48[%get3A_782] {strides = array<i32>} : memref<10240xf32, #tpu.memory_space<vmem>>, vector<16xf32>,
      %add3A_784 = arith.addf %add3A_779, %get3A_783 : vector<16xf32>
      %add3A_785 = arith.constant 1920 : i32
      %add3A_786 = arith.addi %add3A_785, %mul3A_773 : i32
      %get3A_787 = arith.index_cast %add3A_786 : i32 to index
      %get3A_788 = tpu.vector_load %arg48[%get3A_787] {strides = array<i32>} : memref<10240xf32, #tpu.memory_space<vmem>>, vector<16xf32>,
      %add3A_789 = arith.addf %add3A_784, %get3A_788 : vector<16xf32>
      %add3A_790 = arith.constant 2560 : i32
      %add3A_791 = arith.addi %add3A_790, %mul3A_773 : i32
      %get3A_792 = arith.index_cast %add3A_791 : i32 to index
      %get3A_793 = tpu.vector_load %arg48[%get3A_792] {strides = array<i32>} : memref<10240xf32, #tpu.memory_space<vmem>>, vector<16xf32>,
      %add3A_794 = arith.addf %add3A_789, %get3A_793 : vector<16xf32>
      %add3A_795 = arith.constant 3200 : i32
      %add3A_796 = arith.addi %add3A_795, %mul3A_773 : i32
      %get3A_797 = arith.index_cast %add3A_796 : i32 to index
      %get3A_798 = tpu.vector_load %arg48[%get3A_797] {strides = array<i32>} : memref<10240xf32, #tpu.memory_space<vmem>>, vector<16xf32>,
      %add3A_799 = arith.addf %add3A_794, %get3A_798 : vector<16xf32>
      %add3A_800 = arith.constant 3840 : i32
      %add3A_801 = arith.addi %add3A_800, %mul3A_773 : i32
      %get3A_802 = arith.index_cast %add3A_801 : i32 to index
      %get3A_803 = tpu.vector_load %arg48[%get3A_802] {strides = array<i32>} : memref<10240xf32, #tpu.memory_space<vmem>>, vector<16xf32>,
      %add3A_804 = arith.addf %add3A_799, %get3A_803 : vector<16xf32>
      %add3A_805 = arith.constant 4480 : i32
      %add3A_806 = arith.addi %add3A_805, %mul3A_773 : i32
      %get3A_807 = arith.index_cast %add3A_806 : i32 to index
      %get3A_808 = tpu.vector_load %arg48[%get3A_807] {strides = array<i32>} : memref<10240xf32, #tpu.memory_space<vmem>>, vector<16xf32>,
      %add3A_809 = arith.addf %add3A_804, %get3A_808 : vector<16xf32>
      %add3A_810 = arith.constant 5120 : i32
      %add3A_811 = arith.addi %add3A_810, %mul3A_773 : i32
      %get3A_812 = arith.index_cast %add3A_811 : i32 to index
      %get3A_813 = tpu.vector_load %arg48[%get3A_812] {strides = array<i32>} : memref<10240xf32, #tpu.memory_space<vmem>>, vector<16xf32>,
      %add3A_814 = arith.addf %add3A_809, %get3A_813 : vector<16xf32>
      %add3A_815 = arith.constant 5760 : i32
      %add3A_816 = arith.addi %add3A_815, %mul3A_773 : i32
      %get3A_817 = arith.index_cast %add3A_816 : i32 to index
      %get3A_818 = tpu.vector_load %arg48[%get3A_817] {strides = array<i32>} : memref<10240xf32, #tpu.memory_space<vmem>>, vector<16xf32>,
      %add3A_819 = arith.addf %add3A_814, %get3A_818 : vector<16xf32>
      %add3A_820 = arith.constant 6400 : i32
      %add3A_821 = arith.addi %add3A_820, %mul3A_773 : i32
      %get3A_822 = arith.index_cast %add3A_821 : i32 to index
      %get3A_823 = tpu.vector_load %arg48[%get3A_822] {strides = array<i32>} : memref<10240xf32, #tpu.memory_space<vmem>>, vector<16xf32>,
      %add3A_824 = arith.addf %add3A_819, %get3A_823 : vector<16xf32>
      %add3A_825 = arith.constant 7040 : i32
      %add3A_826 = arith.addi %add3A_825, %mul3A_773 : i32
      %get3A_827 = arith.index_cast %add3A_826 : i32 to index
      %get3A_828 = tpu.vector_load %arg48[%get3A_827] {strides = array<i32>} : memref<10240xf32, #tpu.memory_space<vmem>>, vector<16xf32>,
      %add3A_829 = arith.addf %add3A_824, %get3A_828 : vector<16xf32>
      %add3A_830 = arith.constant 7680 : i32
      %add3A_831 = arith.addi %add3A_830, %mul3A_773 : i32
      %get3A_832 = arith.index_cast %add3A_831 : i32 to index
      %get3A_833 = tpu.vector_load %arg48[%get3A_832] {strides = array<i32>} : memref<10240xf32, #tpu.memory_space<vmem>>, vector<16xf32>,
      %add3A_834 = arith.addf %add3A_829, %get3A_833 : vector<16xf32>
      %add3A_835 = arith.constant 8320 : i32
      %add3A_836 = arith.addi %add3A_835, %mul3A_773 : i32
      %get3A_837 = arith.index_cast %add3A_836 : i32 to index
      %get3A_838 = tpu.vector_load %arg48[%get3A_837] {strides = array<i32>} : memref<10240xf32, #tpu.memory_space<vmem>>, vector<16xf32>,
      %add3A_839 = arith.addf %add3A_834, %get3A_838 : vector<16xf32>
      %add3A_840 = arith.constant 8960 : i32
      %add3A_841 = arith.addi %add3A_840, %mul3A_773 : i32
      %get3A_842 = arith.index_cast %add3A_841 : i32 to index
      %get3A_843 = tpu.vector_load %arg48[%get3A_842] {strides = array<i32>} : memref<10240xf32, #tpu.memory_space<vmem>>, vector<16xf32>,
      %add3A_844 = arith.addf %add3A_839, %get3A_843 : vector<16xf32>
      %add3A_845 = arith.constant 9600 : i32
      %add3A_846 = arith.addi %add3A_845, %mul3A_773 : i32
      %get3A_847 = arith.index_cast %add3A_846 : i32 to index
      %get3A_848 = tpu.vector_load %arg48[%get3A_847] {strides = array<i32>} : memref<10240xf32, #tpu.memory_space<vmem>>, vector<16xf32>,
      %add3A_849 = arith.addf %add3A_844, %get3A_848 : vector<16xf32>
      %swap3A = arith.index_cast %mul3A_773 : i32 to index
      %swap3A_850 = tpu.vector_load %arg47[%swap3A] {strides = array<i32>} : memref<640xf32, #tpu.memory_space<vmem>>, vector<16xf32>,
      tpu.vector_store %arg47[%swap3A], %add3A_849 {strides = array<i32>} : memref<640xf32, #tpu.memory_space<vmem>>, vector<16xf32>,
      %scan3A_851 = arith.constant 0 : i32
      scf.yield %scan3A_851 : i32
    }
    %scan3A_525 = arith.constant 40 : i32
    %add3A_526 = arith.constant 10240 : i32
    %add3A_527 = arith.addi %mul3A_54, %add3A_526 : i32
    %add3A_528 = arith.addi %add3A_527, %mul3A_52 : i32
    "tpu.region"() ({
      %run_scoped3A = tpu.sem_alloc : memref<!tpu.dma_semaphore, #tpu.memory_space<semaphore_mem>>
      %dma_start3A_770 = tpu.memref_slice %arg16[%add3A_528] : memref<61440xf32, #tpu.memory_space<hbm>> -> memref<640xf32, #tpu.memory_space<hbm>>
      %dma_start3A_771 = tpu.memref_slice %arg16[%add3A_528] : memref<61440xf32, #tpu.memory_space<hbm>> -> memref<640xf32, #tpu.memory_space<hbm>>
      tpu.enqueue_dma source(%arg47 : memref<640xf32, #tpu.memory_space<vmem>>) target(%dma_start3A_771 : memref<640xf32, #tpu.memory_space<hbm>>) target_semaphore(%run_scoped3A : memref<!tpu.dma_semaphore, #tpu.memory_space<semaphore_mem>>)
      %dma_wait3A_772 = tpu.memref_slice %arg16[%add3A_528] : memref<61440xf32, #tpu.memory_space<hbm>> -> memref<640xf32, #tpu.memory_space<hbm>>
      %dma_wait3A_773 = tpu.memref_slice %arg16[%add3A_528] : memref<61440xf32, #tpu.memory_space<hbm>> -> memref<640xf32, #tpu.memory_space<hbm>>
      tpu.wait_dma2 semaphore(%run_scoped3A : memref<!tpu.dma_semaphore, #tpu.memory_space<semaphore_mem>>) src(%arg47 : memref<640xf32, #tpu.memory_space<vmem>>) dst(%dma_wait3A_773 : memref<640xf32, #tpu.memory_space<hbm>>)
      tpu.yield
    }) : () -> ()
    %barrier3A_529 = arith.constant 0 : index
    tpu.barrier barrier_id(%barrier3A_529)
    %mul3A_530 = arith.constant 10240 : i32
    %mul3A_531 = arith.muli %arg1, %mul3A_530 : i32
    "tpu.region"() ({
      %run_scoped3A = tpu.sem_alloc : memref<!tpu.dma_semaphore, #tpu.memory_space<semaphore_mem>>
      %dma_start3A_770 = tpu.memref_slice %arg52[%mul3A_531] : memref<163840xf32, #tpu.memory_space<vmem_shared>> -> memref<10240xf32, #tpu.memory_space<vmem_shared>>
      %dma_start3A_771 = tpu.memref_slice %arg52[%mul3A_531] : memref<163840xf32, #tpu.memory_space<vmem_shared>> -> memref<10240xf32, #tpu.memory_space<vmem_shared>>
      tpu.enqueue_dma source(%arg51 : memref<10240xf32, #tpu.memory_space<vmem>>) target(%dma_start3A_771 : memref<10240xf32, #tpu.memory_space<vmem_shared>>) target_semaphore(%run_scoped3A : memref<!tpu.dma_semaphore, #tpu.memory_space<semaphore_mem>>)
      %dma_wait3A_772 = tpu.memref_slice %arg52[%mul3A_531] : memref<163840xf32, #tpu.memory_space<vmem_shared>> -> memref<10240xf32, #tpu.memory_space<vmem_shared>>
      %dma_wait3A_773 = tpu.memref_slice %arg52[%mul3A_531] : memref<163840xf32, #tpu.memory_space<vmem_shared>> -> memref<10240xf32, #tpu.memory_space<vmem_shared>>
      tpu.wait_dma2 semaphore(%run_scoped3A : memref<!tpu.dma_semaphore, #tpu.memory_space<semaphore_mem>>) src(%arg51 : memref<10240xf32, #tpu.memory_space<vmem>>) dst(%dma_wait3A_773 : memref<10240xf32, #tpu.memory_space<vmem_shared>>)
      tpu.yield
    }) : () -> ()
    %barrier3A_532 = arith.constant 0 : index
    tpu.barrier barrier_id(%barrier3A_532)
    %add3A_533 = arith.constant 0 : i32
    %add3A_534 = arith.addi %add3A_533, %mul3A_52 : i32
    %dma_start3A_535 = arith.constant 0 : i32
    %dma_start3A_536 = tpu.memref_slice %arg48[%dma_start3A_535] : memref<10240xf32, #tpu.memory_space<vmem>> -> memref<640xf32, #tpu.memory_space<vmem>>
    %dma_start3A_537 = tpu.memref_slice %arg52[%add3A_534] : memref<163840xf32, #tpu.memory_space<vmem_shared>> -> memref<640xf32, #tpu.memory_space<vmem_shared>>
    %dma_start3A_538 = arith.constant 0 : i32
    %dma_start3A_539 = tpu.memref_slice %arg48[%dma_start3A_538] : memref<10240xf32, #tpu.memory_space<vmem>> -> memref<640xf32, #tpu.memory_space<vmem>>
    %dma_start3A_540 = tpu.memref_slice %arg52[%add3A_534] : memref<163840xf32, #tpu.memory_space<vmem_shared>> -> memref<640xf32, #tpu.memory_space<vmem_shared>>
    tpu.enqueue_dma source(%dma_start3A_540 : memref<640xf32, #tpu.memory_space<vmem_shared>>) target(%dma_start3A_539 : memref<640xf32, #tpu.memory_space<vmem>>) target_semaphore(%arg53 : memref<!tpu.dma_semaphore, #tpu.memory_space<semaphore_mem>>)
    %add3A_541 = arith.constant 10240 : i32
    %add3A_542 = arith.addi %add3A_541, %mul3A_52 : i32
    %dma_start3A_543 = arith.constant 640 : i32
    %dma_start3A_544 = tpu.memref_slice %arg48[%dma_start3A_543] : memref<10240xf32, #tpu.memory_space<vmem>> -> memref<640xf32, #tpu.memory_space<vmem>>
    %dma_start3A_545 = tpu.memref_slice %arg52[%add3A_542] : memref<163840xf32, #tpu.memory_space<vmem_shared>> -> memref<640xf32, #tpu.memory_space<vmem_shared>>
    %dma_start3A_546 = arith.constant 640 : i32
    %dma_start3A_547 = tpu.memref_slice %arg48[%dma_start3A_546] : memref<10240xf32, #tpu.memory_space<vmem>> -> memref<640xf32, #tpu.memory_space<vmem>>
    %dma_start3A_548 = tpu.memref_slice %arg52[%add3A_542] : memref<163840xf32, #tpu.memory_space<vmem_shared>> -> memref<640xf32, #tpu.memory_space<vmem_shared>>
    tpu.enqueue_dma source(%dma_start3A_548 : memref<640xf32, #tpu.memory_space<vmem_shared>>) target(%dma_start3A_547 : memref<640xf32, #tpu.memory_space<vmem>>) target_semaphore(%arg53 : memref<!tpu.dma_semaphore, #tpu.memory_space<semaphore_mem>>)
    %add3A_549 = arith.constant 20480 : i32
    %add3A_550 = arith.addi %add3A_549, %mul3A_52 : i32
    %dma_start3A_551 = arith.constant 1280 : i32
    %dma_start3A_552 = tpu.memref_slice %arg48[%dma_start3A_551] : memref<10240xf32, #tpu.memory_space<vmem>> -> memref<640xf32, #tpu.memory_space<vmem>>
    %dma_start3A_553 = tpu.memref_slice %arg52[%add3A_550] : memref<163840xf32, #tpu.memory_space<vmem_shared>> -> memref<640xf32, #tpu.memory_space<vmem_shared>>
    %dma_start3A_554 = arith.constant 1280 : i32
    %dma_start3A_555 = tpu.memref_slice %arg48[%dma_start3A_554] : memref<10240xf32, #tpu.memory_space<vmem>> -> memref<640xf32, #tpu.memory_space<vmem>>
    %dma_start3A_556 = tpu.memref_slice %arg52[%add3A_550] : memref<163840xf32, #tpu.memory_space<vmem_shared>> -> memref<640xf32, #tpu.memory_space<vmem_shared>>
    tpu.enqueue_dma source(%dma_start3A_556 : memref<640xf32, #tpu.memory_space<vmem_shared>>) target(%dma_start3A_555 : memref<640xf32, #tpu.memory_space<vmem>>) target_semaphore(%arg53 : memref<!tpu.dma_semaphore, #tpu.memory_space<semaphore_mem>>)
    %add3A_557 = arith.constant 30720 : i32
    %add3A_558 = arith.addi %add3A_557, %mul3A_52 : i32
    %dma_start3A_559 = arith.constant 1920 : i32
    %dma_start3A_560 = tpu.memref_slice %arg48[%dma_start3A_559] : memref<10240xf32, #tpu.memory_space<vmem>> -> memref<640xf32, #tpu.memory_space<vmem>>
    %dma_start3A_561 = tpu.memref_slice %arg52[%add3A_558] : memref<163840xf32, #tpu.memory_space<vmem_shared>> -> memref<640xf32, #tpu.memory_space<vmem_shared>>
    %dma_start3A_562 = arith.constant 1920 : i32
    %dma_start3A_563 = tpu.memref_slice %arg48[%dma_start3A_562] : memref<10240xf32, #tpu.memory_space<vmem>> -> memref<640xf32, #tpu.memory_space<vmem>>
    %dma_start3A_564 = tpu.memref_slice %arg52[%add3A_558] : memref<163840xf32, #tpu.memory_space<vmem_shared>> -> memref<640xf32, #tpu.memory_space<vmem_shared>>
    tpu.enqueue_dma source(%dma_start3A_564 : memref<640xf32, #tpu.memory_space<vmem_shared>>) target(%dma_start3A_563 : memref<640xf32, #tpu.memory_space<vmem>>) target_semaphore(%arg53 : memref<!tpu.dma_semaphore, #tpu.memory_space<semaphore_mem>>)
    %dma_wait3A_565 = arith.constant 0 : i32
    %dma_wait3A_566 = tpu.memref_slice %arg48[%dma_wait3A_565] : memref<10240xf32, #tpu.memory_space<vmem>> -> memref<640xf32, #tpu.memory_space<vmem>>
    %dma_wait3A_567 = tpu.memref_slice %arg52[%add3A_534] : memref<163840xf32, #tpu.memory_space<vmem_shared>> -> memref<640xf32, #tpu.memory_space<vmem_shared>>
    %dma_wait3A_568 = arith.constant 0 : i32
    %dma_wait3A_569 = tpu.memref_slice %arg48[%dma_wait3A_568] : memref<10240xf32, #tpu.memory_space<vmem>> -> memref<640xf32, #tpu.memory_space<vmem>>
    %dma_wait3A_570 = tpu.memref_slice %arg52[%add3A_534] : memref<163840xf32, #tpu.memory_space<vmem_shared>> -> memref<640xf32, #tpu.memory_space<vmem_shared>>
    tpu.wait_dma2 semaphore(%arg53 : memref<!tpu.dma_semaphore, #tpu.memory_space<semaphore_mem>>) src(%dma_wait3A_570 : memref<640xf32, #tpu.memory_space<vmem_shared>>) dst(%dma_wait3A_569 : memref<640xf32, #tpu.memory_space<vmem>>)
    %dma_wait3A_571 = arith.constant 640 : i32
    %dma_wait3A_572 = tpu.memref_slice %arg48[%dma_wait3A_571] : memref<10240xf32, #tpu.memory_space<vmem>> -> memref<640xf32, #tpu.memory_space<vmem>>
    %dma_wait3A_573 = tpu.memref_slice %arg52[%add3A_542] : memref<163840xf32, #tpu.memory_space<vmem_shared>> -> memref<640xf32, #tpu.memory_space<vmem_shared>>
    %dma_wait3A_574 = arith.constant 640 : i32
    %dma_wait3A_575 = tpu.memref_slice %arg48[%dma_wait3A_574] : memref<10240xf32, #tpu.memory_space<vmem>> -> memref<640xf32, #tpu.memory_space<vmem>>
    %dma_wait3A_576 = tpu.memref_slice %arg52[%add3A_542] : memref<163840xf32, #tpu.memory_space<vmem_shared>> -> memref<640xf32, #tpu.memory_space<vmem_shared>>
    tpu.wait_dma2 semaphore(%arg53 : memref<!tpu.dma_semaphore, #tpu.memory_space<semaphore_mem>>) src(%dma_wait3A_576 : memref<640xf32, #tpu.memory_space<vmem_shared>>) dst(%dma_wait3A_575 : memref<640xf32, #tpu.memory_space<vmem>>)
    %dma_wait3A_577 = arith.constant 1280 : i32
    %dma_wait3A_578 = tpu.memref_slice %arg48[%dma_wait3A_577] : memref<10240xf32, #tpu.memory_space<vmem>> -> memref<640xf32, #tpu.memory_space<vmem>>
    %dma_wait3A_579 = tpu.memref_slice %arg52[%add3A_550] : memref<163840xf32, #tpu.memory_space<vmem_shared>> -> memref<640xf32, #tpu.memory_space<vmem_shared>>
    %dma_wait3A_580 = arith.constant 1280 : i32
    %dma_wait3A_581 = tpu.memref_slice %arg48[%dma_wait3A_580] : memref<10240xf32, #tpu.memory_space<vmem>> -> memref<640xf32, #tpu.memory_space<vmem>>
    %dma_wait3A_582 = tpu.memref_slice %arg52[%add3A_550] : memref<163840xf32, #tpu.memory_space<vmem_shared>> -> memref<640xf32, #tpu.memory_space<vmem_shared>>
    tpu.wait_dma2 semaphore(%arg53 : memref<!tpu.dma_semaphore, #tpu.memory_space<semaphore_mem>>) src(%dma_wait3A_582 : memref<640xf32, #tpu.memory_space<vmem_shared>>) dst(%dma_wait3A_581 : memref<640xf32, #tpu.memory_space<vmem>>)
    %dma_wait3A_583 = arith.constant 1920 : i32
    %dma_wait3A_584 = tpu.memref_slice %arg48[%dma_wait3A_583] : memref<10240xf32, #tpu.memory_space<vmem>> -> memref<640xf32, #tpu.memory_space<vmem>>
    %dma_wait3A_585 = tpu.memref_slice %arg52[%add3A_558] : memref<163840xf32, #tpu.memory_space<vmem_shared>> -> memref<640xf32, #tpu.memory_space<vmem_shared>>
    %dma_wait3A_586 = arith.constant 1920 : i32
    %dma_wait3A_587 = tpu.memref_slice %arg48[%dma_wait3A_586] : memref<10240xf32, #tpu.memory_space<vmem>> -> memref<640xf32, #tpu.memory_space<vmem>>
    %dma_wait3A_588 = tpu.memref_slice %arg52[%add3A_558] : memref<163840xf32, #tpu.memory_space<vmem_shared>> -> memref<640xf32, #tpu.memory_space<vmem_shared>>
    tpu.wait_dma2 semaphore(%arg53 : memref<!tpu.dma_semaphore, #tpu.memory_space<semaphore_mem>>) src(%dma_wait3A_588 : memref<640xf32, #tpu.memory_space<vmem_shared>>) dst(%dma_wait3A_587 : memref<640xf32, #tpu.memory_space<vmem>>)
    %add3A_589 = arith.constant 40960 : i32
    %add3A_590 = arith.addi %add3A_589, %mul3A_52 : i32
    %dma_start3A_591 = arith.constant 2560 : i32
    %dma_start3A_592 = tpu.memref_slice %arg48[%dma_start3A_591] : memref<10240xf32, #tpu.memory_space<vmem>> -> memref<640xf32, #tpu.memory_space<vmem>>
    %dma_start3A_593 = tpu.memref_slice %arg52[%add3A_590] : memref<163840xf32, #tpu.memory_space<vmem_shared>> -> memref<640xf32, #tpu.memory_space<vmem_shared>>
    %dma_start3A_594 = arith.constant 2560 : i32
    %dma_start3A_595 = tpu.memref_slice %arg48[%dma_start3A_594] : memref<10240xf32, #tpu.memory_space<vmem>> -> memref<640xf32, #tpu.memory_space<vmem>>
    %dma_start3A_596 = tpu.memref_slice %arg52[%add3A_590] : memref<163840xf32, #tpu.memory_space<vmem_shared>> -> memref<640xf32, #tpu.memory_space<vmem_shared>>
    tpu.enqueue_dma source(%dma_start3A_596 : memref<640xf32, #tpu.memory_space<vmem_shared>>) target(%dma_start3A_595 : memref<640xf32, #tpu.memory_space<vmem>>) target_semaphore(%arg53 : memref<!tpu.dma_semaphore, #tpu.memory_space<semaphore_mem>>)
    %add3A_597 = arith.constant 51200 : i32
    %add3A_598 = arith.addi %add3A_597, %mul3A_52 : i32
    %dma_start3A_599 = arith.constant 3200 : i32
    %dma_start3A_600 = tpu.memref_slice %arg48[%dma_start3A_599] : memref<10240xf32, #tpu.memory_space<vmem>> -> memref<640xf32, #tpu.memory_space<vmem>>
    %dma_start3A_601 = tpu.memref_slice %arg52[%add3A_598] : memref<163840xf32, #tpu.memory_space<vmem_shared>> -> memref<640xf32, #tpu.memory_space<vmem_shared>>
    %dma_start3A_602 = arith.constant 3200 : i32
    %dma_start3A_603 = tpu.memref_slice %arg48[%dma_start3A_602] : memref<10240xf32, #tpu.memory_space<vmem>> -> memref<640xf32, #tpu.memory_space<vmem>>
    %dma_start3A_604 = tpu.memref_slice %arg52[%add3A_598] : memref<163840xf32, #tpu.memory_space<vmem_shared>> -> memref<640xf32, #tpu.memory_space<vmem_shared>>
    tpu.enqueue_dma source(%dma_start3A_604 : memref<640xf32, #tpu.memory_space<vmem_shared>>) target(%dma_start3A_603 : memref<640xf32, #tpu.memory_space<vmem>>) target_semaphore(%arg53 : memref<!tpu.dma_semaphore, #tpu.memory_space<semaphore_mem>>)
    %add3A_605 = arith.constant 61440 : i32
    %add3A_606 = arith.addi %add3A_605, %mul3A_52 : i32
    %dma_start3A_607 = arith.constant 3840 : i32
    %dma_start3A_608 = tpu.memref_slice %arg48[%dma_start3A_607] : memref<10240xf32, #tpu.memory_space<vmem>> -> memref<640xf32, #tpu.memory_space<vmem>>
    %dma_start3A_609 = tpu.memref_slice %arg52[%add3A_606] : memref<163840xf32, #tpu.memory_space<vmem_shared>> -> memref<640xf32, #tpu.memory_space<vmem_shared>>
    %dma_start3A_610 = arith.constant 3840 : i32
    %dma_start3A_611 = tpu.memref_slice %arg48[%dma_start3A_610] : memref<10240xf32, #tpu.memory_space<vmem>> -> memref<640xf32, #tpu.memory_space<vmem>>
    %dma_start3A_612 = tpu.memref_slice %arg52[%add3A_606] : memref<163840xf32, #tpu.memory_space<vmem_shared>> -> memref<640xf32, #tpu.memory_space<vmem_shared>>
    tpu.enqueue_dma source(%dma_start3A_612 : memref<640xf32, #tpu.memory_space<vmem_shared>>) target(%dma_start3A_611 : memref<640xf32, #tpu.memory_space<vmem>>) target_semaphore(%arg53 : memref<!tpu.dma_semaphore, #tpu.memory_space<semaphore_mem>>)
    %add3A_613 = arith.constant 71680 : i32
    %add3A_614 = arith.addi %add3A_613, %mul3A_52 : i32
    %dma_start3A_615 = arith.constant 4480 : i32
    %dma_start3A_616 = tpu.memref_slice %arg48[%dma_start3A_615] : memref<10240xf32, #tpu.memory_space<vmem>> -> memref<640xf32, #tpu.memory_space<vmem>>
    %dma_start3A_617 = tpu.memref_slice %arg52[%add3A_614] : memref<163840xf32, #tpu.memory_space<vmem_shared>> -> memref<640xf32, #tpu.memory_space<vmem_shared>>
    %dma_start3A_618 = arith.constant 4480 : i32
    %dma_start3A_619 = tpu.memref_slice %arg48[%dma_start3A_618] : memref<10240xf32, #tpu.memory_space<vmem>> -> memref<640xf32, #tpu.memory_space<vmem>>
    %dma_start3A_620 = tpu.memref_slice %arg52[%add3A_614] : memref<163840xf32, #tpu.memory_space<vmem_shared>> -> memref<640xf32, #tpu.memory_space<vmem_shared>>
    tpu.enqueue_dma source(%dma_start3A_620 : memref<640xf32, #tpu.memory_space<vmem_shared>>) target(%dma_start3A_619 : memref<640xf32, #tpu.memory_space<vmem>>) target_semaphore(%arg53 : memref<!tpu.dma_semaphore, #tpu.memory_space<semaphore_mem>>)
    %dma_wait3A_621 = arith.constant 2560 : i32
    %dma_wait3A_622 = tpu.memref_slice %arg48[%dma_wait3A_621] : memref<10240xf32, #tpu.memory_space<vmem>> -> memref<640xf32, #tpu.memory_space<vmem>>
    %dma_wait3A_623 = tpu.memref_slice %arg52[%add3A_590] : memref<163840xf32, #tpu.memory_space<vmem_shared>> -> memref<640xf32, #tpu.memory_space<vmem_shared>>
    %dma_wait3A_624 = arith.constant 2560 : i32
    %dma_wait3A_625 = tpu.memref_slice %arg48[%dma_wait3A_624] : memref<10240xf32, #tpu.memory_space<vmem>> -> memref<640xf32, #tpu.memory_space<vmem>>
    %dma_wait3A_626 = tpu.memref_slice %arg52[%add3A_590] : memref<163840xf32, #tpu.memory_space<vmem_shared>> -> memref<640xf32, #tpu.memory_space<vmem_shared>>
    tpu.wait_dma2 semaphore(%arg53 : memref<!tpu.dma_semaphore, #tpu.memory_space<semaphore_mem>>) src(%dma_wait3A_626 : memref<640xf32, #tpu.memory_space<vmem_shared>>) dst(%dma_wait3A_625 : memref<640xf32, #tpu.memory_space<vmem>>)
    %dma_wait3A_627 = arith.constant 3200 : i32
    %dma_wait3A_628 = tpu.memref_slice %arg48[%dma_wait3A_627] : memref<10240xf32, #tpu.memory_space<vmem>> -> memref<640xf32, #tpu.memory_space<vmem>>
    %dma_wait3A_629 = tpu.memref_slice %arg52[%add3A_598] : memref<163840xf32, #tpu.memory_space<vmem_shared>> -> memref<640xf32, #tpu.memory_space<vmem_shared>>
    %dma_wait3A_630 = arith.constant 3200 : i32
    %dma_wait3A_631 = tpu.memref_slice %arg48[%dma_wait3A_630] : memref<10240xf32, #tpu.memory_space<vmem>> -> memref<640xf32, #tpu.memory_space<vmem>>
    %dma_wait3A_632 = tpu.memref_slice %arg52[%add3A_598] : memref<163840xf32, #tpu.memory_space<vmem_shared>> -> memref<640xf32, #tpu.memory_space<vmem_shared>>
    tpu.wait_dma2 semaphore(%arg53 : memref<!tpu.dma_semaphore, #tpu.memory_space<semaphore_mem>>) src(%dma_wait3A_632 : memref<640xf32, #tpu.memory_space<vmem_shared>>) dst(%dma_wait3A_631 : memref<640xf32, #tpu.memory_space<vmem>>)
    %dma_wait3A_633 = arith.constant 3840 : i32
    %dma_wait3A_634 = tpu.memref_slice %arg48[%dma_wait3A_633] : memref<10240xf32, #tpu.memory_space<vmem>> -> memref<640xf32, #tpu.memory_space<vmem>>
    %dma_wait3A_635 = tpu.memref_slice %arg52[%add3A_606] : memref<163840xf32, #tpu.memory_space<vmem_shared>> -> memref<640xf32, #tpu.memory_space<vmem_shared>>
    %dma_wait3A_636 = arith.constant 3840 : i32
    %dma_wait3A_637 = tpu.memref_slice %arg48[%dma_wait3A_636] : memref<10240xf32, #tpu.memory_space<vmem>> -> memref<640xf32, #tpu.memory_space<vmem>>
    %dma_wait3A_638 = tpu.memref_slice %arg52[%add3A_606] : memref<163840xf32, #tpu.memory_space<vmem_shared>> -> memref<640xf32, #tpu.memory_space<vmem_shared>>
    tpu.wait_dma2 semaphore(%arg53 : memref<!tpu.dma_semaphore, #tpu.memory_space<semaphore_mem>>) src(%dma_wait3A_638 : memref<640xf32, #tpu.memory_space<vmem_shared>>) dst(%dma_wait3A_637 : memref<640xf32, #tpu.memory_space<vmem>>)
    %dma_wait3A_639 = arith.constant 4480 : i32
    %dma_wait3A_640 = tpu.memref_slice %arg48[%dma_wait3A_639] : memref<10240xf32, #tpu.memory_space<vmem>> -> memref<640xf32, #tpu.memory_space<vmem>>
    %dma_wait3A_641 = tpu.memref_slice %arg52[%add3A_614] : memref<163840xf32, #tpu.memory_space<vmem_shared>> -> memref<640xf32, #tpu.memory_space<vmem_shared>>
    %dma_wait3A_642 = arith.constant 4480 : i32
    %dma_wait3A_643 = tpu.memref_slice %arg48[%dma_wait3A_642] : memref<10240xf32, #tpu.memory_space<vmem>> -> memref<640xf32, #tpu.memory_space<vmem>>
    %dma_wait3A_644 = tpu.memref_slice %arg52[%add3A_614] : memref<163840xf32, #tpu.memory_space<vmem_shared>> -> memref<640xf32, #tpu.memory_space<vmem_shared>>
    tpu.wait_dma2 semaphore(%arg53 : memref<!tpu.dma_semaphore, #tpu.memory_space<semaphore_mem>>) src(%dma_wait3A_644 : memref<640xf32, #tpu.memory_space<vmem_shared>>) dst(%dma_wait3A_643 : memref<640xf32, #tpu.memory_space<vmem>>)
    %add3A_645 = arith.constant 81920 : i32
    %add3A_646 = arith.addi %add3A_645, %mul3A_52 : i32
    %dma_start3A_647 = arith.constant 5120 : i32
    %dma_start3A_648 = tpu.memref_slice %arg48[%dma_start3A_647] : memref<10240xf32, #tpu.memory_space<vmem>> -> memref<640xf32, #tpu.memory_space<vmem>>
    %dma_start3A_649 = tpu.memref_slice %arg52[%add3A_646] : memref<163840xf32, #tpu.memory_space<vmem_shared>> -> memref<640xf32, #tpu.memory_space<vmem_shared>>
    %dma_start3A_650 = arith.constant 5120 : i32
    %dma_start3A_651 = tpu.memref_slice %arg48[%dma_start3A_650] : memref<10240xf32, #tpu.memory_space<vmem>> -> memref<640xf32, #tpu.memory_space<vmem>>
    %dma_start3A_652 = tpu.memref_slice %arg52[%add3A_646] : memref<163840xf32, #tpu.memory_space<vmem_shared>> -> memref<640xf32, #tpu.memory_space<vmem_shared>>
    tpu.enqueue_dma source(%dma_start3A_652 : memref<640xf32, #tpu.memory_space<vmem_shared>>) target(%dma_start3A_651 : memref<640xf32, #tpu.memory_space<vmem>>) target_semaphore(%arg53 : memref<!tpu.dma_semaphore, #tpu.memory_space<semaphore_mem>>)
    %add3A_653 = arith.constant 92160 : i32
    %add3A_654 = arith.addi %add3A_653, %mul3A_52 : i32
    %dma_start3A_655 = arith.constant 5760 : i32
    %dma_start3A_656 = tpu.memref_slice %arg48[%dma_start3A_655] : memref<10240xf32, #tpu.memory_space<vmem>> -> memref<640xf32, #tpu.memory_space<vmem>>
    %dma_start3A_657 = tpu.memref_slice %arg52[%add3A_654] : memref<163840xf32, #tpu.memory_space<vmem_shared>> -> memref<640xf32, #tpu.memory_space<vmem_shared>>
    %dma_start3A_658 = arith.constant 5760 : i32
    %dma_start3A_659 = tpu.memref_slice %arg48[%dma_start3A_658] : memref<10240xf32, #tpu.memory_space<vmem>> -> memref<640xf32, #tpu.memory_space<vmem>>
    %dma_start3A_660 = tpu.memref_slice %arg52[%add3A_654] : memref<163840xf32, #tpu.memory_space<vmem_shared>> -> memref<640xf32, #tpu.memory_space<vmem_shared>>
    tpu.enqueue_dma source(%dma_start3A_660 : memref<640xf32, #tpu.memory_space<vmem_shared>>) target(%dma_start3A_659 : memref<640xf32, #tpu.memory_space<vmem>>) target_semaphore(%arg53 : memref<!tpu.dma_semaphore, #tpu.memory_space<semaphore_mem>>)
    %add3A_661 = arith.constant 102400 : i32
    %add3A_662 = arith.addi %add3A_661, %mul3A_52 : i32
    %dma_start3A_663 = arith.constant 6400 : i32
    %dma_start3A_664 = tpu.memref_slice %arg48[%dma_start3A_663] : memref<10240xf32, #tpu.memory_space<vmem>> -> memref<640xf32, #tpu.memory_space<vmem>>
    %dma_start3A_665 = tpu.memref_slice %arg52[%add3A_662] : memref<163840xf32, #tpu.memory_space<vmem_shared>> -> memref<640xf32, #tpu.memory_space<vmem_shared>>
    %dma_start3A_666 = arith.constant 6400 : i32
    %dma_start3A_667 = tpu.memref_slice %arg48[%dma_start3A_666] : memref<10240xf32, #tpu.memory_space<vmem>> -> memref<640xf32, #tpu.memory_space<vmem>>
    %dma_start3A_668 = tpu.memref_slice %arg52[%add3A_662] : memref<163840xf32, #tpu.memory_space<vmem_shared>> -> memref<640xf32, #tpu.memory_space<vmem_shared>>
    tpu.enqueue_dma source(%dma_start3A_668 : memref<640xf32, #tpu.memory_space<vmem_shared>>) target(%dma_start3A_667 : memref<640xf32, #tpu.memory_space<vmem>>) target_semaphore(%arg53 : memref<!tpu.dma_semaphore, #tpu.memory_space<semaphore_mem>>)
    %add3A_669 = arith.constant 112640 : i32
    %add3A_670 = arith.addi %add3A_669, %mul3A_52 : i32
    %dma_start3A_671 = arith.constant 7040 : i32
    %dma_start3A_672 = tpu.memref_slice %arg48[%dma_start3A_671] : memref<10240xf32, #tpu.memory_space<vmem>> -> memref<640xf32, #tpu.memory_space<vmem>>
    %dma_start3A_673 = tpu.memref_slice %arg52[%add3A_670] : memref<163840xf32, #tpu.memory_space<vmem_shared>> -> memref<640xf32, #tpu.memory_space<vmem_shared>>
    %dma_start3A_674 = arith.constant 7040 : i32
    %dma_start3A_675 = tpu.memref_slice %arg48[%dma_start3A_674] : memref<10240xf32, #tpu.memory_space<vmem>> -> memref<640xf32, #tpu.memory_space<vmem>>
    %dma_start3A_676 = tpu.memref_slice %arg52[%add3A_670] : memref<163840xf32, #tpu.memory_space<vmem_shared>> -> memref<640xf32, #tpu.memory_space<vmem_shared>>
    tpu.enqueue_dma source(%dma_start3A_676 : memref<640xf32, #tpu.memory_space<vmem_shared>>) target(%dma_start3A_675 : memref<640xf32, #tpu.memory_space<vmem>>) target_semaphore(%arg53 : memref<!tpu.dma_semaphore, #tpu.memory_space<semaphore_mem>>)
    %dma_wait3A_677 = arith.constant 5120 : i32
    %dma_wait3A_678 = tpu.memref_slice %arg48[%dma_wait3A_677] : memref<10240xf32, #tpu.memory_space<vmem>> -> memref<640xf32, #tpu.memory_space<vmem>>
    %dma_wait3A_679 = tpu.memref_slice %arg52[%add3A_646] : memref<163840xf32, #tpu.memory_space<vmem_shared>> -> memref<640xf32, #tpu.memory_space<vmem_shared>>
    %dma_wait3A_680 = arith.constant 5120 : i32
    %dma_wait3A_681 = tpu.memref_slice %arg48[%dma_wait3A_680] : memref<10240xf32, #tpu.memory_space<vmem>> -> memref<640xf32, #tpu.memory_space<vmem>>
    %dma_wait3A_682 = tpu.memref_slice %arg52[%add3A_646] : memref<163840xf32, #tpu.memory_space<vmem_shared>> -> memref<640xf32, #tpu.memory_space<vmem_shared>>
    tpu.wait_dma2 semaphore(%arg53 : memref<!tpu.dma_semaphore, #tpu.memory_space<semaphore_mem>>) src(%dma_wait3A_682 : memref<640xf32, #tpu.memory_space<vmem_shared>>) dst(%dma_wait3A_681 : memref<640xf32, #tpu.memory_space<vmem>>)
    %dma_wait3A_683 = arith.constant 5760 : i32
    %dma_wait3A_684 = tpu.memref_slice %arg48[%dma_wait3A_683] : memref<10240xf32, #tpu.memory_space<vmem>> -> memref<640xf32, #tpu.memory_space<vmem>>
    %dma_wait3A_685 = tpu.memref_slice %arg52[%add3A_654] : memref<163840xf32, #tpu.memory_space<vmem_shared>> -> memref<640xf32, #tpu.memory_space<vmem_shared>>
    %dma_wait3A_686 = arith.constant 5760 : i32
    %dma_wait3A_687 = tpu.memref_slice %arg48[%dma_wait3A_686] : memref<10240xf32, #tpu.memory_space<vmem>> -> memref<640xf32, #tpu.memory_space<vmem>>
    %dma_wait3A_688 = tpu.memref_slice %arg52[%add3A_654] : memref<163840xf32, #tpu.memory_space<vmem_shared>> -> memref<640xf32, #tpu.memory_space<vmem_shared>>
    tpu.wait_dma2 semaphore(%arg53 : memref<!tpu.dma_semaphore, #tpu.memory_space<semaphore_mem>>) src(%dma_wait3A_688 : memref<640xf32, #tpu.memory_space<vmem_shared>>) dst(%dma_wait3A_687 : memref<640xf32, #tpu.memory_space<vmem>>)
    %dma_wait3A_689 = arith.constant 6400 : i32
    %dma_wait3A_690 = tpu.memref_slice %arg48[%dma_wait3A_689] : memref<10240xf32, #tpu.memory_space<vmem>> -> memref<640xf32, #tpu.memory_space<vmem>>
    %dma_wait3A_691 = tpu.memref_slice %arg52[%add3A_662] : memref<163840xf32, #tpu.memory_space<vmem_shared>> -> memref<640xf32, #tpu.memory_space<vmem_shared>>
    %dma_wait3A_692 = arith.constant 6400 : i32
    %dma_wait3A_693 = tpu.memref_slice %arg48[%dma_wait3A_692] : memref<10240xf32, #tpu.memory_space<vmem>> -> memref<640xf32, #tpu.memory_space<vmem>>
    %dma_wait3A_694 = tpu.memref_slice %arg52[%add3A_662] : memref<163840xf32, #tpu.memory_space<vmem_shared>> -> memref<640xf32, #tpu.memory_space<vmem_shared>>
    tpu.wait_dma2 semaphore(%arg53 : memref<!tpu.dma_semaphore, #tpu.memory_space<semaphore_mem>>) src(%dma_wait3A_694 : memref<640xf32, #tpu.memory_space<vmem_shared>>) dst(%dma_wait3A_693 : memref<640xf32, #tpu.memory_space<vmem>>)
    %dma_wait3A_695 = arith.constant 7040 : i32
    %dma_wait3A_696 = tpu.memref_slice %arg48[%dma_wait3A_695] : memref<10240xf32, #tpu.memory_space<vmem>> -> memref<640xf32, #tpu.memory_space<vmem>>
    %dma_wait3A_697 = tpu.memref_slice %arg52[%add3A_670] : memref<163840xf32, #tpu.memory_space<vmem_shared>> -> memref<640xf32, #tpu.memory_space<vmem_shared>>
    %dma_wait3A_698 = arith.constant 7040 : i32
    %dma_wait3A_699 = tpu.memref_slice %arg48[%dma_wait3A_698] : memref<10240xf32, #tpu.memory_space<vmem>> -> memref<640xf32, #tpu.memory_space<vmem>>
    %dma_wait3A_700 = tpu.memref_slice %arg52[%add3A_670] : memref<163840xf32, #tpu.memory_space<vmem_shared>> -> memref<640xf32, #tpu.memory_space<vmem_shared>>
    tpu.wait_dma2 semaphore(%arg53 : memref<!tpu.dma_semaphore, #tpu.memory_space<semaphore_mem>>) src(%dma_wait3A_700 : memref<640xf32, #tpu.memory_space<vmem_shared>>) dst(%dma_wait3A_699 : memref<640xf32, #tpu.memory_space<vmem>>)
    %add3A_701 = arith.constant 122880 : i32
    %add3A_702 = arith.addi %add3A_701, %mul3A_52 : i32
    %dma_start3A_703 = arith.constant 7680 : i32
    %dma_start3A_704 = tpu.memref_slice %arg48[%dma_start3A_703] : memref<10240xf32, #tpu.memory_space<vmem>> -> memref<640xf32, #tpu.memory_space<vmem>>
    %dma_start3A_705 = tpu.memref_slice %arg52[%add3A_702] : memref<163840xf32, #tpu.memory_space<vmem_shared>> -> memref<640xf32, #tpu.memory_space<vmem_shared>>
    %dma_start3A_706 = arith.constant 7680 : i32
    %dma_start3A_707 = tpu.memref_slice %arg48[%dma_start3A_706] : memref<10240xf32, #tpu.memory_space<vmem>> -> memref<640xf32, #tpu.memory_space<vmem>>
    %dma_start3A_708 = tpu.memref_slice %arg52[%add3A_702] : memref<163840xf32, #tpu.memory_space<vmem_shared>> -> memref<640xf32, #tpu.memory_space<vmem_shared>>
    tpu.enqueue_dma source(%dma_start3A_708 : memref<640xf32, #tpu.memory_space<vmem_shared>>) target(%dma_start3A_707 : memref<640xf32, #tpu.memory_space<vmem>>) target_semaphore(%arg53 : memref<!tpu.dma_semaphore, #tpu.memory_space<semaphore_mem>>)
    %add3A_709 = arith.constant 133120 : i32
    %add3A_710 = arith.addi %add3A_709, %mul3A_52 : i32
    %dma_start3A_711 = arith.constant 8320 : i32
    %dma_start3A_712 = tpu.memref_slice %arg48[%dma_start3A_711] : memref<10240xf32, #tpu.memory_space<vmem>> -> memref<640xf32, #tpu.memory_space<vmem>>
    %dma_start3A_713 = tpu.memref_slice %arg52[%add3A_710] : memref<163840xf32, #tpu.memory_space<vmem_shared>> -> memref<640xf32, #tpu.memory_space<vmem_shared>>
    %dma_start3A_714 = arith.constant 8320 : i32
    %dma_start3A_715 = tpu.memref_slice %arg48[%dma_start3A_714] : memref<10240xf32, #tpu.memory_space<vmem>> -> memref<640xf32, #tpu.memory_space<vmem>>
    %dma_start3A_716 = tpu.memref_slice %arg52[%add3A_710] : memref<163840xf32, #tpu.memory_space<vmem_shared>> -> memref<640xf32, #tpu.memory_space<vmem_shared>>
    tpu.enqueue_dma source(%dma_start3A_716 : memref<640xf32, #tpu.memory_space<vmem_shared>>) target(%dma_start3A_715 : memref<640xf32, #tpu.memory_space<vmem>>) target_semaphore(%arg53 : memref<!tpu.dma_semaphore, #tpu.memory_space<semaphore_mem>>)
    %add3A_717 = arith.constant 143360 : i32
    %add3A_718 = arith.addi %add3A_717, %mul3A_52 : i32
    %dma_start3A_719 = arith.constant 8960 : i32
    %dma_start3A_720 = tpu.memref_slice %arg48[%dma_start3A_719] : memref<10240xf32, #tpu.memory_space<vmem>> -> memref<640xf32, #tpu.memory_space<vmem>>
    %dma_start3A_721 = tpu.memref_slice %arg52[%add3A_718] : memref<163840xf32, #tpu.memory_space<vmem_shared>> -> memref<640xf32, #tpu.memory_space<vmem_shared>>
    %dma_start3A_722 = arith.constant 8960 : i32
    %dma_start3A_723 = tpu.memref_slice %arg48[%dma_start3A_722] : memref<10240xf32, #tpu.memory_space<vmem>> -> memref<640xf32, #tpu.memory_space<vmem>>
    %dma_start3A_724 = tpu.memref_slice %arg52[%add3A_718] : memref<163840xf32, #tpu.memory_space<vmem_shared>> -> memref<640xf32, #tpu.memory_space<vmem_shared>>
    tpu.enqueue_dma source(%dma_start3A_724 : memref<640xf32, #tpu.memory_space<vmem_shared>>) target(%dma_start3A_723 : memref<640xf32, #tpu.memory_space<vmem>>) target_semaphore(%arg53 : memref<!tpu.dma_semaphore, #tpu.memory_space<semaphore_mem>>)
    %add3A_725 = arith.constant 153600 : i32
    %add3A_726 = arith.addi %add3A_725, %mul3A_52 : i32
    %dma_start3A_727 = arith.constant 9600 : i32
    %dma_start3A_728 = tpu.memref_slice %arg48[%dma_start3A_727] : memref<10240xf32, #tpu.memory_space<vmem>> -> memref<640xf32, #tpu.memory_space<vmem>>
    %dma_start3A_729 = tpu.memref_slice %arg52[%add3A_726] : memref<163840xf32, #tpu.memory_space<vmem_shared>> -> memref<640xf32, #tpu.memory_space<vmem_shared>>
    %dma_start3A_730 = arith.constant 9600 : i32
    %dma_start3A_731 = tpu.memref_slice %arg48[%dma_start3A_730] : memref<10240xf32, #tpu.memory_space<vmem>> -> memref<640xf32, #tpu.memory_space<vmem>>
    %dma_start3A_732 = tpu.memref_slice %arg52[%add3A_726] : memref<163840xf32, #tpu.memory_space<vmem_shared>> -> memref<640xf32, #tpu.memory_space<vmem_shared>>
    tpu.enqueue_dma source(%dma_start3A_732 : memref<640xf32, #tpu.memory_space<vmem_shared>>) target(%dma_start3A_731 : memref<640xf32, #tpu.memory_space<vmem>>) target_semaphore(%arg53 : memref<!tpu.dma_semaphore, #tpu.memory_space<semaphore_mem>>)
    %dma_wait3A_733 = arith.constant 7680 : i32
    %dma_wait3A_734 = tpu.memref_slice %arg48[%dma_wait3A_733] : memref<10240xf32, #tpu.memory_space<vmem>> -> memref<640xf32, #tpu.memory_space<vmem>>
    %dma_wait3A_735 = tpu.memref_slice %arg52[%add3A_702] : memref<163840xf32, #tpu.memory_space<vmem_shared>> -> memref<640xf32, #tpu.memory_space<vmem_shared>>
    %dma_wait3A_736 = arith.constant 7680 : i32
    %dma_wait3A_737 = tpu.memref_slice %arg48[%dma_wait3A_736] : memref<10240xf32, #tpu.memory_space<vmem>> -> memref<640xf32, #tpu.memory_space<vmem>>
    %dma_wait3A_738 = tpu.memref_slice %arg52[%add3A_702] : memref<163840xf32, #tpu.memory_space<vmem_shared>> -> memref<640xf32, #tpu.memory_space<vmem_shared>>
    tpu.wait_dma2 semaphore(%arg53 : memref<!tpu.dma_semaphore, #tpu.memory_space<semaphore_mem>>) src(%dma_wait3A_738 : memref<640xf32, #tpu.memory_space<vmem_shared>>) dst(%dma_wait3A_737 : memref<640xf32, #tpu.memory_space<vmem>>)
    %dma_wait3A_739 = arith.constant 8320 : i32
    %dma_wait3A_740 = tpu.memref_slice %arg48[%dma_wait3A_739] : memref<10240xf32, #tpu.memory_space<vmem>> -> memref<640xf32, #tpu.memory_space<vmem>>
    %dma_wait3A_741 = tpu.memref_slice %arg52[%add3A_710] : memref<163840xf32, #tpu.memory_space<vmem_shared>> -> memref<640xf32, #tpu.memory_space<vmem_shared>>
    %dma_wait3A_742 = arith.constant 8320 : i32
    %dma_wait3A_743 = tpu.memref_slice %arg48[%dma_wait3A_742] : memref<10240xf32, #tpu.memory_space<vmem>> -> memref<640xf32, #tpu.memory_space<vmem>>
    %dma_wait3A_744 = tpu.memref_slice %arg52[%add3A_710] : memref<163840xf32, #tpu.memory_space<vmem_shared>> -> memref<640xf32, #tpu.memory_space<vmem_shared>>
    tpu.wait_dma2 semaphore(%arg53 : memref<!tpu.dma_semaphore, #tpu.memory_space<semaphore_mem>>) src(%dma_wait3A_744 : memref<640xf32, #tpu.memory_space<vmem_shared>>) dst(%dma_wait3A_743 : memref<640xf32, #tpu.memory_space<vmem>>)
    %dma_wait3A_745 = arith.constant 8960 : i32
    %dma_wait3A_746 = tpu.memref_slice %arg48[%dma_wait3A_745] : memref<10240xf32, #tpu.memory_space<vmem>> -> memref<640xf32, #tpu.memory_space<vmem>>
    %dma_wait3A_747 = tpu.memref_slice %arg52[%add3A_718] : memref<163840xf32, #tpu.memory_space<vmem_shared>> -> memref<640xf32, #tpu.memory_space<vmem_shared>>
    %dma_wait3A_748 = arith.constant 8960 : i32
    %dma_wait3A_749 = tpu.memref_slice %arg48[%dma_wait3A_748] : memref<10240xf32, #tpu.memory_space<vmem>> -> memref<640xf32, #tpu.memory_space<vmem>>
    %dma_wait3A_750 = tpu.memref_slice %arg52[%add3A_718] : memref<163840xf32, #tpu.memory_space<vmem_shared>> -> memref<640xf32, #tpu.memory_space<vmem_shared>>
    tpu.wait_dma2 semaphore(%arg53 : memref<!tpu.dma_semaphore, #tpu.memory_space<semaphore_mem>>) src(%dma_wait3A_750 : memref<640xf32, #tpu.memory_space<vmem_shared>>) dst(%dma_wait3A_749 : memref<640xf32, #tpu.memory_space<vmem>>)
    %dma_wait3A_751 = arith.constant 9600 : i32
    %dma_wait3A_752 = tpu.memref_slice %arg48[%dma_wait3A_751] : memref<10240xf32, #tpu.memory_space<vmem>> -> memref<640xf32, #tpu.memory_space<vmem>>
    %dma_wait3A_753 = tpu.memref_slice %arg52[%add3A_726] : memref<163840xf32, #tpu.memory_space<vmem_shared>> -> memref<640xf32, #tpu.memory_space<vmem_shared>>
    %dma_wait3A_754 = arith.constant 9600 : i32
    %dma_wait3A_755 = tpu.memref_slice %arg48[%dma_wait3A_754] : memref<10240xf32, #tpu.memory_space<vmem>> -> memref<640xf32, #tpu.memory_space<vmem>>
    %dma_wait3A_756 = tpu.memref_slice %arg52[%add3A_726] : memref<163840xf32, #tpu.memory_space<vmem_shared>> -> memref<640xf32, #tpu.memory_space<vmem_shared>>
    tpu.wait_dma2 semaphore(%arg53 : memref<!tpu.dma_semaphore, #tpu.memory_space<semaphore_mem>>) src(%dma_wait3A_756 : memref<640xf32, #tpu.memory_space<vmem_shared>>) dst(%dma_wait3A_755 : memref<640xf32, #tpu.memory_space<vmem>>)
    %scan3A_757 = arith.constant 0 : i32
    %scan3A_758 = arith.constant 0 : i32
    %scan3A_759 = arith.constant 40 : i32
    %scan3A_760 = arith.addi %scan3A_758, %scan3A_759 : i32
    %scan3A_761 = arith.constant 1 : i32
    %scan3A_762 = scf.for %scan3A_770 = %scan3A_758 to %scan3A_760 step %scan3A_761 iter_args(%scan3A_771 = %scan3A_757) -> (i32)  : i32 {
      %mul3A_772 = arith.constant 16 : i32
      %mul3A_773 = arith.muli %scan3A_770, %mul3A_772 : i32
      %get3A = arith.index_cast %mul3A_773 : i32 to index
      %get3A_774 = tpu.vector_load %arg48[%get3A] {strides = array<i32>} : memref<10240xf32, #tpu.memory_space<vmem>>, vector<16xf32>,
      %add3A_775 = arith.constant 640 : i32
      %add3A_776 = arith.addi %add3A_775, %mul3A_773 : i32
      %get3A_777 = arith.index_cast %add3A_776 : i32 to index
      %get3A_778 = tpu.vector_load %arg48[%get3A_777] {strides = array<i32>} : memref<10240xf32, #tpu.memory_space<vmem>>, vector<16xf32>,
      %add3A_779 = arith.addf %get3A_774, %get3A_778 : vector<16xf32>
      %add3A_780 = arith.constant 1280 : i32
      %add3A_781 = arith.addi %add3A_780, %mul3A_773 : i32
      %get3A_782 = arith.index_cast %add3A_781 : i32 to index
      %get3A_783 = tpu.vector_load %arg48[%get3A_782] {strides = array<i32>} : memref<10240xf32, #tpu.memory_space<vmem>>, vector<16xf32>,
      %add3A_784 = arith.addf %add3A_779, %get3A_783 : vector<16xf32>
      %add3A_785 = arith.constant 1920 : i32
      %add3A_786 = arith.addi %add3A_785, %mul3A_773 : i32
      %get3A_787 = arith.index_cast %add3A_786 : i32 to index
      %get3A_788 = tpu.vector_load %arg48[%get3A_787] {strides = array<i32>} : memref<10240xf32, #tpu.memory_space<vmem>>, vector<16xf32>,
      %add3A_789 = arith.addf %add3A_784, %get3A_788 : vector<16xf32>
      %add3A_790 = arith.constant 2560 : i32
      %add3A_791 = arith.addi %add3A_790, %mul3A_773 : i32
      %get3A_792 = arith.index_cast %add3A_791 : i32 to index
      %get3A_793 = tpu.vector_load %arg48[%get3A_792] {strides = array<i32>} : memref<10240xf32, #tpu.memory_space<vmem>>, vector<16xf32>,
      %add3A_794 = arith.addf %add3A_789, %get3A_793 : vector<16xf32>
      %add3A_795 = arith.constant 3200 : i32
      %add3A_796 = arith.addi %add3A_795, %mul3A_773 : i32
      %get3A_797 = arith.index_cast %add3A_796 : i32 to index
      %get3A_798 = tpu.vector_load %arg48[%get3A_797] {strides = array<i32>} : memref<10240xf32, #tpu.memory_space<vmem>>, vector<16xf32>,
      %add3A_799 = arith.addf %add3A_794, %get3A_798 : vector<16xf32>
      %add3A_800 = arith.constant 3840 : i32
      %add3A_801 = arith.addi %add3A_800, %mul3A_773 : i32
      %get3A_802 = arith.index_cast %add3A_801 : i32 to index
      %get3A_803 = tpu.vector_load %arg48[%get3A_802] {strides = array<i32>} : memref<10240xf32, #tpu.memory_space<vmem>>, vector<16xf32>,
      %add3A_804 = arith.addf %add3A_799, %get3A_803 : vector<16xf32>
      %add3A_805 = arith.constant 4480 : i32
      %add3A_806 = arith.addi %add3A_805, %mul3A_773 : i32
      %get3A_807 = arith.index_cast %add3A_806 : i32 to index
      %get3A_808 = tpu.vector_load %arg48[%get3A_807] {strides = array<i32>} : memref<10240xf32, #tpu.memory_space<vmem>>, vector<16xf32>,
      %add3A_809 = arith.addf %add3A_804, %get3A_808 : vector<16xf32>
      %add3A_810 = arith.constant 5120 : i32
      %add3A_811 = arith.addi %add3A_810, %mul3A_773 : i32
      %get3A_812 = arith.index_cast %add3A_811 : i32 to index
      %get3A_813 = tpu.vector_load %arg48[%get3A_812] {strides = array<i32>} : memref<10240xf32, #tpu.memory_space<vmem>>, vector<16xf32>,
      %add3A_814 = arith.addf %add3A_809, %get3A_813 : vector<16xf32>
      %add3A_815 = arith.constant 5760 : i32
      %add3A_816 = arith.addi %add3A_815, %mul3A_773 : i32
      %get3A_817 = arith.index_cast %add3A_816 : i32 to index
      %get3A_818 = tpu.vector_load %arg48[%get3A_817] {strides = array<i32>} : memref<10240xf32, #tpu.memory_space<vmem>>, vector<16xf32>,
      %add3A_819 = arith.addf %add3A_814, %get3A_818 : vector<16xf32>
      %add3A_820 = arith.constant 6400 : i32
      %add3A_821 = arith.addi %add3A_820, %mul3A_773 : i32
      %get3A_822 = arith.index_cast %add3A_821 : i32 to index
      %get3A_823 = tpu.vector_load %arg48[%get3A_822] {strides = array<i32>} : memref<10240xf32, #tpu.memory_space<vmem>>, vector<16xf32>,
      %add3A_824 = arith.addf %add3A_819, %get3A_823 : vector<16xf32>
      %add3A_825 = arith.constant 7040 : i32
      %add3A_826 = arith.addi %add3A_825, %mul3A_773 : i32
      %get3A_827 = arith.index_cast %add3A_826 : i32 to index
      %get3A_828 = tpu.vector_load %arg48[%get3A_827] {strides = array<i32>} : memref<10240xf32, #tpu.memory_space<vmem>>, vector<16xf32>,
      %add3A_829 = arith.addf %add3A_824, %get3A_828 : vector<16xf32>
      %add3A_830 = arith.constant 7680 : i32
      %add3A_831 = arith.addi %add3A_830, %mul3A_773 : i32
      %get3A_832 = arith.index_cast %add3A_831 : i32 to index
      %get3A_833 = tpu.vector_load %arg48[%get3A_832] {strides = array<i32>} : memref<10240xf32, #tpu.memory_space<vmem>>, vector<16xf32>,
      %add3A_834 = arith.addf %add3A_829, %get3A_833 : vector<16xf32>
      %add3A_835 = arith.constant 8320 : i32
      %add3A_836 = arith.addi %add3A_835, %mul3A_773 : i32
      %get3A_837 = arith.index_cast %add3A_836 : i32 to index
      %get3A_838 = tpu.vector_load %arg48[%get3A_837] {strides = array<i32>} : memref<10240xf32, #tpu.memory_space<vmem>>, vector<16xf32>,
      %add3A_839 = arith.addf %add3A_834, %get3A_838 : vector<16xf32>
      %add3A_840 = arith.constant 8960 : i32
      %add3A_841 = arith.addi %add3A_840, %mul3A_773 : i32
      %get3A_842 = arith.index_cast %add3A_841 : i32 to index
      %get3A_843 = tpu.vector_load %arg48[%get3A_842] {strides = array<i32>} : memref<10240xf32, #tpu.memory_space<vmem>>, vector<16xf32>,
      %add3A_844 = arith.addf %add3A_839, %get3A_843 : vector<16xf32>
      %add3A_845 = arith.constant 9600 : i32
      %add3A_846 = arith.addi %add3A_845, %mul3A_773 : i32
      %get3A_847 = arith.index_cast %add3A_846 : i32 to index
      %get3A_848 = tpu.vector_load %arg48[%get3A_847] {strides = array<i32>} : memref<10240xf32, #tpu.memory_space<vmem>>, vector<16xf32>,
      %add3A_849 = arith.addf %add3A_844, %get3A_848 : vector<16xf32>
      %swap3A = arith.index_cast %mul3A_773 : i32 to index
      %swap3A_850 = tpu.vector_load %arg47[%swap3A] {strides = array<i32>} : memref<640xf32, #tpu.memory_space<vmem>>, vector<16xf32>,
      tpu.vector_store %arg47[%swap3A], %add3A_849 {strides = array<i32>} : memref<640xf32, #tpu.memory_space<vmem>>, vector<16xf32>,
      %scan3A_851 = arith.constant 0 : i32
      scf.yield %scan3A_851 : i32
    }
    %scan3A_763 = arith.constant 40 : i32
    %add3A_764 = arith.constant 20480 : i32
    %add3A_765 = arith.addi %mul3A_54, %add3A_764 : i32
    %add3A_766 = arith.addi %add3A_765, %mul3A_52 : i32
    "tpu.region"() ({
      %run_scoped3A = tpu.sem_alloc : memref<!tpu.dma_semaphore, #tpu.memory_space<semaphore_mem>>
      %dma_start3A_770 = tpu.memref_slice %arg16[%add3A_766] : memref<61440xf32, #tpu.memory_space<hbm>> -> memref<640xf32, #tpu.memory_space<hbm>>
      %dma_start3A_771 = tpu.memref_slice %arg16[%add3A_766] : memref<61440xf32, #tpu.memory_space<hbm>> -> memref<640xf32, #tpu.memory_space<hbm>>
      tpu.enqueue_dma source(%arg47 : memref<640xf32, #tpu.memory_space<vmem>>) target(%dma_start3A_771 : memref<640xf32, #tpu.memory_space<hbm>>) target_semaphore(%run_scoped3A : memref<!tpu.dma_semaphore, #tpu.memory_space<semaphore_mem>>)
      %dma_wait3A_772 = tpu.memref_slice %arg16[%add3A_766] : memref<61440xf32, #tpu.memory_space<hbm>> -> memref<640xf32, #tpu.memory_space<hbm>>
      %dma_wait3A_773 = tpu.memref_slice %arg16[%add3A_766] : memref<61440xf32, #tpu.memory_space<hbm>> -> memref<640xf32, #tpu.memory_space<hbm>>
      tpu.wait_dma2 semaphore(%run_scoped3A : memref<!tpu.dma_semaphore, #tpu.memory_space<semaphore_mem>>) src(%arg47 : memref<640xf32, #tpu.memory_space<vmem>>) dst(%dma_wait3A_773 : memref<640xf32, #tpu.memory_space<hbm>>)
      tpu.yield
    }) : () -> ()
    %barrier3A_767 = arith.constant 0 : index
    tpu.barrier barrier_id(%barrier3A_767)
    %eq3A = arith.constant 31 : i32
    %eq3A_768 = arith.cmpi eq, %add3A, %eq3A : i32
    %convert_element_type3A = arith.extui %eq3A_768 : i1 to i32
    %cond3A = arith.constant 0 : i32
    %cond3A_769 = arith.cmpi ne, %convert_element_type3A, %cond3A : i32
    scf.if %cond3A_769 {
      "tpu.region"() ({
        %run_scoped3A = tpu.sem_alloc : memref<!tpu.dma_semaphore, #tpu.memory_space<semaphore_mem>>
        tpu.enqueue_dma source(%arg46 : memref<16xf32, #tpu.memory_space<vmem>>) target(%arg17 : memref<16xf32, #tpu.memory_space<hbm>>) target_semaphore(%run_scoped3A : memref<!tpu.dma_semaphore, #tpu.memory_space<semaphore_mem>>)
        tpu.wait_dma2 semaphore(%run_scoped3A : memref<!tpu.dma_semaphore, #tpu.memory_space<semaphore_mem>>) src(%arg46 : memref<16xf32, #tpu.memory_space<vmem>>) dst(%arg17 : memref<16xf32, #tpu.memory_space<hbm>>)
        tpu.yield
      }) : () -> ()
    } else {
    }
    return
  }
}

</mosaic_0001>

<sc_bundles>
// kernel: kernel.3.cloned.1.call-start
scs
__scs_entry_jumppad:
0x0: {  	(pc) =	sbr.rel $0x88, $3  }
0x1: {  	(tag) =	ssettag $0x0;
	lr =	simm.s32 $0x1  }
0x2: {  	[smem:$0x3F94] =	sst lr;
	_ =	strace $0xD0000000  }
0x3: {  	_ = 	snop  }
0x4: {  	_ = 	snop  }
0x5: {  	_ = 	snop  }
0x6: {  	_ = 	snop  }
0x7: {  	_ = 	snop  }
__scs_overlays_trampoline_lowered:
0x8: {  	[smem:$0x3FA3] =	sst s0  }
0x9: {  	[smem:$0x3FA4] =	sst s1  }
0xa: {  	[smem:$0x3FA5] =	sst s2  }
0xb: {  	[smem:$0x3FA6] =	sst s3  }
0xc: {  	[smem:$0x3FA7] =	sst s4  }
0xd: {  	[smem:$0x3FA8] =	sst s5  }
0xe: {  	[smem:$0x3FA9] =	sst s6  }
0xf: {  	[smem:$0x3FAA] =	sst s7  }
0x10: {  	[smem:$0x3FAB] =	sst s8  }
0x11: {  	[smem:$0x3FAC] =	sst s9;
	s0 =	simm.s32 @!p0 $0x0  }
0x12: {  	s1 =	sld [smem:$0x3F92];
	s0 =	simm.s32 @p0 $0x1  }
0x13: {  	[smem:$0x3FAD] =	sst s0;
	s0 =	simm.s32 @!p1 $0x0  }
0x14: {  	s2 =	sld [smem:$0x3F91];
	s0 =	simm.s32 @p1 $0x1  }
0x15: {  	[smem:$0x3FAE] =	sst s0;
	s0 =	simm.s32 @!p2 $0x0  }
0x16: {  	s3 =	sld [smem:$0x3FDB];
	s0 =	simm.s32 @p2 $0x1  }
0x17: {  	s4 =	simm.s32 $0x1BF5;
	[smem:$0x3FB0] =	sst s0  }
0x18: {  	s0 =	sld [smem:$0x3F93];
	_ =	swait.ge [sflag:s4], $0x0  }
0x19: {  	s7 =	sld [smem:$0x3F94]  }
0x1a: {  	s8 =	sadd.s32 $0xFFFFE003, lr  }
0x1b: {  	s9 =	sadd.s32 $0xFFFFFEF7, lr;
	s5 =	simm.s32 $0xFFFFFFFF;
	p2 =	slt.u32 s8, $0xFFFFF086  }
0x1c: {  	p1 =	slt.u32 s9, $0xF7A;
	s5 =	simm.s32 @!p2 $0x0  }
0x1d: {  	s5 =	simm.s32 @p1 $0x1;
	p0 =	seq.s32 s7, s2  }
0x1e: {  	s7 =	smul.u32 @!p0 $0xF7A, s2;
	p2 =	seq.s32 @!p0 s5, $0x0  }
0x1f: {  	s9 =	smul.u32 $0xF7A, s1;
	s8 =	simm.s32 @!p0 $0x1BF5;
	p2 =	por !p2, p0  }
0x20: {  	[sflag:s8] =	ssyncset.s32 @!p0 $0xFFFFF086;
	s6 =	sadd.s32 @!p0 s3, s7;
	s7 =	simm.s32 @!p0 $0x108  }
0x21: {  	s3 =	sadd.s32 s3, s9;
	s6 =	sadd.s32 @!p0 $0x88, s6;
	s7 =	simm.s32 @p2 $0x1082  }
0x22: {  	[simem:s7], [sflag:s8] =	dma.local @!p0 [hbm:s6], $0xF7A  }
0x23: {  	s9 =	sor.u32 $0xD0000000, s2;
	s6 =	simm.s32 $0x108;
	_ =	swait.ge @!p0 [sflag:s8], $0x0  }
0x24: {  	s3 =	sadd.s32 $0x88, s3;
	s6 =	simm.s32 @!p1 $0x1082;
	[sflag:s4] =	ssyncset.s32 $0xFFFFF086  }
0x25: {  	[simem:s6], [sflag:s4] =	dma.local [hbm:s3], $0xF7A  }
0x26: {  	[smem:$0x3F94] =	sst s1;
	(tag) =	ssettag s2;
	_ =	strace s9  }
0x27: {  	s1 =	sld [smem:$0x3FA4]  }
0x28: {  	s2 =	sld [smem:$0x3FA5]  }
0x29: {  	s4 =	sld [smem:$0x3FA7]  }
0x2a: {  	p0 =	seq.s32 s5, $0x0;
	s5 =	sld [smem:$0x3FA8]  }
0x2b: {  	s6 =	sld [smem:$0x3FA9]  }
0x2c: {  	s7 =	sld [smem:$0x3FAA]  }
0x2d: {  	s3 =	simm.s32 $0x108;
	s8 =	sld [smem:$0x3FAB]  }
0x2e: {  	s3 =	simm.s32 @!p0 $0x1082;
	s9 =	sld [smem:$0x3FAC]  }
0x2f: {  	lr =	sadd.s32 s0, s3;
	s0 =	sld [smem:$0x3FA3]  }
0x30: {  	s3 =	sld [smem:$0x3FA6]  }
0x31: {  	[smem:$0x3FAF] =	sst s10  }
0x32: {  	s10 =	sld [smem:$0x3FAD];
	_ =	sdelay $0x3  }
0x33: {  	p0 =	seq.s32 s10, $0x1;
	s10 =	sld [smem:$0x3FAF];
	_ =	sdelay $0x3  }
0x34: {  	[smem:$0x3FAF] =	sst s10  }
0x35: {  	s10 =	sld [smem:$0x3FAE];
	_ =	sdelay $0x3  }
0x36: {  	p1 =	seq.s32 s10, $0x1;
	s10 =	sld [smem:$0x3FAF];
	_ =	sdelay $0x3  }
0x37: {  	[smem:$0x3FAF] =	sst s10  }
0x38: {  	s10 =	sld [smem:$0x3FB0]  }
0x39: {  	_ = 	snop;
	(pc) =	sbr.ind lr, $3  }
0x3a: {  	_ = 	snop  }
0x3b: {  	_ = 	snop  }
0x3c: {  	p2 =	seq.s32 s10, $0x1;
	s10 =	sld [smem:$0x3FAF]  }
0x3d: {  	_ =	shalt  }
0x3e: {  	_ =	shalt  }
0x3f: {  	_ =	shalt  }
0x40: {  	_ =	shalt  }
0x41: {  	_ =	shalt  }
0x42: {  	_ =	shalt  }
0x43: {  	_ =	shalt  }
0x44: {  	_ =	shalt  }
0x45: {  	_ =	shalt  }
0x46: {  	_ =	shalt  }
0x47: {  	_ =	shalt  }
0x48: {  	_ =	shalt  }
0x49: {  	_ =	shalt  }
0x4a: {  	_ =	shalt  }
0x4b: {  	_ =	shalt  }
0x4c: {  	_ =	shalt  }
0x4d: {  	_ =	shalt  }
0x4e: {  	_ =	shalt  }
0x4f: {  	_ =	shalt  }
0x50: {  	_ =	shalt  }
0x51: {  	_ =	shalt  }
0x52: {  	_ =	shalt  }
0x53: {  	_ =	shalt  }
0x54: {  	_ =	shalt  }
0x55: {  	_ =	shalt  }
0x56: {  	_ =	shalt  }
0x57: {  	_ =	shalt  }
0x58: {  	_ =	shalt  }
0x59: {  	_ =	shalt  }
0x5a: {  	_ =	shalt  }
0x5b: {  	_ =	shalt  }
0x5c: {  	_ =	shalt  }
0x5d: {  	_ =	shalt  }
0x5e: {  	_ =	shalt  }
0x5f: {  	_ =	shalt  }
0x60: {  	_ =	shalt  }
0x61: {  	_ =	shalt  }
0x62: {  	_ =	shalt  }
0x63: {  	_ =	shalt  }
0x64: {  	_ =	shalt  }
0x65: {  	_ =	shalt  }
0x66: {  	_ =	shalt  }
0x67: {  	_ =	shalt  }
0x68: {  	_ =	shalt  }
0x69: {  	_ =	shalt  }
0x6a: {  	_ =	shalt  }
0x6b: {  	_ =	shalt  }
0x6c: {  	_ =	shalt  }
0x6d: {  	_ =	shalt  }
0x6e: {  	_ =	shalt  }
0x6f: {  	_ =	shalt  }
0x70: {  	_ =	shalt  }
0x71: {  	_ =	shalt  }
0x72: {  	_ =	shalt  }
0x73: {  	_ =	shalt  }
0x74: {  	_ =	shalt  }
0x75: {  	_ =	shalt  }
0x76: {  	_ =	shalt  }
0x77: {  	_ =	shalt  }
0x78: {  	_ =	shalt  }
0x79: {  	_ =	shalt  }
0x7a: {  	_ =	shalt  }
0x7b: {  	_ =	shalt  }
0x7c: {  	_ =	shalt  }
0x7d: {  	_ =	shalt  }
0x7e: {  	_ =	shalt  }
0x7f: {  	_ =	shalt  }
0x80: {  	_ =	shalt  }
0x81: {  	_ =	shalt  }
0x82: {  	_ =	shalt  }
0x83: {  	_ =	shalt  }
0x84: {  	_ =	shalt  }
0x85: {  	_ =	shalt  }
0x86: {  	_ =	shalt  }
0x87: {  	_ =	shalt  }
.Lfunc_end0:
.L_simem_size_0:
called_computation_lowered:
.L_overlay_start_0:
0x88: {  	s2 =	sld [smem:$0x3FD9]  }
0x89: {  	s3 =	sld [smem:$0x3FFE];
	_ =	sdelay $0x1  }
0x8a: {  	s1 =	srdreg.scid  }
0x8b: {  	s0 =	sand.u32 $0x1, s1  }
0x8c: {  	s14 =	sshll.u32 s0, $0xA;
	s2 =	sadd.s32 s3, s2  }
0x8d: {  	s2 =	sadd.s32 s2, s14  }
0x8e: {  	[smem:$0x3FBB] =	sst s2  }
0x8f: {  	_ = 	snop  }
0x90: {  	s2 =	sld [smem:$0x3FD0];
	_ =	sdelay $0x2  }
0x91: {  	s15 =	simm.s32 $0xA;
	s4 =	simm.s32 $0x10  }
0x92: {  	[smem:s4], [sflag:s15] =	dma.local [hbm:s2], $0x1  }
0x93: {  	_ =	swait.eq [sflag:s15], $0x1  }
0x94: {  	[sflag:s15] =	ssyncset.done $0x0  }
0x95: {  	s16 =	sld [smem:$0x10];
	[sflag:s15] =	ssyncadd.s32 $0xFFFFFFFF  }
0x96: {  	s17 =	sld [smem:$0x11];
	(tm) =	ssettm $0x1  }
0x97: {  	s18 =	sld [smem:$0x3FFB];
	_ =	sdelay $0x3  }
0x98: {  	_ =	strace s18  }
0x99: {  	s4 =	sld [smem:$0x3FFC];
	_ =	sdelay $0x3  }
0x9a: {  	_ =	strace s4  }
0x9b: {  	s4 =	sld [smem:$0x3FFD];
	_ =	sdelay $0x3  }
0x9c: {  	_ =	strace s4  }
0x9d: {  	_ =	strace $0x8FFFFFFF  }
0x9e: {  	s19 =	sld [smem:$0x3FDB];
	_ =	sdelay $0x1  }
0x9f: {  	s5 =	simm.s32 $_scs_section_size  }
0xa0: {  	s6 =	simm.s32 $_size__tile_overlayer_lowered;
	s7 =	simm.s32 $_tile_overlayer_lowered  }
0xa1: {  	s22 =	simm.s32 $0x1BFF;
	s21 =	sshll.u32 s7, $0x1;
	s4 =	sadd.s32 s5, s19  }
0xa2: {  	s8 =	simm.s32 $0x0;
	s20 =	sshll.u32 s6, $0x1;
	s6 =	sadd.s32 s21, s4  }
0xa3: {  	[timem:s8], [sflag:s22] =	dma.local [hbm:s6], s20  }
0xa4: {  	_ =	swait.ge [sflag:s22], s20  }
0xa5: {  	s5 =	ssub.s32 $0x0, s20;
	[sflag:s22] =	ssyncset.done $0x0  }
0xa6: {  	[sflag:s22] =	ssyncadd.s32 s5;
	_ =	sdelay $0x1  }
0xa7: {  	s23 =	simm.s32 $0x1B8B  }
0xa8: {  	_ =	swait.ge [sflag:s23], $0x1  }
0xa9: {  	[sflag:s23] =	ssyncset.done $0x0  }
0xaa: {  	s25 =	simm.s32 $0x1B8E;
	s24 =	sld [smem:$0x3FFE];
	[sflag:s23] =	ssyncadd.s32 $0xFFFFFFFF  }
0xab: {  	s26 =	simm.s32 $execute0_lowered;
	[smem:$0x3FD2] =	sst s25  }
0xac: {  	s6 =	sshll.u32 s26, $0x1;
	_ =	strace $0x80000046;
	[dreg:$0x1] =	wrdreg $0xFFFFFFFF  }
0xad: {  	s28 =	simm.s32 $_size_execute0_lowered;
	s4 =	sadd.s32 s4, s6;
	[dreg:$0x0] =	wrdreg $0x0  }
0xae: {  	s6 =	sshll.u32 s28, $0x1;
	[dreg:$0x2] =	wrdreg s4  }
0xaf: {  	[dreg:$0x3] =	wrdreg s6  }
0xb0: {  	[dreg:$0x4] =	wrdreg $0xC0  }
0xb1: {  	_ =	task [dreg:s8], $0x5FFFF  }
0xb2: {  	[dreg:$0x1] =	wrdreg $0xFFFFFFFF  }
0xb3: {  	[dreg:$0x0] =	wrdreg $0x60  }
0xb4: {  	[dreg:$0x2] =	wrdreg s17  }
0xb5: {  	[dreg:$0x3] =	wrdreg s24  }
0xb6: {  	[dreg:$0x4] =	wrdreg s16  }
0xb7: {  	[dreg:$0x5] =	wrdreg $0x18C000  }
0xb8: {  	[dreg:$0x6] =	wrdreg $0x9  }
0xb9: {  	_ =	task.clear_ibuf [dreg:s8], $0x7FFFF;
	_ =	strace $0x90000046  }
0xba: {  	s29 =	simm.s32 $0x9;
	_ =	strace $0x80000048  }
0xbb: {  	_ =	swait.ge [sflag:s29], $0x1  }
0xbc: {  	[sflag:s29] =	ssyncadd.s32 $0xFFFFFFFF  }
0xbd: {  	_ =	strace $0x90000048  }
0xbe: {  	_ =	sfence  }
0xbf: {  	s30 =	sld [smem:$0x0];
	_ =	sdelay $0x2  }
0xc0: {  	s31 =	sshll.u32 s1, $0xD;
	s1 =	sshrl.u32 s1, $0x2  }
0xc1: {  	s3 =	sand.u32 $0x4000, s31;
	s1 =	sadd.s32 s1, s30  }
0xc2: {  	s0 =	sor.u32 s3, s0;
	s1 =	sshll.u32 s1, $0x11  }
0xc3: {  	s0 =	sor.u32 s1, s0  }
0xc4: {  	s0 =	sadd.s32 $0x8F2B, s0  }
0xc5: {  	[sflag:s0] =	ssyncadd.remote.s32 $0x1  }
0xc6: {  	_ =	sfence.sel $0xFFFF  }
0xc7: {  	[dreg:$0x0] =	wrdreg $0xFFFFFFFF;
	(pc) =	sbr.abs _section_cstart, $3  }
0xc8: {  	[dreg:$0x1] =	wrdreg $0xFFFFFFFF  }
0xc9: {  	_ =	task.clear_ibuf [dreg:s8], $0x2FFFF;
	_ =	strace $0x9FFFFFFF  }
0xca: {  	(tm) =	ssettm $0x7FFFFFFF  }
0xcb: {  	_ =	shalt  }
tec
execute0_lowered:
.L_overlay_start_1:
0x0: {  	(tag) =	ssettag $0x1  }
0x1: {  	s9 =	rddreg [dreg:$0x0]  }
0x2: {  	s0 =	rddreg [dreg:$0x1]  }
0x3: {  	s3 =	rddreg [dreg:$0x3];
	s4 =	simm.s32 $0x0  }
0x4: {  	[smem:$0x7FF] =	sst s4;
	s7 =	sadd.s32 $0xBC00, s0  }
0x5: {  	s14 =	sadd.s32 $0xBE00, s0;
	_ =	strace $0x80000047;
	[dreg:$0x5] =	wrdreg s7  }
0x6: {  	s10 =	sadd.s32 $0xC000, s0;
	[dreg:$0x6] =	wrdreg s14  }
0x7: {  	s16 =	sadd.s32 $0x1800, s0;
	[dreg:$0x7] =	wrdreg s10  }
0x8: {  	s17 =	sadd.s32 $0xC200, s0;
	[dreg:$0x8] =	wrdreg s16  }
0x9: {  	s1 =	srdreg.scid;
	s18 =	sadd.s32 $0xC400, s0;
	[dreg:$0x9] =	wrdreg s17  }
0xa: {  	s8 =	stileid.u32;
	s19 =	sadd.s32 $0xC600, s0;
	[dreg:$0xa] =	wrdreg s18  }
0xb: {  	s1 =	sand.u32 $0x1, s1;
	s20 =	sadd.s32 $0xC800, s0;
	[dreg:$0xb] =	wrdreg s19  }
0xc: {  	s2 =	sshll.u32 s8, $0x1;
	s21 =	sadd.s32 $0xCA00, s0;
	[dreg:$0xc] =	wrdreg s20  }
0xd: {  	s6 =	smul.u32 $0x280, s8;
	s22 =	sadd.s32 $0xBA00, s0;
	[dreg:$0xd] =	wrdreg s21  }
0xe: {  	s8 =	smul.u32 $0xA000, s8;
	s25 =	sadd.s32 $0x4E2, s9;
	[dreg:$0xe] =	wrdreg s22  }
0xf: {  	s2 =	sor.u32 s1, s2;
	s15 =	smul.u32 $0x7800, s1;
	[dreg:$0x11] =	wrdreg s25  }
0x10: {  	s24 =	smul.u32 $0x140, s2;
	s30 =	sshrl.u32 s8, $0x2;
	s8 =	sadd.s32 $0x9C4, s9  }
0x11: {  	[dreg:$0x1a] =	wrdreg s8  }
0x12: {  	s7 =	sadd.s32 s6, s15;
	s6 =	sadd.s32 s6, s3;
	[dreg:$0x10] =	wrdreg s24  }
0x13: {  	s24 =	sadd.s32 $0x19000, s6;
	[dreg:$0x15] =	wrdreg s6  }
0x14: {  	s25 =	sadd.s32 $0x1B800, s6;
	[smem:$0x7F5] =	sst s24  }
0x15: {  	s9 =	sadd.s32 $0x2800, s6;
	[smem:$0x7F6] =	sst s25  }
0x16: {  	s10 =	sadd.s32 $0x5000, s6;
	[dreg:$0x1b] =	wrdreg s9  }
0x17: {  	s13 =	simm.s32 $0x4F00;
	s12 =	sadd.s32 $0x7800, s6;
	[dreg:$0x1c] =	wrdreg s10  }
0x18: {  	s28 =	simm.s32 $0xE880;
	s21 =	sadd.s32 $0xA000, s6;
	[dreg:$0x1d] =	wrdreg s12  }
0x19: {  	s5 =	smul.u32 $0x280, s2;
	s11 =	sadd.s32 $0xC800, s6;
	[dreg:$0x1e] =	wrdreg s21  }
0x1a: {  	s1 =	ssub.s32 $0x2, s1;
	s14 =	sadd.s32 $0xF000, s6;
	[dreg:$0x1f] =	wrdreg s11  }
0x1b: {  	s5 =	sadd.s32 s5, s0;
	s15 =	sadd.s32 $0x11800, s6;
	[smem:$0x7FB] =	sst s14  }
0x1c: {  	s7 =	sshrl.u32 s7, $0x3;
	s16 =	sadd.s32 $0x14000, s6;
	[smem:$0x7FC] =	sst s15  }
0x1d: {  	s7 =	sadd.s32 s7, s0;
	s0 =	sadd.s32 $0xEA00, s0;
	[smem:$0x7FD] =	sst s16  }
0x1e: {  	s17 =	simm.s32 $0xE400;
	s26 =	sadd.s32 $0x6A00, s5;
	[dreg:$0xf] =	wrdreg s0  }
0x1f: {  	s18 =	simm.s32 $0xE480;
	s29 =	sadd.s32 $0x1A00, s5;
	[dreg:$0x12] =	wrdreg s26  }
0x20: {  	s5 =	sadd.s32 s30, s3;
	s30 =	sadd.s32 $0x23000, s6;
	[dreg:$0x13] =	wrdreg s29  }
0x21: {  	s19 =	simm.s32 $0xE500;
	s22 =	simm.s32 $0xE580;
	[smem:$0x7F9] =	sst s30  }
0x22: {  	s20 =	simm.s32 $0xE800;
	s31 =	sadd.s32 $0xCC00, s7;
	[dreg:$0x14] =	wrdreg s5  }
0x23: {  	s23 =	sshrl.u32 s1, $0x1;
	s3 =	sadd.s32 $0xD100, s7;
	[dreg:$0x16] =	wrdreg s31  }
0x24: {  	p0 =	sne.s32 s2, $0x1F;
	s7 =	sadd.s32 $0xD600, s7;
	[dreg:$0x17] =	wrdreg s3  }
0x25: {  	s0 =	ssub.s32 s1, s23;
	s23 =	sadd.s32 $0x16800, s6;
	[dreg:$0x18] =	wrdreg s7  }
0x26: {  	s2 =	simm.s32 $0x0;
	s26 =	sadd.s32 $0x1E000, s6;
	[smem:$0x7F4] =	sst s23  }
0x27: {  	s24 =	simm.s32 $0xE680;
	s29 =	sadd.s32 $0x20800, s6;
	[smem:$0x7F7] =	sst s26  }
0x28: {  	s25 =	simm.s32 $0xE700;
	s0 =	smax.u32 s0, $0x1;
	[smem:$0x7F8] =	sst s29  }
0x29: {  	s1 =	simm.s32 $0x2780;
	s31 =	sadd.s32 $0x25800, s6;
	[dreg:$0x19] =	wrdreg s0  }
0x2a: {  	v0 =	vimm.f32 $0.0e+00;
	s23 =	simm.s32 $0xE600;
	s26 =	simm.s32 $0xE780;
	[smem:$0x7FA] =	sst s31  }
.LBB2_1:
0x2b: {  	[smem:$0x7F3] =	sst s2  }
0x2c: {  	s0 =	rddreg [dreg:$0x0]  }
0x2d: {  	[tilespmem:s4], [sflag:$0x1] =	stream.linear.gather [hbm4b:s0+s4], $0x2710, $0x38;
	[tilespmem:$0x1B400] =	vst v63  }
0x2e: {  	s31 =	rddreg [dreg:$0x11]  }
0x2f: {  	[tilespmem:s1], [sflag:$0x1] =	stream.linear.gather [hbm4b:s31+s4], $0x2710, $0x38;
	[tilespmem:$0x1B400] =	vst v63  }
0x30: {  	s1 =	rddreg [dreg:$0x1a]  }
0x31: {  	[tilespmem:s13], [sflag:$0x1] =	stream.linear.gather [hbm4b:s1+s4], $0x2710, $0x38;
	[tilespmem:$0x1B400] =	vst v63  }
0x32: {  	s2 =	rddreg [dreg:$0x12];
	s3 =	simm.s32 $0x7680;
	s5 =	simm.s32 $0x1  }
0x33: {  	[tilespmem:s3], [sflag:$0x1] =	stream.linear.gather [hbm4b:s2+s4], $0x1400, $0x38;
	[tilespmem:$0x1B400] =	vst v63  }
0x34: {  	_ =	swait.ge [sflag:s5], $0x2710  }
0x35: {  	[sflag:s5] =	ssyncset.done $0x0  }
0x36: {  	[sflag:s5] =	ssyncadd.s32 $0xFFFFD8F0  }
0x37: {  	_ =	swait.ge [sflag:s5], $0x2710  }
0x38: {  	[sflag:s5] =	ssyncset.done $0x0  }
0x39: {  	[sflag:s5] =	ssyncadd.s32 $0xFFFFD8F0  }
0x3a: {  	_ =	swait.ge [sflag:s5], $0x2710  }
0x3b: {  	[sflag:s5] =	ssyncset.done $0x0  }
0x3c: {  	[sflag:s5] =	ssyncadd.s32 $0xFFFFD8F0  }
0x3d: {  	_ =	swait.ge [sflag:s5], $0x1400  }
0x3e: {  	[sflag:s5] =	ssyncset.done $0x0  }
0x3f: {  	s7 =	simm.s32 $0x8A80;
	s6 =	rddreg [dreg:$0x13];
	[sflag:s5] =	ssyncadd.s32 $0xFFFFEC00  }
0x40: {  	[tilespmem:s7], [sflag:$0x1] =	stream.linear.gather [hbm4b:s6+s4], $0x1400, $0x38;
	[tilespmem:$0x1B400] =	vst v63  }
0x41: {  	s9 =	simm.s32 $0xE380;
	s8 =	rddreg [dreg:$0x2]  }
0x42: {  	[tilespmem:s9], [sflag:$0x1] =	stream.linear.gather [hbm4b:s8+s4], $0x80, $0x38;
	[tilespmem:$0x1B400] =	vst v63  }
0x43: {  	s10 =	rddreg [dreg:$0x5]  }
0x44: {  	[tilespmem:s17], [sflag:$0x1] =	stream.linear.gather [hbm4b:s10+s4], $0x80, $0x38;
	[tilespmem:$0x1B400] =	vst v63  }
0x45: {  	s11 =	rddreg [dreg:$0x6]  }
0x46: {  	[tilespmem:s18], [sflag:$0x1] =	stream.linear.gather [hbm4b:s11+s4], $0x80, $0x38;
	[tilespmem:$0x1B400] =	vst v63  }
0x47: {  	_ =	swait.ge [sflag:s5], $0x1400  }
0x48: {  	[sflag:s5] =	ssyncset.done $0x0  }
0x49: {  	[sflag:s5] =	ssyncadd.s32 $0xFFFFEC00  }
0x4a: {  	_ =	swait.ge [sflag:s5], $0x80  }
0x4b: {  	[sflag:s5] =	ssyncset.done $0x0  }
0x4c: {  	[sflag:s5] =	ssyncadd.s32 $0xFFFFFF80  }
0x4d: {  	_ =	swait.ge [sflag:s5], $0x80  }
0x4e: {  	[sflag:s5] =	ssyncset.done $0x0  }
0x4f: {  	[sflag:s5] =	ssyncadd.s32 $0xFFFFFF80  }
0x50: {  	_ =	swait.ge [sflag:s5], $0x80  }
0x51: {  	[sflag:s5] =	ssyncset.done $0x0  }
0x52: {  	s12 =	rddreg [dreg:$0x7];
	[sflag:s5] =	ssyncadd.s32 $0xFFFFFF80  }
0x53: {  	[tilespmem:s19], [sflag:$0x1] =	stream.linear.gather [hbm4b:s12+s4], $0x80, $0x38;
	[tilespmem:$0x1B400] =	vst v63  }
0x54: {  	s14 =	rddreg [dreg:$0x8]  }
0x55: {  	[tilespmem:s22], [sflag:$0x1] =	stream.linear.gather [hbm4b:s14+s4], $0x80, $0x38;
	[tilespmem:$0x1B400] =	vst v63  }
0x56: {  	s15 =	rddreg [dreg:$0x9]  }
0x57: {  	[tilespmem:s23], [sflag:$0x1] =	stream.linear.gather [hbm4b:s15+s4], $0x80, $0x38;
	[tilespmem:$0x1B400] =	vst v63  }
0x58: {  	s16 =	rddreg [dreg:$0xa]  }
0x59: {  	[tilespmem:s24], [sflag:$0x1] =	stream.linear.gather [hbm4b:s16+s4], $0x80, $0x38;
	[tilespmem:$0x1B400] =	vst v63  }
0x5a: {  	_ =	swait.ge [sflag:s5], $0x80  }
0x5b: {  	[sflag:s5] =	ssyncset.done $0x0  }
0x5c: {  	[sflag:s5] =	ssyncadd.s32 $0xFFFFFF80  }
0x5d: {  	_ =	swait.ge [sflag:s5], $0x80  }
0x5e: {  	[sflag:s5] =	ssyncset.done $0x0  }
0x5f: {  	[sflag:s5] =	ssyncadd.s32 $0xFFFFFF80  }
0x60: {  	_ =	swait.ge [sflag:s5], $0x80  }
0x61: {  	[sflag:s5] =	ssyncset.done $0x0  }
0x62: {  	[sflag:s5] =	ssyncadd.s32 $0xFFFFFF80  }
0x63: {  	_ =	swait.ge [sflag:s5], $0x80  }
0x64: {  	[sflag:s5] =	ssyncset.done $0x0  }
0x65: {  	s21 =	rddreg [dreg:$0xb];
	[sflag:s5] =	ssyncadd.s32 $0xFFFFFF80  }
0x66: {  	[tilespmem:s25], [sflag:$0x1] =	stream.linear.gather [hbm4b:s21+s4], $0x80, $0x38;
	[tilespmem:$0x1B400] =	vst v63  }
0x67: {  	s29 =	rddreg [dreg:$0xc]  }
0x68: {  	[tilespmem:s26], [sflag:$0x1] =	stream.linear.gather [hbm4b:s29+s4], $0x80, $0x38;
	[tilespmem:$0x1B400] =	vst v63  }
0x69: {  	s30 =	rddreg [dreg:$0xd]  }
0x6a: {  	[tilespmem:s20], [sflag:$0x1] =	stream.linear.gather [hbm4b:s30+s4], $0x80, $0x38;
	[tilespmem:$0x1B400] =	vst v63  }
0x6b: {  	s31 =	rddreg [dreg:$0xe]  }
0x6c: {  	[tilespmem:s28], [sflag:$0x1] =	stream.linear.gather [hbm4b:s31+s4], $0x80, $0x38;
	[tilespmem:$0x1B400] =	vst v63  }
0x6d: {  	_ =	swait.ge [sflag:s5], $0x80  }
0x6e: {  	[sflag:s5] =	ssyncset.done $0x0  }
0x6f: {  	[sflag:s5] =	ssyncadd.s32 $0xFFFFFF80  }
0x70: {  	_ =	swait.ge [sflag:s5], $0x80  }
0x71: {  	[sflag:s5] =	ssyncset.done $0x0  }
0x72: {  	[sflag:s5] =	ssyncadd.s32 $0xFFFFFF80  }
0x73: {  	_ =	swait.ge [sflag:s5], $0x80  }
0x74: {  	[sflag:s5] =	ssyncset.done $0x0  }
0x75: {  	[sflag:s5] =	ssyncadd.s32 $0xFFFFFF80  }
0x76: {  	_ =	swait.ge [sflag:s5], $0x80  }
0x77: {  	[sflag:s5] =	ssyncset.done $0x0  }
0x78: {  	s0 =	simm.s32 $0x0;
	[sflag:s5] =	ssyncadd.s32 $0xFFFFFF80  }
.LBB2_2:
0x79: {  	p1 =	sne.s32 s0, $0x9FC0  }
.Ltmp0:
0x7a: {  	_ = 	snop;
	(pc) =	sbr.rel @p1 .LBB2_2-.Ltmp0, $4  }
0x7b: {  	s1 =	sshra.s32 s0, $0x2  }
0x7c: {  	[tilespmem:s1+$0x11400] =	vst v0  }
0x7d: {  	[tilespmem:s1+$0x13C00] =	vst v0  }
0x7e: {  	s0 =	sadd.s32 $0x40, s0;
	[tilespmem:s1+$0x16400] =	vst v0  }
0x7f: {  	s0 =	simm.s32 $0x280;
	s3 =	simm.s32 $0xC7C0;
	s5 =	simm.s32 $0xB3C0  }
0x80: {  	s6 =	simm.s32 $0x9FC0;
	s7 =	simm.s32 $0x8BC0;
	s8 =	simm.s32 $0x77C0  }
0x81: {  	s31 =	simm.s32 $0xA100;
	s1 =	simm.s32 $0xB640;
	s16 =	simm.s32 $0xCA40  }
0x82: {  	s21 =	simm.s32 $0xB500;
	s29 =	simm.s32 $0xC900;
	[smem:$0x7EF] =	sst s1  }
0x83: {  	s9 =	simm.s32 $0x7680;
	s10 =	simm.s32 $0x9E80;
	[smem:$0x7F0] =	sst s16  }
0x84: {  	s11 =	simm.s32 $0xB280;
	s14 =	simm.s32 $0xC680;
	[smem:$0x7F1] =	sst s21  }
0x85: {  	s15 =	simm.s32 $0x0;
	s30 =	simm.s32 $0x0;
	[smem:$0x7F2] =	sst s29  }
.LBB2_4:
0x86: {  	[smem:$0x7E3] =	sst s14;
	s12 =	sshll.u32 s0, $0x2;
	s1 =	sand.u32 $0x7, s15  }
0x87: {  	[smem:$0x7E7] =	sst s0;
	s0 =	sand.u32 $0xFFFFFE00, s12;
	s1 =	sshll.u32 s1, $0x6  }
0x88: {  	[smem:$0x7E4] =	sst s11;
	v20 =	vmov s8;
	s0 =	sor.u32 s1, s0  }
0x89: {  	[smem:$0x7E8] =	sst s15;
	s2 =	sshll.u32 s30, $0x4;
	s15 =	sshrl.u32 s0, $0x2  }
0x8a: {  	[smem:$0x7E5] =	sst s10;
	v0 =	vld [tilespmem:s2+$0x7680];
	s0 =	sadd.s32 $0x7680, s15  }
0x8b: {  	[smem:$0x7E6] =	sst s9;
	v49 =	vmov s0  }
0x8c: {  	[smem:$0x7E9] =	sst s8;
	s0 =	simm.s32 $0x0  }
0x8d: {  	v2 =	vld.idx.msk [tilespmem:v20+s0+$0x0 ss:$0x1], $0xffff;
	_ =	sdelay $0x2  }
0x8e: {  	v6 =	vld.idx.msk [tilespmem:v49+s0+$0x0 ss:$0x1], $0xffff  }
0x8f: {  	s14 =	simm.s32 $0x0  }
0x90: {  	s12 =	simm.s32 $0x2780;
	v3 =	vld.idx.msk [tilespmem:v0+s14+$0x0], $0xffff  }
0x91: {  	v4 =	vld.idx.msk [tilespmem:v0+s12+$0x0], $0xffff  }
0x92: {  	v5 =	vld.idx.msk [tilespmem:v0+s13+$0x0], $0xffff  }
0x93: {  	v0 =	vld.idx.msk [tilespmem:v2+s4+$0x0], $0xffff  }
0x94: {  	v7 =	vld.idx.msk [tilespmem:v2+s12+$0x0], $0xffff  }
0x95: {  	v2 =	vld.idx.msk [tilespmem:v2+s13+$0x0], $0xffff  }
0x96: {  	v8 =	vld.idx.msk [tilespmem:v6+s4+$0x0], $0xffff  }
0x97: {  	v9 =	vld.idx.msk [tilespmem:v6+s12+$0x0], $0xffff;
	_ =	sdelay $0x1  }
0x98: {  	v10 =	vld.idx.msk [tilespmem:v6+s13+$0x0], $0xffff;
	v48 =	vsub.f32 v0, v3;
	v22 =	vsub.f32 v7, v4;
	_ =	sdelay $0x1  }
0x99: {  	v61 =	vsub.f32 v2, v5;
	v0 =	vmul.f32 v48, v48;
	v2 =	vmul.f32 v22, v22  }
0x9a: {  	v38 =	vmov s7;
	v6 =	vsub.f32 v8, v3;
	v7 =	vsub.f32 v9, v4  }
0x9b: {  	v9 =	vmul.f32 v61, v61;
	v0 =	vadd.f32 v2, v0  }
0x9c: {  	v8 =	vsub.f32 v10, v5;
	v2 =	vmul.f32 v6, v6;
	v11 =	vmul.f32 v7, v7  }
0x9d: {  	[smem:$0x7EA] =	sst s7  }
0x9e: {  	[smem:$0x7EB] =	sst s2;
	v26 =	vadd.f32 v9, v0;
	v0 =	vadd.f32 v11, v2;
	v2 =	vmul.f32 v8, v8  }
0x9f: {  	v17 =	vld.idx.msk [tilespmem:v38+s0+$0x0 ss:$0x1], $0xffff  }
0xa0: {  	s16 =	sadd.s32 $0x8A80, s15;
	v11 =	vmul.f32 $5.000000000e-01, v26;
	v10 =	vshrl.u32 v26, $0x1;
	v9 =	vadd.f32 v2, v0  }
0xa1: {  	v50 =	vmov s16;
	v0 =	vsub.s32 $0x5F3759DF, v10  }
0xa2: {  	s1 =	simm.s32 $0x280;
	v2 =	vmul.f32 v0, v11;
	v12 =	vmul.f32 $5.000000000e-01, v9;
	v10 =	vshrl.u32 v9, $0x1  }
0xa3: {  	v14 =	vld.idx.msk [tilespmem:v20+s1+$0x0 ss:$0x1], $0xffff;
	v13 =	vsub.s32 $0x5F3759DF, v10  }
0xa4: {  	v1 =	vld [tilespmem:s2+$0x8A80];
	[tilespmem:$0x1FFC0] =	vst v17;
	v2 =	vmul.f32 v0, v2;
	v10 =	vmul.f32 v13, v12  }
0xa5: {  	v15 =	vld.idx.msk [tilespmem:v49+s1+$0x0 ss:$0x1], $0xffff  }
0xa6: {  	v2 =	vsub.f32 $1.500000000e+00, v2;
	v16 =	vmul.f32 v13, v10;
	v10 =	vld.idx.msk [tilespmem:v50+s0+$0x0 ss:$0x1], $0xffff;
	_ =	sdelay $0x1  }
0xa7: {  	v0 =	vmul.f32 v0, v2;
	v2 =	vsub.f32 $1.500000000e+00, v16  }
0xa8: {  	v24 =	vadd.s32 v1, v17  }
0xa9: {  	v11 =	vmul.f32 v0, v11;
	v2 =	vmul.f32 v13, v2  }
0xaa: {  	v13 =	vld.idx.msk [tilespmem:v14+s4+$0x0], $0xffff;
	[tilespmem:$0x1FEB0] =	vst v10  }
0xab: {  	v11 =	vmul.f32 v11, v0;
	v23 =	vadd.s32 v1, v10;
	v12 =	vmul.f32 v2, v12;
	v17 =	vld.idx.msk [tilespmem:v14+s12+$0x0], $0xffff  }
0xac: {  	v18 =	vld.idx.msk [tilespmem:v15+s4+$0x0], $0xffff  }
0xad: {  	v25 =	vld.idx.msk [tilespmem:v24+s24+$0x0], $0xffff;
	v11 =	vsub.f32 $1.500000000e+00, v11;
	v12 =	vmul.f32 v12, v2  }
0xae: {  	v19 =	vld.idx.msk [tilespmem:v15+s12+$0x0], $0xffff  }
0xaf: {  	v21 =	vld.idx.msk [tilespmem:v14+s13+$0x0], $0xffff;
	v52 =	vmul.f32 v11, v0;
	v0 =	vsub.f32 $1.500000000e+00, v12  }
0xb0: {  	v32 =	vld.idx.msk [tilespmem:v23+s24+$0x0], $0xffff  }
0xb1: {  	v15 =	vld.idx.msk [tilespmem:v15+s13+$0x0], $0xffff;
	v28 =	vmul.f32 v52, v26;
	v14 =	vmul.f32 v0, v2  }
0xb2: {  	v16 =	vsub.f32 v13, v3;
	v17 =	vsub.f32 v17, v4;
	v0 =	vld.idx.msk [tilespmem:v24+s22+$0x0], $0xffff  }
0xb3: {  	v10 =	vsub.f32 v18, v3;
	v2 =	vsub.f32 v28, v25;
	v33 =	vmul.f32 v14, v9  }
0xb4: {  	v18 =	vsub.f32 v21, v5;
	[tilespmem:$0x1FEC0] =	vst v9;
	v29 =	vmul.f32 v17, v17;
	v9 =	vsub.f32 v19, v4  }
0xb5: {  	v21 =	vmul.f32 v10, v10;
	(erf) = vrcp.f32 v2;
	v2 =	vld.idx.msk [tilespmem:v23+s22+$0x0], $0xffff;
	v27 =	vsub.f32 v33, v32  }
0xb6: {  	v19 =	vmul.f32 v16, v16;
	[tilespmem:$0x1FEE0] =	vst v9;
	v30 =	vmul.f32 v9, v9;
	v9 =	vsub.f32 v15, v5  }
0xb7: {  	[tilespmem:$0x1FED0] =	vst v10;
	(erf) = vrcp.f32 v27;
	v27 =	vmul.f32 v52, v0  }
0xb8: {  	v15 =	vmul.f32 v18, v18;
	v19 =	vadd.f32 v29, v19;
	[tilespmem:$0x1FEF0] =	vst v9  }
0xb9: {  	v29 =	vadd.f32 v30, v21;
	v30 =	vmul.f32 v9, v9;
	v31 =	vld.idx.msk [tilespmem:v24+s19+$0x0], $0xffff;
	v34 =	vmul.f32 v27, v27  }
0xba: {  	v21 =	vadd.f32 v15, v19;
	v44 =	vld.idx.msk [tilespmem:v23+s19+$0x0], $0xffff;
	v36 =	vmul.f32 v14, v2  }
0xbb: {  	v35 =	vld.idx.msk [tilespmem:v24+s17+$0x0], $0xffff;
	v15 =	vadd.f32 v30, v29;
	v19 =	vmul.f32 v34, v34  }
0xbc: {  	v53 =	vmul.f32 $5.000000000e-01, v21;
	v30 =	vmul.f32 v36, v36  }
0xbd: {  	v37 =	vld.idx.msk [tilespmem:v23+s17+$0x0], $0xffff;
	v39 =	vmul.f32 $5.000000000e-01, v15;
	v19 =	vmul.f32 v19, v27  }
0xbe: {  	v29 =	vld.idx.msk [tilespmem:v24+s18+$0x0], $0xffff;
	v47 =	vshrl.u32 v15, $0x1;
	v41 =	vpop (erf);
	v30 =	vmul.f32 v30, v30;
	v31 =	vmul.f32 v27, v31  }
0xbf: {  	v59 =	vsub.s32 $0x5F3759DF, v47;
	v44 =	vmul.f32 v36, v44;
	v0 =	vmul.f32 v41, v0  }
0xc0: {  	v54 =	vshrl.u32 v21, $0x1;
	v62 =	vmul.f32 v59, v39;
	v19 =	vmul.f32 v19, v35  }
0xc1: {  	v40 =	vld.idx.msk [tilespmem:v23+s18+$0x0], $0xffff;
	[tilespmem:$0x1FF00] =	vst v38;
	v30 =	vmul.f32 v30, v36;
	v35 =	vsub.s32 $0x5F3759DF, v54;
	v42 =	vpop (erf);
	v43 =	vmul.f32 $1.442695020e+00, v0  }
0xc2: {  	v9 =	vld.idx.msk [tilespmem:v38+s1+$0x0 ss:$0x1], $0xffff;
	v45 =	vmul.f32 v35, v53;
	v2 =	vmul.f32 v42, v2  }
0xc3: {  	v29 =	vmul.f32 v19, v29;
	v30 =	vmul.f32 v30, v37;
	v55 =	vadd.f32 $-1.000000000e+00, v19  }
0xc4: {  	v57 =	vld.idx.msk [tilespmem:v24+s23+$0x0], $0xffff;
	v45 =	vmul.f32 v35, v45;
	(erf) = vpow2.f32 v43  }
0xc5: {  	v58 =	vld.idx.msk [tilespmem:v24+s28+$0x0], $0xffff;
	v27 =	vmul.f32 v29, v27;
	v37 =	vmul.f32 v55, v0  }
0xc6: {  	v60 =	vld.idx.msk [tilespmem:v23+s23+$0x0], $0xffff;
	[tilespmem:$0x1FF10] =	vst v50;
	v46 =	vmul.f32 $1.442695020e+00, v2;
	v29 =	vmul.f32 v30, v40;
	v56 =	vsub.f32 $1.500000000e+00, v45  }
0xc7: {  	v30 =	vadd.f32 $-1.000000000e+00, v30;
	v27 =	vsub.f32 v31, v27;
	v31 =	vmul.f32 v37, v0;
	v0 =	vld.idx.msk [tilespmem:v50+s1+$0x0 ss:$0x1], $0xffff;
	[tilespmem:$0x1FF20] =	vst v9  }
0xc8: {  	s2 =	simm.s32 $0x500;
	v29 =	vmul.f32 v29, v36;
	[tilespmem:$0x1FF30] =	vst v20;
	v35 =	vmul.f32 v35, v56  }
0xc9: {  	v30 =	vmul.f32 v30, v2;
	v63 =	vld.idx.msk [tilespmem:v20+s2+$0x0 ss:$0x1], $0xffff;
	v27 =	vsub.f32 v27, v31;
	v31 =	vmul.f32 v59, v62  }
0xca: {  	v38 =	vadd.s32 v1, v9;
	(erf) = vpow2.f32 v46;
	v23 =	vld.idx.msk [tilespmem:v23+s28+$0x0], $0xffff;
	v34 =	vmul.f32 v35, v53  }
0xcb: {  	v29 =	vsub.f32 v44, v29;
	v2 =	vmul.f32 v30, v2;
	v31 =	vsub.f32 $1.500000000e+00, v31  }
0xcc: {  	v50 =	vmul.f32 v41, v57;
	[tilespmem:$0x1FF40] =	vst v49;
	v30 =	vmul.f32 v34, v35  }
0xcd: {  	v2 =	vsub.f32 v29, v2;
	v29 =	vld.idx.msk [tilespmem:v49+s2+$0x0 ss:$0x1], $0xffff;
	v53 =	vadd.s32 v1, v0;
	v31 =	vmul.f32 v59, v31  }
0xce: {  	v36 =	vmul.f32 v42, v60;
	v27 =	vmul.f32 v27, v58;
	[tilespmem:$0x1FF50] =	vst v1;
	v30 =	vsub.f32 $1.500000000e+00, v30  }
0xcf: {  	v40 =	vld.idx.msk [tilespmem:v38+s24+$0x0], $0xffff;
	v56 =	vpop (erf);
	v2 =	vmul.f32 v2, v23;
	v23 =	vmul.f32 v31, v39  }
0xd0: {  	v34 =	vmul.f32 v27, v56;
	v39 =	vld.idx.msk [tilespmem:v38+s22+$0x0], $0xffff;
	v27 =	vmul.f32 v30, v35  }
0xd1: {  	vm1 =	vle.f32 v28, v25;
	v30 =	vmul.f32 $1.442695020e+00, v50;
	v58 =	vld.idx.msk [tilespmem:v63+s4+$0x0], $0xffff;
	v23 =	vmul.f32 v23, v31  }
0xd2: {  	vm0 =	vlt.f32 v28, v25;
	v59 =	vmul.f32 $1.442695020e+00, v36;
	v54 =	vld.idx.msk [tilespmem:v53+s22+$0x0], $0xffff;
	v47 =	vmul.f32 v27, v21  }
0xd3: {  	v57 =	vpop (erf);
	v34 =	vmul.f32 $5.000000000e-01, v34;
	v60 =	vld.idx.msk [tilespmem:v63+s12+$0x0], $0xffff;
	(erf) = vpow2.f32 v30;
	v23 =	vsub.f32 $1.500000000e+00, v23  }
0xd4: {  	v37 =	vld.idx.msk [tilespmem:v63+s13+$0x0], $0xffff;
	v2 =	vmul.f32 v2, v57;
	(erf) = vpow2.f32 v59;
	v30 =	vsub.f32 v47, v40  }
0xd5: {  	v28 =	vnsel vm0, $0x0, v34;
	v25 =	vld.idx.msk [tilespmem:v29+s4+$0x0], $0xffff;
	v34 =	vmul.f32 v23, v31;
	v23 =	vmul.f32 v27, v39  }
0xd6: {  	v43 =	vld.idx.msk [tilespmem:v53+s24+$0x0], $0xffff;
	v57 =	vmul.f32 v36, v42;
	(erf) = vrcp.f32 v30  }
0xd7: {  	vm13 =	vle.f32 v33, v32;
	v42 =	vld.idx.msk [tilespmem:v38+s17+$0x0], $0xffff;
	v62 =	vmul.f32 v23, v23;
	v44 =	vmul.f32 v34, v54  }
0xd8: {  	vm2 =	vlt.f32 v33, v32;
	v55 =	vmul.f32 v50, v41;
	v20 =	vmovc v0;
	v0 =	vmov s6;
	v46 =	vld.idx.msk [tilespmem:v29+s12+$0x0], $0xffff;
	[tilespmem:$0x1FF60] =	vst v3  }
0xd9: {  	v30 =	vsub.f32 v58, v3;
	v58 =	vld.idx.msk [tilespmem:v53+s17+$0x0], $0xffff;
	v36 =	vmul.f32 v62, v62;
	v41 =	vmul.f32 v44, v44  }
0xda: {  	v31 =	vsub.f32 v60, v4;
	v50 =	vmul.f32 v34, v15;
	v35 =	vsub.f32 v25, v3;
	v25 =	vld.idx.msk [tilespmem:v38+s18+$0x0], $0xffff  }
0xdb: {  	v1 =	vmov s5;
	v33 =	vld.idx.msk [tilespmem:v38+s19+$0x0], $0xffff;
	v59 =	vmul.f32 v36, v23;
	v41 =	vmul.f32 v41, v41  }
0xdc: {  	v56 =	vmul.f32 v31, v31;
	v45 =	vmul.f32 v30, v30;
	v49 =	vsub.f32 v50, v43  }
0xdd: {  	v32 =	vsub.f32 v37, v5;
	v37 =	vmul.f32 v59, v42;
	v41 =	vmul.f32 v41, v44  }
0xde: {  	v28 =	vmul.f32 v28, v52;
	v3 =	vmov s3;
	v62 =	vpop (erf);
	(erf) = vrcp.f32 v49  }
0xdf: {  	[tilespmem:$0x1FF70] =	vst v4;
	[smem:$0x7EC] =	sst s6;
	v45 =	vadd.f32 v56, v45;
	v51 =	vpop (erf);
	v25 =	vmul.f32 v37, v25;
	v56 =	vmul.f32 v41, v58  }
0xe0: {  	v29 =	vld.idx.msk [tilespmem:v29+s13+$0x0], $0xffff;
	v36 =	vsub.f32 v46, v4;
	v46 =	vpop (erf);
	v41 =	vmul.f32 v32, v32;
	v58 =	vmul.f32 v23, v33  }
0xe1: {  	v59 =	vadd.f32 $-1.000000000e+00, v37;
	v49 =	vmul.f32 v46, v39;
	v23 =	vmul.f32 v25, v23  }
0xe2: {  	[smem:$0x7ED] =	sst s5;
	v60 =	vmul.f32 v35, v35;
	v33 =	vadd.f32 v41, v45;
	v41 =	vmul.f32 v28, v48  }
0xe3: {  	v63 =	vmul.f32 v36, v36;
	v45 =	vld.idx.msk [tilespmem:v53+s18+$0x0], $0xffff;
	v25 =	vmul.f32 v59, v49;
	v23 =	vsub.f32 v58, v23  }
0xe4: {  	v59 =	vld.idx.msk [tilespmem:v53+s19+$0x0], $0xffff;
	[tilespmem:$0x1FF80] =	vst v5;
	v58 =	vmul.f32 v28, v61;
	v28 =	vmul.f32 v28, v22;
	v39 =	vsub.f32 $0.0e+00, v41  }
0xe5: {  	v42 =	vsub.f32 v29, v5;
	v37 =	vadd.f32 v63, v60;
	v60 =	vimm.f32 $0.0e+00;
	[smem:$0x7EE] =	sst s3;
	[tilespmem:$0x1FF90] =	vst v0  }
0xe6: {  	[tilespmem:v0+s0+$0x0 ss:$0x1] =	vst.idx.msk $0xffff, v39;
	v29 =	vadd.f32 v28, v60;
	v28 =	vsub.f32 $0.0e+00, v28  }
0xe7: {  	[tilespmem:$0x1FFA0] =	vst v1  }
0xe8: {  	[tilespmem:v1+s0+$0x0 ss:$0x1] =	vst.idx.msk $0xffff, v28;
	v28 =	vsub.f32 $0.0e+00, v58  }
0xe9: {  	[tilespmem:$0x1FFB0] =	vst v3  }
0xea: {  	s3 =	simm.s32 $0xDA90;
	[tilespmem:v3+s0+$0x0 ss:$0x1] =	vst.idx.msk $0xffff, v28  }
0xeb: {  	s5 =	simm.s32 $0xDB90;
	[tilespmem:s3+$0xFFFFFFF0] =	vst v48  }
0xec: {  	v9 =	vmov v61;
	s6 =	simm.s32 $0xDC90;
	v63 =	vmul.f32 $1.442695020e+00, v49;
	v25 =	vmul.f32 v25, v49;
	[tilespmem:s5+$0xFFFFFFF0] =	vst v22  }
0xed: {  	s7 =	simm.s32 $0xDD90;
	v2 =	vmul.f32 $5.000000000e-01, v2;
	v24 =	vadd.f32 v41, v60;
	v61 =	vmul.f32 v56, v45;
	[tilespmem:s6+$0xFFFFFFF0] =	vst v9  }
0xee: {  	s8 =	simm.s32 $0xDE90;
	(erf) = vpow2.f32 v63;
	v60 =	vadd.f32 v58, v60;
	v63 =	vsub.f32 v23, v25;
	[tilespmem:s7+$0xFFFFFFF0] =	vst v26  }
0xef: {  	s9 =	simm.s32 $0xDF90;
	v25 =	vsub.f32 $0.0e+00, v55;
	v58 =	vmul.f32 v44, v59;
	v44 =	vmul.f32 v61, v44;
	[tilespmem:s8+$0xFFFFFFF0] =	vst v52  }
0xf0: {  	s10 =	simm.s32 $0xE090;
	v2 =	vnsel vm2, $0x0, v2;
	v49 =	vpop (erf);
	v1 =	vimm.s32 $0x0;
	[tilespmem:s9+$0xFFFFFFF0] =	vst v62  }
0xf1: {  	s11 =	simm.s32 $0xE190;
	v54 =	vmul.f32 v49, v54;
	v61 =	vsub.f32 v58, v44;
	v44 =	vsel vm1, $0x1, v1;
	[tilespmem:s10+$0xFFFFFFF0] =	vst v25  }
0xf2: {  	s29 =	sadd.s32 $0xB280, s15;
	vm14 =	vle.f32 v47, v40;
	v2 =	vmul.f32 v2, v14;
	v39 =	vmul.f32 v42, v42;
	[tilespmem:s11+$0xFFFFFFF0] =	vst v44  }
0xf3: {  	vm15 =	vle.f32 v50, v43;
	v4 =	vmov s29;
	v41 =	vmul.f32 $1.442695020e+00, v54;
	v5 =	vld [tilespmem:$0x1FFC0]  }
0xf4: {  	s21 =	sadd.s32 $0x9E80, s15;
	v0 =	vmul.f32 v2, v7;
	v23 =	vmul.f32 v2, v6;
	v45 =	vadd.f32 v39, v37  }
0xf5: {  	(erf) = vpow2.f32 v41;
	v3 =	vmov s21;
	v41 =	vmul.f32 v2, v8  }
0xf6: {  	v24 =	vadd.f32 v23, v24;
	v2 =	vadd.f32 $-1.000000000e+00, v56;
	v59 =	vmul.f32 $5.000000000e-01, v45  }
0xf7: {  	s14 =	simm.s32 $0xE290;
	v28 =	vshrl.u32 v33, $0x1;
	v48 =	vsub.f32 $0.0e+00, v23;
	v22 =	vadd.f32 v41, v60  }
0xf8: {  	v58 =	vld.idx.msk [tilespmem:v38+s23+$0x0], $0xffff;
	v60 =	vmul.f32 $5.000000000e-01, v33;
	v26 =	vadd.f32 v0, v29;
	v29 =	vshrl.u32 v45, $0x1;
	[tilespmem:s14+$0xFFFFFFF0] =	vst v5  }
0xf9: {  	s15 =	sadd.s32 $0xC680, s15;
	v23 =	vld.idx.msk [tilespmem:v38+s28+$0x0], $0xffff;
	v2 =	vmul.f32 v2, v54;
	v25 =	vsub.s32 $0x5F3759DF, v28;
	v28 =	vsub.s32 $0x5F3759DF, v29;
	[tilespmem:$0x1FFD0] =	vst v3  }
0xfa: {  	v29 =	vmul.f32 v25, v60;
	v62 =	vmul.f32 v28, v59;
	[tilespmem:v3+s0+$0x0 ss:$0x1] =	vst.idx.msk $0xffff, v48;
	v3 =	vmov s15  }
0xfb: {  	v55 =	vsub.f32 $0.0e+00, v57;
	v2 =	vmul.f32 v2, v54;
	v0 =	vsub.f32 $0.0e+00, v0;
	[tilespmem:$0x1FFE0] =	vst v3  }
0xfc: {  	v56 =	vsub.f32 $0.0e+00, v41;
	v37 =	vmul.f32 v25, v29;
	v29 =	vmul.f32 v28, v62;
	v62 =	vld.idx.msk [tilespmem:v53+s23+$0x0], $0xffff;
	[tilespmem:$0x1FFF0] =	vst v4  }
0xfd: {  	s16 =	simm.s32 $0x1E00;
	v54 =	vsel vm15, $0x1, v1;
	v52 =	vsel vm14, $0x1, v1;
	s15 =	simm.s32 $0x4;
	[tilespmem:v4+s0+$0x0 ss:$0x1] =	vst.idx.msk $0xffff, v0;
	v0 =	vld.idx.msk [tilespmem:v53+s28+$0x0], $0xffff;
	v53 =	vsel vm13, $0x1, v1  }
.LBB2_5:
0xfe: {  	v3 =	vld [tilespmem:$0x1FF00];
	_ =	sdelay $0x7  }
0xff: {  	v57 =	vld.idx.msk [tilespmem:v3+s2+$0x0 ss:$0x1], $0xffff  }
0x100: {  	v3 =	vld [tilespmem:$0x1FF30];
	_ =	sdelay $0x6  }
0x101: {  	s21 =	sshra.s32 s16, $0x2  }
0x102: {  	v23 =	vmul.f32 v63, v23;
	v63 =	vld.idx.msk [tilespmem:v3+s21+$0x0 ss:$0x1], $0xffff  }
0x103: {  	v3 =	vld [tilespmem:$0x1FFE0];
	_ =	sdelay $0x7  }
0x104: {  	[tilespmem:v3+s0+$0x0 ss:$0x1] =	vst.idx.msk $0xffff, v56;
	v3 =	vld [tilespmem:$0x1FF10];
	_ =	sdelay $0x1  }
0x105: {  	v2 =	vsub.f32 v61, v2;
	_ =	sdelay $0x1  }
0x106: {  	v0 =	vmul.f32 v2, v0;
	v2 =	vld [tilespmem:$0x1FED0];
	_ =	sdelay $0x2  }
0x107: {  	s0 =	smov.u32 s1;
	s1 =	smov.u32 s2  }
0x108: {  	v56 =	vld.idx.msk [tilespmem:v3+s1+$0x0 ss:$0x1], $0xffff  }
0x109: {  	[tilespmem:s3+$0x0] =	vst v6;
	v6 =	vmov v2;
	v2 =	vld [tilespmem:$0x1FF40];
	_ =	sdelay $0x1  }
0x10a: {  	v3 =	vmov v35  }
0x10b: {  	[tilespmem:$0x1FED0] =	vst v3;
	v3 =	vld [tilespmem:$0x1FEE0];
	_ =	sdelay $0x3  }
0x10c: {  	s2 =	smov.u32 s21  }
0x10d: {  	v2 =	vld.idx.msk [tilespmem:v2+s2+$0x0 ss:$0x1], $0xffff;
	[tilespmem:s5+$0x0] =	vst v7;
	v7 =	vmov v3;
	v3 =	vmov v36  }
0x10e: {  	[tilespmem:$0x1FEE0] =	vst v3;
	v3 =	vld [tilespmem:$0x1FEF0];
	_ =	sdelay $0x4  }
0x10f: {  	[tilespmem:s6+$0x0] =	vst v8;
	v8 =	vmov v3;
	v3 =	vld [tilespmem:$0x1FEC0];
	_ =	sdelay $0x4  }
0x110: {  	v44 =	vpop (erf);
	[tilespmem:s7+$0x0] =	vst v3;
	v3 =	vmov v15  }
0x111: {  	v4 =	vsub.f32 $1.500000000e+00, v29;
	v29 =	vpop (erf);
	[tilespmem:$0x1FEC0] =	vst v3;
	v3 =	vld [tilespmem:$0x1FF50]  }
0x112: {  	v0 =	vmul.f32 v0, v29  }
0x113: {  	v28 =	vmul.f32 v28, v4  }
0x114: {  	v0 =	vmul.f32 $5.000000000e-01, v0  }
0x115: {  	vm14 =	vlt.f32 v50, v43;
	v48 =	vmul.f32 v28, v59  }
0x116: {  	v59 =	vnsel vm14, $0x0, v0;
	[tilespmem:s8+$0x0] =	vst v14;
	v61 =	vadd.s32 v3, v57;
	v0 =	vadd.s32 v3, v56;
	v3 =	vld [tilespmem:$0x1FEB0]  }
0x117: {  	v37 =	vsub.f32 $1.500000000e+00, v37;
	v14 =	vmov v34;
	[tilespmem:s9+$0x0] =	vst v51  }
0x118: {  	v36 =	vmul.f32 v59, v14;
	[tilespmem:s10+$0x0] =	vst v55  }
0x119: {  	v25 =	vmul.f32 v25, v37;
	v37 =	vld.idx.msk [tilespmem:v63+s4+$0x0], $0xffff;
	[tilespmem:s11+$0x0] =	vst v53  }
0x11a: {  	v55 =	vmul.f32 v36, v6;
	v51 =	vld.idx.msk [tilespmem:v2+s4+$0x0], $0xffff  }
0x11b: {  	v38 =	vmul.f32 v36, v8;
	v59 =	vmul.f32 v36, v7;
	v36 =	vld.idx.msk [tilespmem:v2+s12+$0x0], $0xffff;
	[tilespmem:s14+$0x0] =	vst v3;
	v3 =	vmov v20  }
0x11c: {  	v58 =	vmul.f32 v46, v58;
	v29 =	vmul.f32 v25, v60;
	[tilespmem:$0x1FEB0] =	vst v3;
	v3 =	vld [tilespmem:$0x1FF60]  }
0x11d: {  	v34 =	vmul.f32 v48, v28  }
0x11e: {  	v4 =	vmov v42;
	v29 =	vmul.f32 v29, v25;
	v42 =	vld.idx.msk [tilespmem:v63+s12+$0x0], $0xffff;
	v35 =	vmul.f32 $1.442695020e+00, v58  }
0x11f: {  	[tilespmem:$0x1FEF0] =	vst v4;
	v4 =	vld [tilespmem:$0x1FF70];
	v34 =	vsub.f32 $1.500000000e+00, v34  }
0x120: {  	v23 =	vmul.f32 v23, v44;
	v29 =	vsub.f32 $1.500000000e+00, v29;
	(erf) = vpow2.f32 v35;
	v2 =	vld.idx.msk [tilespmem:v2+s13+$0x0], $0xffff  }
0x121: {  	v34 =	vmul.f32 v34, v28;
	v28 =	vsub.f32 v37, v3;
	v35 =	vsub.f32 v51, v3;
	v3 =	vld [tilespmem:$0x1FF80]  }
0x122: {  	v23 =	vmul.f32 $5.000000000e-01, v23;
	v25 =	vmul.f32 v29, v25;
	v29 =	vld.idx.msk [tilespmem:v63+s13+$0x0], $0xffff  }
0x123: {  	vm0 =	vlt.f32 v47, v40  }
0x124: {  	v23 =	vnsel vm0, $0x0, v23  }
0x125: {  	v23 =	vmul.f32 v23, v27;
	v40 =	vld.idx.msk [tilespmem:v61+s24+$0x0], $0xffff  }
0x126: {  	v53 =	vmov v54;
	v54 =	vsub.f32 v42, v4;
	v42 =	vsub.f32 v2, v3;
	v2 =	vld [tilespmem:$0x1FF90]  }
0x127: {  	v62 =	vmul.f32 v49, v62;
	v60 =	vmul.f32 v23, v16;
	v29 =	vsub.f32 v29, v3;
	v3 =	vld [tilespmem:$0x1FFA0]  }
0x128: {  	v43 =	vld.idx.msk [tilespmem:v0+s24+$0x0], $0xffff  }
0x129: {  	v50 =	vmul.f32 $1.442695020e+00, v62;
	v24 =	vadd.f32 v60, v24;
	v47 =	vmul.f32 v25, v33  }
0x12a: {  	v13 =	vld [tilespmem:$0x1FFB0];
	v60 =	vsub.f32 $0.0e+00, v60;
	v15 =	vmovc v45;
	v45 =	vmul.f32 v23, v18;
	v23 =	vmul.f32 v23, v17  }
0x12b: {  	(erf) = vpow2.f32 v50;
	v50 =	vmul.f32 v34, v15;
	v20 =	vmovc v56;
	v56 =	vsub.f32 v47, v40  }
0x12c: {  	v63 =	vmul.f32 v58, v46;
	v26 =	vadd.f32 v23, v26;
	v23 =	vsub.f32 $0.0e+00, v23;
	v37 =	vld.idx.msk [tilespmem:v61+s22+$0x0], $0xffff  }
0x12d: {  	v36 =	vsub.f32 v36, v4;
	v51 =	vsub.f32 v50, v43;
	(erf) = vrcp.f32 v56  }
0x12e: {  	v58 =	vld.idx.msk [tilespmem:v61+s23+$0x0], $0xffff;
	v56 =	vmul.f32 v54, v54;
	v46 =	vmul.f32 v28, v28;
	[tilespmem:v2+s0+$0x0 ss:$0x1] =	vst.idx.msk $0xffff, v60  }
0x12f: {  	v39 =	vld.idx.msk [tilespmem:v0+s22+$0x0], $0xffff;
	v44 =	vmul.f32 v36, v36;
	(erf) = vrcp.f32 v51;
	[tilespmem:v3+s0+$0x0 ss:$0x1] =	vst.idx.msk $0xffff, v23  }
0x130: {  	v51 =	vadd.f32 v56, v46;
	v2 =	vmul.f32 v29, v29;
	v23 =	vsub.f32 $0.0e+00, v45;
	v3 =	vld.idx.msk [tilespmem:v61+s19+$0x0], $0xffff  }
0x131: {  	v41 =	vmul.f32 v35, v35;
	v48 =	vmul.f32 v25, v37;
	v5 =	vld.idx.msk [tilespmem:v61+s17+$0x0], $0xffff  }
0x132: {  	s3 =	sadd.s32 $0x20, s3;
	v11 =	vadd.f32 v2, v51;
	v2 =	vld.idx.msk [tilespmem:v61+s18+$0x0], $0xffff;
	[tilespmem:v13+s0+$0x0 ss:$0x1] =	vst.idx.msk $0xffff, v23  }
0x133: {  	s5 =	sadd.s32 $0x20, s5;
	v41 =	vadd.f32 v44, v41;
	v56 =	vmul.f32 v42, v42;
	v60 =	vmul.f32 v48, v48;
	[tilespmem:s3+$0xFFFFFFF0] =	vst v16  }
0x134: {  	s6 =	sadd.s32 $0x20, s6;
	v9 =	vmul.f32 v34, v39;
	[tilespmem:s5+$0xFFFFFFF0] =	vst v17  }
0x135: {  	s7 =	sadd.s32 $0x20, s7;
	v22 =	vadd.f32 v45, v22;
	v45 =	vadd.f32 v56, v41;
	v41 =	vmul.f32 v60, v60;
	[tilespmem:s6+$0xFFFFFFF0] =	vst v18  }
0x136: {  	s8 =	sadd.s32 $0x20, s8;
	v19 =	vmul.f32 v9, v9;
	[tilespmem:s7+$0xFFFFFFF0] =	vst v21  }
0x137: {  	v63 =	vsub.f32 $0.0e+00, v63;
	s9 =	sadd.s32 $0x20, s9;
	v4 =	vpop (erf);
	v44 =	vld.idx.msk [tilespmem:v0+s17+$0x0], $0xffff;
	v23 =	vmul.f32 v41, v48;
	[tilespmem:s8+$0xFFFFFFF0] =	vst v27  }
0x138: {  	s10 =	sadd.s32 $0x20, s10;
	v22 =	vadd.f32 v38, v22;
	v56 =	vsub.f32 $0.0e+00, v38;
	v38 =	vld.idx.msk [tilespmem:v0+s18+$0x0], $0xffff;
	v41 =	vmul.f32 v19, v19;
	[tilespmem:s9+$0xFFFFFFF0] =	vst v4  }
0x139: {  	v51 =	vpop (erf);
	v5 =	vmul.f32 v23, v5;
	[tilespmem:s10+$0xFFFFFFF0] =	vst v63;
	v63 =	vld [tilespmem:$0x1FFD0]  }
0x13a: {  	v49 =	vmul.f32 v62, v49;
	v46 =	vpop (erf);
	v23 =	vmul.f32 v41, v9  }
0x13b: {  	v37 =	vmul.f32 v46, v37;
	v19 =	vld.idx.msk [tilespmem:v0+s19+$0x0], $0xffff;
	v2 =	vmul.f32 v5, v2;
	v5 =	vadd.f32 $-1.000000000e+00, v5  }
0x13c: {  	v3 =	vmul.f32 v48, v3;
	v21 =	vmul.f32 v23, v44  }
0x13d: {  	v2 =	vmul.f32 v2, v48;
	v5 =	vmul.f32 v5, v37  }
0x13e: {  	v24 =	vadd.f32 v55, v24;
	v10 =	vsub.f32 $0.0e+00, v55;
	v62 =	vld.idx.msk [tilespmem:v0+s23+$0x0], $0xffff;
	v4 =	vmul.f32 v21, v38  }
0x13f: {  	v0 =	vld.idx.msk [tilespmem:v0+s28+$0x0], $0xffff;
	v18 =	vmul.f32 $1.442695020e+00, v37;
	v2 =	vsub.f32 v3, v2;
	v3 =	vmul.f32 v5, v37  }
0x140: {  	v26 =	vadd.f32 v59, v26;
	v19 =	vmul.f32 v9, v19;
	v4 =	vmul.f32 v4, v9;
	v9 =	vld [tilespmem:$0x1FF20]  }
0x141: {  	v12 =	vsub.f32 $0.0e+00, v59;
	[tilespmem:v63+s0+$0x0 ss:$0x1] =	vst.idx.msk $0xffff, v10;
	v63 =	vsub.f32 v2, v3;
	v3 =	vld [tilespmem:$0x1FFF0]  }
0x142: {  	v55 =	vsub.f32 $0.0e+00, v49;
	vm1 =	vle.f32 v47, v40;
	vm15 =	vle.f32 v50, v43;
	v49 =	vpop (erf)  }
0x143: {  	s15 =	sadd.s32 $0x2, s15;
	v59 =	vmul.f32 $5.000000000e-01, v45;
	v16 =	vmovc v30;
	v30 =	vmovc v28;
	v28 =	vshrl.u32 v45, $0x1;
	v39 =	vmul.f32 v49, v39  }
0x144: {  	p1 =	slt.u32 s15, $0xC;
	s11 =	sadd.s32 $0x20, s11;
	v28 =	vsub.s32 $0x5F3759DF, v28;
	(erf) = vpow2.f32 v18;
	v18 =	vmovc v32;
	v32 =	vmovc v29;
	v29 =	vadd.f32 $-1.000000000e+00, v21  }
.Ltmp1:
0x145: {  	s14 =	sadd.s32 $0x20, s14;
	v60 =	vmul.f32 $5.000000000e-01, v11;
	v41 =	vshrl.u32 v11, $0x1;
	v27 =	vmovc v25;
	v44 =	vmul.f32 $1.442695020e+00, v39;
	v23 =	vld.idx.msk [tilespmem:v61+s28+$0x0], $0xffff;
	[tilespmem:s11+$0xFFFFFFF0] =	vst v52;
	(pc) =	sbr.rel @p1 .LBB2_5-.Ltmp1, $4  }
0x146: {  	v25 =	vsub.s32 $0x5F3759DF, v41;
	v5 =	vmul.f32 v29, v39;
	v29 =	vmul.f32 v28, v59;
	[tilespmem:s14+$0xFFFFFFF0] =	vst v9;
	v9 =	vmovc v57  }
0x147: {  	v13 =	vsel vm1, $0x1, v1;
	v17 =	vmovc v31;
	v31 =	vmovc v54;
	v54 =	vsel vm15, $0x1, v1;
	[tilespmem:$0x1FF20] =	vst v9;
	v9 =	vmul.f32 v25, v60  }
0x148: {  	(erf) = vpow2.f32 v44;
	v52 =	vmovc v13;
	v21 =	vmovc v33;
	v61 =	vsub.f32 v19, v4;
	v29 =	vmul.f32 v28, v29  }
0x149: {  	s16 =	sadd.s32 $0xA00, s16;
	v33 =	vmov v11;
	v2 =	vmul.f32 v5, v39;
	v37 =	vmul.f32 v25, v9;
	[tilespmem:v3+s0+$0x0 ss:$0x1] =	vst.idx.msk $0xffff, v12  }
0x14a: {  	v3 =	vld [tilespmem:$0x1FF00];
	_ =	sdelay $0x5  }
0x14b: {  	v10 =	vld [tilespmem:$0x1FF10];
	_ =	sdelay $0x1  }
0x14c: {  	v5 =	vld.idx.msk [tilespmem:v3+s2+$0x0 ss:$0x1], $0xffff;
	_ =	sdelay $0x1  }
0x14d: {  	v38 =	vld [tilespmem:$0x1FF50]  }
0x14e: {  	v3 =	vsub.f32 $1.500000000e+00, v37;
	_ =	sdelay $0x1  }
0x14f: {  	v3 =	vmul.f32 v25, v3;
	[tilespmem:$0x1FE70] =	vst v5  }
0x150: {  	v11 =	vld.idx.msk [tilespmem:v10+s2+$0x0 ss:$0x1], $0xffff  }
0x151: {  	v4 =	vmul.f32 v3, v60;
	v5 =	vadd.s32 v38, v5;
	_ =	sdelay $0x1  }
0x152: {  	v4 =	vmul.f32 v4, v3;
	_ =	sdelay $0x1  }
0x153: {  	v9 =	vsub.f32 $1.500000000e+00, v29;
	v4 =	vsub.f32 $1.500000000e+00, v4;
	[tilespmem:$0x1FE80] =	vst v11  }
0x154: {  	v12 =	vmul.f32 v46, v58;
	v60 =	vld.idx.msk [tilespmem:v5+s24+$0x0], $0xffff  }
0x155: {  	v9 =	vmul.f32 v28, v9;
	v29 =	vmul.f32 v4, v3  }
0x156: {  	v13 =	vmul.f32 v49, v62;
	v28 =	vmul.f32 $1.442695020e+00, v12  }
0x157: {  	v59 =	vmul.f32 v9, v59;
	v3 =	vadd.s32 v38, v11;
	[tilespmem:$0x1FE30] =	vst v12;
	v57 =	vmul.f32 v29, v33  }
0x158: {  	v11 =	vmul.f32 $1.442695020e+00, v13;
	[tilespmem:$0x1FE50] =	vst v13  }
0x159: {  	(erf) = vpow2.f32 v28;
	v25 =	vmul.f32 v59, v9;
	v10 =	vld.idx.msk [tilespmem:v5+s22+$0x0], $0xffff;
	v37 =	vsub.f32 v57, v60  }
0x15a: {  	(erf) = vpow2.f32 v11  }
0x15b: {  	v4 =	vsub.f32 $1.500000000e+00, v25;
	(erf) = vrcp.f32 v37  }
0x15c: {  	v62 =	vld.idx.msk [tilespmem:v3+s24+$0x0], $0xffff  }
0x15d: {  	v59 =	vmul.f32 v4, v9  }
0x15e: {  	v4 =	vmul.f32 v29, v10  }
0x15f: {  	v58 =	vmul.f32 v59, v45;
	v9 =	vld.idx.msk [tilespmem:v3+s22+$0x0], $0xffff  }
0x160: {  	v12 =	vpop (erf);
	v13 =	vmul.f32 v4, v4  }
0x161: {  	v19 =	vld.idx.msk [tilespmem:v5+s17+$0x0], $0xffff;
	v11 =	vpop (erf);
	v39 =	vsub.f32 v58, v62  }
0x162: {  	v41 =	vpop (erf);
	v13 =	vmul.f32 v13, v13  }
0x163: {  	[tilespmem:$0x1FE40] =	vst v41;
	v44 =	vpop (erf);
	(erf) = vrcp.f32 v39  }
0x164: {  	v28 =	vld.idx.msk [tilespmem:v5+s18+$0x0], $0xffff;
	[tilespmem:$0x1FE60] =	vst v44;
	v39 =	vmul.f32 v59, v9;
	v13 =	vmul.f32 v13, v4;
	v25 =	vpop (erf)  }
0x165: {  	v48 =	vld.idx.msk [tilespmem:v5+s19+$0x0], $0xffff;
	v10 =	vmul.f32 v25, v10  }
0x166: {  	v13 =	vmul.f32 v13, v19;
	v19 =	vmul.f32 v39, v39  }
0x167: {  	v41 =	vld.idx.msk [tilespmem:v3+s17+$0x0], $0xffff;
	v44 =	vmul.f32 $1.442695020e+00, v10  }
0x168: {  	v19 =	vmul.f32 v19, v19  }
0x169: {  	v28 =	vmul.f32 v13, v28;
	v13 =	vadd.f32 $-1.000000000e+00, v13;
	(erf) = vpow2.f32 v44;
	v44 =	vld.idx.msk [tilespmem:v3+s18+$0x0], $0xffff  }
0x16a: {  	v37 =	vmul.f32 v4, v48;
	v19 =	vmul.f32 v19, v39  }
0x16b: {  	v48 =	vld.idx.msk [tilespmem:v3+s19+$0x0], $0xffff;
	v4 =	vmul.f32 v28, v4;
	v13 =	vmul.f32 v13, v10  }
0x16c: {  	v19 =	vmul.f32 v19, v41;
	v41 =	vld.idx.msk [tilespmem:v5+s28+$0x0], $0xffff  }
0x16d: {  	v4 =	vsub.f32 v37, v4;
	v10 =	vmul.f32 v13, v10  }
0x16e: {  	v23 =	vmul.f32 v63, v23;
	v37 =	vmul.f32 v19, v44;
	v44 =	vadd.f32 $-1.000000000e+00, v19  }
0x16f: {  	v28 =	vpop (erf);
	v4 =	vsub.f32 v4, v10  }
0x170: {  	v12 =	vmul.f32 v23, v12;
	v9 =	vmul.f32 v28, v9  }
0x171: {  	v63 =	vmul.f32 v39, v48;
	v4 =	vmul.f32 v4, v41  }
0x172: {  	v2 =	vsub.f32 v61, v2;
	v13 =	vmul.f32 $1.442695020e+00, v9;
	v10 =	vmul.f32 v44, v9;
	v44 =	vpop (erf)  }
0x173: {  	v19 =	vmul.f32 v37, v39;
	v4 =	vmul.f32 v4, v44  }
0x174: {  	vm0 =	vlt.f32 v47, v40;
	v0 =	vmul.f32 v2, v0;
	v2 =	vmul.f32 $5.000000000e-01, v12  }
0x175: {  	(erf) = vpow2.f32 v13;
	v13 =	vsub.f32 v63, v19;
	v63 =	vld [tilespmem:$0x1FF90];
	v4 =	vmul.f32 $5.000000000e-01, v4  }
0x176: {  	v2 =	vnsel vm0, $0x0, v2;
	vm9 =	vlt.f32 v57, v60  }
0x177: {  	v2 =	vmul.f32 v2, v27;
	v4 =	vnsel vm9, $0x0, v4  }
0x178: {  	v4 =	vmul.f32 v4, v29  }
0x179: {  	vm10 =	vlt.f32 v50, v43;
	v43 =	vmul.f32 v2, v16  }
0x17a: {  	v19 =	vmul.f32 v4, v30  }
0x17b: {  	v48 =	vsub.f32 $0.0e+00, v43  }
0x17c: {  	v41 =	vld.idx.msk [tilespmem:v3+s28+$0x0], $0xffff;
	v50 =	vsub.f32 $0.0e+00, v19  }
0x17d: {  	v9 =	vmul.f32 v10, v9;
	[tilespmem:v63+s1+$0x0 ss:$0x1] =	vst.idx.msk $0xffff, v48  }
0x17e: {  	v5 =	vld.idx.msk [tilespmem:v5+s23+$0x0], $0xffff;
	[tilespmem:v63+s2+$0x0 ss:$0x1] =	vst.idx.msk $0xffff, v50  }
0x17f: {  	v9 =	vsub.f32 v13, v9;
	v10 =	vld [tilespmem:$0x1FFA0];
	_ =	sdelay $0x1  }
0x180: {  	v9 =	vmul.f32 v9, v41  }
0x181: {  	v47 =	vpop (erf)  }
0x182: {  	v9 =	vmul.f32 v9, v47;
	v47 =	vmul.f32 v2, v17  }
0x183: {  	v23 =	vmul.f32 v4, v31  }
0x184: {  	v12 =	vsub.f32 $0.0e+00, v47  }
0x185: {  	v13 =	vsub.f32 $0.0e+00, v23  }
0x186: {  	[tilespmem:v10+s1+$0x0 ss:$0x1] =	vst.idx.msk $0xffff, v12  }
0x187: {  	v0 =	vmul.f32 v0, v11;
	v11 =	vld [tilespmem:$0x1FED0];
	[tilespmem:v10+s2+$0x0 ss:$0x1] =	vst.idx.msk $0xffff, v13  }
0x188: {  	v44 =	vld [tilespmem:$0x1FFB0];
	_ =	sdelay $0x3  }
0x189: {  	v61 =	vmul.f32 v2, v18  }
0x18a: {  	v63 =	vmul.f32 v4, v32  }
0x18b: {  	v37 =	vsub.f32 $0.0e+00, v61  }
0x18c: {  	v41 =	vsub.f32 $0.0e+00, v63  }
0x18d: {  	[tilespmem:v44+s1+$0x0 ss:$0x1] =	vst.idx.msk $0xffff, v37  }
0x18e: {  	v0 =	vmul.f32 $5.000000000e-01, v0;
	v10 =	vld [tilespmem:$0x1FEE0];
	[tilespmem:v44+s2+$0x0 ss:$0x1] =	vst.idx.msk $0xffff, v41  }
0x18f: {  	v2 =	vmul.f32 $5.000000000e-01, v9;
	v12 =	vld [tilespmem:$0x1FFD0]  }
0x190: {  	v0 =	vnsel vm10, $0x0, v0;
	vm11 =	vlt.f32 v58, v62  }
0x191: {  	v0 =	vmul.f32 v0, v34;
	v2 =	vnsel vm11, $0x0, v2  }
0x192: {  	v2 =	vmul.f32 v2, v59  }
0x193: {  	v50 =	vmul.f32 v0, v11  }
0x194: {  	v40 =	vmul.f32 v2, v35  }
0x195: {  	v48 =	vsub.f32 $0.0e+00, v50  }
0x196: {  	v41 =	vsub.f32 $0.0e+00, v40  }
0x197: {  	[tilespmem:v12+s1+$0x0 ss:$0x1] =	vst.idx.msk $0xffff, v48  }
0x198: {  	v3 =	vld.idx.msk [tilespmem:v3+s23+$0x0], $0xffff;
	[tilespmem:v12+s2+$0x0 ss:$0x1] =	vst.idx.msk $0xffff, v41  }
0x199: {  	v12 =	vld [tilespmem:$0x1FFF0];
	_ =	sdelay $0x3  }
0x19a: {  	v37 =	vmul.f32 v0, v10  }
0x19b: {  	v39 =	vmul.f32 v2, v36  }
0x19c: {  	v44 =	vsub.f32 $0.0e+00, v37  }
0x19d: {  	v48 =	vsub.f32 $0.0e+00, v39  }
0x19e: {  	[tilespmem:v12+s1+$0x0 ss:$0x1] =	vst.idx.msk $0xffff, v44  }
0x19f: {  	[tilespmem:v12+s2+$0x0 ss:$0x1] =	vst.idx.msk $0xffff, v48  }
0x1a0: {  	v9 =	vld [tilespmem:$0x1FFE0];
	_ =	sdelay $0x7  }
0x1a1: {  	[tilespmem:v9+s0+$0x0 ss:$0x1] =	vst.idx.msk $0xffff, v56  }
0x1a2: {  	[tilespmem:s3+$0x0] =	vst v6  }
0x1a3: {  	[tilespmem:s5+$0x0] =	vst v7  }
0x1a4: {  	[tilespmem:s6+$0x0] =	vst v8  }
0x1a5: {  	v4 =	vld [tilespmem:$0x1FEC0];
	_ =	sdelay $0x4  }
0x1a6: {  	[tilespmem:s7+$0x0] =	vst v4  }
0x1a7: {  	[tilespmem:s8+$0x0] =	vst v14  }
0x1a8: {  	[tilespmem:s9+$0x0] =	vst v51  }
0x1a9: {  	[tilespmem:s10+$0x0] =	vst v55  }
0x1aa: {  	[tilespmem:s11+$0x0] =	vst v53  }
0x1ab: {  	v4 =	vld [tilespmem:$0x1FEB0];
	_ =	sdelay $0x1  }
0x1ac: {  	s3 =	sadd.s32 $0x20, s3  }
0x1ad: {  	s5 =	sadd.s32 $0x20, s5;
	[tilespmem:s3+$0xFFFFFFF0] =	vst v16  }
0x1ae: {  	[tilespmem:s5+$0xFFFFFFF0] =	vst v17  }
0x1af: {  	s6 =	sadd.s32 $0x20, s6;
	[tilespmem:s14+$0x0] =	vst v4  }
0x1b0: {  	s7 =	sadd.s32 $0x20, s7;
	v4 =	vld [tilespmem:$0x1FE30];
	[tilespmem:s6+$0xFFFFFFF0] =	vst v18  }
0x1b1: {  	s8 =	sadd.s32 $0x20, s8;
	[tilespmem:s7+$0xFFFFFFF0] =	vst v21  }
0x1b2: {  	[tilespmem:s8+$0xFFFFFFF0] =	vst v27  }
0x1b3: {  	v6 =	vld [tilespmem:$0x1FE40];
	_ =	sdelay $0x2  }
0x1b4: {  	v4 =	vmul.f32 v4, v46  }
0x1b5: {  	s9 =	sadd.s32 $0x20, s9  }
0x1b6: {  	v4 =	vsub.f32 $0.0e+00, v4;
	[tilespmem:s9+$0xFFFFFFF0] =	vst v6  }
0x1b7: {  	s15 =	sadd.s32 $0x20, s10;
	v7 =	vld [tilespmem:$0x1FEF0]  }
0x1b8: {  	s16 =	sadd.s32 $0x20, s11;
	[tilespmem:s15+$0xFFFFFFF0] =	vst v4  }
0x1b9: {  	[tilespmem:s16+$0xFFFFFFF0] =	vst v52  }
0x1ba: {  	v4 =	vld [tilespmem:$0x1FF20];
	_ =	sdelay $0x1  }
0x1bb: {  	v21 =	vmul.f32 v0, v7;
	_ =	sdelay $0x1  }
0x1bc: {  	s21 =	sadd.s32 $0x20, s14;
	v0 =	vsub.f32 $0.0e+00, v21  }
0x1bd: {  	[tilespmem:s21+$0xFFFFFFF0] =	vst v4  }
0x1be: {  	[tilespmem:v9+s1+$0x0 ss:$0x1] =	vst.idx.msk $0xffff, v0  }
0x1bf: {  	v0 =	vmul.f32 v25, v5;
	[tilespmem:s3+$0x0] =	vst v11  }
0x1c0: {  	[tilespmem:s5+$0x0] =	vst v10  }
0x1c1: {  	v5 =	vmul.f32 $1.442695020e+00, v0;
	v4 =	vld [tilespmem:$0x1FE50];
	[tilespmem:s6+$0x0] =	vst v7  }
0x1c2: {  	[tilespmem:s7+$0x0] =	vst v15  }
0x1c3: {  	s0 =	sadd.s32 $0x20, s3;
	(erf) = vpow2.f32 v5;
	[tilespmem:s8+$0x0] =	vst v34  }
0x1c4: {  	s3 =	sadd.s32 $0x20, s5;
	v27 =	vld [tilespmem:$0x1FE60];
	[tilespmem:s0+$0xFFFFFFF0] =	vst v30  }
0x1c5: {  	s5 =	sadd.s32 $0x20, s6;
	[tilespmem:s3+$0xFFFFFFF0] =	vst v31  }
0x1c6: {  	s6 =	sadd.s32 $0x20, s7;
	v4 =	vmul.f32 v4, v49;
	[tilespmem:s5+$0xFFFFFFF0] =	vst v32  }
0x1c7: {  	s7 =	sadd.s32 $0x20, s8;
	[tilespmem:s6+$0xFFFFFFF0] =	vst v33  }
0x1c8: {  	v4 =	vsub.f32 $0.0e+00, v4;
	[tilespmem:s7+$0xFFFFFFF0] =	vst v29  }
0x1c9: {  	[tilespmem:s9+$0x0] =	vst v27  }
0x1ca: {  	v3 =	vmul.f32 v28, v3;
	v0 =	vmul.f32 v0, v25;
	[tilespmem:s15+$0x0] =	vst v4  }
0x1cb: {  	[tilespmem:s16+$0x0] =	vst v54  }
0x1cc: {  	s14 =	sadd.s32 $0x20, s9;
	v34 =	vsub.f32 $0.0e+00, v0;
	v32 =	vmul.f32 $1.442695020e+00, v3;
	v33 =	vpop (erf);
	[tilespmem:s21+$0x0] =	vst v20  }
0x1cd: {  	vm12 =	vle.f32 v57, v60;
	v0 =	vmul.f32 v2, v42;
	s15 =	sadd.s32 $0x20, s15;
	[tilespmem:s14+$0xFFFFFFF0] =	vst v33  }
0x1ce: {  	v2 =	vsel vm12, $0x1, v1;
	(erf) = vpow2.f32 v32;
	s16 =	sadd.s32 $0x20, s16;
	[tilespmem:s15+$0xFFFFFFF0] =	vst v34  }
0x1cf: {  	[tilespmem:s16+$0xFFFFFFF0] =	vst v2;
	v2 =	vsub.f32 $0.0e+00, v0  }
0x1d0: {  	v41 =	vld [tilespmem:$0x1FE70]  }
0x1d1: {  	[tilespmem:v9+s2+$0x0 ss:$0x1] =	vst.idx.msk $0xffff, v2  }
0x1d2: {  	[tilespmem:s0+$0x0] =	vst v35  }
0x1d3: {  	[tilespmem:s3+$0x0] =	vst v36  }
0x1d4: {  	s21 =	sadd.s32 $0x20, s21;
	[tilespmem:s5+$0x0] =	vst v42  }
0x1d5: {  	v2 =	vmul.f32 v3, v28;
	[tilespmem:s21+$0xFFFFFFF0] =	vst v41  }
0x1d6: {  	[tilespmem:s6+$0x0] =	vst v45  }
0x1d7: {  	v2 =	vsub.f32 $0.0e+00, v2;
	v3 =	vpop (erf);
	[tilespmem:s7+$0x0] =	vst v59  }
0x1d8: {  	vm13 =	vle.f32 v58, v62;
	[tilespmem:s14+$0x0] =	vst v3  }
0x1d9: {  	v3 =	vsel vm13, $0x1, v1;
	[tilespmem:s15+$0x0] =	vst v2  }
0x1da: {  	[tilespmem:s16+$0x0] =	vst v3  }
0x1db: {  	v2 =	vld [tilespmem:$0x1FE80];
	_ =	sdelay $0x4  }
0x1dc: {  	[tilespmem:s21+$0x0] =	vst v2  }
0x1dd: {  	s1 =	sld [smem:$0x7EB];
	_ =	sdelay $0x2  }
0x1de: {  	v2 =	vld [tilespmem:s1+$0x8940];
	_ =	sdelay $0x5  }
0x1df: {  	v5 =	vld [tilespmem:$0x1FF60]  }
0x1e0: {  	v42 =	vld [tilespmem:$0x1FF70]  }
0x1e1: {  	v3 =	vld.idx.msk [tilespmem:v2+s4+$0x0], $0xffff  }
0x1e2: {  	v4 =	vld.idx.msk [tilespmem:v2+s12+$0x0], $0xffff  }
0x1e3: {  	v44 =	vld [tilespmem:$0x1FF80]  }
0x1e4: {  	v2 =	vld.idx.msk [tilespmem:v2+s13+$0x0], $0xffff;
	_ =	sdelay $0x2  }
0x1e5: {  	v3 =	vsub.f32 v3, v5;
	v4 =	vsub.f32 v4, v42;
	_ =	sdelay $0x1  }
0x1e6: {  	v2 =	vsub.f32 v2, v44;
	v45 =	vmul.f32 v3, v3;
	v46 =	vmul.f32 v4, v4;
	_ =	sdelay $0x1  }
0x1e7: {  	v48 =	vmul.f32 v2, v2;
	v5 =	vadd.f32 v46, v45;
	_ =	sdelay $0x1  }
0x1e8: {  	v5 =	vadd.f32 v48, v5;
	_ =	sdelay $0x1  }
0x1e9: {  	v7 =	vshrl.u32 v5, $0x1;
	v49 =	vmul.f32 $5.000000000e-01, v5  }
0x1ea: {  	v7 =	vsub.s32 $0x5F3759DF, v7  }
0x1eb: {  	v51 =	vmul.f32 v7, v49;
	_ =	sdelay $0x1  }
0x1ec: {  	v9 =	vmul.f32 v7, v51  }
0x1ed: {  	v10 =	vld [tilespmem:s1+$0x9D40]  }
0x1ee: {  	v9 =	vsub.f32 $1.500000000e+00, v9;
	_ =	sdelay $0x1  }
0x1ef: {  	v7 =	vmul.f32 v7, v9;
	_ =	sdelay $0x1  }
0x1f0: {  	v52 =	vadd.s32 v38, v10;
	v8 =	vmul.f32 v7, v49;
	_ =	sdelay $0x1  }
0x1f1: {  	v8 =	vmul.f32 v8, v7;
	_ =	sdelay $0x1  }
0x1f2: {  	v8 =	vsub.f32 $1.500000000e+00, v8  }
0x1f3: {  	v11 =	vld.idx.msk [tilespmem:v52+s24+$0x0], $0xffff  }
0x1f4: {  	v7 =	vmul.f32 v8, v7;
	_ =	sdelay $0x1  }
0x1f5: {  	v8 =	vmul.f32 v7, v5;
	_ =	sdelay $0x1  }
0x1f6: {  	v53 =	vsub.f32 v8, v11  }
0x1f7: {  	v54 =	vld.idx.msk [tilespmem:v52+s22+$0x0], $0xffff  }
0x1f8: {  	(erf) = vrcp.f32 v53;
	_ =	sdelay $0x3  }
0x1f9: {  	v55 =	vmul.f32 v7, v54;
	_ =	sdelay $0x1  }
0x1fa: {  	v56 =	vmul.f32 v55, v55  }
0x1fb: {  	v15 =	vld.idx.msk [tilespmem:v52+s17+$0x0], $0xffff  }
0x1fc: {  	v14 =	vmul.f32 v56, v56  }
0x1fd: {  	v16 =	vld.idx.msk [tilespmem:v52+s18+$0x0], $0xffff;
	v17 =	vpop (erf)  }
0x1fe: {  	v18 =	vld.idx.msk [tilespmem:v52+s19+$0x0], $0xffff;
	v14 =	vmul.f32 v14, v55;
	v13 =	vmul.f32 v17, v54;
	_ =	sdelay $0x1  }
0x1ff: {  	v14 =	vmul.f32 v14, v15;
	v15 =	vmul.f32 $1.442695020e+00, v13;
	_ =	sdelay $0x1  }
0x200: {  	(erf) = vpow2.f32 v15;
	v15 =	vadd.f32 $-1.000000000e+00, v14;
	v14 =	vmul.f32 v14, v16  }
0x201: {  	v16 =	vmul.f32 v55, v18  }
0x202: {  	v12 =	vmul.f32 v14, v55;
	v57 =	vmul.f32 v15, v13  }
0x203: {  	v18 =	vld.idx.msk [tilespmem:v52+s28+$0x0], $0xffff  }
0x204: {  	v12 =	vsub.f32 v16, v12;
	v13 =	vmul.f32 v57, v13;
	_ =	sdelay $0x1  }
0x205: {  	v12 =	vsub.f32 v12, v13;
	_ =	sdelay $0x1  }
0x206: {  	v12 =	vmul.f32 v12, v18  }
0x207: {  	s6 =	simm.s32 $0xE380;
	v9 =	vld.idx.msk [tilespmem:v52+s23+$0x0], $0xffff;
	v14 =	vpop (erf)  }
0x208: {  	v13 =	vld.idx.msk [tilespmem:v52+s6+$0x0], $0xffff;
	v12 =	vmul.f32 v12, v14;
	_ =	sdelay $0x1  }
0x209: {  	v12 =	vmul.f32 $5.000000000e-01, v12  }
0x20a: {  	p1 =	sne.s32 @!p0 s30, $0x4;
	vm14 =	vlt.f32 v8, v11  }
0x20b: {  	p1 =	por p1, p0;
	v9 =	vmul.f32 v17, v9;
	v12 =	vnsel vm14, $0x0, v12  }
0x20c: {  	v13 =	vmul.f32 @!p1 v15, v13;
	v12 =	vmul.f32 v12, v7  }
0x20d: {  	v15 =	vmul.f32 $1.442695020e+00, v9  }
0x20e: {  	v13 =	vmul.f32 @!p1 v13, v14;
	v58 =	vmul.f32 v12, v3  }
0x20f: {  	vm0 =	vlt.f32 @!p1 v8, v11;
	(erf) = vpow2.f32 v15;
	v16 =	vmul.f32 v12, v4  }
0x210: {  	v13 =	vnsel @!p1 vm0, $0x0, v13;
	v12 =	vmul.f32 v12, v2;
	v15 =	vsub.f32 $0.0e+00, v58  }
0x211: {  	[smem:$0x7DA] =	sst s30;
	s7 =	sadd.s32 $0x12C0, s1;
	[tilespmem:$0xE900] =	vst @!p1 v13;
	v59 =	vsub.f32 $0.0e+00, v16  }
0x212: {  	s9 =	simm.s32 $0xE;
	s8 =	rddreg [dreg:$0x10];
	[tilespmem:s7+$0x9E80] =	vst v15;
	v15 =	vsub.f32 $0.0e+00, v12  }
0x213: {  	s10 =	simm.s32 $0xE090;
	[smem:$0x7DC] =	sst s9;
	[tilespmem:s7+$0xB280] =	vst v59  }
0x214: {  	s11 =	simm.s32 $0xE290;
	[smem:$0x7DD] =	sst s10;
	[tilespmem:s7+$0xC680] =	vst v15  }
0x215: {  	[smem:$0x7DE] =	sst s11;
	v15 =	vadd.f32 v61, v22;
	[tilespmem:$0xDB60] =	vst v3  }
0x216: {  	v60 =	vadd.f32 v47, v26;
	s15 =	sld [smem:$0x7F2];
	[tilespmem:$0xDC60] =	vst v4  }
0x217: {  	s21 =	sld [smem:$0x7F1];
	v18 =	vadd.f32 v43, v24;
	[tilespmem:$0xDD60] =	vst v2;
	v61 =	vadd.f32 v21, v15  }
0x218: {  	s11 =	sld [smem:$0x7EF];
	v13 =	vadd.f32 v37, v60;
	v2 =	vmul.f32 v9, v17;
	[tilespmem:$0xDE60] =	vst v5  }
0x219: {  	s29 =	smov.u32 s31;
	s3 =	simm.s32 $0x80;
	[smem:$0x7E2] =	sst s31;
	v3 =	vadd.f32 v50, v18;
	[tilespmem:$0xDF60] =	vst v7;
	v4 =	vadd.f32 v63, v61  }
0x21a: {  	s14 =	simm.s32 $0xDE90;
	s16 =	simm.s32 $0xDF90;
	[smem:$0x7E0] =	sst s15;
	v62 =	vadd.f32 v23, v13;
	[tilespmem:$0xE360] =	vst v10;
	v2 =	vsub.f32 $0.0e+00, v2;
	v63 =	vpop (erf)  }
.Ltmp2:
0x21b: {  	s30 =	simm.s32 $0x0;
	[smem:$0x7E1] =	sst s21;
	vm15 =	vle.f32 v8, v11;
	v3 =	vadd.f32 v19, v3;
	[tilespmem:$0xE060] =	vst v63;
	v0 =	vadd.f32 v0, v4;
	(pc) =	sbr.rel .LBB2_7-.Ltmp2, $4  }
0x21c: {  	s9 =	simm.s32 $0xDB90;
	s0 =	sadd.s32 s8, s1;
	s21 =	sld [smem:$0x7F0];
	v6 =	vadd.f32 v39, v62;
	[tilespmem:$0xE160] =	vst v2;
	v2 =	vsel vm15, $0x1, v1  }
0x21d: {  	s12 =	simm.s32 $0xE190;
	p1 =	slt.u32 s0, $0x2710;
	s0 =	simm.f32 $1.000000000e+00;
	v3 =	vadd.f32 v40, v3;
	[tilespmem:$0xE260] =	vst v2;
	v60 =	vadd.f32 v12, v0;
	v0 =	vadd.s32 $0xFFFFFFFD, v38  }
0x21e: {  	s8 =	simm.s32 $0xDC90;
	[smem:$0x7DF] =	sst s12;
	s0 =	simm.s32 @!p1 $0x0;
	[tilespmem:$0x1FE90] =	vst v0;
	v0 =	vmov s1  }
0x21f: {  	v34 =	vmov v38;
	[smem:$0x7DB] =	sst s0;
	v16 =	vadd.f32 v16, v6;
	s7 =	simm.s32 $0xDA90;
	v36 =	vadd.f32 v58, v3;
	s1 =	simm.s32 $0xDD90;
	[tilespmem:$0x1FEA0] =	vst v0  }
.LBB2_10:
0x220: {  	s4 =	smov.u32 s16;
	s16 =	smov.u32 s14;
	s14 =	smov.u32 s1  }
0x221: {  	s1 =	smov.u32 s8;
	s8 =	smov.u32 s9;
	s9 =	smov.u32 s7  }
.LBB2_20:
0x222: {  	v2 =	vld [tilespmem:$0x1FEA0];
	_ =	sdelay $0x5  }
0x223: {  	s0 =	smul.u32 $0x140, s12;
	_ =	sdelay $0x1  }
0x224: {  	v1 =	vld.idx.msk [tilespmem:v2+s0+$0x9E80 ss:$0x1], $0xffff;
	_ =	sdelay $0x4  }
0x225: {  	v0 =	vadd.f32 v1, v0;
	_ =	sdelay $0x1  }
0x226: {  	[tilespmem:v2+s0+$0x9E80 ss:$0x1] =	vst.idx.msk $0xffff, v0  }
0x227: {  	v0 =	vld.idx.msk [tilespmem:v2+s0+$0xB280 ss:$0x1], $0xffff  }
0x228: {  	s29 =	sld [smem:$0x7D7]  }
0x229: {  	s11 =	sld [smem:$0x7D9]  }
0x22a: {  	s21 =	sld [smem:$0x7D6]  }
0x22b: {  	s3 =	sld [smem:$0x7D8]  }
0x22c: {  	s2 =	sld [smem:$0x7DC];
	v0 =	vadd.f32 v0, v17  }
0x22d: {  	s6 =	sld [smem:$0x7E1]  }
0x22e: {  	s7 =	sld [smem:$0x7E0];
	[tilespmem:v2+s0+$0xB280 ss:$0x1] =	vst.idx.msk $0xffff, v0  }
0x22f: {  	s10 =	sld [smem:$0x7DD];
	v0 =	vld.idx.msk [tilespmem:v2+s0+$0xC680 ss:$0x1], $0xffff  }
0x230: {  	s15 =	sld [smem:$0x7DE]  }
0x231: {  	p1 =	sne.s32 s12, $0xE;
	s31 =	sld [smem:$0x7DF];
	s30 =	smov.u32 s12  }
0x232: {  	s29 =	sadd.s32 $0x140, s29;
	s11 =	sadd.s32 $0x140, s11;
	s2 =	sadd.s32 $0xFFFFFFFF, s2  }
0x233: {  	s21 =	sadd.s32 $0x140, s21;
	[smem:$0x7DC] =	sst s2;
	s2 =	sadd.s32 $0x140, s6  }
0x234: {  	s3 =	sadd.s32 $0x40, s3;
	[smem:$0x7E1] =	sst s2;
	s2 =	sadd.s32 $0x140, s7;
	v0 =	vadd.f32 v0, v15  }
.Ltmp3:
0x235: {  	s7 =	sadd.s32 $0x10, s9;
	s9 =	sadd.s32 $0x10, s8;
	(pc) =	sbr.rel @!p1 .LBB2_21-.Ltmp3, $4  }
0x236: {  	s8 =	sadd.s32 $0x10, s1;
	[smem:$0x7E0] =	sst s2;
	[tilespmem:v2+s0+$0xC680 ss:$0x1] =	vst.idx.msk $0xffff, v0;
	s0 =	sadd.s32 $0x10, s10  }
0x237: {  	s1 =	sadd.s32 $0x10, s14;
	[smem:$0x7DD] =	sst s0;
	s0 =	sadd.s32 $0x10, s15  }
0x238: {  	s14 =	sadd.s32 $0x10, s16;
	[smem:$0x7DE] =	sst s0;
	s0 =	sadd.s32 $0x10, s31  }
0x239: {  	s16 =	sadd.s32 $0x10, s4;
	s4 =	simm.s32 $0x0;
	v1 =	vimm.s32 $0x0;
	[smem:$0x7DF] =	sst s0  }
.LBB2_7:
0x23a: {  	s0 =	sshll.u32 s30, $0x4  }
0x23b: {  	v55 =	vld [tilespmem:s0+$0xDA80]  }
0x23c: {  	s2 =	ssub.s32 $0xE, s30;
	v59 =	vld [tilespmem:s0+$0xE280]  }
0x23d: {  	v0 =	vld [tilespmem:s0+$0xE180];
	s2 =	sand.u32 $0xE, s2  }
0x23e: {  	v56 =	vld [tilespmem:s0+$0xDB80];
	p1 =	seq.s32 s2, $0x0  }
.Ltmp4:
0x23f: {  	v57 =	vld [tilespmem:s0+$0xDC80];
	(pc) =	sbr.rel @p1 .LBB2_8-.Ltmp4, $4  }
0x240: {  	[smem:$0x7D6] =	sst s21;
	v58 =	vld [tilespmem:s0+$0xDD80]  }
0x241: {  	[smem:$0x7D7] =	sst s29;
	v11 =	vld [tilespmem:s0+$0xDE80]  }
0x242: {  	s12 =	sadd.s32 $0x1, s30;
	[smem:$0x7D8] =	sst s3;
	v10 =	vld [tilespmem:s0+$0xDF80];
	vm0 =	vne.s32 v34, v59;
	vm1 =	vne.s32 v0, $0x0  }
0x243: {  	[smem:$0x7D9] =	sst s11;
	v48 =	vld [tilespmem:s0+$0xE080];
	s31 =	sadd.s32 s12, s2;
	vm0 =	vmand vm0, vm1  }
0x244: {  	v0 =	vld [tilespmem:$0x1FE90];
	_ =	sdelay $0x4  }
0x245: {  	v0 =	vadd.s32 v0, v59  }
0x246: {  	s0 =	sshra.s32 s3, $0x2;
	[tilespmem:$0x1FE20] =	vst v0  }
0x247: {  	v2 =	vld [tilespmem:s0+$0xE270]  }
0x248: {  	v61 =	vld [tilespmem:s0+$0xDB80]  }
0x249: {  	v9 =	vld [tilespmem:s0+$0xDB70]  }
0x24a: {  	v14 =	vld [tilespmem:s0+$0xDA80]  }
0x24b: {  	v22 =	vld [tilespmem:s0+$0xDA70]  }
0x24c: {  	v3 =	vld [tilespmem:$0x1FE20]  }
0x24d: {  	v39 =	vld [tilespmem:s0+$0xDC80]  }
0x24e: {  	v35 =	vld [tilespmem:s0+$0xDC70];
	_ =	sdelay $0x1  }
0x24f: {  	v30 =	vimm.f32 $0.0e+00;
	v62 =	vsub.f32 v61, v56;
	v8 =	vsub.f32 v14, v55  }
0x250: {  	v24 =	vld [tilespmem:s0+$0xE280];
	v25 =	vadd.s32 v2, v3;
	v0 =	vsub.f32 v9, v56;
	v23 =	vsub.f32 v22, v55  }
0x251: {  	v26 =	vld [tilespmem:s0+$0xDD70];
	v15 =	vsub.f32 v39, v57;
	v27 =	vmul.f32 v62, v62;
	v28 =	vmul.f32 v8, v8  }
0x252: {  	v29 =	vld [tilespmem:s0+$0xDE70];
	v21 =	vsub.f32 v35, v57;
	v31 =	vmul.f32 v0, v0;
	v32 =	vmul.f32 v23, v23  }
0x253: {  	vm1 =	veq.s32 v59, v2;
	vm3 =	vlt.s32 v25, $0xFFFFFFFF;
	v2 =	vmul.f32 v15, v15  }
0x254: {  	v33 =	vmul.f32 v21, v21;
	v27 =	vadd.f32 v27, v28;
	v31 =	vadd.f32 v31, v32  }
0x255: {  	vm2 =	veq.s32 v59, v24;
	v28 =	vadd.s32 v24, v3;
	v24 =	vsel vm3, $0x1, v1  }
0x256: {  	vm3 =	vlt.s32 v28, $0xFFFFFFFF;
	v2 =	vadd.f32 v2, v27;
	v51 =	vadd.f32 v33, v31  }
0x257: {  	v28 =	vsub.f32 v58, v26;
	v26 =	vadd.f32 v26, v58;
	v27 =	vmul.f32 v29, v11  }
0x258: {  	v31 =	vld [tilespmem:s0+$0xDD80];
	v41 =	vsel vm3, $0x1, v1;
	v2 =	vmax.f32 v2, $9.999999960e-13;
	v25 =	vmax.f32 v51, $9.999999960e-13  }
0x259: {  	v43 =	vmul.f32 $5.000000000e-01, v27;
	v37 =	vshrl.u32 v25, $0x1;
	v38 =	vmul.f32 $5.000000000e-01, v25  }
0x25a: {  	v52 =	vshrl.u32 v2, $0x1;
	v33 =	vmul.f32 $5.000000000e-01, v2;
	v37 =	vsub.s32 $0x5F3759DF, v37  }
0x25b: {  	v42 =	vld.idx.msk [tilespmem:v24+s26+$0x0], $0xffff;
	v45 =	vadd.f32 v25, v28;
	v32 =	vsub.s32 $0x5F3759DF, v52;
	v44 =	vmul.f32 v37, v38  }
0x25c: {  	v51 =	vld [tilespmem:s0+$0xDE80];
	v26 =	vsub.f32 v26, v25;
	v28 =	vsub.f32 v25, v28;
	v40 =	vmul.f32 v32, v33  }
0x25d: {  	v47 =	vld [tilespmem:s0+$0xE070];
	v46 =	vadd.f32 v31, v58;
	v45 =	vmul.f32 v45, v43;
	v44 =	vmul.f32 v37, v44  }
0x25e: {  	v5 =	vld [tilespmem:s0+$0xDF80];
	v26 =	vmul.f32 v26, v43;
	v31 =	vsub.f32 v58, v31;
	v28 =	vmul.f32 v28, v43  }
0x25f: {  	v52 =	vld [tilespmem:s0+$0xE180];
	v40 =	vmul.f32 v32, v40;
	v54 =	vmul.f32 v45, v11;
	v53 =	vsub.f32 $1.500000000e+00, v44  }
0x260: {  	v28 =	vmul.f32 v28, v29;
	v43 =	vsub.f32 v2, v31;
	v26 =	vsub.f32 v26, v42  }
0x261: {  	v49 =	vmul.f32 v51, v11;
	v31 =	vadd.f32 v2, v31;
	v37 =	vmul.f32 v37, v53  }
0x262: {  	v50 =	vld.idx.msk [tilespmem:v41+s26+$0x0], $0xffff;
	v40 =	vsub.f32 $1.500000000e+00, v40;
	v42 =	vadd.f32 v54, v54;
	v63 =	vmul.f32 v26, v48  }
0x263: {  	v45 =	vld [tilespmem:s0+$0xE170];
	v28 =	vadd.f32 v28, v28;
	v47 =	vmul.f32 v26, v47;
	v38 =	vmul.f32 v37, v38  }
0x264: {  	v3 =	vmovc v48;
	v44 =	vld [tilespmem:s0+$0xDF70];
	vm3 =	vne.s32 v52, $0x0;
	v48 =	vmul.f32 v5, v10;
	v32 =	vmul.f32 v32, v40  }
0x265: {  	v54 =	vld.idx.msk [tilespmem:v41+s25+$0x0], $0xffff;
	v40 =	vsub.f32 v46, v2;
	v53 =	vmul.f32 $5.000000000e-01, v49;
	v38 =	vmul.f32 v38, v37  }
0x266: {  	vm2 =	vmand vm2, vm3;
	v46 =	vld [tilespmem:s0+$0xE080];
	v28 =	vadd.f32 v47, v28;
	v33 =	vmul.f32 v32, v33  }
0x267: {  	v47 =	vld.idx.msk [tilespmem:v24+s20+$0x0], $0xffff;
	v40 =	vmul.f32 v40, v53;
	v43 =	vmul.f32 v43, v53;
	v38 =	vsub.f32 $1.500000000e+00, v38  }
0x268: {  	v42 =	vadd.f32 v63, v42;
	v24 =	vld.idx.msk [tilespmem:v24+s25+$0x0], $0xffff;
	v31 =	vmul.f32 v31, v53;
	v33 =	vmul.f32 v33, v32  }
0x269: {  	v44 =	vmul.f32 v44, v10;
	v40 =	vsub.f32 v40, v50;
	v63 =	vmul.f32 v38, v37  }
0x26a: {  	v4 =	vmul.f32 v43, v51;
	v31 =	vmul.f32 v31, v11;
	v33 =	vsub.f32 $1.500000000e+00, v33  }
0x26b: {  	v41 =	vld.idx.msk [tilespmem:v41+s20+$0x0], $0xffff;
	vm3 =	vne.s32 v45, $0x0;
	v5 =	vmul.f32 v40, v54;
	v25 =	vmul.f32 v63, v25  }
0x26c: {  	vm1 =	vmand vm1, vm3;
	v50 =	vmul.f32 v40, v46;
	v33 =	vmul.f32 v33, v32  }
0x26d: {  	v24 =	vmul.f32 v26, v24;
	vm3 =	vle.f32 v25, v47;
	v25 =	vmul.f32 v25, v27  }
0x26e: {  	v54 =	vmul.f32 v40, v3;
	v31 =	vadd.f32 v31, v31;
	v2 =	vmul.f32 v33, v2  }
0x26f: {  	v37 =	vadd.f32 v4, v4;
	v24 =	vmul.f32 v24, v44;
	v25 =	vsub.f32 $0.0e+00, v25  }
0x270: {  	v31 =	vadd.f32 v54, v31;
	vm4 =	vle.f32 v2, v41;
	v2 =	vmul.f32 v2, v49  }
0x271: {  	v53 =	vmul.f32 v5, v48;
	v52 =	vadd.f32 v50, v37;
	v25 =	vadd.f32 v25, v25  }
0x272: {  	v28 =	vmul.f32 v28, v24;
	vm1 =	vmand vm1, vm3;
	v2 =	vsub.f32 $0.0e+00, v2  }
0x273: {  	v26 =	vmul.f32 v52, v53;
	vm3 =	vmand vm0, vm1;
	v25 =	vmul.f32 v25, v24  }
0x274: {  	s5 =	sadd.s32 $0x2, s12;
	vm2 =	vmand vm2, vm4;
	v28 =	vnsel vm3, $0x0, v28;
	v2 =	vadd.f32 v2, v2  }
0x275: {  	p2 =	slt.u32 s5, s31;
	v48 =	vmul.f32 v28, v29;
	v24 =	vmul.f32 v42, v24;
	v25 =	vnsel vm3, $0x0, v25  }
.Ltmp5:
0x276: {  	v47 =	vmul.f32 v31, v53;
	vm1 =	vmand vm0, vm2;
	v45 =	vmul.f32 v25, v63;
	(pc) =	sbr.rel @!p2 .LBB2_12-.Ltmp5, $4  }
0x277: {  	v28 =	vmul.f32 v2, v53;
	v22 =	vmul.f32 v48, v22;
	v2 =	vnsel vm3, $0x0, v24  }
0x278: {  	v63 =	vnsel vm1, $0x0, v26;
	v2 =	vmul.f32 v2, v11;
	v50 =	vmul.f32 v45, v23  }
0x279: {  	[tilespmem:$0x1FE10] =	vst v3;
	v49 =	vnsel vm1, $0x0, v28;
	v31 =	vmul.f32 v63, v51;
	v43 =	vmul.f32 v45, v0  }
0x27a: {  	s3 =	sadd.s32 $0x80, s3;
	p1 =	por $0x0, $0x0;
	v51 =	vld [tilespmem:s29+$0x0];
	v23 =	vmul.f32 v2, v55;
	v0 =	vmul.f32 v2, v56;
	v42 =	vadd.f32 v50, v22  }
0x27b: {  	s6 =	sshra.s32 s3, $0x2  }
0x27c: {  	v28 =	vld [tilespmem:s6+$0xE270]  }
0x27d: {  	v38 =	vld [tilespmem:s6+$0xE280]  }
0x27e: {  	v24 =	vld [tilespmem:s6+$0xDB80]  }
0x27f: {  	v29 =	vmul.f32 v48, v9;
	v9 =	vld [tilespmem:s6+$0xDB70]  }
0x280: {  	v17 =	vmul.f32 v48, v35;
	v20 =	vsub.f32 v43, v0;
	v16 =	vadd.f32 v0, v16;
	v0 =	vld [tilespmem:$0x1FE20]  }
0x281: {  	v18 =	vmul.f32 v2, v57;
	v2 =	vnsel vm1, $0x0, v47;
	v33 =	vmul.f32 v49, v33;
	v26 =	vld [tilespmem:s6+$0xDA80]  }
0x282: {  	v25 =	vmul.f32 v31, v39;
	v19 =	vld [tilespmem:s6+$0xDA70];
	v48 =	vsub.f32 v51, v42;
	v42 =	vmul.f32 v45, v21  }
0x283: {  	v46 =	vsub.f32 v50, v23;
	v37 =	vmul.f32 v2, v11;
	v27 =	vld [tilespmem:s6+$0xDC80];
	v40 =	vadd.f32 v20, v30  }
0x284: {  	v35 =	vld [tilespmem:s6+$0xDC70];
	v49 =	vmul.f32 v33, v8;
	v16 =	vadd.f32 v16, v29;
	v2 =	vsub.f32 v42, v18  }
0x285: {  	v53 =	vld [tilespmem:s6+$0xDD80];
	v21 =	vadd.s32 v28, v0;
	vm2 =	veq.s32 v59, v28;
	v5 =	vadd.s32 v38, v0  }
0x286: {  	v51 =	vld [tilespmem:s6+$0xDD70];
	vm1 =	veq.s32 v59, v38;
	v38 =	vadd.f32 v43, v29;
	v28 =	vsub.f32 v24, v56  }
0x287: {  	v44 =	vmul.f32 v33, v15;
	v45 =	vld [tilespmem:s6+$0xDE70];
	[tilespmem:$0x1FDA0] =	vst v59;
	v8 =	vsub.f32 v26, v55;
	v41 =	vsub.f32 v9, v56  }
0x288: {  	[tilespmem:$0x1FDD0] =	vst v55;
	v43 =	vsub.f32 v19, v55;
	v15 =	vsub.f32 v27, v57;
	vm3 =	vlt.s32 v21, $0xFFFFFFFF  }
0x289: {  	[tilespmem:$0x1FDB0] =	vst v56;
	v0 =	vld [tilespmem:$0x1FDD0];
	v21 =	vsub.f32 v35, v57;
	v47 =	vadd.f32 v2, v30;
	v52 =	vmul.f32 v28, v28  }
0x28a: {  	v13 =	vmovc v10;
	[tilespmem:$0x1FDC0] =	vst v57;
	v32 =	vsel vm3, $0x1, v1;
	v54 =	vmul.f32 v8, v8;
	v34 =	vmul.f32 v41, v41  }
0x28b: {  	v10 =	vmovc v58;
	[tilespmem:s29+$0x0] =	vst v48;
	v39 =	vmul.f32 v43, v43;
	vm3 =	vlt.s32 v5, $0xFFFFFFFF;
	v63 =	vmul.f32 v15, v15  }
0x28c: {  	v6 =	vmovc v60;
	v60 =	vld [tilespmem:s11+$0xFFFFFEC0];
	v30 =	vadd.f32 v46, v30;
	v29 =	vmul.f32 v21, v21;
	v56 =	vsub.f32 v58, v51  }
0x28d: {  	v55 =	vsel vm3, $0x1, v1;
	v51 =	vadd.f32 v51, v10;
	v52 =	vadd.f32 v52, v54  }
0x28e: {  	v4 =	vadd.f32 v34, v39;
	v54 =	vmul.f32 v45, v11;
	v2 =	vmovc v61;
	v46 =	vmul.f32 v37, v0  }
0x28f: {  	v2 =	vmul.f32 v31, v2;
	v50 =	vadd.f32 v63, v52;
	v52 =	vadd.f32 v53, v58  }
0x290: {  	v0 =	vmovc v62;
	v29 =	vadd.f32 v29, v4;
	v3 =	vmul.f32 $5.000000000e-01, v54;
	v53 =	vsub.f32 v10, v53  }
0x291: {  	v60 =	vsub.f32 v60, v38;
	v12 =	vmul.f32 v33, v0;
	v50 =	vmax.f32 v50, $9.999999960e-13  }
0x292: {  	v0 =	vld [tilespmem:s6+$0xE180];
	v63 =	vsub.f32 v49, v46;
	v59 =	vmax.f32 v29, $9.999999960e-13;
	v5 =	vshrl.u32 v50, $0x1  }
0x293: {  	v62 =	vld.idx.msk [tilespmem:v32+s26+$0x0], $0xffff;
	v58 =	vmul.f32 $5.000000000e-01, v50;
	v34 =	vshrl.u32 v59, $0x1;
	v57 =	vmul.f32 $5.000000000e-01, v59  }
0x294: {  	v51 =	vsub.f32 v51, v59;
	v52 =	vsub.f32 v52, v50;
	v48 =	vsub.s32 $0x5F3759DF, v34  }
0x295: {  	v7 =	vld [tilespmem:$0x1FE10];
	v29 =	vsub.s32 $0x5F3759DF, v5;
	v34 =	vadd.f32 v59, v56;
	v4 =	vmul.f32 v48, v57  }
0x296: {  	v38 =	vld [tilespmem:s6+$0xE070];
	v56 =	vsub.f32 v59, v56;
	v39 =	vmul.f32 v29, v58;
	v51 =	vmul.f32 v51, v3  }
0x297: {  	vm3 =	vne.s32 v0, $0x0;
	v34 =	vmul.f32 v34, v3;
	v4 =	vmul.f32 v48, v4  }
0x298: {  	v3 =	vmul.f32 v56, v3;
	v61 =	vmul.f32 v29, v39;
	v39 =	vld [tilespmem:s6+$0xDE80];
	v51 =	vsub.f32 v51, v62  }
0x299: {  	vm1 =	vmand vm1, vm3;
	v34 =	vmul.f32 v34, v11;
	v4 =	vsub.f32 $1.500000000e+00, v4  }
0x29a: {  	v5 =	vmovc v36;
	v3 =	vmul.f32 v3, v45;
	v61 =	vsub.f32 $1.500000000e+00, v61;
	v33 =	vmul.f32 v51, v7  }
0x29b: {  	v23 =	vadd.f32 v23, v5;
	v38 =	vmul.f32 v51, v38;
	v4 =	vmul.f32 v48, v4  }
0x29c: {  	v0 =	vld.idx.msk [tilespmem:v32+s25+$0x0], $0xffff;
	v34 =	vadd.f32 v34, v34;
	v3 =	vadd.f32 v3, v3;
	v56 =	vmul.f32 v29, v61  }
0x29d: {  	v62 =	vld.idx.msk [tilespmem:v55+s26+$0x0], $0xffff;
	v29 =	vadd.f32 v63, v30;
	v61 =	vmul.f32 v39, v11;
	v57 =	vmul.f32 v4, v57  }
0x29e: {  	v63 =	vld [tilespmem:s6+$0xE170];
	v3 =	vadd.f32 v38, v3;
	v38 =	vmul.f32 v31, v14;
	v58 =	vmul.f32 v56, v58  }
0x29f: {  	v48 =	vsub.f32 v50, v53;
	v30 =	vld [tilespmem:s29+$0x140];
	v36 =	vmul.f32 $5.000000000e-01, v61;
	v57 =	vmul.f32 v57, v4  }
0x2a0: {  	v53 =	vadd.f32 v50, v53;
	v34 =	vadd.f32 v33, v34;
	v31 =	vld.idx.msk [tilespmem:v32+s20+$0x0], $0xffff;
	v33 =	vmul.f32 v58, v56  }
0x2a1: {  	v49 =	vadd.f32 v49, v38;
	v58 =	vld [tilespmem:s6+$0xDF80];
	v52 =	vmul.f32 v52, v36;
	v57 =	vsub.f32 $1.500000000e+00, v57  }
0x2a2: {  	v48 =	vmul.f32 v48, v36;
	v36 =	vmul.f32 v53, v36;
	v53 =	vld [tilespmem:s6+$0xE080];
	v33 =	vsub.f32 $1.500000000e+00, v33  }
0x2a3: {  	v0 =	vmul.f32 v51, v0;
	vm5 =	vne.s32 v63, $0x0;
	v4 =	vmul.f32 v57, v4;
	v57 =	vld.idx.msk [tilespmem:v55+s20+$0x0], $0xffff  }
0x2a4: {  	v49 =	vsub.f32 v30, v49;
	v63 =	vmul.f32 v48, v39;
	v33 =	vmul.f32 v33, v56;
	v56 =	vld [tilespmem:$0x1FDB0]  }
0x2a5: {  	vm2 =	vmand vm2, vm5;
	v52 =	vsub.f32 v52, v62;
	v36 =	vmul.f32 v36, v11;
	v55 =	vld.idx.msk [tilespmem:v55+s25+$0x0], $0xffff  }
0x2a6: {  	v63 =	vadd.f32 v63, v63;
	v62 =	vmul.f32 v4, v59;
	v50 =	vmul.f32 v33, v50  }
0x2a7: {  	v7 =	vmul.f32 v52, v7;
	v36 =	vadd.f32 v36, v36;
	v59 =	vmul.f32 v58, v13  }
0x2a8: {  	vm6 =	vle.f32 v62, v31;
	v31 =	vmul.f32 v62, v54;
	v54 =	vld [tilespmem:s6+$0xDF70];
	v48 =	vmul.f32 v50, v61  }
0x2a9: {  	v62 =	vmul.f32 v52, v53;
	v30 =	vmul.f32 v37, v56;
	vm4 =	vle.f32 v50, v57;
	v57 =	vld [tilespmem:$0x1FDC0]  }
0x2aa: {  	v61 =	vmul.f32 v52, v55;
	v55 =	vld [tilespmem:$0x1FDD0];
	[tilespmem:s29+$0x140] =	vst v49;
	vm2 =	vmand vm2, vm6;
	v31 =	vsub.f32 $0.0e+00, v31  }
0x2ab: {  	[tilespmem:$0x1FDE0] =	vst v13;
	vm2 =	vmand vm0, vm2;
	v16 =	vadd.f32 v30, v16;
	v30 =	vsub.f32 v12, v30  }
0x2ac: {  	v50 =	vmul.f32 v61, v59;
	v58 =	vld [tilespmem:s11+$0x0];
	v59 =	vadd.f32 v7, v36;
	v7 =	vsub.f32 $0.0e+00, v48  }
0x2ad: {  	vm1 =	vmand vm1, vm4;
	v61 =	vadd.f32 v23, v22;
	v22 =	vadd.f32 v42, v17  }
0x2ae: {  	v32 =	vmul.f32 v37, v57;
	v37 =	vadd.f32 v62, v63;
	v63 =	vmul.f32 v54, v13  }
0x2af: {  	vm1 =	vmand vm0, vm1;
	v16 =	vadd.f32 v16, v2;
	v2 =	vadd.f32 v12, v2  }
0x2b0: {  	[tilespmem:s11+$0xFFFFFEC0] =	vst v60;
	v31 =	vadd.f32 v31, v31;
	v30 =	vadd.f32 v30, v40;
	v0 =	vmul.f32 v0, v63  }
0x2b1: {  	v62 =	vsub.f32 v44, v32;
	v60 =	vsub.f32 v58, v2;
	v2 =	vld [tilespmem:s21+$0xFFFFFEC0];
	v23 =	vmul.f32 v37, v50  }
0x2b2: {  	v63 =	vadd.f32 v18, v6;
	v3 =	vmul.f32 v3, v0;
	v31 =	vmul.f32 v31, v0  }
0x2b3: {  	v40 =	vadd.f32 v62, v47;
	v0 =	vmul.f32 v34, v0;
	v47 =	vmul.f32 v59, v50  }
0x2b4: {  	s10 =	sadd.s32 $0x2, s5;
	v23 =	vnsel vm1, $0x0, v23;
	v3 =	vnsel vm2, $0x0, v3;
	v31 =	vnsel vm2, $0x0, v31  }
0x2b5: {  	p2 =	slt.u32 s10, s31;
	v0 =	vnsel vm2, $0x0, v0;
	v48 =	vmul.f32 v3, v45;
	v3 =	vadd.f32 v7, v7  }
.Ltmp6:
0x2b6: {  	v45 =	vmul.f32 v31, v4;
	v62 =	vsub.f32 v2, v22;
	v2 =	vmul.f32 v0, v11;
	(pc) =	sbr.rel @!p2 .LBB2_14-.Ltmp6, $4  }
0x2b7: {  	[tilespmem:$0x1FDF0] =	vst v5;
	v37 =	vadd.f32 v44, v25;
	v31 =	vmul.f32 v23, v39;
	v3 =	vmul.f32 v3, v50  }
0x2b8: {  	s29 =	sadd.s32 $0x280, s29;
	[tilespmem:$0x1FE00] =	vst v6;
	v44 =	vadd.f32 v46, v61;
	v22 =	vmul.f32 v48, v19;
	v50 =	vmul.f32 v45, v43  }
0x2b9: {  	p1 =	por $0x1, $0x1;
	s15 =	smov.u32 s21;
	s6 =	sadd.s32 $0x280, s11;
	v51 =	vld [tilespmem:s29+$0x0];
	[tilespmem:s11+$0x0] =	vst v60;
	v46 =	vadd.f32 v63, v17;
	v43 =	vmul.f32 v45, v41;
	v23 =	vmul.f32 v2, v55  }
0x2ba: {  	s5 =	smov.u32 s21;
	s11 =	sadd.s32 $0x80, s3;
	s3 =	smov.u32 s6;
	v41 =	vld [tilespmem:s21+$0x0];
	[tilespmem:s21+$0xFFFFFEC0] =	vst v62;
	v0 =	vmul.f32 v2, v56;
	v49 =	vnsel vm1, $0x0, v3;
	v42 =	vadd.f32 v50, v22  }
.LBB2_15:
0x2bb: {  	s21 =	sshra.s32 s11, $0x2;
	v5 =	vld [tilespmem:$0x1FE20]  }
0x2bc: {  	v54 =	vld [tilespmem:s21+$0xE270]  }
0x2bd: {  	v4 =	vadd.f32 v32, v46;
	v58 =	vld [tilespmem:s21+$0xE280]  }
0x2be: {  	v34 =	vmul.f32 v48, v35;
	v21 =	vmul.f32 v45, v21  }
0x2bf: {  	v6 =	vld [tilespmem:$0x1FDA0];
	v4 =	vadd.f32 v4, v25;
	v2 =	vmul.f32 v2, v57  }
0x2c0: {  	v36 =	vadd.f32 v44, v38;
	v39 =	vadd.f32 v21, v34  }
0x2c1: {  	v4 =	vadd.f32 v2, v4;
	v2 =	vsub.f32 v21, v2;
	v21 =	vadd.s32 v54, v5  }
0x2c2: {  	v38 =	vld [tilespmem:s21+$0xDB80];
	v18 =	vsub.f32 v41, v37;
	v60 =	vadd.s32 v58, v5;
	vm3 =	vlt.s32 v21, $0xFFFFFFFF  }
0x2c3: {  	v19 =	vld [tilespmem:s21+$0xDB70];
	v20 =	vsub.f32 v51, v42;
	v52 =	vsel vm3, $0x1, v1;
	vm3 =	vlt.s32 v60, $0xFFFFFFFF  }
0x2c4: {  	v25 =	vnsel vm1, $0x0, v47;
	[tilespmem:s5+$0x0] =	vst v18;
	vm1 =	veq.s32 v6, v54;
	v54 =	vsel vm3, $0x1, v1;
	v1 =	vld [tilespmem:$0x1FDB0]  }
0x2c5: {  	[tilespmem:s29+$0x0] =	vst v20;
	v47 =	vld [tilespmem:s21+$0xDA80]  }
0x2c6: {  	v3 =	vmul.f32 v48, v9;
	v59 =	vsub.f32 v43, v0;
	v35 =	vld [tilespmem:s21+$0xDC70]  }
0x2c7: {  	v46 =	vsub.f32 v50, v23;
	[tilespmem:$0x1FD90] =	vst v4;
	v4 =	vmul.f32 v25, v11;
	v25 =	vmul.f32 v31, v27;
	v27 =	vld [tilespmem:s21+$0xDC80]  }
0x2c8: {  	v33 =	vmul.f32 v49, v33;
	v16 =	vadd.f32 v0, v16;
	v49 =	vadd.f32 v43, v3;
	v41 =	vld [tilespmem:s21+$0xDA70]  }
0x2c9: {  	v50 =	vsub.f32 v38, v56;
	v42 =	vsub.f32 v19, v56;
	v56 =	vmul.f32 v4, v1;
	v1 =	vld [tilespmem:$0x1FDD0]  }
0x2ca: {  	v17 =	vmul.f32 v31, v24;
	v30 =	vadd.f32 v59, v30;
	v48 =	vld [tilespmem:s6+$0xFFFFFEC0];
	v20 =	vsub.f32 v47, v55  }
0x2cb: {  	v0 =	vmul.f32 v33, v8;
	v3 =	vadd.f32 v16, v3;
	v29 =	vadd.f32 v46, v29;
	v53 =	vld [tilespmem:s21+$0xDD80]  }
0x2cc: {  	v45 =	vld [tilespmem:s21+$0xDE70];
	v61 =	vmul.f32 v50, v50;
	v18 =	vsub.f32 v27, v57;
	v62 =	vmul.f32 v20, v20  }
0x2cd: {  	v51 =	vmul.f32 v33, v15;
	vm2 =	veq.s32 v6, v58;
	v40 =	vadd.f32 v2, v40  }
0x2ce: {  	v16 =	vmul.f32 v18, v18;
	v63 =	vadd.f32 v61, v62;
	v43 =	vsub.f32 v41, v1;
	v1 =	vld [tilespmem:$0x1FDD0]  }
0x2cf: {  	v2 =	vld [tilespmem:s21+$0xDD70];
	v58 =	vmul.f32 v42, v42;
	v37 =	vadd.f32 v51, v25;
	v21 =	vsub.f32 v35, v57  }
0x2d0: {  	v32 =	vmul.f32 v4, v57;
	v55 =	vadd.f32 v53, v10;
	v16 =	vadd.f32 v16, v63  }
0x2d1: {  	v48 =	vsub.f32 v48, v49;
	v49 =	vmul.f32 v45, v11;
	v5 =	vmul.f32 v43, v43  }
0x2d2: {  	v51 =	vsub.f32 v51, v32;
	v60 =	vmax.f32 v16, $9.999999960e-13;
	v16 =	vsub.f32 v10, v53  }
0x2d3: {  	v46 =	vadd.f32 v58, v5;
	v44 =	vmul.f32 v4, v1;
	v4 =	vmul.f32 v21, v21  }
0x2d4: {  	v53 =	vsub.f32 v10, v2;
	v61 =	vmul.f32 $5.000000000e-01, v60;
	v62 =	vsub.f32 v60, v16  }
0x2d5: {  	v58 =	vshrl.u32 v60, $0x1;
	v59 =	vsub.f32 v0, v44;
	v4 =	vadd.f32 v4, v46  }
0x2d6: {  	v57 =	vld.idx.msk [tilespmem:v52+s26+$0x0], $0xffff;
	[tilespmem:s6+$0xFFFFFEC0] =	vst v48;
	v63 =	vadd.f32 v60, v16;
	v48 =	vsub.s32 $0x5F3759DF, v58;
	v58 =	vmul.f32 $5.000000000e-01, v49  }
0x2d7: {  	v46 =	vmul.f32 v48, v61;
	v4 =	vmax.f32 v4, $9.999999960e-13;
	v29 =	vadd.f32 v59, v29  }
0x2d8: {  	v16 =	vshrl.u32 v4, $0x1;
	v59 =	vmul.f32 $5.000000000e-01, v4;
	v5 =	vadd.f32 v4, v53  }
0x2d9: {  	v2 =	vadd.f32 v2, v10;
	v13 =	vmul.f32 v48, v46;
	v16 =	vsub.s32 $0x5F3759DF, v16  }
0x2da: {  	v40 =	vadd.f32 v51, v40;
	v46 =	vld [tilespmem:s21+$0xDE80];
	v7 =	vmul.f32 v16, v59;
	v5 =	vmul.f32 v5, v58  }
0x2db: {  	v24 =	vmovc v38;
	v38 =	vmul.f32 v31, v26;
	v31 =	vld [tilespmem:s21+$0xE080];
	v2 =	vsub.f32 v2, v4;
	v53 =	vsub.f32 v4, v53  }
0x2dc: {  	v15 =	vmovc v11;
	v13 =	vsub.f32 $1.500000000e+00, v13;
	v7 =	vmul.f32 v16, v7;
	v5 =	vmul.f32 v5, v11;
	v11 =	vld [tilespmem:$0x1FE10]  }
0x2dd: {  	v3 =	vadd.f32 v56, v3;
	v1 =	vld [tilespmem:s21+$0xE070];
	v2 =	vmul.f32 v2, v58;
	v53 =	vmul.f32 v53, v58  }
0x2de: {  	v26 =	vmovc v47;
	v6 =	vld.idx.msk [tilespmem:v54+s25+$0x0], $0xffff;
	v55 =	vsub.f32 v55, v60;
	v13 =	vmul.f32 v48, v13;
	v7 =	vsub.f32 $1.500000000e+00, v7  }
0x2df: {  	v47 =	vld.idx.msk [tilespmem:v52+s25+$0x0], $0xffff;
	v2 =	vsub.f32 v2, v57;
	v53 =	vmul.f32 v53, v45;
	v14 =	vmul.f32 v46, v15  }
0x2e0: {  	v58 =	vld [tilespmem:s29+$0x140];
	v57 =	vmul.f32 v33, v28;
	v5 =	vadd.f32 v5, v5;
	v7 =	vmul.f32 v16, v7  }
0x2e1: {  	v8 =	vmul.f32 $5.000000000e-01, v14;
	v16 =	vadd.f32 v53, v53;
	v53 =	vld.idx.msk [tilespmem:v54+s26+$0x0], $0xffff;
	v33 =	vmul.f32 v2, v11  }
0x2e2: {  	v0 =	vadd.f32 v0, v38;
	v28 =	vmovc v50;
	v50 =	vld [tilespmem:s21+$0xDF80];
	v1 =	vmul.f32 v2, v1;
	v59 =	vmul.f32 v7, v59  }
0x2e3: {  	v55 =	vmul.f32 v55, v8;
	v5 =	vadd.f32 v33, v5;
	v33 =	vmul.f32 v13, v61;
	v61 =	vld [tilespmem:s21+$0xE180]  }
0x2e4: {  	v1 =	vadd.f32 v1, v16;
	v16 =	vadd.f32 v3, v17;
	v3 =	vmul.f32 v59, v7;
	v59 =	vld [tilespmem:$0x1FDE0]  }
0x2e5: {  	v56 =	vsub.f32 v57, v56;
	v0 =	vsub.f32 v58, v0;
	v62 =	vmul.f32 v62, v8  }
0x2e6: {  	v48 =	vld [tilespmem:s21+$0xE170];
	v33 =	vmul.f32 v33, v13;
	v53 =	vsub.f32 v55, v53;
	v3 =	vsub.f32 $1.500000000e+00, v3  }
0x2e7: {  	v12 =	vld [tilespmem:s21+$0xDF70];
	v8 =	vmul.f32 v63, v8;
	v30 =	vadd.f32 v56, v30;
	v2 =	vmul.f32 v2, v47  }
0x2e8: {  	v9 =	vld.idx.msk [tilespmem:v52+s20+$0x0], $0xffff;
	v33 =	vsub.f32 $1.500000000e+00, v33;
	v6 =	vmul.f32 v53, v6;
	v3 =	vmul.f32 v3, v7  }
0x2e9: {  	vm3 =	vne.s32 v61, $0x0;
	v7 =	vmul.f32 v53, v31;
	v50 =	vmul.f32 v50, v59  }
0x2ea: {  	v54 =	vld.idx.msk [tilespmem:v54+s20+$0x0], $0xffff;
	v33 =	vmul.f32 v33, v13;
	v13 =	vmul.f32 v62, v46;
	vm2 =	vmand vm2, vm3  }
0x2eb: {  	vm3 =	vne.s32 v48, $0x0;
	v62 =	vmul.f32 v53, v11;
	v11 =	vmovc v15;
	v4 =	vmul.f32 v3, v4  }
0x2ec: {  	v12 =	vmul.f32 v12, v59;
	vm1 =	vmand vm1, vm3;
	v8 =	vmul.f32 v8, v11  }
0x2ed: {  	v31 =	vmul.f32 v33, v60;
	vm3 =	vle.f32 v4, v9;
	v4 =	vmul.f32 v4, v49  }
0x2ee: {  	v13 =	vadd.f32 v13, v13;
	v6 =	vmul.f32 v6, v50;
	v2 =	vmul.f32 v2, v12  }
0x2ef: {  	[tilespmem:s29+$0x140] =	vst v0;
	v8 =	vadd.f32 v8, v8;
	vm4 =	vle.f32 v31, v54;
	v0 =	vsub.f32 $0.0e+00, v4  }
0x2f0: {  	vm3 =	vmand vm1, vm3;
	v9 =	vmul.f32 v31, v14;
	v7 =	vadd.f32 v7, v13  }
0x2f1: {  	v14 =	vadd.f32 v57, v17;
	v1 =	vmul.f32 v1, v2;
	v0 =	vadd.f32 v0, v0  }
0x2f2: {  	v17 =	vadd.f32 v23, v36;
	vm1 =	vmand vm2, vm4;
	vm2 =	vmand vm0, vm3  }
0x2f3: {  	v13 =	vld [tilespmem:s6+$0x0];
	v4 =	vadd.f32 v62, v8;
	vm1 =	vmand vm0, vm1;
	v0 =	vmul.f32 v0, v2  }
0x2f4: {  	s15 =	sadd.s32 $0x280, s15;
	v56 =	vld [tilespmem:$0x1FDB0];
	v9 =	vsub.f32 $0.0e+00, v9;
	v7 =	vmul.f32 v7, v6;
	v1 =	vnsel vm2, $0x0, v1  }
0x2f5: {  	v12 =	vld [tilespmem:s15+$0xFFFFFEC0];
	v48 =	vmul.f32 v1, v45;
	v1 =	vadd.f32 v17, v22;
	v0 =	vnsel vm2, $0x0, v0  }
0x2f6: {  	s10 =	sadd.s32 $0x2, s10;
	v55 =	vld [tilespmem:$0x1FDD0];
	v2 =	vmul.f32 v5, v2;
	v45 =	vmul.f32 v0, v3;
	v0 =	vnsel vm1, $0x0, v7  }
0x2f7: {  	p2 =	slt.u32 s10, s31;
	v15 =	vmovc v18;
	v47 =	vmul.f32 v4, v6;
	v18 =	vadd.f32 v9, v9;
	v31 =	vmul.f32 v0, v46;
	v0 =	vld [tilespmem:$0x1FD90]  }
.Ltmp7:
0x2f8: {  	v13 =	vsub.f32 v13, v14;
	v22 =	vmul.f32 v48, v41;
	v2 =	vnsel vm2, $0x0, v2;
	(pc) =	sbr.rel @p2 .LBB2_15-.Ltmp7, $4  }
0x2f9: {  	s29 =	sadd.s32 $0x280, s29;
	v44 =	vadd.f32 v44, v1;
	v63 =	vmul.f32 v18, v6;
	v2 =	vmul.f32 v2, v11  }
0x2fa: {  	v51 =	vld [tilespmem:s29+$0x0];
	v8 =	vmovc v20;
	v1 =	vimm.s32 $0x0;
	v3 =	vsub.f32 v12, v39;
	v50 =	vmul.f32 v45, v43  }
0x2fb: {  	v57 =	vld [tilespmem:$0x1FDC0];
	s6 =	sadd.s32 $0x280, s6;
	v9 =	vmovc v19;
	[tilespmem:s3+$0x0] =	vst v13;
	v49 =	vnsel vm1, $0x0, v63;
	v43 =	vmul.f32 v45, v42;
	v23 =	vmul.f32 v2, v55  }
0x2fc: {  	s11 =	sadd.s32 $0x80, s11;
	s5 =	smov.u32 s15;
	s3 =	smov.u32 s6;
	v41 =	vld [tilespmem:s15+$0x0];
	[tilespmem:s15+$0xFFFFFEC0] =	vst v3;
	v42 =	vadd.f32 v50, v22;
	v46 =	vadd.f32 v0, v34;
	v0 =	vmul.f32 v2, v56  }
0x2fd: {  	v52 =	vld [tilespmem:$0x1FE10]  }
0x2fe: {  	v34 =	vld [tilespmem:$0x1FF50]  }
0x2ff: {  	v36 =	vld [tilespmem:$0x1FDF0]  }
0x300: {  	v59 =	vld [tilespmem:$0x1FDA0]  }
0x301: {  	v58 =	vmov v10;
	v10 =	vld [tilespmem:$0x1FDE0]  }
0x302: {  	v39 =	vmovc v27;
	v62 =	vmov v28;
	v61 =	vmov v24;
	v14 =	vmov v26;
	s21 =	sld [smem:$0x7D6];
	v60 =	vld [tilespmem:$0x1FE00]  }
.LBB2_17:
0x303: {  	v1 =	vmul.f32 v49, v33  }
0x304: {  	v3 =	vld [tilespmem:s29+$0x140]  }
0x305: {  	v5 =	vmul.f32 v31, v14;
	v4 =	vmul.f32 v1, v8;
	_ =	sdelay $0x1  }
0x306: {  	v6 =	vadd.f32 @p1 v44, v38;
	v8 =	vadd.f32 v4, v5  }
0x307: {  	v7 =	vadd.f32 @p1 v32, v46;
	v9 =	vmul.f32 v48, v9;
	v12 =	vsub.f32 v51, v42  }
0x308: {  	v14 =	vmul.f32 v48, v35;
	v2 =	vmul.f32 v2, v57;
	v3 =	vsub.f32 v3, v8  }
0x309: {  	v17 =	vmul.f32 v45, v21;
	v7 =	vadd.f32 @p1 v7, v25;
	[tilespmem:s29+$0x0] =	vst v12;
	v8 =	vsub.f32 v43, v0  }
0x30a: {  	v18 =	vnsel vm1, $0x0, v47;
	v24 =	vmul.f32 v31, v61;
	v12 =	vsub.f32 v50, v23;
	v19 =	vld [tilespmem:s6+$0xFFFFFEC0];
	[tilespmem:s29+$0x140] =	vst v3  }
0x30b: {  	v7 =	vpsel p1, v7, v60;
	v54 =	vadd.f32 v8, v30;
	v8 =	vmul.f32 v18, v11;
	v18 =	vld [tilespmem:s6+$0x0]  }
0x30c: {  	v20 =	vadd.f32 v17, v14;
	v60 =	vmul.f32 v1, v62;
	v3 =	vadd.f32 v2, v7  }
0x30d: {  	v2 =	vsub.f32 v17, v2;
	v17 =	vadd.f32 v43, v9  }
0x30e: {  	v0 =	vadd.f32 v0, v16;
	v16 =	vadd.f32 v60, v24  }
0x30f: {  	v6 =	vpsel p1, v6, v36;
	v1 =	vmul.f32 v1, v15;
	v15 =	vsub.f32 v19, v17  }
0x310: {  	s0 =	sadd.s32 @p1 $0x280, s15;
	s2 =	smov.u32 s21;
	v6 =	vadd.f32 v23, v6;
	v16 =	vsub.f32 v18, v16  }
0x311: {  	v13 =	vsub.f32 @p1 v41, v37;
	v26 =	vmul.f32 v31, v39;
	s2 =	smov.u32 @p1 s0;
	v12 =	vadd.f32 v12, v29;
	[tilespmem:s6+$0xFFFFFEC0] =	vst v15  }
0x312: {  	v62 =	vadd.f32 v6, v22;
	v0 =	vadd.f32 v0, v9;
	v15 =	vld [tilespmem:s2+$0xFFFFFEC0];
	[tilespmem:s3+$0x0] =	vst v16  }
0x313: {  	v9 =	vadd.f32 v1, v26;
	v61 =	vmul.f32 v8, v57;
	v17 =	vmul.f32 v8, v55;
	v18 =	vld [tilespmem:s2+$0x0]  }
0x314: {  	v2 =	vadd.f32 v2, v40;
	v8 =	vmul.f32 v8, v56;
	v3 =	vadd.f32 v3, v14  }
0x315: {  	v4 =	vsub.f32 v4, v17;
	v1 =	vsub.f32 v1, v61  }
0x316: {  	v63 =	vsub.f32 v60, v8;
	v3 =	vadd.f32 v61, v3  }
.Ltmp8:
0x317: {  	v16 =	vadd.f32 v8, v0;
	v8 =	vsub.f32 v15, v20;
	(pc) =	sbr.rel .LBB2_9-.Ltmp8, $4  }
0x318: {  	[tilespmem:s5+$0x0] =	vst @p1 v13;
	v60 =	vadd.f32 v3, v26;
	v9 =	vsub.f32 v18, v9  }
0x319: {  	v0 =	vadd.f32 v4, v12;
	v4 =	vadd.f32 v17, v62;
	[tilespmem:s2+$0xFFFFFEC0] =	vst v8  }
0x31a: {  	v17 =	vadd.f32 v63, v54;
	v16 =	vadd.f32 v16, v24;
	[tilespmem:s2+$0x0] =	vst v9  }
0x31b: {  	v48 =	vmov v52;
	v15 =	vadd.f32 v1, v2;
	v36 =	vadd.f32 v4, v5;
	s29 =	sld [smem:$0x7D7]  }
.LBB2_8:
0x31c: {  	v0 =	vimm.f32 $0.0e+00;
	v17 =	vimm.f32 $0.0e+00;
	v15 =	vimm.f32 $0.0e+00  }
.LBB2_9:
0x31d: {  	p1 =	sgt.u32 s31, $0xE  }
.Ltmp9:
0x31e: {  	_ = 	snop;
	(pc) =	sbr.rel @p1 .LBB2_10-.Ltmp9, $1  }
0x31f: {  	_ =	sdelay $0x3  }
0x320: {  	s3 =	sld [smem:$0x7DC]  }
0x321: {  	s4 =	sld [smem:$0x7E1]  }
0x322: {  	s21 =	sld [smem:$0x7E0]  }
0x323: {  	s11 =	sld [smem:$0x7DF]  }
0x324: {  	s15 =	sld [smem:$0x7DE];
	s0 =	sshrl.u32 s3, $0x1  }
0x325: {  	s3 =	sand.u32 $0xFFFFFFFE, s3;
	s2 =	smul.u32 $0xA00, s0;
	s0 =	sshll.u32 s0, $0x7  }
0x326: {  	v1 =	vld [tilespmem:$0x1FE90];
	s31 =	smov.u32 s1;
	s3 =	sadd.s32 s3, s30;
	s0 =	sshrl.u32 s0, $0x2  }
0x327: {  	s30 =	smov.u32 s14;
	s2 =	sshra.s32 s2, $0x2;
	v19 =	vmov s0;
	s0 =	smov.u32 s8  }
0x328: {  	s5 =	sadd.s32 s2, s29;
	s6 =	sadd.s32 s2, s4;
	s10 =	sadd.s32 s2, s21  }
0x329: {  	s21 =	sld [smem:$0x7DD];
	s4 =	smov.u32 s16;
	s29 =	smov.u32 s16  }
0x32a: {  	s16 =	smov.u32 s14;
	s14 =	smov.u32 s1;
	s1 =	smov.u32 s8  }
0x32b: {  	v29 =	vimm.s32 $0x0;
	v18 =	vadd.s32 v1, v59;
	s8 =	smov.u32 s9;
	s2 =	smov.u32 s9;
	s9 =	smov.u32 s7  }
.LBB2_19:
0x32c: {  	v1 =	vld.idx.msk [tilespmem:v19+s7+$0x0 ss:$0x1], $0xffff  }
0x32d: {  	v2 =	vld.idx.msk [tilespmem:v19+s2+$0x0 ss:$0x1], $0xffff;
	_ =	sdelay $0x1  }
0x32e: {  	v3 =	vld.idx.msk [tilespmem:v19+s0+$0x0 ss:$0x1], $0xffff;
	_ =	sdelay $0x2  }
0x32f: {  	v4 =	vsub.f32 v1, v55;
	v5 =	vsub.f32 v2, v56;
	_ =	sdelay $0x1  }
0x330: {  	v6 =	vsub.f32 v3, v57;
	v7 =	vmul.f32 v4, v4;
	v8 =	vmul.f32 v5, v5;
	_ =	sdelay $0x1  }
0x331: {  	v7 =	vadd.f32 v8, v7;
	v8 =	vmul.f32 v6, v6;
	_ =	sdelay $0x1  }
0x332: {  	v7 =	vadd.f32 v8, v7;
	_ =	sdelay $0x1  }
0x333: {  	v7 =	vmax.f32 v7, $9.999999960e-13  }
0x334: {  	v8 =	vshrl.u32 v7, $0x1;
	v9 =	vmul.f32 $5.000000000e-01, v7  }
0x335: {  	v8 =	vsub.s32 $0x5F3759DF, v8  }
0x336: {  	v12 =	vld.idx.msk [tilespmem:v19+s15+$0x0 ss:$0x1], $0xffff;
	v13 =	vmul.f32 v8, v9;
	_ =	sdelay $0x1  }
0x337: {  	v13 =	vmul.f32 v8, v13;
	_ =	sdelay $0x1  }
0x338: {  	v13 =	vsub.f32 $1.500000000e+00, v13  }
0x339: {  	v14 =	vld.idx.msk [tilespmem:v19+s31+$0x0 ss:$0x1], $0xffff;
	v20 =	vadd.s32 v12, v18  }
0x33a: {  	v21 =	vld.idx.msk [tilespmem:v19+s30+$0x0 ss:$0x1], $0xffff;
	vm1 =	vlt.s32 v20, $0xFFFFFFFF;
	v8 =	vmul.f32 v8, v13  }
0x33b: {  	v13 =	vsel vm1, $0x1, v29  }
0x33c: {  	v9 =	vmul.f32 v8, v9;
	_ =	sdelay $0x1  }
0x33d: {  	v9 =	vmul.f32 v9, v8  }
0x33e: {  	v22 =	vadd.f32 v14, v58;
	v20 =	vmul.f32 v21, v11  }
0x33f: {  	v14 =	vsub.f32 v58, v14;
	v23 =	vld.idx.msk [tilespmem:v13+s26+$0x0], $0xffff;
	v9 =	vsub.f32 $1.500000000e+00, v9  }
0x340: {  	v24 =	vld.idx.msk [tilespmem:v19+s29+$0x0 ss:$0x1], $0xffff;
	v25 =	vmul.f32 $5.000000000e-01, v20;
	v22 =	vsub.f32 v22, v7  }
0x341: {  	v26 =	vld.idx.msk [tilespmem:v13+s25+$0x0], $0xffff;
	v8 =	vmul.f32 v9, v8;
	v9 =	vsub.f32 v7, v14  }
0x342: {  	v27 =	vld.idx.msk [tilespmem:v19+s21+$0x0 ss:$0x1], $0xffff;
	v22 =	vmul.f32 v22, v25  }
0x343: {  	v52 =	vld.idx.msk [tilespmem:v19+s11+$0x0 ss:$0x1], $0xffff;
	v28 =	vmul.f32 v8, v7;
	v9 =	vmul.f32 v9, v25  }
0x344: {  	v22 =	vsub.f32 v22, v23  }
0x345: {  	v13 =	vld.idx.msk [tilespmem:v13+s20+$0x0], $0xffff;
	v9 =	vmul.f32 v9, v21;
	v20 =	vmul.f32 v28, v20  }
0x346: {  	v24 =	vmul.f32 v24, v10;
	v26 =	vmul.f32 v22, v26  }
0x347: {  	v27 =	vmul.f32 v22, v27;
	v20 =	vsub.f32 $0.0e+00, v20;
	v9 =	vadd.f32 v9, v9  }
0x348: {  	vm2 =	vne.s32 v52, $0x0;
	vm1 =	veq.s32 v59, v12  }
0x349: {  	v12 =	vmul.f32 v26, v24;
	v9 =	vadd.f32 v27, v9;
	v20 =	vadd.f32 v20, v20  }
0x34a: {  	vm1 =	vmand vm1, vm2;
	vm2 =	vle.f32 v28, v13  }
0x34b: {  	vm1 =	vmand vm1, vm2;
	v9 =	vmul.f32 v9, v12;
	v13 =	vmul.f32 v20, v12  }
0x34c: {  	vm1 =	vmand vm0, vm1  }
0x34d: {  	v9 =	vnsel vm1, $0x0, v9;
	v13 =	vnsel vm1, $0x0, v13  }
0x34e: {  	v9 =	vmul.f32 v9, v21;
	v8 =	vmul.f32 v13, v8  }
0x34f: {  	v13 =	vld [tilespmem:s5+$0x0]  }
0x350: {  	v1 =	vmul.f32 v9, v1;
	v4 =	vmul.f32 v8, v4  }
0x351: {  	v7 =	vadd.f32 v7, v14  }
0x352: {  	v20 =	vadd.f32 v4, v1  }
0x353: {  	v7 =	vmul.f32 v7, v25  }
0x354: {  	v13 =	vsub.f32 v13, v20  }
0x355: {  	v7 =	vmul.f32 v7, v11  }
0x356: {  	[tilespmem:s5+$0x0] =	vst v13  }
0x357: {  	v14 =	vmul.f32 v22, v48;
	v7 =	vadd.f32 v7, v7;
	v13 =	vld [tilespmem:s6+$0x0]  }
0x358: {  	v2 =	vmul.f32 v9, v2;
	v5 =	vmul.f32 v8, v5  }
0x359: {  	v7 =	vadd.f32 v14, v7  }
0x35a: {  	v20 =	vadd.f32 v5, v2  }
0x35b: {  	v7 =	vmul.f32 v7, v12  }
0x35c: {  	v13 =	vsub.f32 v13, v20  }
0x35d: {  	v7 =	vnsel vm1, $0x0, v7  }
0x35e: {  	v7 =	vmul.f32 v7, v11;
	[tilespmem:s6+$0x0] =	vst v13  }
0x35f: {  	v3 =	vmul.f32 v9, v3;
	v12 =	vld [tilespmem:s10+$0x0]  }
0x360: {  	v6 =	vmul.f32 v8, v6;
	v13 =	vmul.f32 v7, v56  }
0x361: {  	v9 =	vmul.f32 v7, v55;
	v7 =	vmul.f32 v7, v57  }
0x362: {  	s3 =	sadd.s32 $0x1, s3;
	v8 =	vadd.f32 v6, v3;
	v14 =	vadd.f32 v13, v16  }
0x363: {  	p1 =	slt.u32 s3, $0xE;
	v53 =	vsub.f32 v5, v13;
	v54 =	vsub.f32 v6, v7  }
.Ltmp10:
0x364: {  	v8 =	vsub.f32 v12, v8;
	v12 =	vadd.f32 v9, v36;
	(pc) =	sbr.rel @p1 .LBB2_19-.Ltmp10, $4  }
0x365: {  	s7 =	sadd.s32 $0x10, s7;
	s2 =	sadd.s32 $0x10, s2;
	s0 =	sadd.s32 $0x10, s0;
	v16 =	vadd.f32 v14, v2;
	v2 =	vsub.f32 v4, v9  }
0x366: {  	s31 =	sadd.s32 $0x10, s31;
	s30 =	sadd.s32 $0x10, s30;
	s29 =	sadd.s32 $0x10, s29;
	v36 =	vadd.f32 v12, v1;
	v1 =	vadd.f32 v7, v60  }
0x367: {  	s21 =	sadd.s32 $0x10, s21;
	s15 =	sadd.s32 $0x10, s15;
	s11 =	sadd.s32 $0x10, s11;
	v17 =	vadd.f32 v53, v17;
	v15 =	vadd.f32 v54, v15  }
0x368: {  	s5 =	sadd.s32 $0x140, s5;
	s6 =	sadd.s32 $0x140, s6;
	v0 =	vadd.f32 v2, v0;
	[tilespmem:s10+$0x0] =	vst v8;
	s10 =	sadd.s32 $0x140, s10;
	v60 =	vadd.f32 v1, v3  }
.Ltmp11:
0x369: {  	_ = 	snop;
	(pc) =	sbr.rel .LBB2_20-.Ltmp11, $1  }
0x36a: {  	_ =	sdelay $0x3  }
.LBB2_12:
.Ltmp12:
0x36b: {  	(pc) =	sbr.rel .LBB2_17-.Ltmp12, $2  }
0x36c: {  	_ =	sdelay $0x2  }
0x36d: {  	v52 =	vld [tilespmem:$0x1FE10];
	s3 =	smov.u32 s11;
	s15 =	smov.u32 s21;
	s6 =	smov.u32 s11;
	v40 =	vimm.f32 $0.0e+00;
	v29 =	vimm.f32 $0.0e+00  }
.LBB2_14:
0x36e: {  	v52 =	vld [tilespmem:$0x1FE10]  }
.Ltmp13:
0x36f: {  	v34 =	vld [tilespmem:$0x1FF50];
	(pc) =	sbr.rel .LBB2_17-.Ltmp13, $4  }
0x370: {  	s21 =	sld [smem:$0x7D6];
	v36 =	vld [tilespmem:$0x1FDF0]  }
0x371: {  	v59 =	vld [tilespmem:$0x1FDA0]  }
0x372: {  	v58 =	vmov v10;
	v10 =	vld [tilespmem:$0x1FDE0]  }
0x373: {  	v39 =	vmovc v27;
	v62 =	vmov v28;
	v61 =	vmov v24;
	v14 =	vmov v26;
	s3 =	smov.u32 s6;
	v60 =	vld [tilespmem:$0x1FE00];
	s15 =	smov.u32 s21;
	s5 =	smov.u32 s21  }
.LBB2_21:
0x374: {  	s10 =	sld [smem:$0x7E5]  }
0x375: {  	s9 =	sld [smem:$0x7E6]  }
0x376: {  	s0 =	sld [smem:$0x7EB]  }
0x377: {  	s31 =	sld [smem:$0x7DB];
	v2 =	vmov s10  }
0x378: {  	s11 =	sld [smem:$0x7E4];
	v5 =	vmov s9  }
0x379: {  	s14 =	sld [smem:$0x7E3];
	[tilespmem:s0+$0x9E80] =	vst v36  }
0x37a: {  	s1 =	simm.s32 $0x500;
	[tilespmem:s0+$0xB280] =	vst v16  }
0x37b: {  	s2 =	simm.s32 $0x11400;
	s3 =	sld [smem:$0x7EE];
	[tilespmem:s0+$0xC680] =	vst v60;
	s0 =	simm.s32 $0x0  }
0x37c: {  	s21 =	simm.s32 $0x13C00;
	s29 =	simm.s32 $0x16400;
	s5 =	sld [smem:$0x7ED];
	v0 =	vmov s31;
	v4 =	vmov s11;
	v3 =	vmov s14;
	v6 =	vld.idx.msk [tilespmem:v2+s0+$0x0 ss:$0x1], $0xffff  }
.LBB2_22:
0x37d: {  	p1 =	sne.s32 s1, $0x4B00;
	v1 =	vld.idx.msk [tilespmem:v5+s0+$0x0 ss:$0x1], $0xffff;
	_ =	sdelay $0x5  }
0x37e: {  	v6 =	vmul.f32 v6, v0;
	_ =	sdelay $0x1  }
0x37f: {  	[tilespmem:v1+s2+$0x0] =	vst.idx.add.f32.msk $0xffff, v6  }
0x380: {  	v6 =	vld.idx.msk [tilespmem:v4+s0+$0x0 ss:$0x1], $0xffff;
	_ =	sdelay $0x5  }
0x381: {  	v6 =	vmul.f32 v6, v0;
	_ =	sdelay $0x1  }
0x382: {  	[tilespmem:v1+s21+$0x0] =	vst.idx.add.f32.msk $0xffff, v6  }
0x383: {  	v6 =	vld.idx.msk [tilespmem:v3+s0+$0x0 ss:$0x1], $0xffff;
	_ =	sdelay $0x4  }
.Ltmp14:
0x384: {  	(pc) =	sbr.rel @p1 .LBB2_22-.Ltmp14, $3  }
0x385: {  	v6 =	vmul.f32 v6, v0;
	_ =	sdelay $0x1  }
0x386: {  	s0 =	sshra.s32 s1, $0x2;
	[tilespmem:v1+s29+$0x0] =	vst.idx.add.f32.msk $0xffff, v6  }
0x387: {  	s1 =	sadd.s32 $0x500, s1;
	v6 =	vld.idx.msk [tilespmem:v2+s0+$0x0 ss:$0x1], $0xffff  }
0x388: {  	_ =	sdelay $0x3  }
0x389: {  	v1 =	vld.idx.msk [tilespmem:v5+s0+$0x0 ss:$0x1], $0xffff;
	_ =	sdelay $0x5  }
0x38a: {  	v2 =	vmul.f32 v6, v0;
	_ =	sdelay $0x1  }
0x38b: {  	[tilespmem:v1+s2+$0x0] =	vst.idx.add.f32.msk $0xffff, v2  }
0x38c: {  	s30 =	sld [smem:$0x7DA];
	v2 =	vld.idx.msk [tilespmem:v4+s0+$0x0 ss:$0x1], $0xffff  }
0x38d: {  	s15 =	sld [smem:$0x7E7]  }
0x38e: {  	s6 =	sld [smem:$0x7EC]  }
0x38f: {  	s7 =	sld [smem:$0x7EA]  }
0x390: {  	s8 =	sld [smem:$0x7E9]  }
0x391: {  	s31 =	sld [smem:$0x7E2];
	v2 =	vmul.f32 v2, v0  }
0x392: {  	s1 =	sld [smem:$0x7EF]  }
0x393: {  	s3 =	sadd.s32 $0x10, s3;
	s5 =	sadd.s32 $0x10, s5;
	s16 =	sld [smem:$0x7F0];
	[tilespmem:v1+s21+$0x0] =	vst.idx.add.f32.msk $0xffff, v2  }
0x394: {  	s12 =	sld [smem:$0x7F1];
	s9 =	sadd.s32 $0x10, s9;
	s10 =	sadd.s32 $0x10, s10;
	v2 =	vld.idx.msk [tilespmem:v3+s0+$0x0 ss:$0x1], $0xffff  }
0x395: {  	s11 =	sadd.s32 $0x10, s11;
	s30 =	sadd.s32 $0x1, s30;
	s1 =	sadd.s32 $0x10, s1  }
0x396: {  	s14 =	sadd.s32 $0x10, s14;
	[smem:$0x7EF] =	sst s1;
	p1 =	sne.s32 s30, $0x14  }
.Ltmp15:
0x397: {  	s1 =	sadd.s32 $0x10, s16;
	s16 =	sld [smem:$0x7F2];
	(pc) =	sbr.rel @p1 .LBB2_4-.Ltmp15, $4  }
0x398: {  	s6 =	sadd.s32 $0x10, s6;
	s0 =	sadd.s32 $0x10, s15;
	s15 =	sld [smem:$0x7E8]  }
0x399: {  	s7 =	sadd.s32 $0x10, s7;
	[smem:$0x7F0] =	sst s1;
	s1 =	sadd.s32 $0x10, s12;
	v63 =	vmul.f32 v2, v0  }
0x39a: {  	s8 =	sadd.s32 $0x10, s8;
	[smem:$0x7F1] =	sst s1;
	s1 =	sadd.s32 $0x10, s16  }
0x39b: {  	s31 =	sadd.s32 $0x10, s31;
	[smem:$0x7F2] =	sst s1;
	s15 =	sadd.s32 $0x1, s15;
	[tilespmem:v1+s29+$0x0] =	vst.idx.add.f32.msk $0xffff, v63  }
0x39c: {  	s5 =	rddreg [dreg:$0x14];
	s0 =	simm.s32 $0x2  }
0x39d: {  	[spmem:s5] =	stream.linear.scatter [tilespmem:s2], [sflag:$0x2], $0x2800, $0x38;
	[tilespmem:$0x1B400] =	vst v63  }
0x39e: {  	_ =	swait.ge [sflag:s0], $0x2800  }
0x39f: {  	[sflag:s0] =	ssyncset.done $0x0  }
0x3a0: {  	[sflag:s0] =	ssyncadd.s32 $0xFFFFD800  }
0x3a1: {  	[bflag:$0x0] =	sbarrier.arrive $0xFFFF  }
0x3a2: {  	s0 =	simm.s32 $0xEC00;
	s6 =	rddreg [dreg:$0x15]  }
0x3a3: {  	[tilespmem:s0], [sflag:$0x1] =	stream.linear.gather [spmem:s6], $0x280, $0x38;
	[tilespmem:$0x1B400] =	vst v63  }
0x3a4: {  	s1 =	simm.s32 $0xEE80;
	s7 =	rddreg [dreg:$0x1b]  }
0x3a5: {  	[tilespmem:s1], [sflag:$0x1] =	stream.linear.gather [spmem:s7], $0x280, $0x38;
	[tilespmem:$0x1B400] =	vst v63  }
0x3a6: {  	s12 =	simm.s32 $0xF100;
	s8 =	rddreg [dreg:$0x1c]  }
0x3a7: {  	[tilespmem:s12], [sflag:$0x1] =	stream.linear.gather [spmem:s8], $0x280, $0x38;
	[tilespmem:$0x1B400] =	vst v63  }
0x3a8: {  	s14 =	simm.s32 $0xF380;
	s2 =	simm.s32 $0x1;
	s9 =	rddreg [dreg:$0x1d]  }
0x3a9: {  	[tilespmem:s14], [sflag:$0x1] =	stream.linear.gather [spmem:s9], $0x280, $0x38;
	[tilespmem:$0x1B400] =	vst v63  }
0x3aa: {  	_ =	swait.ge [sflag:s2], $0x280  }
0x3ab: {  	[sflag:s2] =	ssyncset.done $0x0  }
0x3ac: {  	[sflag:s2] =	ssyncadd.s32 $0xFFFFFD80  }
0x3ad: {  	_ =	swait.ge [sflag:s2], $0x280  }
0x3ae: {  	[sflag:s2] =	ssyncset.done $0x0  }
0x3af: {  	[sflag:s2] =	ssyncadd.s32 $0xFFFFFD80  }
0x3b0: {  	_ =	swait.ge [sflag:s2], $0x280  }
0x3b1: {  	[sflag:s2] =	ssyncset.done $0x0  }
0x3b2: {  	[sflag:s2] =	ssyncadd.s32 $0xFFFFFD80  }
0x3b3: {  	_ =	swait.ge [sflag:s2], $0x280  }
0x3b4: {  	[sflag:s2] =	ssyncset.done $0x0;
	s10 =	rddreg [dreg:$0x1e]  }
0x3b5: {  	s15 =	simm.s32 $0xF600;
	s11 =	rddreg [dreg:$0x1f];
	[sflag:s2] =	ssyncadd.s32 $0xFFFFFD80  }
0x3b6: {  	[tilespmem:s15], [sflag:$0x1] =	stream.linear.gather [spmem:s10], $0x280, $0x38;
	[tilespmem:$0x1B400] =	vst v63  }
0x3b7: {  	s16 =	simm.s32 $0xF880;
	s14 =	sld [smem:$0x7FB]  }
0x3b8: {  	[tilespmem:s16], [sflag:$0x1] =	stream.linear.gather [spmem:s11], $0x280, $0x38;
	[tilespmem:$0x1B400] =	vst v63  }
0x3b9: {  	s30 =	simm.s32 $0xFB00;
	s15 =	sld [smem:$0x7FC]  }
0x3ba: {  	[tilespmem:s30], [sflag:$0x1] =	stream.linear.gather [spmem:s14], $0x280, $0x38;
	[tilespmem:$0x1B400] =	vst v63  }
0x3bb: {  	s31 =	simm.s32 $0xFD80  }
0x3bc: {  	[tilespmem:s31], [sflag:$0x1] =	stream.linear.gather [spmem:s15], $0x280, $0x38;
	[tilespmem:$0x1B400] =	vst v63  }
0x3bd: {  	_ =	swait.ge [sflag:s2], $0x280  }
0x3be: {  	[sflag:s2] =	ssyncset.done $0x0  }
0x3bf: {  	[sflag:s2] =	ssyncadd.s32 $0xFFFFFD80  }
0x3c0: {  	_ =	swait.ge [sflag:s2], $0x280  }
0x3c1: {  	[sflag:s2] =	ssyncset.done $0x0  }
0x3c2: {  	[sflag:s2] =	ssyncadd.s32 $0xFFFFFD80  }
0x3c3: {  	_ =	swait.ge [sflag:s2], $0x280  }
0x3c4: {  	[sflag:s2] =	ssyncset.done $0x0  }
0x3c5: {  	[sflag:s2] =	ssyncadd.s32 $0xFFFFFD80  }
0x3c6: {  	_ =	swait.ge [sflag:s2], $0x280  }
0x3c7: {  	s16 =	sld [smem:$0x7FD]  }
0x3c8: {  	[sflag:s2] =	ssyncset.done $0x0  }
0x3c9: {  	s3 =	simm.s32 $0x10000;
	s12 =	sld [smem:$0x7F4];
	[sflag:s2] =	ssyncadd.s32 $0xFFFFFD80  }
0x3ca: {  	[tilespmem:s3], [sflag:$0x1] =	stream.linear.gather [spmem:s16], $0x280, $0x38;
	[tilespmem:$0x1B400] =	vst v63  }
0x3cb: {  	s30 =	sld [smem:$0x7F5];
	s3 =	simm.s32 $0x10280  }
0x3cc: {  	[tilespmem:s3], [sflag:$0x1] =	stream.linear.gather [spmem:s12], $0x280, $0x38;
	[tilespmem:$0x1B400] =	vst v63  }
0x3cd: {  	s31 =	simm.s32 $0x10500;
	s3 =	sld [smem:$0x7F6]  }
0x3ce: {  	[tilespmem:s31], [sflag:$0x1] =	stream.linear.gather [spmem:s30], $0x280, $0x38;
	[tilespmem:$0x1B400] =	vst v63  }
0x3cf: {  	s12 =	simm.s32 $0x10780  }
0x3d0: {  	[tilespmem:s12], [sflag:$0x1] =	stream.linear.gather [spmem:s3], $0x280, $0x38;
	[tilespmem:$0x1B400] =	vst v63  }
0x3d1: {  	_ =	swait.ge [sflag:s2], $0x280  }
0x3d2: {  	[sflag:s2] =	ssyncset.done $0x0  }
0x3d3: {  	[sflag:s2] =	ssyncadd.s32 $0xFFFFFD80  }
0x3d4: {  	_ =	swait.ge [sflag:s2], $0x280  }
0x3d5: {  	[sflag:s2] =	ssyncset.done $0x0  }
0x3d6: {  	[sflag:s2] =	ssyncadd.s32 $0xFFFFFD80  }
0x3d7: {  	_ =	swait.ge [sflag:s2], $0x280  }
0x3d8: {  	[sflag:s2] =	ssyncset.done $0x0  }
0x3d9: {  	[sflag:s2] =	ssyncadd.s32 $0xFFFFFD80  }
0x3da: {  	_ =	swait.ge [sflag:s2], $0x280  }
0x3db: {  	s30 =	sld [smem:$0x7F7]  }
0x3dc: {  	[sflag:s2] =	ssyncset.done $0x0  }
0x3dd: {  	s31 =	simm.s32 $0x10A00;
	s3 =	sld [smem:$0x7F8];
	[sflag:s2] =	ssyncadd.s32 $0xFFFFFD80  }
0x3de: {  	[tilespmem:s31], [sflag:$0x1] =	stream.linear.gather [spmem:s30], $0x280, $0x38;
	[tilespmem:$0x1B400] =	vst v63  }
0x3df: {  	s12 =	simm.s32 $0x10C80;
	s30 =	sld [smem:$0x7F9]  }
0x3e0: {  	[tilespmem:s12], [sflag:$0x1] =	stream.linear.gather [spmem:s3], $0x280, $0x38;
	[tilespmem:$0x1B400] =	vst v63  }
0x3e1: {  	s31 =	simm.s32 $0x10F00;
	s3 =	sld [smem:$0x7FA]  }
0x3e2: {  	[tilespmem:s31], [sflag:$0x1] =	stream.linear.gather [spmem:s30], $0x280, $0x38;
	[tilespmem:$0x1B400] =	vst v63  }
0x3e3: {  	s12 =	simm.s32 $0x11180  }
0x3e4: {  	[tilespmem:s12], [sflag:$0x1] =	stream.linear.gather [spmem:s3], $0x280, $0x38;
	[tilespmem:$0x1B400] =	vst v63  }
0x3e5: {  	_ =	swait.ge [sflag:s2], $0x280  }
0x3e6: {  	[sflag:s2] =	ssyncset.done $0x0  }
0x3e7: {  	[sflag:s2] =	ssyncadd.s32 $0xFFFFFD80  }
0x3e8: {  	_ =	swait.ge [sflag:s2], $0x280  }
0x3e9: {  	[sflag:s2] =	ssyncset.done $0x0  }
0x3ea: {  	[sflag:s2] =	ssyncadd.s32 $0xFFFFFD80  }
0x3eb: {  	_ =	swait.ge [sflag:s2], $0x280  }
0x3ec: {  	[sflag:s2] =	ssyncset.done $0x0  }
0x3ed: {  	[sflag:s2] =	ssyncadd.s32 $0xFFFFFD80  }
0x3ee: {  	_ =	swait.ge [sflag:s2], $0x280  }
0x3ef: {  	s30 =	simm.s32 $0x0;
	[sflag:s2] =	ssyncset.done $0x0  }
0x3f0: {  	s1 =	sand.u32 $0x3F0, s30;
	[sflag:s2] =	ssyncadd.s32 $0xFFFFFD80  }
0x3f1: {  	v0 =	vld [tilespmem:s1+$0xEE80]  }
0x3f2: {  	v1 =	vld [tilespmem:s0+$0x0];
	_ =	sdelay $0x1  }
0x3f3: {  	v2 =	vld [tilespmem:s1+$0xF100];
	_ =	sdelay $0x1  }
0x3f4: {  	v3 =	vld [tilespmem:s1+$0xF380]  }
0x3f5: {  	v0 =	vadd.f32 v0, v1  }
0x3f6: {  	v1 =	vld [tilespmem:s1+$0xF600]  }
0x3f7: {  	v0 =	vadd.f32 v2, v0  }
0x3f8: {  	v2 =	vld [tilespmem:s1+$0xF880]  }
0x3f9: {  	v0 =	vadd.f32 v3, v0  }
0x3fa: {  	v3 =	vld [tilespmem:s1+$0xFB00]  }
0x3fb: {  	v0 =	vadd.f32 v1, v0  }
0x3fc: {  	v1 =	vld [tilespmem:s1+$0xFD80]  }
0x3fd: {  	v0 =	vadd.f32 v2, v0  }
0x3fe: {  	v2 =	vld [tilespmem:s1+$0x10000]  }
0x3ff: {  	v0 =	vadd.f32 v3, v0  }
0x400: {  	v3 =	vld [tilespmem:s1+$0x10280]  }
0x401: {  	v0 =	vadd.f32 v1, v0  }
0x402: {  	v1 =	vld [tilespmem:s1+$0x10500]  }
0x403: {  	v0 =	vadd.f32 v2, v0  }
0x404: {  	v2 =	vld [tilespmem:s1+$0x10780]  }
0x405: {  	v0 =	vadd.f32 v3, v0  }
0x406: {  	v3 =	vld [tilespmem:s1+$0x10A00]  }
0x407: {  	v0 =	vadd.f32 v1, v0  }
0x408: {  	v1 =	vld [tilespmem:s1+$0x10C80]  }
0x409: {  	v0 =	vadd.f32 v2, v0  }
0x40a: {  	v2 =	vld [tilespmem:s1+$0x10F00]  }
0x40b: {  	v0 =	vadd.f32 v3, v0  }
0x40c: {  	v3 =	vld [tilespmem:s1+$0x11180]  }
0x40d: {  	v0 =	vadd.f32 v1, v0;
	_ =	sdelay $0x1  }
0x40e: {  	v0 =	vadd.f32 v2, v0;
	_ =	sdelay $0x1  }
0x40f: {  	v0 =	vadd.f32 v3, v0  }
0x410: {  	s31 =	simm.s32 $0x10;
	s0 =	simm.s32 $0xE980  }
0x411: {  	s1 =	sand.u32 $0x3F0, s31;
	[tilespmem:s0+$0x0] =	vst v0  }
0x412: {  	s3 =	simm.s32 $0x20;
	s2 =	simm.s32 $0xEC10;
	v0 =	vld [tilespmem:s1+$0xEE80]  }
.LBB2_25:
0x413: {  	p1 =	sne.s32 s3, $0x270;
	v1 =	vld [tilespmem:s2+$0x0];
	_ =	sdelay $0x1  }
0x414: {  	v2 =	vld [tilespmem:s1+$0xF100];
	_ =	sdelay $0x1  }
0x415: {  	v3 =	vld [tilespmem:s1+$0xF380]  }
0x416: {  	v0 =	vadd.f32 v0, v1  }
0x417: {  	v1 =	vld [tilespmem:s1+$0xF600]  }
0x418: {  	v0 =	vadd.f32 v2, v0  }
0x419: {  	v2 =	vld [tilespmem:s1+$0xF880]  }
0x41a: {  	v0 =	vadd.f32 v3, v0  }
0x41b: {  	v3 =	vld [tilespmem:s1+$0xFB00]  }
0x41c: {  	v0 =	vadd.f32 v1, v0  }
0x41d: {  	v1 =	vld [tilespmem:s1+$0xFD80]  }
0x41e: {  	v0 =	vadd.f32 v2, v0  }
0x41f: {  	v2 =	vld [tilespmem:s1+$0x10000]  }
0x420: {  	v0 =	vadd.f32 v3, v0  }
0x421: {  	v3 =	vld [tilespmem:s1+$0x10280]  }
0x422: {  	v0 =	vadd.f32 v1, v0  }
0x423: {  	v1 =	vld [tilespmem:s1+$0x10500]  }
0x424: {  	v0 =	vadd.f32 v2, v0  }
0x425: {  	v2 =	vld [tilespmem:s1+$0x10780]  }
0x426: {  	v0 =	vadd.f32 v3, v0  }
0x427: {  	v3 =	vld [tilespmem:s1+$0x10A00]  }
0x428: {  	v0 =	vadd.f32 v1, v0  }
0x429: {  	v1 =	vld [tilespmem:s1+$0x10C80]  }
0x42a: {  	v0 =	vadd.f32 v2, v0  }
0x42b: {  	v2 =	vld [tilespmem:s1+$0x10F00]  }
0x42c: {  	v0 =	vadd.f32 v3, v0  }
0x42d: {  	v3 =	vld [tilespmem:s1+$0x11180]  }
0x42e: {  	v0 =	vadd.f32 v1, v0;
	_ =	sdelay $0x1  }
0x42f: {  	v0 =	vadd.f32 v2, v0  }
.Ltmp16:
0x430: {  	(pc) =	sbr.rel @p1 .LBB2_25-.Ltmp16, $4  }
0x431: {  	v0 =	vadd.f32 v3, v0  }
0x432: {  	s0 =	sadd.s32 $0x10, s0  }
0x433: {  	s1 =	sand.u32 $0x3F0, s3;
	[tilespmem:s0+$0x0] =	vst v0  }
0x434: {  	s2 =	sadd.s32 $0x10, s2;
	s3 =	sadd.s32 $0x10, s3;
	v0 =	vld [tilespmem:s1+$0xEE80]  }
0x435: {  	v1 =	vld [tilespmem:s2+$0x0];
	_ =	sdelay $0x1  }
0x436: {  	v2 =	vld [tilespmem:s1+$0xF100];
	_ =	sdelay $0x1  }
0x437: {  	v3 =	vld [tilespmem:s1+$0xF380]  }
0x438: {  	v0 =	vadd.f32 v0, v1  }
0x439: {  	v1 =	vld [tilespmem:s1+$0xF600]  }
0x43a: {  	v0 =	vadd.f32 v2, v0  }
0x43b: {  	v2 =	vld [tilespmem:s1+$0xF880]  }
0x43c: {  	v0 =	vadd.f32 v3, v0  }
0x43d: {  	v3 =	vld [tilespmem:s1+$0xFB00]  }
0x43e: {  	v0 =	vadd.f32 v1, v0  }
0x43f: {  	v1 =	vld [tilespmem:s1+$0xFD80]  }
0x440: {  	v0 =	vadd.f32 v2, v0  }
0x441: {  	v2 =	vld [tilespmem:s1+$0x10000]  }
0x442: {  	v0 =	vadd.f32 v3, v0  }
0x443: {  	v3 =	vld [tilespmem:s1+$0x10280]  }
0x444: {  	v0 =	vadd.f32 v1, v0  }
0x445: {  	v1 =	vld [tilespmem:s1+$0x10500]  }
0x446: {  	v0 =	vadd.f32 v2, v0  }
0x447: {  	v2 =	vld [tilespmem:s1+$0x10780]  }
0x448: {  	v0 =	vadd.f32 v3, v0  }
0x449: {  	v3 =	vld [tilespmem:s1+$0x10A00]  }
0x44a: {  	v0 =	vadd.f32 v1, v0  }
0x44b: {  	v1 =	vld [tilespmem:s1+$0x10C80]  }
0x44c: {  	v0 =	vadd.f32 v2, v0  }
0x44d: {  	v2 =	vld [tilespmem:s1+$0x10F00]  }
0x44e: {  	v0 =	vadd.f32 v3, v0  }
0x44f: {  	v3 =	vld [tilespmem:s1+$0x11180]  }
0x450: {  	v0 =	vadd.f32 v1, v0;
	_ =	sdelay $0x1  }
0x451: {  	v0 =	vadd.f32 v2, v0;
	_ =	sdelay $0x1  }
0x452: {  	v0 =	vadd.f32 v3, v0  }
0x453: {  	s0 =	sadd.s32 $0x10, s0;
	s31 =	rddreg [dreg:$0x16]  }
0x454: {  	s3 =	simm.s32 $0x2;
	s1 =	simm.s32 $0x0;
	[tilespmem:s0+$0x0] =	vst v0;
	s0 =	simm.s32 $0xE980  }
0x455: {  	[hbm4b:s31+s1] =	stream.linear.scatter [tilespmem:s0], [sflag:$0x2], $0x280, $0x38;
	[tilespmem:$0x1B400] =	vst v63  }
0x456: {  	_ =	swait.ge [sflag:s3], $0x280  }
0x457: {  	[sflag:s3] =	ssyncset.done $0x0  }
0x458: {  	[sflag:s3] =	ssyncadd.s32 $0xFFFFFD80  }
0x459: {  	[bflag:$0x0] =	sbarrier.arrive $0xFFFF  }
0x45a: {  	[spmem:s5] =	stream.linear.scatter [tilespmem:s21], [sflag:$0x2], $0x2800, $0x38;
	[tilespmem:$0x1B400] =	vst v63  }
0x45b: {  	_ =	swait.ge [sflag:s3], $0x2800  }
0x45c: {  	[sflag:s3] =	ssyncset.done $0x0  }
0x45d: {  	[sflag:s3] =	ssyncadd.s32 $0xFFFFD800  }
0x45e: {  	s2 =	simm.s32 $0xEC00;
	[bflag:$0x0] =	sbarrier.arrive $0xFFFF  }
0x45f: {  	[tilespmem:s2], [sflag:$0x1] =	stream.linear.gather [spmem:s6], $0x280, $0x38;
	[tilespmem:$0x1B400] =	vst v63  }
0x460: {  	s3 =	simm.s32 $0xEE80  }
0x461: {  	[tilespmem:s3], [sflag:$0x1] =	stream.linear.gather [spmem:s7], $0x280, $0x38;
	[tilespmem:$0x1B400] =	vst v63  }
0x462: {  	s12 =	simm.s32 $0xF100  }
0x463: {  	[tilespmem:s12], [sflag:$0x1] =	stream.linear.gather [spmem:s8], $0x280, $0x38;
	[tilespmem:$0x1B400] =	vst v63  }
0x464: {  	s21 =	simm.s32 $0xF380  }
0x465: {  	[tilespmem:s21], [sflag:$0x1] =	stream.linear.gather [spmem:s9], $0x280, $0x38;
	[tilespmem:$0x1B400] =	vst v63  }
0x466: {  	s21 =	simm.s32 $0x1  }
0x467: {  	_ =	swait.ge [sflag:s21], $0x280  }
0x468: {  	[sflag:s21] =	ssyncset.done $0x0  }
0x469: {  	[sflag:s21] =	ssyncadd.s32 $0xFFFFFD80  }
0x46a: {  	_ =	swait.ge [sflag:s21], $0x280  }
0x46b: {  	[sflag:s21] =	ssyncset.done $0x0  }
0x46c: {  	[sflag:s21] =	ssyncadd.s32 $0xFFFFFD80  }
0x46d: {  	_ =	swait.ge [sflag:s21], $0x280  }
0x46e: {  	[sflag:s21] =	ssyncset.done $0x0  }
0x46f: {  	[sflag:s21] =	ssyncadd.s32 $0xFFFFFD80  }
0x470: {  	_ =	swait.ge [sflag:s21], $0x280  }
0x471: {  	[sflag:s21] =	ssyncset.done $0x0  }
0x472: {  	s30 =	simm.s32 $0xF600;
	[sflag:s21] =	ssyncadd.s32 $0xFFFFFD80  }
0x473: {  	[tilespmem:s30], [sflag:$0x1] =	stream.linear.gather [spmem:s10], $0x280, $0x38;
	[tilespmem:$0x1B400] =	vst v63  }
0x474: {  	s31 =	simm.s32 $0xF880  }
0x475: {  	[tilespmem:s31], [sflag:$0x1] =	stream.linear.gather [spmem:s11], $0x280, $0x38;
	[tilespmem:$0x1B400] =	vst v63  }
0x476: {  	s12 =	simm.s32 $0xFB00  }
0x477: {  	[tilespmem:s12], [sflag:$0x1] =	stream.linear.gather [spmem:s14], $0x280, $0x38;
	[tilespmem:$0x1B400] =	vst v63  }
0x478: {  	s30 =	simm.s32 $0xFD80  }
0x479: {  	[tilespmem:s30], [sflag:$0x1] =	stream.linear.gather [spmem:s15], $0x280, $0x38;
	[tilespmem:$0x1B400] =	vst v63  }
0x47a: {  	_ =	swait.ge [sflag:s21], $0x280  }
0x47b: {  	[sflag:s21] =	ssyncset.done $0x0  }
0x47c: {  	[sflag:s21] =	ssyncadd.s32 $0xFFFFFD80  }
0x47d: {  	_ =	swait.ge [sflag:s21], $0x280  }
0x47e: {  	[sflag:s21] =	ssyncset.done $0x0  }
0x47f: {  	[sflag:s21] =	ssyncadd.s32 $0xFFFFFD80  }
0x480: {  	_ =	swait.ge [sflag:s21], $0x280  }
0x481: {  	[sflag:s21] =	ssyncset.done $0x0  }
0x482: {  	[sflag:s21] =	ssyncadd.s32 $0xFFFFFD80  }
0x483: {  	_ =	swait.ge [sflag:s21], $0x280  }
0x484: {  	[sflag:s21] =	ssyncset.done $0x0  }
0x485: {  	s31 =	simm.s32 $0x10000;
	s12 =	sld [smem:$0x7F4];
	[sflag:s21] =	ssyncadd.s32 $0xFFFFFD80  }
0x486: {  	[tilespmem:s31], [sflag:$0x1] =	stream.linear.gather [spmem:s16], $0x280, $0x38;
	[tilespmem:$0x1B400] =	vst v63  }
0x487: {  	s30 =	simm.s32 $0x10280;
	s31 =	sld [smem:$0x7F5]  }
0x488: {  	[tilespmem:s30], [sflag:$0x1] =	stream.linear.gather [spmem:s12], $0x280, $0x38;
	[tilespmem:$0x1B400] =	vst v63  }
0x489: {  	s12 =	simm.s32 $0x10500  }
0x48a: {  	[tilespmem:s12], [sflag:$0x1] =	stream.linear.gather [spmem:s31], $0x280, $0x38;
	[tilespmem:$0x1B400] =	vst v63  }
0x48b: {  	s31 =	sld [smem:$0x7F6];
	_ =	sdelay $0x1  }
0x48c: {  	s12 =	simm.s32 $0x10780  }
0x48d: {  	[tilespmem:s12], [sflag:$0x1] =	stream.linear.gather [spmem:s31], $0x280, $0x38;
	[tilespmem:$0x1B400] =	vst v63  }
0x48e: {  	_ =	swait.ge [sflag:s21], $0x280  }
0x48f: {  	[sflag:s21] =	ssyncset.done $0x0  }
0x490: {  	[sflag:s21] =	ssyncadd.s32 $0xFFFFFD80  }
0x491: {  	_ =	swait.ge [sflag:s21], $0x280  }
0x492: {  	[sflag:s21] =	ssyncset.done $0x0  }
0x493: {  	[sflag:s21] =	ssyncadd.s32 $0xFFFFFD80  }
0x494: {  	_ =	swait.ge [sflag:s21], $0x280  }
0x495: {  	[sflag:s21] =	ssyncset.done $0x0  }
0x496: {  	[sflag:s21] =	ssyncadd.s32 $0xFFFFFD80  }
0x497: {  	_ =	swait.ge [sflag:s21], $0x280  }
0x498: {  	s31 =	sld [smem:$0x7F7]  }
0x499: {  	[sflag:s21] =	ssyncset.done $0x0  }
0x49a: {  	s12 =	simm.s32 $0x10A00;
	[sflag:s21] =	ssyncadd.s32 $0xFFFFFD80  }
0x49b: {  	[tilespmem:s12], [sflag:$0x1] =	stream.linear.gather [spmem:s31], $0x280, $0x38;
	[tilespmem:$0x1B400] =	vst v63  }
0x49c: {  	s31 =	sld [smem:$0x7F8];
	_ =	sdelay $0x1  }
0x49d: {  	s12 =	simm.s32 $0x10C80  }
0x49e: {  	[tilespmem:s12], [sflag:$0x1] =	stream.linear.gather [spmem:s31], $0x280, $0x38;
	[tilespmem:$0x1B400] =	vst v63  }
0x49f: {  	s31 =	sld [smem:$0x7F9];
	_ =	sdelay $0x1  }
0x4a0: {  	s12 =	simm.s32 $0x10F00  }
0x4a1: {  	[tilespmem:s12], [sflag:$0x1] =	stream.linear.gather [spmem:s31], $0x280, $0x38;
	[tilespmem:$0x1B400] =	vst v63  }
0x4a2: {  	s31 =	sld [smem:$0x7FA];
	_ =	sdelay $0x1  }
0x4a3: {  	s12 =	simm.s32 $0x11180  }
0x4a4: {  	[tilespmem:s12], [sflag:$0x1] =	stream.linear.gather [spmem:s31], $0x280, $0x38;
	[tilespmem:$0x1B400] =	vst v63  }
0x4a5: {  	_ =	swait.ge [sflag:s21], $0x280  }
0x4a6: {  	[sflag:s21] =	ssyncset.done $0x0  }
0x4a7: {  	[sflag:s21] =	ssyncadd.s32 $0xFFFFFD80  }
0x4a8: {  	_ =	swait.ge [sflag:s21], $0x280  }
0x4a9: {  	[sflag:s21] =	ssyncset.done $0x0  }
0x4aa: {  	[sflag:s21] =	ssyncadd.s32 $0xFFFFFD80  }
0x4ab: {  	_ =	swait.ge [sflag:s21], $0x280  }
0x4ac: {  	[sflag:s21] =	ssyncset.done $0x0  }
0x4ad: {  	[sflag:s21] =	ssyncadd.s32 $0xFFFFFD80  }
0x4ae: {  	_ =	swait.ge [sflag:s21], $0x280  }
0x4af: {  	[sflag:s21] =	ssyncset.done $0x0  }
0x4b0: {  	s1 =	sand.u32 $0x3F0, s1;
	[sflag:s21] =	ssyncadd.s32 $0xFFFFFD80  }
0x4b1: {  	v0 =	vld [tilespmem:s1+$0xEE80]  }
0x4b2: {  	v1 =	vld [tilespmem:s2+$0x0];
	_ =	sdelay $0x1  }
0x4b3: {  	v2 =	vld [tilespmem:s1+$0xF100];
	_ =	sdelay $0x1  }
0x4b4: {  	v3 =	vld [tilespmem:s1+$0xF380]  }
0x4b5: {  	v0 =	vadd.f32 v0, v1  }
0x4b6: {  	v1 =	vld [tilespmem:s1+$0xF600]  }
0x4b7: {  	v0 =	vadd.f32 v2, v0  }
0x4b8: {  	v2 =	vld [tilespmem:s1+$0xF880]  }
0x4b9: {  	v0 =	vadd.f32 v3, v0  }
0x4ba: {  	v3 =	vld [tilespmem:s1+$0xFB00]  }
0x4bb: {  	v0 =	vadd.f32 v1, v0  }
0x4bc: {  	v1 =	vld [tilespmem:s1+$0xFD80]  }
0x4bd: {  	v0 =	vadd.f32 v2, v0  }
0x4be: {  	v2 =	vld [tilespmem:s1+$0x10000]  }
0x4bf: {  	v0 =	vadd.f32 v3, v0  }
0x4c0: {  	v3 =	vld [tilespmem:s1+$0x10280]  }
0x4c1: {  	v0 =	vadd.f32 v1, v0  }
0x4c2: {  	v1 =	vld [tilespmem:s1+$0x10500]  }
0x4c3: {  	v0 =	vadd.f32 v2, v0  }
0x4c4: {  	v2 =	vld [tilespmem:s1+$0x10780]  }
0x4c5: {  	v0 =	vadd.f32 v3, v0  }
0x4c6: {  	v3 =	vld [tilespmem:s1+$0x10A00]  }
0x4c7: {  	v0 =	vadd.f32 v1, v0  }
0x4c8: {  	v1 =	vld [tilespmem:s1+$0x10C80]  }
0x4c9: {  	v0 =	vadd.f32 v2, v0  }
0x4ca: {  	v2 =	vld [tilespmem:s1+$0x10F00]  }
0x4cb: {  	v0 =	vadd.f32 v3, v0  }
0x4cc: {  	v3 =	vld [tilespmem:s1+$0x11180]  }
0x4cd: {  	v0 =	vadd.f32 v1, v0;
	_ =	sdelay $0x1  }
0x4ce: {  	v0 =	vadd.f32 v2, v0;
	_ =	sdelay $0x1  }
0x4cf: {  	v0 =	vadd.f32 v3, v0  }
0x4d0: {  	s31 =	simm.s32 $0x10  }
0x4d1: {  	s1 =	sand.u32 $0x3F0, s31;
	[tilespmem:s0+$0x0] =	vst v0  }
0x4d2: {  	s3 =	simm.s32 $0x20;
	s2 =	simm.s32 $0xEC10;
	v0 =	vld [tilespmem:s1+$0xEE80]  }
.LBB2_27:
0x4d3: {  	p1 =	sne.s32 s3, $0x270;
	v1 =	vld [tilespmem:s2+$0x0];
	_ =	sdelay $0x1  }
0x4d4: {  	v2 =	vld [tilespmem:s1+$0xF100];
	_ =	sdelay $0x1  }
0x4d5: {  	v3 =	vld [tilespmem:s1+$0xF380]  }
0x4d6: {  	v0 =	vadd.f32 v0, v1  }
0x4d7: {  	v1 =	vld [tilespmem:s1+$0xF600]  }
0x4d8: {  	v0 =	vadd.f32 v2, v0  }
0x4d9: {  	v2 =	vld [tilespmem:s1+$0xF880]  }
0x4da: {  	v0 =	vadd.f32 v3, v0  }
0x4db: {  	v3 =	vld [tilespmem:s1+$0xFB00]  }
0x4dc: {  	v0 =	vadd.f32 v1, v0  }
0x4dd: {  	v1 =	vld [tilespmem:s1+$0xFD80]  }
0x4de: {  	v0 =	vadd.f32 v2, v0  }
0x4df: {  	v2 =	vld [tilespmem:s1+$0x10000]  }
0x4e0: {  	v0 =	vadd.f32 v3, v0  }
0x4e1: {  	v3 =	vld [tilespmem:s1+$0x10280]  }
0x4e2: {  	v0 =	vadd.f32 v1, v0  }
0x4e3: {  	v1 =	vld [tilespmem:s1+$0x10500]  }
0x4e4: {  	v0 =	vadd.f32 v2, v0  }
0x4e5: {  	v2 =	vld [tilespmem:s1+$0x10780]  }
0x4e6: {  	v0 =	vadd.f32 v3, v0  }
0x4e7: {  	v3 =	vld [tilespmem:s1+$0x10A00]  }
0x4e8: {  	v0 =	vadd.f32 v1, v0  }
0x4e9: {  	v1 =	vld [tilespmem:s1+$0x10C80]  }
0x4ea: {  	v0 =	vadd.f32 v2, v0  }
0x4eb: {  	v2 =	vld [tilespmem:s1+$0x10F00]  }
0x4ec: {  	v0 =	vadd.f32 v3, v0  }
0x4ed: {  	v3 =	vld [tilespmem:s1+$0x11180]  }
0x4ee: {  	v0 =	vadd.f32 v1, v0;
	_ =	sdelay $0x1  }
0x4ef: {  	v0 =	vadd.f32 v2, v0  }
.Ltmp17:
0x4f0: {  	(pc) =	sbr.rel @p1 .LBB2_27-.Ltmp17, $4  }
0x4f1: {  	v0 =	vadd.f32 v3, v0  }
0x4f2: {  	s0 =	sadd.s32 $0x10, s0  }
0x4f3: {  	s1 =	sand.u32 $0x3F0, s3;
	[tilespmem:s0+$0x0] =	vst v0  }
0x4f4: {  	s2 =	sadd.s32 $0x10, s2;
	s3 =	sadd.s32 $0x10, s3;
	v0 =	vld [tilespmem:s1+$0xEE80]  }
0x4f5: {  	v1 =	vld [tilespmem:s2+$0x0];
	_ =	sdelay $0x1  }
0x4f6: {  	v2 =	vld [tilespmem:s1+$0xF100];
	_ =	sdelay $0x1  }
0x4f7: {  	v3 =	vld [tilespmem:s1+$0xF380]  }
0x4f8: {  	v0 =	vadd.f32 v0, v1  }
0x4f9: {  	v1 =	vld [tilespmem:s1+$0xF600]  }
0x4fa: {  	v0 =	vadd.f32 v2, v0  }
0x4fb: {  	v2 =	vld [tilespmem:s1+$0xF880]  }
0x4fc: {  	v0 =	vadd.f32 v3, v0  }
0x4fd: {  	v3 =	vld [tilespmem:s1+$0xFB00]  }
0x4fe: {  	v0 =	vadd.f32 v1, v0  }
0x4ff: {  	v1 =	vld [tilespmem:s1+$0xFD80]  }
0x500: {  	v0 =	vadd.f32 v2, v0  }
0x501: {  	v2 =	vld [tilespmem:s1+$0x10000]  }
0x502: {  	v0 =	vadd.f32 v3, v0  }
0x503: {  	v3 =	vld [tilespmem:s1+$0x10280]  }
0x504: {  	v0 =	vadd.f32 v1, v0  }
0x505: {  	v1 =	vld [tilespmem:s1+$0x10500]  }
0x506: {  	v0 =	vadd.f32 v2, v0  }
0x507: {  	v2 =	vld [tilespmem:s1+$0x10780]  }
0x508: {  	v0 =	vadd.f32 v3, v0  }
0x509: {  	v3 =	vld [tilespmem:s1+$0x10A00]  }
0x50a: {  	v0 =	vadd.f32 v1, v0  }
0x50b: {  	v1 =	vld [tilespmem:s1+$0x10C80]  }
0x50c: {  	v0 =	vadd.f32 v2, v0  }
0x50d: {  	v2 =	vld [tilespmem:s1+$0x10F00]  }
0x50e: {  	v0 =	vadd.f32 v3, v0  }
0x50f: {  	v3 =	vld [tilespmem:s1+$0x11180]  }
0x510: {  	v0 =	vadd.f32 v1, v0;
	_ =	sdelay $0x1  }
0x511: {  	v0 =	vadd.f32 v2, v0;
	_ =	sdelay $0x1  }
0x512: {  	v0 =	vadd.f32 v3, v0  }
0x513: {  	s0 =	sadd.s32 $0x10, s0;
	s31 =	rddreg [dreg:$0x17]  }
0x514: {  	s3 =	simm.s32 $0x2;
	s1 =	simm.s32 $0x0;
	[tilespmem:s0+$0x0] =	vst v0;
	s0 =	simm.s32 $0xE980  }
0x515: {  	[hbm4b:s31+s1] =	stream.linear.scatter [tilespmem:s0], [sflag:$0x2], $0x280, $0x38;
	[tilespmem:$0x1B400] =	vst v63  }
0x516: {  	_ =	swait.ge [sflag:s3], $0x280  }
0x517: {  	[sflag:s3] =	ssyncset.done $0x0  }
0x518: {  	[sflag:s3] =	ssyncadd.s32 $0xFFFFFD80  }
0x519: {  	[bflag:$0x0] =	sbarrier.arrive $0xFFFF  }
0x51a: {  	[spmem:s5] =	stream.linear.scatter [tilespmem:s29], [sflag:$0x2], $0x2800, $0x38;
	[tilespmem:$0x1B400] =	vst v63  }
0x51b: {  	_ =	swait.ge [sflag:s3], $0x2800  }
0x51c: {  	[sflag:s3] =	ssyncset.done $0x0  }
0x51d: {  	[sflag:s3] =	ssyncadd.s32 $0xFFFFD800  }
0x51e: {  	s2 =	simm.s32 $0xEC00;
	[bflag:$0x0] =	sbarrier.arrive $0xFFFF  }
0x51f: {  	[tilespmem:s2], [sflag:$0x1] =	stream.linear.gather [spmem:s6], $0x280, $0x38;
	[tilespmem:$0x1B400] =	vst v63  }
0x520: {  	s3 =	simm.s32 $0xEE80  }
0x521: {  	[tilespmem:s3], [sflag:$0x1] =	stream.linear.gather [spmem:s7], $0x280, $0x38;
	[tilespmem:$0x1B400] =	vst v63  }
0x522: {  	s7 =	simm.s32 $0xF100  }
0x523: {  	[tilespmem:s7], [sflag:$0x1] =	stream.linear.gather [spmem:s8], $0x280, $0x38;
	[tilespmem:$0x1B400] =	vst v63  }
0x524: {  	s21 =	simm.s32 $0x1;
	s8 =	simm.s32 $0xF380  }
0x525: {  	[tilespmem:s8], [sflag:$0x1] =	stream.linear.gather [spmem:s9], $0x280, $0x38;
	[tilespmem:$0x1B400] =	vst v63  }
0x526: {  	_ =	swait.ge [sflag:s21], $0x280  }
0x527: {  	[sflag:s21] =	ssyncset.done $0x0  }
0x528: {  	[sflag:s21] =	ssyncadd.s32 $0xFFFFFD80  }
0x529: {  	_ =	swait.ge [sflag:s21], $0x280  }
0x52a: {  	[sflag:s21] =	ssyncset.done $0x0  }
0x52b: {  	[sflag:s21] =	ssyncadd.s32 $0xFFFFFD80  }
0x52c: {  	_ =	swait.ge [sflag:s21], $0x280  }
0x52d: {  	[sflag:s21] =	ssyncset.done $0x0  }
0x52e: {  	[sflag:s21] =	ssyncadd.s32 $0xFFFFFD80  }
0x52f: {  	_ =	swait.ge [sflag:s21], $0x280  }
0x530: {  	[sflag:s21] =	ssyncset.done $0x0  }
0x531: {  	s9 =	simm.s32 $0xF600;
	[sflag:s21] =	ssyncadd.s32 $0xFFFFFD80  }
0x532: {  	[tilespmem:s9], [sflag:$0x1] =	stream.linear.gather [spmem:s10], $0x280, $0x38;
	[tilespmem:$0x1B400] =	vst v63  }
0x533: {  	s10 =	simm.s32 $0xF880  }
0x534: {  	[tilespmem:s10], [sflag:$0x1] =	stream.linear.gather [spmem:s11], $0x280, $0x38;
	[tilespmem:$0x1B400] =	vst v63  }
0x535: {  	s12 =	simm.s32 $0xFB00  }
0x536: {  	[tilespmem:s12], [sflag:$0x1] =	stream.linear.gather [spmem:s14], $0x280, $0x38;
	[tilespmem:$0x1B400] =	vst v63  }
0x537: {  	s14 =	simm.s32 $0xFD80  }
0x538: {  	[tilespmem:s14], [sflag:$0x1] =	stream.linear.gather [spmem:s15], $0x280, $0x38;
	[tilespmem:$0x1B400] =	vst v63  }
0x539: {  	_ =	swait.ge [sflag:s21], $0x280  }
0x53a: {  	[sflag:s21] =	ssyncset.done $0x0  }
0x53b: {  	[sflag:s21] =	ssyncadd.s32 $0xFFFFFD80  }
0x53c: {  	_ =	swait.ge [sflag:s21], $0x280  }
0x53d: {  	[sflag:s21] =	ssyncset.done $0x0  }
0x53e: {  	[sflag:s21] =	ssyncadd.s32 $0xFFFFFD80  }
0x53f: {  	_ =	swait.ge [sflag:s21], $0x280  }
0x540: {  	[sflag:s21] =	ssyncset.done $0x0  }
0x541: {  	[sflag:s21] =	ssyncadd.s32 $0xFFFFFD80  }
0x542: {  	_ =	swait.ge [sflag:s21], $0x280  }
0x543: {  	[sflag:s21] =	ssyncset.done $0x0  }
0x544: {  	s29 =	simm.s32 $0x10000;
	s30 =	sld [smem:$0x7F4];
	[sflag:s21] =	ssyncadd.s32 $0xFFFFFD80  }
0x545: {  	[tilespmem:s29], [sflag:$0x1] =	stream.linear.gather [spmem:s16], $0x280, $0x38;
	[tilespmem:$0x1B400] =	vst v63  }
0x546: {  	s31 =	simm.s32 $0x10280;
	s5 =	sld [smem:$0x7F5]  }
0x547: {  	[tilespmem:s31], [sflag:$0x1] =	stream.linear.gather [spmem:s30], $0x280, $0x38;
	[tilespmem:$0x1B400] =	vst v63  }
0x548: {  	s6 =	simm.s32 $0x10500;
	s7 =	sld [smem:$0x7F6]  }
0x549: {  	[tilespmem:s6], [sflag:$0x1] =	stream.linear.gather [spmem:s5], $0x280, $0x38;
	[tilespmem:$0x1B400] =	vst v63  }
0x54a: {  	s8 =	simm.s32 $0x10780  }
0x54b: {  	[tilespmem:s8], [sflag:$0x1] =	stream.linear.gather [spmem:s7], $0x280, $0x38;
	[tilespmem:$0x1B400] =	vst v63  }
0x54c: {  	_ =	swait.ge [sflag:s21], $0x280  }
0x54d: {  	[sflag:s21] =	ssyncset.done $0x0  }
0x54e: {  	[sflag:s21] =	ssyncadd.s32 $0xFFFFFD80  }
0x54f: {  	_ =	swait.ge [sflag:s21], $0x280  }
0x550: {  	[sflag:s21] =	ssyncset.done $0x0  }
0x551: {  	[sflag:s21] =	ssyncadd.s32 $0xFFFFFD80  }
0x552: {  	_ =	swait.ge [sflag:s21], $0x280  }
0x553: {  	[sflag:s21] =	ssyncset.done $0x0  }
0x554: {  	[sflag:s21] =	ssyncadd.s32 $0xFFFFFD80  }
0x555: {  	_ =	swait.ge [sflag:s21], $0x280  }
0x556: {  	s9 =	sld [smem:$0x7F7]  }
0x557: {  	[sflag:s21] =	ssyncset.done $0x0  }
0x558: {  	s10 =	simm.s32 $0x10A00;
	s11 =	sld [smem:$0x7F8];
	[sflag:s21] =	ssyncadd.s32 $0xFFFFFD80  }
0x559: {  	[tilespmem:s10], [sflag:$0x1] =	stream.linear.gather [spmem:s9], $0x280, $0x38;
	[tilespmem:$0x1B400] =	vst v63  }
0x55a: {  	s12 =	simm.s32 $0x10C80;
	s14 =	sld [smem:$0x7F9]  }
0x55b: {  	[tilespmem:s12], [sflag:$0x1] =	stream.linear.gather [spmem:s11], $0x280, $0x38;
	[tilespmem:$0x1B400] =	vst v63  }
0x55c: {  	s15 =	simm.s32 $0x10F00;
	s16 =	sld [smem:$0x7FA]  }
0x55d: {  	[tilespmem:s15], [sflag:$0x1] =	stream.linear.gather [spmem:s14], $0x280, $0x38;
	[tilespmem:$0x1B400] =	vst v63  }
0x55e: {  	s30 =	simm.s32 $0x11180  }
0x55f: {  	[tilespmem:s30], [sflag:$0x1] =	stream.linear.gather [spmem:s16], $0x280, $0x38;
	[tilespmem:$0x1B400] =	vst v63  }
0x560: {  	_ =	swait.ge [sflag:s21], $0x280  }
0x561: {  	[sflag:s21] =	ssyncset.done $0x0  }
0x562: {  	[sflag:s21] =	ssyncadd.s32 $0xFFFFFD80  }
0x563: {  	_ =	swait.ge [sflag:s21], $0x280  }
0x564: {  	[sflag:s21] =	ssyncset.done $0x0  }
0x565: {  	[sflag:s21] =	ssyncadd.s32 $0xFFFFFD80  }
0x566: {  	_ =	swait.ge [sflag:s21], $0x280  }
0x567: {  	[sflag:s21] =	ssyncset.done $0x0  }
0x568: {  	[sflag:s21] =	ssyncadd.s32 $0xFFFFFD80  }
0x569: {  	_ =	swait.ge [sflag:s21], $0x280  }
0x56a: {  	[sflag:s21] =	ssyncset.done $0x0  }
0x56b: {  	s1 =	sand.u32 $0x3F0, s1;
	[sflag:s21] =	ssyncadd.s32 $0xFFFFFD80  }
0x56c: {  	v0 =	vld [tilespmem:s1+$0xEE80]  }
0x56d: {  	v1 =	vld [tilespmem:s2+$0x0];
	_ =	sdelay $0x1  }
0x56e: {  	v2 =	vld [tilespmem:s1+$0xF100];
	_ =	sdelay $0x1  }
0x56f: {  	v3 =	vld [tilespmem:s1+$0xF380]  }
0x570: {  	v0 =	vadd.f32 v0, v1  }
0x571: {  	v1 =	vld [tilespmem:s1+$0xF600]  }
0x572: {  	v0 =	vadd.f32 v2, v0  }
0x573: {  	v2 =	vld [tilespmem:s1+$0xF880]  }
0x574: {  	v0 =	vadd.f32 v3, v0  }
0x575: {  	v3 =	vld [tilespmem:s1+$0xFB00]  }
0x576: {  	v0 =	vadd.f32 v1, v0  }
0x577: {  	v1 =	vld [tilespmem:s1+$0xFD80]  }
0x578: {  	v0 =	vadd.f32 v2, v0  }
0x579: {  	v2 =	vld [tilespmem:s1+$0x10000]  }
0x57a: {  	v0 =	vadd.f32 v3, v0  }
0x57b: {  	v3 =	vld [tilespmem:s1+$0x10280]  }
0x57c: {  	v0 =	vadd.f32 v1, v0  }
0x57d: {  	v1 =	vld [tilespmem:s1+$0x10500]  }
0x57e: {  	v0 =	vadd.f32 v2, v0  }
0x57f: {  	v2 =	vld [tilespmem:s1+$0x10780]  }
0x580: {  	v0 =	vadd.f32 v3, v0  }
0x581: {  	v3 =	vld [tilespmem:s1+$0x10A00]  }
0x582: {  	v0 =	vadd.f32 v1, v0  }
0x583: {  	v1 =	vld [tilespmem:s1+$0x10C80]  }
0x584: {  	v0 =	vadd.f32 v2, v0  }
0x585: {  	v2 =	vld [tilespmem:s1+$0x10F00]  }
0x586: {  	v0 =	vadd.f32 v3, v0  }
0x587: {  	v3 =	vld [tilespmem:s1+$0x11180]  }
0x588: {  	v0 =	vadd.f32 v1, v0;
	_ =	sdelay $0x1  }
0x589: {  	v0 =	vadd.f32 v2, v0;
	_ =	sdelay $0x1  }
0x58a: {  	v0 =	vadd.f32 v3, v0  }
0x58b: {  	s31 =	simm.s32 $0x10  }
0x58c: {  	s1 =	sand.u32 $0x3F0, s31;
	[tilespmem:s0+$0x0] =	vst v0  }
0x58d: {  	s3 =	simm.s32 $0x20;
	s2 =	simm.s32 $0xEC10;
	v0 =	vld [tilespmem:s1+$0xEE80]  }
.LBB2_29:
0x58e: {  	p1 =	sne.s32 s3, $0x270;
	v1 =	vld [tilespmem:s2+$0x0];
	_ =	sdelay $0x1  }
0x58f: {  	v2 =	vld [tilespmem:s1+$0xF100];
	_ =	sdelay $0x1  }
0x590: {  	v3 =	vld [tilespmem:s1+$0xF380]  }
0x591: {  	v0 =	vadd.f32 v0, v1  }
0x592: {  	v1 =	vld [tilespmem:s1+$0xF600]  }
0x593: {  	v0 =	vadd.f32 v2, v0  }
0x594: {  	v2 =	vld [tilespmem:s1+$0xF880]  }
0x595: {  	v0 =	vadd.f32 v3, v0  }
0x596: {  	v3 =	vld [tilespmem:s1+$0xFB00]  }
0x597: {  	v0 =	vadd.f32 v1, v0  }
0x598: {  	v1 =	vld [tilespmem:s1+$0xFD80]  }
0x599: {  	v0 =	vadd.f32 v2, v0  }
0x59a: {  	v2 =	vld [tilespmem:s1+$0x10000]  }
0x59b: {  	v0 =	vadd.f32 v3, v0  }
0x59c: {  	v3 =	vld [tilespmem:s1+$0x10280]  }
0x59d: {  	v0 =	vadd.f32 v1, v0  }
0x59e: {  	v1 =	vld [tilespmem:s1+$0x10500]  }
0x59f: {  	v0 =	vadd.f32 v2, v0  }
0x5a0: {  	v2 =	vld [tilespmem:s1+$0x10780]  }
0x5a1: {  	v0 =	vadd.f32 v3, v0  }
0x5a2: {  	v3 =	vld [tilespmem:s1+$0x10A00]  }
0x5a3: {  	v0 =	vadd.f32 v1, v0  }
0x5a4: {  	v1 =	vld [tilespmem:s1+$0x10C80]  }
0x5a5: {  	v0 =	vadd.f32 v2, v0  }
0x5a6: {  	v2 =	vld [tilespmem:s1+$0x10F00]  }
0x5a7: {  	v0 =	vadd.f32 v3, v0  }
0x5a8: {  	v3 =	vld [tilespmem:s1+$0x11180]  }
0x5a9: {  	v0 =	vadd.f32 v1, v0;
	_ =	sdelay $0x1  }
0x5aa: {  	v0 =	vadd.f32 v2, v0  }
.Ltmp18:
0x5ab: {  	(pc) =	sbr.rel @p1 .LBB2_29-.Ltmp18, $4  }
0x5ac: {  	v0 =	vadd.f32 v3, v0  }
0x5ad: {  	s0 =	sadd.s32 $0x10, s0  }
0x5ae: {  	s1 =	sand.u32 $0x3F0, s3;
	[tilespmem:s0+$0x0] =	vst v0  }
0x5af: {  	s2 =	sadd.s32 $0x10, s2;
	s3 =	sadd.s32 $0x10, s3;
	v0 =	vld [tilespmem:s1+$0xEE80]  }
0x5b0: {  	v1 =	vld [tilespmem:s2+$0x0];
	_ =	sdelay $0x1  }
0x5b1: {  	v2 =	vld [tilespmem:s1+$0xF100];
	_ =	sdelay $0x1  }
0x5b2: {  	v3 =	vld [tilespmem:s1+$0xF380]  }
0x5b3: {  	v0 =	vadd.f32 v0, v1  }
0x5b4: {  	v1 =	vld [tilespmem:s1+$0xF600]  }
0x5b5: {  	v0 =	vadd.f32 v2, v0  }
0x5b6: {  	v2 =	vld [tilespmem:s1+$0xF880]  }
0x5b7: {  	v0 =	vadd.f32 v3, v0  }
0x5b8: {  	v3 =	vld [tilespmem:s1+$0xFB00]  }
0x5b9: {  	v0 =	vadd.f32 v1, v0  }
0x5ba: {  	v1 =	vld [tilespmem:s1+$0xFD80]  }
0x5bb: {  	v0 =	vadd.f32 v2, v0  }
0x5bc: {  	v2 =	vld [tilespmem:s1+$0x10000]  }
0x5bd: {  	v0 =	vadd.f32 v3, v0  }
0x5be: {  	v3 =	vld [tilespmem:s1+$0x10280]  }
0x5bf: {  	v0 =	vadd.f32 v1, v0  }
0x5c0: {  	v1 =	vld [tilespmem:s1+$0x10500]  }
0x5c1: {  	v0 =	vadd.f32 v2, v0  }
0x5c2: {  	v2 =	vld [tilespmem:s1+$0x10780]  }
0x5c3: {  	v0 =	vadd.f32 v3, v0  }
0x5c4: {  	v3 =	vld [tilespmem:s1+$0x10A00]  }
0x5c5: {  	v0 =	vadd.f32 v1, v0  }
0x5c6: {  	v1 =	vld [tilespmem:s1+$0x10C80]  }
0x5c7: {  	v0 =	vadd.f32 v2, v0  }
0x5c8: {  	v2 =	vld [tilespmem:s1+$0x10F00]  }
0x5c9: {  	v0 =	vadd.f32 v3, v0  }
0x5ca: {  	v3 =	vld [tilespmem:s1+$0x11180]  }
0x5cb: {  	v0 =	vadd.f32 v1, v0;
	_ =	sdelay $0x1  }
0x5cc: {  	v0 =	vadd.f32 v2, v0;
	_ =	sdelay $0x1  }
0x5cd: {  	v0 =	vadd.f32 v3, v0  }
0x5ce: {  	s0 =	sadd.s32 $0x10, s0  }
0x5cf: {  	s16 =	rddreg [dreg:$0x18];
	s21 =	simm.s32 $0xE980;
	s29 =	simm.s32 $0x2;
	[tilespmem:s0+$0x0] =	vst v0  }
0x5d0: {  	[hbm4b:s16+s4] =	stream.linear.scatter [tilespmem:s21], [sflag:$0x2], $0x280, $0x38;
	[tilespmem:$0x1B400] =	vst v63  }
0x5d1: {  	_ =	swait.ge [sflag:s29], $0x280  }
0x5d2: {  	[sflag:s29] =	ssyncset.done $0x0  }
0x5d3: {  	[sflag:s29] =	ssyncadd.s32 $0xFFFFFD80  }
0x5d4: {  	[bflag:$0x0] =	sbarrier.arrive $0xFFFF  }
0x5d5: {  	s1 =	simm.s32 @!p0 $0xE900;
	s0 =	simm.s32 @!p0 $0x0;
	s2 =	rddreg [dreg:$0xf]  }
0x5d6: {  	[hbm4b:s2+s0] =	stream.linear.scatter @!p0 [tilespmem:s1], [sflag:$0x2], $0x80, $0x38;
	[tilespmem:$0x1B400] =	vst v63  }
0x5d7: {  	s0 =	simm.s32 @!p0 $0x2  }
0x5d8: {  	_ =	swait.ge @!p0 [sflag:s0], $0x80  }
0x5d9: {  	s30 =	sld [smem:$0x7F3];
	_ =	sdelay $0x2  }
0x5da: {  	s31 =	rddreg [dreg:$0x19];
	s2 =	sadd.s32 $0x1, s30  }
0x5db: {  	p1 =	sne.s32 s2, s31  }
.Ltmp19:
0x5dc: {  	_ = 	snop;
	(pc) =	sbr.rel @p1 .LBB2_1-.Ltmp19, $3  }
0x5dd: {  	_ =	sdelay $0x1  }
0x5de: {  	[sflag:s0] =	ssyncset.done @!p0 $0x0  }
0x5df: {  	v0 =	vimm.f32 $0.0e+00;
	s1 =	simm.s32 $0x2780;
	[sflag:s0] =	ssyncadd.s32 @!p0 $0xFFFFFF80  }
0x5e0: {  	_ =	sfence.sel $0x180000  }
0x5e1: {  	[bflag:$0x0] =	sbarrier.arrive $0xFFFF  }
0x5e2: {  	_ =	strace $0x90000047  }
0x5e3: {  	s0 =	stileid.u32;
	[bflag:$0x2] =	sbarrier.arrive $0xFFFF  }
0x5e4: {  	p0 =	sne.s32 s0, $0x0;
	s0 =	rddreg [dreg:$0x4]  }
0x5e5: {  	s0 =	sadd.s32 @!p0 $0x100000, s0  }
0x5e6: {  	[sflag:s0] =	ssyncadd.tile.s32 @!p0 $0x1;
	_ =	shalt  }
.Lfunc_end2:
_tile_overlayer_lowered:
.L_overlay_start_2:
0x5e7: {  	(tag) =	ssettag $0x2  }
0x5e8: {  	s0 =	rddreg [dreg:$0x0];
	s2 =	stileid.u32  }
0x5e9: {  	s1 =	rddreg [dreg:$0x1];
	p0 =	sne.s32 s2, $0x0  }
0x5ea: {  	s3 =	rddreg [dreg:$0x2];
	[bflag:$0x3] =	sbarrier.arrive $0xFFFF;
	s2 =	simm.s32 @!p0 $0x1C02  }
0x5eb: {  	[timem:s3], [sflag:s2] =	dma.local @!p0 [hbm:s0], s1  }
0x5ec: {  	s0 =	simm.s32 @!p0 $0x2  }
0x5ed: {  	_ =	swait.ge @!p0 [sflag:s0], s1  }
0x5ee: {  	s1 =	ssub.s32 @!p0 $0x0, s1;
	[sflag:s0] =	ssyncset.done @!p0 $0x0  }
0x5ef: {  	[sflag:s0] =	ssyncadd.s32 @!p0 s1  }
0x5f0: {  	[bflag:$0x3] =	sbarrier.arrive $0xFFFF  }
0x5f1: {  	_ =	shalt  }

</sc_bundles>
